<compile_context>
chip_gen: v7x
topology: tpu7x:2x2x1
jax: 0.10.2.dev20260603
libtpu: 0.0.44.dev20260713+nightly
codegen_flags: <defaults>
</compile_context>

<pallas_src>
import functools

import jax
import jax.numpy as jnp
from jax import lax
from jax.experimental import pallas as pl
from jax.experimental.pallas import tpu as pltpu
from jax.experimental.pallas import tpu_sc as plsc

N = 8448
B = 128
K = 19
KP = K + 1
NC = 2
NS = 16
NW = NC * NS
NPT = N // NW
NCH = 6
CPT = NPT // NCH
IDXW = NCH * KP
LANES = 16
NM = B // 32

_SGN16 = -0x8000
_MAG16 = 0x7FFF


def _widen(bf16x32):
    return plsc.unpack(bf16x32, format=plsc.PackFormat.INTERLEAVED)


def _narrow(a, b):
    ua = (plsc.bitcast(a, jnp.uint32) + jnp.uint32(0x8000)) >> jnp.uint32(16)
    ub = (plsc.bitcast(b, jnp.uint32) + jnp.uint32(0x8000)) >> jnp.uint32(16)
    return plsc.bitcast(ua | (ub << jnp.uint32(16)), jnp.int32)


def _iter_body(final, sbf, prv, wllr, w3, idx, out, sout,
               idx_v, rows0_v, rows1_v, io_v, prv_v, sout_v, w_v,
               sem0, sem1, sem2, sem3, sem4):
    wid = lax.axis_index("s") * NC + lax.axis_index("c")
    base = wid * NPT
    pltpu.sync_copy(idx.at[wid], idx_v)

    bufs = ((rows0_v, sem0), (rows1_v, sem1))

    def issue(c, b):
        pltpu.async_copy(sbf.at[idx_v.at[c]], bufs[b][0], bufs[b][1])

    issue(0, 0)
    issue(1, 1)
    pltpu.async_copy(w3.at[pl.ds(base * 3, NPT * 3 + LANES)], w_v, sem2)
    pltpu.async_copy(wllr.at[pl.ds(base, NPT)], io_v, sem3)
    pltpu.async_copy(prv.at[pl.ds(base, NPT)], prv_v, sem4)
    pltpu.make_async_copy(
        w3.at[pl.ds(base * 3, NPT * 3 + LANES)], w_v, sem2).wait()
    pltpu.make_async_copy(wllr.at[pl.ds(base, NPT)], io_v, sem3).wait()
    pltpu.make_async_copy(prv.at[pl.ds(base, NPT)], prv_v, sem4).wait()

    def compute(c, rows_v):
        def node_body(i, _):
            j = c * NCH + i
            wv = w_v[pl.ds(j * 3, LANES)]
            wck = wv[0]
            wr0 = wv[1]
            wr1 = wv[2]
            r0 = i * KP
            for m in range(NM):
                slw = pl.ds(m * LANES, LANES)
                v = plsc.bitcast(rows_v[r0, slw], jnp.bfloat16)
                neg = v < jnp.bfloat16(0.0)
                mag = jnp.abs(v)
                for k in range(1, K):
                    v = plsc.bitcast(rows_v[r0 + k, slw], jnp.bfloat16)
                    neg = neg != (v < jnp.bfloat16(0.0))
                    mag = jnp.minimum(mag, jnp.abs(v))
                chk = jnp.where(neg, -mag, mag)
                cev, cod = _widen(chk)
                oev, ood = _widen(
                    plsc.bitcast(rows_v[r0 + K, slw], jnp.bfloat16))
                res_pair = []
                for g, ch, ow in ((2 * m, cev, oev), (2 * m + 1, cod, ood)):
                    sl = pl.ds(g * LANES, LANES)
                    res = (io_v[j, sl] + wck * ch
                           + wr0 * ow + wr1 * prv_v[j, sl])
                    if final:
                        res = 1.0 / (1.0 + jnp.exp(-res))
                    io_v[j, sl] = res
                    res_pair.append(res)
                sout_v[j, slw] = _narrow(res_pair[0], res_pair[1])
            return _

        lax.fori_loop(0, NCH, node_body, None, unroll=2)

    def outer(c0, _):
        for b in range(2):
            c = c0 + b
            pltpu.make_async_copy(
                sbf.at[idx_v.at[c]], bufs[b][0], bufs[b][1]).wait()
            compute(c, bufs[b][0])

            @pl.when(c + 2 < CPT)
            def _issue_next():
                issue(c + 2, b)
        return _

    lax.fori_loop(0, CPT // 2, lambda s, x: outer(s * 2, x), None)
    pltpu.async_copy(io_v, out.at[pl.ds(base, NPT)], sem0)
    pltpu.async_copy(sout_v, sout.at[pl.ds(base, NPT)], sem1)
    pltpu.make_async_copy(io_v, out.at[pl.ds(base, NPT)], sem0).wait()
    pltpu.make_async_copy(sout_v, sout.at[pl.ds(base, NPT)], sem1).wait()


@functools.partial(jax.jit, static_argnames=("final",))
def _bp_iter(sbf, prv, wllr, w3, idx, final):
    mesh = plsc.VectorSubcoreMesh(core_axis_name="c", subcore_axis_name="s")
    return pl.kernel(
        functools.partial(_iter_body, final),
        out_type=(
            jax.ShapeDtypeStruct((N, B), jnp.float32),
            jax.ShapeDtypeStruct((N, B // 2), jnp.int32),
        ),
        mesh=mesh,
        compiler_params=pltpu.CompilerParams(
            needs_layout_passes=False, use_tc_tiling_on_sc=False),
        scratch_types=[
            pltpu.VMEM((CPT, IDXW), jnp.int32),
            pltpu.VMEM((IDXW, B // 2), jnp.int32),
            pltpu.VMEM((IDXW, B // 2), jnp.int32),
            pltpu.VMEM((NPT, B), jnp.float32),
            pltpu.VMEM((NPT, B), jnp.float32),
            pltpu.VMEM((NPT, B // 2), jnp.int32),
            pltpu.VMEM((NPT * 3 + LANES,), jnp.float32),
            pltpu.SemaphoreType.DMA,
            pltpu.SemaphoreType.DMA,
            pltpu.SemaphoreType.DMA,
            pltpu.SemaphoreType.DMA,
            pltpu.SemaphoreType.DMA,
        ],
    )(sbf, prv, wllr, w3, idx)


def _shadow_init(x_f32):
    n = x_f32.shape[0]
    inter = (x_f32.astype(jnp.bfloat16)
             .reshape(n, NM, 2, LANES)
             .transpose(0, 1, 3, 2)
             .reshape(n, B // 2, 2))
    return lax.bitcast_convert_type(inter, jnp.int32)


def kernel(input_llr, check_index_tensor, var_index_tensor, w_ch, w_check,
           w_res):
    del var_index_tensor
    llr_t = input_llr.T
    wllr_t = (input_llr * w_ch[None, :]).T
    own = jnp.arange(N, dtype=jnp.int32)[:, None]
    idx = jnp.concatenate(
        [check_index_tensor.astype(jnp.int32), own], axis=1)
    idx = idx.reshape(NW, CPT, IDXW)
    zeros = jnp.zeros_like(w_res[0])
    sbf = _shadow_init(wllr_t)
    prv = wllr_t
    out = wllr_t
    for t in range(5):
        w3 = jnp.stack(
            [w_check, w_res[0], w_res[1] if t > 0 else zeros], axis=1)
        w3 = jnp.concatenate(
            [w3.reshape(-1), jnp.zeros((LANES,), jnp.float32)])
        wl = wllr_t + llr_t if t == 4 else wllr_t
        new, new_sbf = _bp_iter(sbf, prv, wl, w3, idx, final=(t == 4))
        prv, out, sbf = out, new, new_sbf
    return out.T

# --- scband reference (transcript-rebuilt; emitter-appended) ---
"""Pipeline reference for scband-ldpcneural-decoder-71614284693539 (READ-ONLY COPY).

The authoritative reference and input builder live on the scoring server;
editing this copy changes nothing except your own understanding.
"""

import jax, jax.numpy as jnp
import numpy as np

NUM_NODES = 8448
NUM_ITERATIONS = 5
DEPTH_L = 2
MAX_NEIGHBORS = 19
BATCH = 128


def setup_inputs(seed: int = 0) -> dict:
    key = jax.random.key(seed)
    ks = jax.random.split(key, 5)
    input_llr = jax.random.normal(ks[0], (BATCH, NUM_NODES), dtype=jnp.float32)
    check_index_tensor = jax.random.randint(ks[1], (NUM_NODES, MAX_NEIGHBORS), 0, NUM_NODES)
    var_index_tensor = jax.random.randint(ks[2], (NUM_NODES, MAX_NEIGHBORS), 0, NUM_NODES)
    # learned parameters
    w_ch = jnp.ones((NUM_NODES,), dtype=jnp.float32)
    w_check = jnp.ones((NUM_NODES,), dtype=jnp.float32)
    w_res = 0.1 * jnp.ones((DEPTH_L, NUM_NODES), dtype=jnp.float32)
    return {
        "input_llr": input_llr,
        "check_index_tensor": check_index_tensor,
        "var_index_tensor": var_index_tensor,
        "w_ch": w_ch,
        "w_check": w_check,
        "w_res": w_res,
    }


def _check_layer(var_messages, check_index):
    # gather neighbor messages: (B, N, K)
    gathered = jnp.take(var_messages, check_index, axis=1)
    # min-sum check-node update: product of signs * min magnitude
    signs = jnp.prod(jnp.sign(gathered), axis=-1)
    mags = jnp.min(jnp.abs(gathered), axis=-1)
    return signs * mags


def reference(input_llr, check_index_tensor, var_index_tensor, w_ch, w_check, w_res):
    weighted_llr = input_llr * w_ch[None, :]
    var_messages = weighted_llr
    prev = []
    for _ in range(NUM_ITERATIONS):
        prev = [var_messages] + prev
        prev = prev[:DEPTH_L]
        check_messages = _check_layer(var_messages, check_index_tensor)
        # residual layer: weighted channel LLR + weighted check messages + weighted residual history
        new_var = weighted_llr + w_check[None, :] * check_messages
        for l in range(len(prev)):
            new_var = new_var + w_res[l][None, :] * prev[l]
        var_messages = new_var
    # output layer: combine with channel LLR and squash to soft bits
    soft_bits = jax.nn.sigmoid(var_messages + input_llr)
    return soft_bits

if __name__ == "__main__":
    import jax
    _d = setup_inputs()
    print(jax.jit(kernel)(*tuple(_d.values())))

</pallas_src>

<mosaic_0001>
#map = affine_map<(d0, d1) -> (0, 0)>
#map1 = affine_map<(d0, d1) -> (0)>
#map2 = affine_map<(d0, d1) -> (0, 0, 0)>
module attributes {stable_mosaic.version = 14 : i64} {
  func.func @_iter_body(%arg0: i32, %arg1: i32, %arg2: memref<8448x64xi32, #tpu.memory_space<hbm>>, %arg3: memref<8448x128xf32, #tpu.memory_space<hbm>>, %arg4: memref<8448x128xf32, #tpu.memory_space<hbm>>, %arg5: memref<25360xf32, #tpu.memory_space<hbm>>, %arg6: memref<32x44x120xi32, #tpu.memory_space<hbm>>, %arg7: memref<8448x128xf32, #tpu.memory_space<hbm>>, %arg8: memref<8448x64xi32, #tpu.memory_space<hbm>>, %arg9: memref<44x120xi32, #tpu.memory_space<vmem>>, %arg10: memref<120x64xi32, #tpu.memory_space<vmem>>, %arg11: memref<120x64xi32, #tpu.memory_space<vmem>>, %arg12: memref<264x128xf32, #tpu.memory_space<vmem>>, %arg13: memref<264x128xf32, #tpu.memory_space<vmem>>, %arg14: memref<264x64xi32, #tpu.memory_space<vmem>>, %arg15: memref<808xf32, #tpu.memory_space<vmem>>, %arg16: memref<!tpu.dma_semaphore, #tpu.memory_space<semaphore_mem>>, %arg17: memref<!tpu.dma_semaphore, #tpu.memory_space<semaphore_mem>>, %arg18: memref<!tpu.dma_semaphore, #tpu.memory_space<semaphore_mem>>, %arg19: memref<!tpu.dma_semaphore, #tpu.memory_space<semaphore_mem>>, %arg20: memref<!tpu.dma_semaphore, #tpu.memory_space<semaphore_mem>>) attributes {dimension_semantics = [#tpu.dimension_semantics<core_parallel>, #tpu.dimension_semantics<subcore_parallel>], iteration_bounds = array<i64: 2, 16>, scalar_prefetch = 0 : i64, scratch_operands = 12 : i64, tpu.core_type = #tpu.core_type<sc_vector_subcore>, window_params = [{transform_indices = #map}, {transform_indices = #map}, {transform_indices = #map}, {transform_indices = #map1}, {transform_indices = #map2}, {transform_indices = #map}, {transform_indices = #map}]} {
    %mul3A = arith.constant 2 : i32
    %mul3A_0 = arith.muli %arg1, %mul3A : i32
    %add3A = arith.addi %mul3A_0, %arg0 : i32
    %mul3A_1 = arith.constant 264 : i32
    %mul3A_2 = arith.muli %add3A, %mul3A_1 : i32
    "tpu.region"() ({
      %run_scoped3A = tpu.sem_alloc : memref<!tpu.dma_semaphore, #tpu.memory_space<semaphore_mem>>
      %dma_start3A_59 = arith.constant 0 : i32
      %dma_start3A_60 = arith.constant 0 : i32
      %dma_start3A_61 = tpu.memref_slice %arg6[%add3A, %dma_start3A_59, %dma_start3A_60] : memref<32x44x120xi32, #tpu.memory_space<hbm>> -> memref<1x44x120xi32, #tpu.memory_space<hbm>>
      %dma_start3A_62 = tpu.memref_squeeze %dma_start3A_61 : memref<1x44x120xi32, #tpu.memory_space<hbm>> -> memref<44x120xi32, #tpu.memory_space<hbm>>
      %dma_start3A_63 = arith.constant 0 : i32
      %dma_start3A_64 = arith.constant 0 : i32
      %dma_start3A_65 = tpu.memref_slice %arg6[%add3A, %dma_start3A_63, %dma_start3A_64] : memref<32x44x120xi32, #tpu.memory_space<hbm>> -> memref<1x44x120xi32, #tpu.memory_space<hbm>>
      %dma_start3A_66 = tpu.memref_squeeze %dma_start3A_65 : memref<1x44x120xi32, #tpu.memory_space<hbm>> -> memref<44x120xi32, #tpu.memory_space<hbm>>
      tpu.enqueue_dma source(%dma_start3A_66 : memref<44x120xi32, #tpu.memory_space<hbm>>) target(%arg9 : memref<44x120xi32, #tpu.memory_space<vmem>>) target_semaphore(%run_scoped3A : memref<!tpu.dma_semaphore, #tpu.memory_space<semaphore_mem>>)
      %dma_wait3A_67 = arith.constant 0 : i32
      %dma_wait3A_68 = arith.constant 0 : i32
      %dma_wait3A_69 = tpu.memref_slice %arg6[%add3A, %dma_wait3A_67, %dma_wait3A_68] : memref<32x44x120xi32, #tpu.memory_space<hbm>> -> memref<1x44x120xi32, #tpu.memory_space<hbm>>
      %dma_wait3A_70 = tpu.memref_squeeze %dma_wait3A_69 : memref<1x44x120xi32, #tpu.memory_space<hbm>> -> memref<44x120xi32, #tpu.memory_space<hbm>>
      %dma_wait3A_71 = arith.constant 0 : i32
      %dma_wait3A_72 = arith.constant 0 : i32
      %dma_wait3A_73 = tpu.memref_slice %arg6[%add3A, %dma_wait3A_71, %dma_wait3A_72] : memref<32x44x120xi32, #tpu.memory_space<hbm>> -> memref<1x44x120xi32, #tpu.memory_space<hbm>>
      %dma_wait3A_74 = tpu.memref_squeeze %dma_wait3A_73 : memref<1x44x120xi32, #tpu.memory_space<hbm>> -> memref<44x120xi32, #tpu.memory_space<hbm>>
      tpu.wait_dma2 semaphore(%run_scoped3A : memref<!tpu.dma_semaphore, #tpu.memory_space<semaphore_mem>>) src(%dma_wait3A_74 : memref<44x120xi32, #tpu.memory_space<hbm>>) dst(%arg9 : memref<44x120xi32, #tpu.memory_space<vmem>>)
      tpu.yield
    }) : () -> ()
    %dma_start3A = arith.constant 0 : i32
    %dma_start3A_3 = arith.constant 0 : i32
    %dma_start3A_4 = tpu.memref_slice %arg9[%dma_start3A, %dma_start3A_3] : memref<44x120xi32, #tpu.memory_space<vmem>> -> memref<1x120xi32, #tpu.memory_space<vmem>>
    %dma_start3A_5 = tpu.memref_squeeze %dma_start3A_4 : memref<1x120xi32, #tpu.memory_space<vmem>> -> memref<120xi32, #tpu.memory_space<vmem>>
    %dma_start3A_6 = arith.constant 0 : i32
    %dma_start3A_7 = arith.constant 0 : i32
    %dma_start3A_8 = tpu.memref_slice %arg2[%dma_start3A_6, %dma_start3A_7] : memref<8448x64xi32, #tpu.memory_space<hbm>> -> memref<8448x64xi32, #tpu.memory_space<hbm>>
    tpu.enqueue_indirect_dma source(%dma_start3A_8 : memref<8448x64xi32, #tpu.memory_space<hbm>>) target(%arg10 : memref<120x64xi32, #tpu.memory_space<vmem>>) offsets(%dma_start3A_5 : memref<120xi32, #tpu.memory_space<vmem>>) semaphore(%arg16 : memref<!tpu.dma_semaphore, #tpu.memory_space<semaphore_mem>>)
    %dma_start3A_9 = arith.constant 1 : i32
    %dma_start3A_10 = arith.constant 0 : i32
    %dma_start3A_11 = tpu.memref_slice %arg9[%dma_start3A_9, %dma_start3A_10] : memref<44x120xi32, #tpu.memory_space<vmem>> -> memref<1x120xi32, #tpu.memory_space<vmem>>
    %dma_start3A_12 = tpu.memref_squeeze %dma_start3A_11 : memref<1x120xi32, #tpu.memory_space<vmem>> -> memref<120xi32, #tpu.memory_space<vmem>>
    %dma_start3A_13 = arith.constant 0 : i32
    %dma_start3A_14 = arith.constant 0 : i32
    %dma_start3A_15 = tpu.memref_slice %arg2[%dma_start3A_13, %dma_start3A_14] : memref<8448x64xi32, #tpu.memory_space<hbm>> -> memref<8448x64xi32, #tpu.memory_space<hbm>>
    tpu.enqueue_indirect_dma source(%dma_start3A_15 : memref<8448x64xi32, #tpu.memory_space<hbm>>) target(%arg11 : memref<120x64xi32, #tpu.memory_space<vmem>>) offsets(%dma_start3A_12 : memref<120xi32, #tpu.memory_space<vmem>>) semaphore(%arg17 : memref<!tpu.dma_semaphore, #tpu.memory_space<semaphore_mem>>)
    %mul3A_16 = arith.constant 3 : i32
    %mul3A_17 = arith.muli %mul3A_2, %mul3A_16 : i32
    %dma_start3A_18 = tpu.memref_slice %arg5[%mul3A_17] : memref<25360xf32, #tpu.memory_space<hbm>> -> memref<808xf32, #tpu.memory_space<hbm>>
    %dma_start3A_19 = tpu.memref_slice %arg5[%mul3A_17] : memref<25360xf32, #tpu.memory_space<hbm>> -> memref<808xf32, #tpu.memory_space<hbm>>
    tpu.enqueue_dma source(%dma_start3A_19 : memref<808xf32, #tpu.memory_space<hbm>>) target(%arg15 : memref<808xf32, #tpu.memory_space<vmem>>) target_semaphore(%arg18 : memref<!tpu.dma_semaphore, #tpu.memory_space<semaphore_mem>>)
    %dma_start3A_20 = arith.constant 0 : i32
    %dma_start3A_21 = tpu.memref_slice %arg4[%mul3A_2, %dma_start3A_20] : memref<8448x128xf32, #tpu.memory_space<hbm>> -> memref<264x128xf32, #tpu.memory_space<hbm>>
    %dma_start3A_22 = arith.constant 0 : i32
    %dma_start3A_23 = tpu.memref_slice %arg4[%mul3A_2, %dma_start3A_22] : memref<8448x128xf32, #tpu.memory_space<hbm>> -> memref<264x128xf32, #tpu.memory_space<hbm>>
    tpu.enqueue_dma source(%dma_start3A_23 : memref<264x128xf32, #tpu.memory_space<hbm>>) target(%arg12 : memref<264x128xf32, #tpu.memory_space<vmem>>) target_semaphore(%arg19 : memref<!tpu.dma_semaphore, #tpu.memory_space<semaphore_mem>>)
    %dma_start3A_24 = arith.constant 0 : i32
    %dma_start3A_25 = tpu.memref_slice %arg3[%mul3A_2, %dma_start3A_24] : memref<8448x128xf32, #tpu.memory_space<hbm>> -> memref<264x128xf32, #tpu.memory_space<hbm>>
    %dma_start3A_26 = arith.constant 0 : i32
    %dma_start3A_27 = tpu.memref_slice %arg3[%mul3A_2, %dma_start3A_26] : memref<8448x128xf32, #tpu.memory_space<hbm>> -> memref<264x128xf32, #tpu.memory_space<hbm>>
    tpu.enqueue_dma source(%dma_start3A_27 : memref<264x128xf32, #tpu.memory_space<hbm>>) target(%arg13 : memref<264x128xf32, #tpu.memory_space<vmem>>) target_semaphore(%arg20 : memref<!tpu.dma_semaphore, #tpu.memory_space<semaphore_mem>>)
    %mul3A_28 = arith.constant 3 : i32
    %mul3A_29 = arith.muli %mul3A_2, %mul3A_28 : i32
    %dma_wait3A = tpu.memref_slice %arg5[%mul3A_29] : memref<25360xf32, #tpu.memory_space<hbm>> -> memref<808xf32, #tpu.memory_space<hbm>>
    %dma_wait3A_30 = tpu.memref_slice %arg5[%mul3A_29] : memref<25360xf32, #tpu.memory_space<hbm>> -> memref<808xf32, #tpu.memory_space<hbm>>
    tpu.wait_dma2 semaphore(%arg18 : memref<!tpu.dma_semaphore, #tpu.memory_space<semaphore_mem>>) src(%dma_wait3A_30 : memref<808xf32, #tpu.memory_space<hbm>>) dst(%arg15 : memref<808xf32, #tpu.memory_space<vmem>>)
    %dma_wait3A_31 = arith.constant 0 : i32
    %dma_wait3A_32 = tpu.memref_slice %arg4[%mul3A_2, %dma_wait3A_31] : memref<8448x128xf32, #tpu.memory_space<hbm>> -> memref<264x128xf32, #tpu.memory_space<hbm>>
    %dma_wait3A_33 = arith.constant 0 : i32
    %dma_wait3A_34 = tpu.memref_slice %arg4[%mul3A_2, %dma_wait3A_33] : memref<8448x128xf32, #tpu.memory_space<hbm>> -> memref<264x128xf32, #tpu.memory_space<hbm>>
    tpu.wait_dma2 semaphore(%arg19 : memref<!tpu.dma_semaphore, #tpu.memory_space<semaphore_mem>>) src(%dma_wait3A_34 : memref<264x128xf32, #tpu.memory_space<hbm>>) dst(%arg12 : memref<264x128xf32, #tpu.memory_space<vmem>>)
    %dma_wait3A_35 = arith.constant 0 : i32
    %dma_wait3A_36 = tpu.memref_slice %arg3[%mul3A_2, %dma_wait3A_35] : memref<8448x128xf32, #tpu.memory_space<hbm>> -> memref<264x128xf32, #tpu.memory_space<hbm>>
    %dma_wait3A_37 = arith.constant 0 : i32
    %dma_wait3A_38 = tpu.memref_slice %arg3[%mul3A_2, %dma_wait3A_37] : memref<8448x128xf32, #tpu.memory_space<hbm>> -> memref<264x128xf32, #tpu.memory_space<hbm>>
    tpu.wait_dma2 semaphore(%arg20 : memref<!tpu.dma_semaphore, #tpu.memory_space<semaphore_mem>>) src(%dma_wait3A_38 : memref<264x128xf32, #tpu.memory_space<hbm>>) dst(%arg13 : memref<264x128xf32, #tpu.memory_space<vmem>>)
    %scan3A = arith.constant 0 : i32
    %scan3A_39 = arith.constant 22 : i32
    %scan3A_40 = arith.addi %scan3A, %scan3A_39 : i32
    %scan3A_41 = arith.constant 1 : i32
    scf.for %scan3A_59 = %scan3A to %scan3A_40 step %scan3A_41  : i32 {
      %mul3A_60 = arith.constant 2 : i32
      %mul3A_61 = arith.muli %scan3A_59, %mul3A_60 : i32
      %add3A_62 = arith.constant 0 : i32
      %add3A_63 = arith.addi %mul3A_61, %add3A_62 : i32
      %dma_wait3A_64 = arith.constant 0 : i32
      %dma_wait3A_65 = tpu.memref_slice %arg9[%add3A_63, %dma_wait3A_64] : memref<44x120xi32, #tpu.memory_space<vmem>> -> memref<1x120xi32, #tpu.memory_space<vmem>>
      %dma_wait3A_66 = tpu.memref_squeeze %dma_wait3A_65 : memref<1x120xi32, #tpu.memory_space<vmem>> -> memref<120xi32, #tpu.memory_space<vmem>>
      %dma_wait3A_67 = arith.constant 0 : i32
      %dma_wait3A_68 = arith.constant 0 : i32
      %dma_wait3A_69 = tpu.memref_slice %arg2[%dma_wait3A_67, %dma_wait3A_68] : memref<8448x64xi32, #tpu.memory_space<hbm>> -> memref<8448x64xi32, #tpu.memory_space<hbm>>
      tpu.wait_indirect_dma semaphore(%arg16 : memref<!tpu.dma_semaphore, #tpu.memory_space<semaphore_mem>>) src(%dma_wait3A_69 : memref<8448x64xi32, #tpu.memory_space<hbm>>) dst(%arg10 : memref<120x64xi32, #tpu.memory_space<vmem>>)
      %scan3A_70 = arith.constant 0 : i32
      %scan3A_71 = arith.constant 6 : i32
      %scan3A_72 = arith.addi %scan3A_70, %scan3A_71 : i32
      %scan3A_73 = arith.constant 2 : i32
      scf.for %scan3A_99 = %scan3A_70 to %scan3A_72 step %scan3A_73  : i32 {
        %mul3A_100 = arith.constant 6 : i32
        %mul3A_101 = arith.muli %add3A_63, %mul3A_100 : i32
        %add3A_102 = arith.addi %mul3A_101, %scan3A_99 : i32
        %mul3A_103 = arith.constant 3 : i32
        %mul3A_104 = arith.muli %add3A_102, %mul3A_103 : i32
        %get3A = arith.index_cast %mul3A_104 : i32 to index
        %get3A_105 = tpu.vector_load %arg15[%get3A] {strides = array<i32>} : memref<808xf32, #tpu.memory_space<vmem>>, vector<16xf32>,
        %slice3A = vector.extract_strided_slice %get3A_105 {offsets = [0], sizes = [1], strides = [1]} : vector<16xf32> to vector<1xf32>
        %squeeze3A = vector.extract %slice3A[0] : f32 from vector<1xf32>
        %slice3A_106 = vector.extract_strided_slice %get3A_105 {offsets = [1], sizes = [1], strides = [1]} : vector<16xf32> to vector<1xf32>
        %squeeze3A_107 = vector.extract %slice3A_106[0] : f32 from vector<1xf32>
        %slice3A_108 = vector.extract_strided_slice %get3A_105 {offsets = [2], sizes = [1], strides = [1]} : vector<16xf32> to vector<1xf32>
        %squeeze3A_109 = vector.extract %slice3A_108[0] : f32 from vector<1xf32>
        %mul3A_110 = arith.constant 20 : i32
        %mul3A_111 = arith.muli %scan3A_99, %mul3A_110 : i32
        %get3A_112 = arith.index_cast %mul3A_111 : i32 to index
        %get3A_113 = arith.constant 0 : index
        %get3A_114 = tpu.vector_load %arg10[%get3A_112, %get3A_113] {strides = array<i32>} : memref<120x64xi32, #tpu.memory_space<vmem>>, vector<16xi32>,
        %bitcast3A = vector.bitcast %get3A_114 : vector<16xi32> to vector<32xbf16>
        %lt3A_115 = arith.constant 0.000000e+00 : bf16
        %lt3A_116 = vector.broadcast %lt3A_115 : bf16 to vector<32xbf16>
        %lt3A_117 = arith.cmpf olt, %bitcast3A, %lt3A_116 : vector<32xbf16>
        %abs3A = math.absf %bitcast3A : vector<32xbf16>
        %add3A_118 = arith.constant 1 : i32
        %add3A_119 = arith.addi %mul3A_111, %add3A_118 : i32
        %get3A_120 = arith.index_cast %add3A_119 : i32 to index
        %get3A_121 = arith.constant 0 : index
        %get3A_122 = tpu.vector_load %arg10[%get3A_120, %get3A_121] {strides = array<i32>} : memref<120x64xi32, #tpu.memory_space<vmem>>, vector<16xi32>,
        %bitcast3A_123 = vector.bitcast %get3A_122 : vector<16xi32> to vector<32xbf16>
        %lt3A_124 = arith.constant 0.000000e+00 : bf16
        %lt3A_125 = vector.broadcast %lt3A_124 : bf16 to vector<32xbf16>
        %lt3A_126 = arith.cmpf olt, %bitcast3A_123, %lt3A_125 : vector<32xbf16>
        %ne3A = arith.xori %lt3A_117, %lt3A_126 : vector<32xi1>
        %abs3A_127 = math.absf %bitcast3A_123 : vector<32xbf16>
        %min3A = arith.minimumf %abs3A, %abs3A_127 : vector<32xbf16>
        %add3A_128 = arith.constant 2 : i32
        %add3A_129 = arith.addi %mul3A_111, %add3A_128 : i32
        %get3A_130 = arith.index_cast %add3A_129 : i32 to index
        %get3A_131 = arith.constant 0 : index
        %get3A_132 = tpu.vector_load %arg10[%get3A_130, %get3A_131] {strides = array<i32>} : memref<120x64xi32, #tpu.memory_space<vmem>>, vector<16xi32>,
        %bitcast3A_133 = vector.bitcast %get3A_132 : vector<16xi32> to vector<32xbf16>
        %lt3A_134 = arith.constant 0.000000e+00 : bf16
        %lt3A_135 = vector.broadcast %lt3A_134 : bf16 to vector<32xbf16>
        %lt3A_136 = arith.cmpf olt, %bitcast3A_133, %lt3A_135 : vector<32xbf16>
        %ne3A_137 = arith.xori %ne3A, %lt3A_136 : vector<32xi1>
        %abs3A_138 = math.absf %bitcast3A_133 : vector<32xbf16>
        %min3A_139 = arith.minimumf %min3A, %abs3A_138 : vector<32xbf16>
        %add3A_140 = arith.constant 3 : i32
        %add3A_141 = arith.addi %mul3A_111, %add3A_140 : i32
        %get3A_142 = arith.index_cast %add3A_141 : i32 to index
        %get3A_143 = arith.constant 0 : index
        %get3A_144 = tpu.vector_load %arg10[%get3A_142, %get3A_143] {strides = array<i32>} : memref<120x64xi32, #tpu.memory_space<vmem>>, vector<16xi32>,
        %bitcast3A_145 = vector.bitcast %get3A_144 : vector<16xi32> to vector<32xbf16>
        %lt3A_146 = arith.constant 0.000000e+00 : bf16
        %lt3A_147 = vector.broadcast %lt3A_146 : bf16 to vector<32xbf16>
        %lt3A_148 = arith.cmpf olt, %bitcast3A_145, %lt3A_147 : vector<32xbf16>
        %ne3A_149 = arith.xori %ne3A_137, %lt3A_148 : vector<32xi1>
        %abs3A_150 = math.absf %bitcast3A_145 : vector<32xbf16>
        %min3A_151 = arith.minimumf %min3A_139, %abs3A_150 : vector<32xbf16>
        %add3A_152 = arith.constant 4 : i32
        %add3A_153 = arith.addi %mul3A_111, %add3A_152 : i32
        %get3A_154 = arith.index_cast %add3A_153 : i32 to index
        %get3A_155 = arith.constant 0 : index
        %get3A_156 = tpu.vector_load %arg10[%get3A_154, %get3A_155] {strides = array<i32>} : memref<120x64xi32, #tpu.memory_space<vmem>>, vector<16xi32>,
        %bitcast3A_157 = vector.bitcast %get3A_156 : vector<16xi32> to vector<32xbf16>
        %lt3A_158 = arith.constant 0.000000e+00 : bf16
        %lt3A_159 = vector.broadcast %lt3A_158 : bf16 to vector<32xbf16>
        %lt3A_160 = arith.cmpf olt, %bitcast3A_157, %lt3A_159 : vector<32xbf16>
        %ne3A_161 = arith.xori %ne3A_149, %lt3A_160 : vector<32xi1>
        %abs3A_162 = math.absf %bitcast3A_157 : vector<32xbf16>
        %min3A_163 = arith.minimumf %min3A_151, %abs3A_162 : vector<32xbf16>
        %add3A_164 = arith.constant 5 : i32
        %add3A_165 = arith.addi %mul3A_111, %add3A_164 : i32
        %get3A_166 = arith.index_cast %add3A_165 : i32 to index
        %get3A_167 = arith.constant 0 : index
        %get3A_168 = tpu.vector_load %arg10[%get3A_166, %get3A_167] {strides = array<i32>} : memref<120x64xi32, #tpu.memory_space<vmem>>, vector<16xi32>,
        %bitcast3A_169 = vector.bitcast %get3A_168 : vector<16xi32> to vector<32xbf16>
        %lt3A_170 = arith.constant 0.000000e+00 : bf16
        %lt3A_171 = vector.broadcast %lt3A_170 : bf16 to vector<32xbf16>
        %lt3A_172 = arith.cmpf olt, %bitcast3A_169, %lt3A_171 : vector<32xbf16>
        %ne3A_173 = arith.xori %ne3A_161, %lt3A_172 : vector<32xi1>
        %abs3A_174 = math.absf %bitcast3A_169 : vector<32xbf16>
        %min3A_175 = arith.minimumf %min3A_163, %abs3A_174 : vector<32xbf16>
        %add3A_176 = arith.constant 6 : i32
        %add3A_177 = arith.addi %mul3A_111, %add3A_176 : i32
        %get3A_178 = arith.index_cast %add3A_177 : i32 to index
        %get3A_179 = arith.constant 0 : index
        %get3A_180 = tpu.vector_load %arg10[%get3A_178, %get3A_179] {strides = array<i32>} : memref<120x64xi32, #tpu.memory_space<vmem>>, vector<16xi32>,
        %bitcast3A_181 = vector.bitcast %get3A_180 : vector<16xi32> to vector<32xbf16>
        %lt3A_182 = arith.constant 0.000000e+00 : bf16
        %lt3A_183 = vector.broadcast %lt3A_182 : bf16 to vector<32xbf16>
        %lt3A_184 = arith.cmpf olt, %bitcast3A_181, %lt3A_183 : vector<32xbf16>
        %ne3A_185 = arith.xori %ne3A_173, %lt3A_184 : vector<32xi1>
        %abs3A_186 = math.absf %bitcast3A_181 : vector<32xbf16>
        %min3A_187 = arith.minimumf %min3A_175, %abs3A_186 : vector<32xbf16>
        %add3A_188 = arith.constant 7 : i32
        %add3A_189 = arith.addi %mul3A_111, %add3A_188 : i32
        %get3A_190 = arith.index_cast %add3A_189 : i32 to index
        %get3A_191 = arith.constant 0 : index
        %get3A_192 = tpu.vector_load %arg10[%get3A_190, %get3A_191] {strides = array<i32>} : memref<120x64xi32, #tpu.memory_space<vmem>>, vector<16xi32>,
        %bitcast3A_193 = vector.bitcast %get3A_192 : vector<16xi32> to vector<32xbf16>
        %lt3A_194 = arith.constant 0.000000e+00 : bf16
        %lt3A_195 = vector.broadcast %lt3A_194 : bf16 to vector<32xbf16>
        %lt3A_196 = arith.cmpf olt, %bitcast3A_193, %lt3A_195 : vector<32xbf16>
        %ne3A_197 = arith.xori %ne3A_185, %lt3A_196 : vector<32xi1>
        %abs3A_198 = math.absf %bitcast3A_193 : vector<32xbf16>
        %min3A_199 = arith.minimumf %min3A_187, %abs3A_198 : vector<32xbf16>
        %add3A_200 = arith.constant 8 : i32
        %add3A_201 = arith.addi %mul3A_111, %add3A_200 : i32
        %get3A_202 = arith.index_cast %add3A_201 : i32 to index
        %get3A_203 = arith.constant 0 : index
        %get3A_204 = tpu.vector_load %arg10[%get3A_202, %get3A_203] {strides = array<i32>} : memref<120x64xi32, #tpu.memory_space<vmem>>, vector<16xi32>,
        %bitcast3A_205 = vector.bitcast %get3A_204 : vector<16xi32> to vector<32xbf16>
        %lt3A_206 = arith.constant 0.000000e+00 : bf16
        %lt3A_207 = vector.broadcast %lt3A_206 : bf16 to vector<32xbf16>
        %lt3A_208 = arith.cmpf olt, %bitcast3A_205, %lt3A_207 : vector<32xbf16>
        %ne3A_209 = arith.xori %ne3A_197, %lt3A_208 : vector<32xi1>
        %abs3A_210 = math.absf %bitcast3A_205 : vector<32xbf16>
        %min3A_211 = arith.minimumf %min3A_199, %abs3A_210 : vector<32xbf16>
        %add3A_212 = arith.constant 9 : i32
        %add3A_213 = arith.addi %mul3A_111, %add3A_212 : i32
        %get3A_214 = arith.index_cast %add3A_213 : i32 to index
        %get3A_215 = arith.constant 0 : index
        %get3A_216 = tpu.vector_load %arg10[%get3A_214, %get3A_215] {strides = array<i32>} : memref<120x64xi32, #tpu.memory_space<vmem>>, vector<16xi32>,
        %bitcast3A_217 = vector.bitcast %get3A_216 : vector<16xi32> to vector<32xbf16>
        %lt3A_218 = arith.constant 0.000000e+00 : bf16
        %lt3A_219 = vector.broadcast %lt3A_218 : bf16 to vector<32xbf16>
        %lt3A_220 = arith.cmpf olt, %bitcast3A_217, %lt3A_219 : vector<32xbf16>
        %ne3A_221 = arith.xori %ne3A_209, %lt3A_220 : vector<32xi1>
        %abs3A_222 = math.absf %bitcast3A_217 : vector<32xbf16>
        %min3A_223 = arith.minimumf %min3A_211, %abs3A_222 : vector<32xbf16>
        %add3A_224 = arith.constant 10 : i32
        %add3A_225 = arith.addi %mul3A_111, %add3A_224 : i32
        %get3A_226 = arith.index_cast %add3A_225 : i32 to index
        %get3A_227 = arith.constant 0 : index
        %get3A_228 = tpu.vector_load %arg10[%get3A_226, %get3A_227] {strides = array<i32>} : memref<120x64xi32, #tpu.memory_space<vmem>>, vector<16xi32>,
        %bitcast3A_229 = vector.bitcast %get3A_228 : vector<16xi32> to vector<32xbf16>
        %lt3A_230 = arith.constant 0.000000e+00 : bf16
        %lt3A_231 = vector.broadcast %lt3A_230 : bf16 to vector<32xbf16>
        %lt3A_232 = arith.cmpf olt, %bitcast3A_229, %lt3A_231 : vector<32xbf16>
        %ne3A_233 = arith.xori %ne3A_221, %lt3A_232 : vector<32xi1>
        %abs3A_234 = math.absf %bitcast3A_229 : vector<32xbf16>
        %min3A_235 = arith.minimumf %min3A_223, %abs3A_234 : vector<32xbf16>
        %add3A_236 = arith.constant 11 : i32
        %add3A_237 = arith.addi %mul3A_111, %add3A_236 : i32
        %get3A_238 = arith.index_cast %add3A_237 : i32 to index
        %get3A_239 = arith.constant 0 : index
        %get3A_240 = tpu.vector_load %arg10[%get3A_238, %get3A_239] {strides = array<i32>} : memref<120x64xi32, #tpu.memory_space<vmem>>, vector<16xi32>,
        %bitcast3A_241 = vector.bitcast %get3A_240 : vector<16xi32> to vector<32xbf16>
        %lt3A_242 = arith.constant 0.000000e+00 : bf16
        %lt3A_243 = vector.broadcast %lt3A_242 : bf16 to vector<32xbf16>
        %lt3A_244 = arith.cmpf olt, %bitcast3A_241, %lt3A_243 : vector<32xbf16>
        %ne3A_245 = arith.xori %ne3A_233, %lt3A_244 : vector<32xi1>
        %abs3A_246 = math.absf %bitcast3A_241 : vector<32xbf16>
        %min3A_247 = arith.minimumf %min3A_235, %abs3A_246 : vector<32xbf16>
        %add3A_248 = arith.constant 12 : i32
        %add3A_249 = arith.addi %mul3A_111, %add3A_248 : i32
        %get3A_250 = arith.index_cast %add3A_249 : i32 to index
        %get3A_251 = arith.constant 0 : index
        %get3A_252 = tpu.vector_load %arg10[%get3A_250, %get3A_251] {strides = array<i32>} : memref<120x64xi32, #tpu.memory_space<vmem>>, vector<16xi32>,
        %bitcast3A_253 = vector.bitcast %get3A_252 : vector<16xi32> to vector<32xbf16>
        %lt3A_254 = arith.constant 0.000000e+00 : bf16
        %lt3A_255 = vector.broadcast %lt3A_254 : bf16 to vector<32xbf16>
        %lt3A_256 = arith.cmpf olt, %bitcast3A_253, %lt3A_255 : vector<32xbf16>
        %ne3A_257 = arith.xori %ne3A_245, %lt3A_256 : vector<32xi1>
        %abs3A_258 = math.absf %bitcast3A_253 : vector<32xbf16>
        %min3A_259 = arith.minimumf %min3A_247, %abs3A_258 : vector<32xbf16>
        %add3A_260 = arith.constant 13 : i32
        %add3A_261 = arith.addi %mul3A_111, %add3A_260 : i32
        %get3A_262 = arith.index_cast %add3A_261 : i32 to index
        %get3A_263 = arith.constant 0 : index
        %get3A_264 = tpu.vector_load %arg10[%get3A_262, %get3A_263] {strides = array<i32>} : memref<120x64xi32, #tpu.memory_space<vmem>>, vector<16xi32>,
        %bitcast3A_265 = vector.bitcast %get3A_264 : vector<16xi32> to vector<32xbf16>
        %lt3A_266 = arith.constant 0.000000e+00 : bf16
        %lt3A_267 = vector.broadcast %lt3A_266 : bf16 to vector<32xbf16>
        %lt3A_268 = arith.cmpf olt, %bitcast3A_265, %lt3A_267 : vector<32xbf16>
        %ne3A_269 = arith.xori %ne3A_257, %lt3A_268 : vector<32xi1>
        %abs3A_270 = math.absf %bitcast3A_265 : vector<32xbf16>
        %min3A_271 = arith.minimumf %min3A_259, %abs3A_270 : vector<32xbf16>
        %add3A_272 = arith.constant 14 : i32
        %add3A_273 = arith.addi %mul3A_111, %add3A_272 : i32
        %get3A_274 = arith.index_cast %add3A_273 : i32 to index
        %get3A_275 = arith.constant 0 : index
        %get3A_276 = tpu.vector_load %arg10[%get3A_274, %get3A_275] {strides = array<i32>} : memref<120x64xi32, #tpu.memory_space<vmem>>, vector<16xi32>,
        %bitcast3A_277 = vector.bitcast %get3A_276 : vector<16xi32> to vector<32xbf16>
        %lt3A_278 = arith.constant 0.000000e+00 : bf16
        %lt3A_279 = vector.broadcast %lt3A_278 : bf16 to vector<32xbf16>
        %lt3A_280 = arith.cmpf olt, %bitcast3A_277, %lt3A_279 : vector<32xbf16>
        %ne3A_281 = arith.xori %ne3A_269, %lt3A_280 : vector<32xi1>
        %abs3A_282 = math.absf %bitcast3A_277 : vector<32xbf16>
        %min3A_283 = arith.minimumf %min3A_271, %abs3A_282 : vector<32xbf16>
        %add3A_284 = arith.constant 15 : i32
        %add3A_285 = arith.addi %mul3A_111, %add3A_284 : i32
        %get3A_286 = arith.index_cast %add3A_285 : i32 to index
        %get3A_287 = arith.constant 0 : index
        %get3A_288 = tpu.vector_load %arg10[%get3A_286, %get3A_287] {strides = array<i32>} : memref<120x64xi32, #tpu.memory_space<vmem>>, vector<16xi32>,
        %bitcast3A_289 = vector.bitcast %get3A_288 : vector<16xi32> to vector<32xbf16>
        %lt3A_290 = arith.constant 0.000000e+00 : bf16
        %lt3A_291 = vector.broadcast %lt3A_290 : bf16 to vector<32xbf16>
        %lt3A_292 = arith.cmpf olt, %bitcast3A_289, %lt3A_291 : vector<32xbf16>
        %ne3A_293 = arith.xori %ne3A_281, %lt3A_292 : vector<32xi1>
        %abs3A_294 = math.absf %bitcast3A_289 : vector<32xbf16>
        %min3A_295 = arith.minimumf %min3A_283, %abs3A_294 : vector<32xbf16>
        %add3A_296 = arith.constant 16 : i32
        %add3A_297 = arith.addi %mul3A_111, %add3A_296 : i32
        %get3A_298 = arith.index_cast %add3A_297 : i32 to index
        %get3A_299 = arith.constant 0 : index
        %get3A_300 = tpu.vector_load %arg10[%get3A_298, %get3A_299] {strides = array<i32>} : memref<120x64xi32, #tpu.memory_space<vmem>>, vector<16xi32>,
        %bitcast3A_301 = vector.bitcast %get3A_300 : vector<16xi32> to vector<32xbf16>
        %lt3A_302 = arith.constant 0.000000e+00 : bf16
        %lt3A_303 = vector.broadcast %lt3A_302 : bf16 to vector<32xbf16>
        %lt3A_304 = arith.cmpf olt, %bitcast3A_301, %lt3A_303 : vector<32xbf16>
        %ne3A_305 = arith.xori %ne3A_293, %lt3A_304 : vector<32xi1>
        %abs3A_306 = math.absf %bitcast3A_301 : vector<32xbf16>
        %min3A_307 = arith.minimumf %min3A_295, %abs3A_306 : vector<32xbf16>
        %add3A_308 = arith.constant 17 : i32
        %add3A_309 = arith.addi %mul3A_111, %add3A_308 : i32
        %get3A_310 = arith.index_cast %add3A_309 : i32 to index
        %get3A_311 = arith.constant 0 : index
        %get3A_312 = tpu.vector_load %arg10[%get3A_310, %get3A_311] {strides = array<i32>} : memref<120x64xi32, #tpu.memory_space<vmem>>, vector<16xi32>,
        %bitcast3A_313 = vector.bitcast %get3A_312 : vector<16xi32> to vector<32xbf16>
        %lt3A_314 = arith.constant 0.000000e+00 : bf16
        %lt3A_315 = vector.broadcast %lt3A_314 : bf16 to vector<32xbf16>
        %lt3A_316 = arith.cmpf olt, %bitcast3A_313, %lt3A_315 : vector<32xbf16>
        %ne3A_317 = arith.xori %ne3A_305, %lt3A_316 : vector<32xi1>
        %abs3A_318 = math.absf %bitcast3A_313 : vector<32xbf16>
        %min3A_319 = arith.minimumf %min3A_307, %abs3A_318 : vector<32xbf16>
        %add3A_320 = arith.constant 18 : i32
        %add3A_321 = arith.addi %mul3A_111, %add3A_320 : i32
        %get3A_322 = arith.index_cast %add3A_321 : i32 to index
        %get3A_323 = arith.constant 0 : index
        %get3A_324 = tpu.vector_load %arg10[%get3A_322, %get3A_323] {strides = array<i32>} : memref<120x64xi32, #tpu.memory_space<vmem>>, vector<16xi32>,
        %bitcast3A_325 = vector.bitcast %get3A_324 : vector<16xi32> to vector<32xbf16>
        %lt3A_326 = arith.constant 0.000000e+00 : bf16
        %lt3A_327 = vector.broadcast %lt3A_326 : bf16 to vector<32xbf16>
        %lt3A_328 = arith.cmpf olt, %bitcast3A_325, %lt3A_327 : vector<32xbf16>
        %ne3A_329 = arith.xori %ne3A_317, %lt3A_328 : vector<32xi1>
        %abs3A_330 = math.absf %bitcast3A_325 : vector<32xbf16>
        %min3A_331 = arith.minimumf %min3A_319, %abs3A_330 : vector<32xbf16>
        %neg3A = arith.constant 0.000000e+00 : bf16
        %neg3A_332 = vector.broadcast %neg3A : bf16 to vector<32xbf16>
        %neg3A_333 = arith.subf %neg3A_332, %min3A_331 : vector<32xbf16>
        %select_n3A = arith.select %ne3A_329, %neg3A_333, %min3A_331 : vector<32xi1>, vector<32xbf16>
        %unpack3A = tpu.unpack_subelements %select_n3A, 0 {pack_format = #tpu.pack_format<interleaved>} : vector<32xbf16> -> vector<16xf32>
        %unpack3A_334 = tpu.unpack_subelements %select_n3A, 1 {pack_format = #tpu.pack_format<interleaved>} : vector<32xbf16> -> vector<16xf32>
        %add3A_335 = arith.constant 19 : i32
        %add3A_336 = arith.addi %mul3A_111, %add3A_335 : i32
        %get3A_337 = arith.index_cast %add3A_336 : i32 to index
        %get3A_338 = arith.constant 0 : index
        %get3A_339 = tpu.vector_load %arg10[%get3A_337, %get3A_338] {strides = array<i32>} : memref<120x64xi32, #tpu.memory_space<vmem>>, vector<16xi32>,
        %bitcast3A_340 = vector.bitcast %get3A_339 : vector<16xi32> to vector<32xbf16>
        %unpack3A_341 = tpu.unpack_subelements %bitcast3A_340, 0 {pack_format = #tpu.pack_format<interleaved>} : vector<32xbf16> -> vector<16xf32>
        %unpack3A_342 = tpu.unpack_subelements %bitcast3A_340, 1 {pack_format = #tpu.pack_format<interleaved>} : vector<32xbf16> -> vector<16xf32>
        %get3A_343 = arith.index_cast %add3A_102 : i32 to index
        %get3A_344 = arith.constant 0 : index
        %get3A_345 = tpu.vector_load %arg12[%get3A_343, %get3A_344] {strides = array<i32>} : memref<264x128xf32, #tpu.memory_space<vmem>>, vector<16xf32>,
        %mul3A_346 = vector.broadcast %squeeze3A : f32 to vector<16xf32>
        %mul3A_347 = arith.mulf %mul3A_346, %unpack3A : vector<16xf32>
        %add3A_348 = arith.addf %get3A_345, %mul3A_347 : vector<16xf32>
        %mul3A_349 = vector.broadcast %squeeze3A_107 : f32 to vector<16xf32>
        %mul3A_350 = arith.mulf %mul3A_349, %unpack3A_341 : vector<16xf32>
        %add3A_351 = arith.addf %add3A_348, %mul3A_350 : vector<16xf32>
        %get3A_352 = arith.index_cast %add3A_102 : i32 to index
        %get3A_353 = arith.constant 0 : index
        %get3A_354 = tpu.vector_load %arg13[%get3A_352, %get3A_353] {strides = array<i32>} : memref<264x128xf32, #tpu.memory_space<vmem>>, vector<16xf32>,
        %mul3A_355 = vector.broadcast %squeeze3A_109 : f32 to vector<16xf32>
        %mul3A_356 = arith.mulf %mul3A_355, %get3A_354 : vector<16xf32>
        %add3A_357 = arith.addf %add3A_351, %mul3A_356 : vector<16xf32>
        %swap3A = arith.index_cast %add3A_102 : i32 to index
        %swap3A_358 = arith.constant 0 : index
        %swap3A_359 = tpu.vector_load %arg12[%swap3A, %swap3A_358] {strides = array<i32>} : memref<264x128xf32, #tpu.memory_space<vmem>>, vector<16xf32>,
        tpu.vector_store %arg12[%swap3A, %swap3A_358], %add3A_357 {strides = array<i32>} : memref<264x128xf32, #tpu.memory_space<vmem>>, vector<16xf32>,
        %get3A_360 = arith.index_cast %add3A_102 : i32 to index
        %get3A_361 = arith.constant 16 : index
        %get3A_362 = tpu.vector_load %arg12[%get3A_360, %get3A_361] {strides = array<i32>} : memref<264x128xf32, #tpu.memory_space<vmem>>, vector<16xf32>,
        %mul3A_363 = vector.broadcast %squeeze3A : f32 to vector<16xf32>
        %mul3A_364 = arith.mulf %mul3A_363, %unpack3A_334 : vector<16xf32>
        %add3A_365 = arith.addf %get3A_362, %mul3A_364 : vector<16xf32>
        %mul3A_366 = vector.broadcast %squeeze3A_107 : f32 to vector<16xf32>
        %mul3A_367 = arith.mulf %mul3A_366, %unpack3A_342 : vector<16xf32>
        %add3A_368 = arith.addf %add3A_365, %mul3A_367 : vector<16xf32>
        %get3A_369 = arith.index_cast %add3A_102 : i32 to index
        %get3A_370 = arith.constant 16 : index
        %get3A_371 = tpu.vector_load %arg13[%get3A_369, %get3A_370] {strides = array<i32>} : memref<264x128xf32, #tpu.memory_space<vmem>>, vector<16xf32>,
        %mul3A_372 = vector.broadcast %squeeze3A_109 : f32 to vector<16xf32>
        %mul3A_373 = arith.mulf %mul3A_372, %get3A_371 : vector<16xf32>
        %add3A_374 = arith.addf %add3A_368, %mul3A_373 : vector<16xf32>
        %swap3A_375 = arith.index_cast %add3A_102 : i32 to index
        %swap3A_376 = arith.constant 16 : index
        %swap3A_377 = tpu.vector_load %arg12[%swap3A_375, %swap3A_376] {strides = array<i32>} : memref<264x128xf32, #tpu.memory_space<vmem>>, vector<16xf32>,
        tpu.vector_store %arg12[%swap3A_375, %swap3A_376], %add3A_374 {strides = array<i32>} : memref<264x128xf32, #tpu.memory_space<vmem>>, vector<16xf32>,
        %bitcast3A_378 = vector.bitcast %add3A_357 : vector<16xf32> to vector<16xi32>
        %add3A_379 = arith.constant 32768 : i32
        %add3A_380 = vector.broadcast %add3A_379 : i32 to vector<16xi32>
        %add3A_381 = arith.addi %bitcast3A_378, %add3A_380 : vector<16xi32>
        %shift_right_logical3A = arith.constant 16 : i32
        %shift_right_logical3A_382 = vector.broadcast %shift_right_logical3A : i32 to vector<16xi32>
        %shift_right_logical3A_383 = arith.shrui %add3A_381, %shift_right_logical3A_382 : vector<16xi32>
        %bitcast3A_384 = vector.bitcast %add3A_374 : vector<16xf32> to vector<16xi32>
        %add3A_385 = arith.constant 32768 : i32
        %add3A_386 = vector.broadcast %add3A_385 : i32 to vector<16xi32>
        %add3A_387 = arith.addi %bitcast3A_384, %add3A_386 : vector<16xi32>
        %shift_right_logical3A_388 = arith.constant 16 : i32
        %shift_right_logical3A_389 = vector.broadcast %shift_right_logical3A_388 : i32 to vector<16xi32>
        %shift_right_logical3A_390 = arith.shrui %add3A_387, %shift_right_logical3A_389 : vector<16xi32>
        %shift_left3A = arith.constant 16 : i32
        %shift_left3A_391 = vector.broadcast %shift_left3A : i32 to vector<16xi32>
        %shift_left3A_392 = arith.shli %shift_right_logical3A_390, %shift_left3A_391 : vector<16xi32>
        %or3A = arith.ori %shift_right_logical3A_383, %shift_left3A_392 : vector<16xi32>
        %bitcast3A_393 = vector.bitcast %or3A : vector<16xi32> to vector<16xi32>
        %swap3A_394 = arith.index_cast %add3A_102 : i32 to index
        %swap3A_395 = arith.constant 0 : index
        %swap3A_396 = tpu.vector_load %arg14[%swap3A_394, %swap3A_395] {strides = array<i32>} : memref<264x64xi32, #tpu.memory_space<vmem>>, vector<16xi32>,
        tpu.vector_store %arg14[%swap3A_394, %swap3A_395], %bitcast3A_393 {strides = array<i32>} : memref<264x64xi32, #tpu.memory_space<vmem>>, vector<16xi32>,
        %get3A_397 = arith.index_cast %mul3A_111 : i32 to index
        %get3A_398 = arith.constant 16 : index
        %get3A_399 = tpu.vector_load %arg10[%get3A_397, %get3A_398] {strides = array<i32>} : memref<120x64xi32, #tpu.memory_space<vmem>>, vector<16xi32>,
        %bitcast3A_400 = vector.bitcast %get3A_399 : vector<16xi32> to vector<32xbf16>
        %lt3A_401 = arith.constant 0.000000e+00 : bf16
        %lt3A_402 = vector.broadcast %lt3A_401 : bf16 to vector<32xbf16>
        %lt3A_403 = arith.cmpf olt, %bitcast3A_400, %lt3A_402 : vector<32xbf16>
        %abs3A_404 = math.absf %bitcast3A_400 : vector<32xbf16>
        %add3A_405 = arith.constant 1 : i32
        %add3A_406 = arith.addi %mul3A_111, %add3A_405 : i32
        %get3A_407 = arith.index_cast %add3A_406 : i32 to index
        %get3A_408 = arith.constant 16 : index
        %get3A_409 = tpu.vector_load %arg10[%get3A_407, %get3A_408] {strides = array<i32>} : memref<120x64xi32, #tpu.memory_space<vmem>>, vector<16xi32>,
        %bitcast3A_410 = vector.bitcast %get3A_409 : vector<16xi32> to vector<32xbf16>
        %lt3A_411 = arith.constant 0.000000e+00 : bf16
        %lt3A_412 = vector.broadcast %lt3A_411 : bf16 to vector<32xbf16>
        %lt3A_413 = arith.cmpf olt, %bitcast3A_410, %lt3A_412 : vector<32xbf16>
        %ne3A_414 = arith.xori %lt3A_403, %lt3A_413 : vector<32xi1>
        %abs3A_415 = math.absf %bitcast3A_410 : vector<32xbf16>
        %min3A_416 = arith.minimumf %abs3A_404, %abs3A_415 : vector<32xbf16>
        %add3A_417 = arith.constant 2 : i32
        %add3A_418 = arith.addi %mul3A_111, %add3A_417 : i32
        %get3A_419 = arith.index_cast %add3A_418 : i32 to index
        %get3A_420 = arith.constant 16 : index
        %get3A_421 = tpu.vector_load %arg10[%get3A_419, %get3A_420] {strides = array<i32>} : memref<120x64xi32, #tpu.memory_space<vmem>>, vector<16xi32>,
        %bitcast3A_422 = vector.bitcast %get3A_421 : vector<16xi32> to vector<32xbf16>
        %lt3A_423 = arith.constant 0.000000e+00 : bf16
        %lt3A_424 = vector.broadcast %lt3A_423 : bf16 to vector<32xbf16>
        %lt3A_425 = arith.cmpf olt, %bitcast3A_422, %lt3A_424 : vector<32xbf16>
        %ne3A_426 = arith.xori %ne3A_414, %lt3A_425 : vector<32xi1>
        %abs3A_427 = math.absf %bitcast3A_422 : vector<32xbf16>
        %min3A_428 = arith.minimumf %min3A_416, %abs3A_427 : vector<32xbf16>
        %add3A_429 = arith.constant 3 : i32
        %add3A_430 = arith.addi %mul3A_111, %add3A_429 : i32
        %get3A_431 = arith.index_cast %add3A_430 : i32 to index
        %get3A_432 = arith.constant 16 : index
        %get3A_433 = tpu.vector_load %arg10[%get3A_431, %get3A_432] {strides = array<i32>} : memref<120x64xi32, #tpu.memory_space<vmem>>, vector<16xi32>,
        %bitcast3A_434 = vector.bitcast %get3A_433 : vector<16xi32> to vector<32xbf16>
        %lt3A_435 = arith.constant 0.000000e+00 : bf16
        %lt3A_436 = vector.broadcast %lt3A_435 : bf16 to vector<32xbf16>
        %lt3A_437 = arith.cmpf olt, %bitcast3A_434, %lt3A_436 : vector<32xbf16>
        %ne3A_438 = arith.xori %ne3A_426, %lt3A_437 : vector<32xi1>
        %abs3A_439 = math.absf %bitcast3A_434 : vector<32xbf16>
        %min3A_440 = arith.minimumf %min3A_428, %abs3A_439 : vector<32xbf16>
        %add3A_441 = arith.constant 4 : i32
        %add3A_442 = arith.addi %mul3A_111, %add3A_441 : i32
        %get3A_443 = arith.index_cast %add3A_442 : i32 to index
        %get3A_444 = arith.constant 16 : index
        %get3A_445 = tpu.vector_load %arg10[%get3A_443, %get3A_444] {strides = array<i32>} : memref<120x64xi32, #tpu.memory_space<vmem>>, vector<16xi32>,
        %bitcast3A_446 = vector.bitcast %get3A_445 : vector<16xi32> to vector<32xbf16>
        %lt3A_447 = arith.constant 0.000000e+00 : bf16
        %lt3A_448 = vector.broadcast %lt3A_447 : bf16 to vector<32xbf16>
        %lt3A_449 = arith.cmpf olt, %bitcast3A_446, %lt3A_448 : vector<32xbf16>
        %ne3A_450 = arith.xori %ne3A_438, %lt3A_449 : vector<32xi1>
        %abs3A_451 = math.absf %bitcast3A_446 : vector<32xbf16>
        %min3A_452 = arith.minimumf %min3A_440, %abs3A_451 : vector<32xbf16>
        %add3A_453 = arith.constant 5 : i32
        %add3A_454 = arith.addi %mul3A_111, %add3A_453 : i32
        %get3A_455 = arith.index_cast %add3A_454 : i32 to index
        %get3A_456 = arith.constant 16 : index
        %get3A_457 = tpu.vector_load %arg10[%get3A_455, %get3A_456] {strides = array<i32>} : memref<120x64xi32, #tpu.memory_space<vmem>>, vector<16xi32>,
        %bitcast3A_458 = vector.bitcast %get3A_457 : vector<16xi32> to vector<32xbf16>
        %lt3A_459 = arith.constant 0.000000e+00 : bf16
        %lt3A_460 = vector.broadcast %lt3A_459 : bf16 to vector<32xbf16>
        %lt3A_461 = arith.cmpf olt, %bitcast3A_458, %lt3A_460 : vector<32xbf16>
        %ne3A_462 = arith.xori %ne3A_450, %lt3A_461 : vector<32xi1>
        %abs3A_463 = math.absf %bitcast3A_458 : vector<32xbf16>
        %min3A_464 = arith.minimumf %min3A_452, %abs3A_463 : vector<32xbf16>
        %add3A_465 = arith.constant 6 : i32
        %add3A_466 = arith.addi %mul3A_111, %add3A_465 : i32
        %get3A_467 = arith.index_cast %add3A_466 : i32 to index
        %get3A_468 = arith.constant 16 : index
        %get3A_469 = tpu.vector_load %arg10[%get3A_467, %get3A_468] {strides = array<i32>} : memref<120x64xi32, #tpu.memory_space<vmem>>, vector<16xi32>,
        %bitcast3A_470 = vector.bitcast %get3A_469 : vector<16xi32> to vector<32xbf16>
        %lt3A_471 = arith.constant 0.000000e+00 : bf16
        %lt3A_472 = vector.broadcast %lt3A_471 : bf16 to vector<32xbf16>
        %lt3A_473 = arith.cmpf olt, %bitcast3A_470, %lt3A_472 : vector<32xbf16>
        %ne3A_474 = arith.xori %ne3A_462, %lt3A_473 : vector<32xi1>
        %abs3A_475 = math.absf %bitcast3A_470 : vector<32xbf16>
        %min3A_476 = arith.minimumf %min3A_464, %abs3A_475 : vector<32xbf16>
        %add3A_477 = arith.constant 7 : i32
        %add3A_478 = arith.addi %mul3A_111, %add3A_477 : i32
        %get3A_479 = arith.index_cast %add3A_478 : i32 to index
        %get3A_480 = arith.constant 16 : index
        %get3A_481 = tpu.vector_load %arg10[%get3A_479, %get3A_480] {strides = array<i32>} : memref<120x64xi32, #tpu.memory_space<vmem>>, vector<16xi32>,
        %bitcast3A_482 = vector.bitcast %get3A_481 : vector<16xi32> to vector<32xbf16>
        %lt3A_483 = arith.constant 0.000000e+00 : bf16
        %lt3A_484 = vector.broadcast %lt3A_483 : bf16 to vector<32xbf16>
        %lt3A_485 = arith.cmpf olt, %bitcast3A_482, %lt3A_484 : vector<32xbf16>
        %ne3A_486 = arith.xori %ne3A_474, %lt3A_485 : vector<32xi1>
        %abs3A_487 = math.absf %bitcast3A_482 : vector<32xbf16>
        %min3A_488 = arith.minimumf %min3A_476, %abs3A_487 : vector<32xbf16>
        %add3A_489 = arith.constant 8 : i32
        %add3A_490 = arith.addi %mul3A_111, %add3A_489 : i32
        %get3A_491 = arith.index_cast %add3A_490 : i32 to index
        %get3A_492 = arith.constant 16 : index
        %get3A_493 = tpu.vector_load %arg10[%get3A_491, %get3A_492] {strides = array<i32>} : memref<120x64xi32, #tpu.memory_space<vmem>>, vector<16xi32>,
        %bitcast3A_494 = vector.bitcast %get3A_493 : vector<16xi32> to vector<32xbf16>
        %lt3A_495 = arith.constant 0.000000e+00 : bf16
        %lt3A_496 = vector.broadcast %lt3A_495 : bf16 to vector<32xbf16>
        %lt3A_497 = arith.cmpf olt, %bitcast3A_494, %lt3A_496 : vector<32xbf16>
        %ne3A_498 = arith.xori %ne3A_486, %lt3A_497 : vector<32xi1>
        %abs3A_499 = math.absf %bitcast3A_494 : vector<32xbf16>
        %min3A_500 = arith.minimumf %min3A_488, %abs3A_499 : vector<32xbf16>
        %add3A_501 = arith.constant 9 : i32
        %add3A_502 = arith.addi %mul3A_111, %add3A_501 : i32
        %get3A_503 = arith.index_cast %add3A_502 : i32 to index
        %get3A_504 = arith.constant 16 : index
        %get3A_505 = tpu.vector_load %arg10[%get3A_503, %get3A_504] {strides = array<i32>} : memref<120x64xi32, #tpu.memory_space<vmem>>, vector<16xi32>,
        %bitcast3A_506 = vector.bitcast %get3A_505 : vector<16xi32> to vector<32xbf16>
        %lt3A_507 = arith.constant 0.000000e+00 : bf16
        %lt3A_508 = vector.broadcast %lt3A_507 : bf16 to vector<32xbf16>
        %lt3A_509 = arith.cmpf olt, %bitcast3A_506, %lt3A_508 : vector<32xbf16>
        %ne3A_510 = arith.xori %ne3A_498, %lt3A_509 : vector<32xi1>
        %abs3A_511 = math.absf %bitcast3A_506 : vector<32xbf16>
        %min3A_512 = arith.minimumf %min3A_500, %abs3A_511 : vector<32xbf16>
        %add3A_513 = arith.constant 10 : i32
        %add3A_514 = arith.addi %mul3A_111, %add3A_513 : i32
        %get3A_515 = arith.index_cast %add3A_514 : i32 to index
        %get3A_516 = arith.constant 16 : index
        %get3A_517 = tpu.vector_load %arg10[%get3A_515, %get3A_516] {strides = array<i32>} : memref<120x64xi32, #tpu.memory_space<vmem>>, vector<16xi32>,
        %bitcast3A_518 = vector.bitcast %get3A_517 : vector<16xi32> to vector<32xbf16>
        %lt3A_519 = arith.constant 0.000000e+00 : bf16
        %lt3A_520 = vector.broadcast %lt3A_519 : bf16 to vector<32xbf16>
        %lt3A_521 = arith.cmpf olt, %bitcast3A_518, %lt3A_520 : vector<32xbf16>
        %ne3A_522 = arith.xori %ne3A_510, %lt3A_521 : vector<32xi1>
        %abs3A_523 = math.absf %bitcast3A_518 : vector<32xbf16>
        %min3A_524 = arith.minimumf %min3A_512, %abs3A_523 : vector<32xbf16>
        %add3A_525 = arith.constant 11 : i32
        %add3A_526 = arith.addi %mul3A_111, %add3A_525 : i32
        %get3A_527 = arith.index_cast %add3A_526 : i32 to index
        %get3A_528 = arith.constant 16 : index
        %get3A_529 = tpu.vector_load %arg10[%get3A_527, %get3A_528] {strides = array<i32>} : memref<120x64xi32, #tpu.memory_space<vmem>>, vector<16xi32>,
        %bitcast3A_530 = vector.bitcast %get3A_529 : vector<16xi32> to vector<32xbf16>
        %lt3A_531 = arith.constant 0.000000e+00 : bf16
        %lt3A_532 = vector.broadcast %lt3A_531 : bf16 to vector<32xbf16>
        %lt3A_533 = arith.cmpf olt, %bitcast3A_530, %lt3A_532 : vector<32xbf16>
        %ne3A_534 = arith.xori %ne3A_522, %lt3A_533 : vector<32xi1>
        %abs3A_535 = math.absf %bitcast3A_530 : vector<32xbf16>
        %min3A_536 = arith.minimumf %min3A_524, %abs3A_535 : vector<32xbf16>
        %add3A_537 = arith.constant 12 : i32
        %add3A_538 = arith.addi %mul3A_111, %add3A_537 : i32
        %get3A_539 = arith.index_cast %add3A_538 : i32 to index
        %get3A_540 = arith.constant 16 : index
        %get3A_541 = tpu.vector_load %arg10[%get3A_539, %get3A_540] {strides = array<i32>} : memref<120x64xi32, #tpu.memory_space<vmem>>, vector<16xi32>,
        %bitcast3A_542 = vector.bitcast %get3A_541 : vector<16xi32> to vector<32xbf16>
        %lt3A_543 = arith.constant 0.000000e+00 : bf16
        %lt3A_544 = vector.broadcast %lt3A_543 : bf16 to vector<32xbf16>
        %lt3A_545 = arith.cmpf olt, %bitcast3A_542, %lt3A_544 : vector<32xbf16>
        %ne3A_546 = arith.xori %ne3A_534, %lt3A_545 : vector<32xi1>
        %abs3A_547 = math.absf %bitcast3A_542 : vector<32xbf16>
        %min3A_548 = arith.minimumf %min3A_536, %abs3A_547 : vector<32xbf16>
        %add3A_549 = arith.constant 13 : i32
        %add3A_550 = arith.addi %mul3A_111, %add3A_549 : i32
        %get3A_551 = arith.index_cast %add3A_550 : i32 to index
        %get3A_552 = arith.constant 16 : index
        %get3A_553 = tpu.vector_load %arg10[%get3A_551, %get3A_552] {strides = array<i32>} : memref<120x64xi32, #tpu.memory_space<vmem>>, vector<16xi32>,
        %bitcast3A_554 = vector.bitcast %get3A_553 : vector<16xi32> to vector<32xbf16>
        %lt3A_555 = arith.constant 0.000000e+00 : bf16
        %lt3A_556 = vector.broadcast %lt3A_555 : bf16 to vector<32xbf16>
        %lt3A_557 = arith.cmpf olt, %bitcast3A_554, %lt3A_556 : vector<32xbf16>
        %ne3A_558 = arith.xori %ne3A_546, %lt3A_557 : vector<32xi1>
        %abs3A_559 = math.absf %bitcast3A_554 : vector<32xbf16>
        %min3A_560 = arith.minimumf %min3A_548, %abs3A_559 : vector<32xbf16>
        %add3A_561 = arith.constant 14 : i32
        %add3A_562 = arith.addi %mul3A_111, %add3A_561 : i32
        %get3A_563 = arith.index_cast %add3A_562 : i32 to index
        %get3A_564 = arith.constant 16 : index
        %get3A_565 = tpu.vector_load %arg10[%get3A_563, %get3A_564] {strides = array<i32>} : memref<120x64xi32, #tpu.memory_space<vmem>>, vector<16xi32>,
        %bitcast3A_566 = vector.bitcast %get3A_565 : vector<16xi32> to vector<32xbf16>
        %lt3A_567 = arith.constant 0.000000e+00 : bf16
        %lt3A_568 = vector.broadcast %lt3A_567 : bf16 to vector<32xbf16>
        %lt3A_569 = arith.cmpf olt, %bitcast3A_566, %lt3A_568 : vector<32xbf16>
        %ne3A_570 = arith.xori %ne3A_558, %lt3A_569 : vector<32xi1>
        %abs3A_571 = math.absf %bitcast3A_566 : vector<32xbf16>
        %min3A_572 = arith.minimumf %min3A_560, %abs3A_571 : vector<32xbf16>
        %add3A_573 = arith.constant 15 : i32
        %add3A_574 = arith.addi %mul3A_111, %add3A_573 : i32
        %get3A_575 = arith.index_cast %add3A_574 : i32 to index
        %get3A_576 = arith.constant 16 : index
        %get3A_577 = tpu.vector_load %arg10[%get3A_575, %get3A_576] {strides = array<i32>} : memref<120x64xi32, #tpu.memory_space<vmem>>, vector<16xi32>,
        %bitcast3A_578 = vector.bitcast %get3A_577 : vector<16xi32> to vector<32xbf16>
        %lt3A_579 = arith.constant 0.000000e+00 : bf16
        %lt3A_580 = vector.broadcast %lt3A_579 : bf16 to vector<32xbf16>
        %lt3A_581 = arith.cmpf olt, %bitcast3A_578, %lt3A_580 : vector<32xbf16>
        %ne3A_582 = arith.xori %ne3A_570, %lt3A_581 : vector<32xi1>
        %abs3A_583 = math.absf %bitcast3A_578 : vector<32xbf16>
        %min3A_584 = arith.minimumf %min3A_572, %abs3A_583 : vector<32xbf16>
        %add3A_585 = arith.constant 16 : i32
        %add3A_586 = arith.addi %mul3A_111, %add3A_585 : i32
        %get3A_587 = arith.index_cast %add3A_586 : i32 to index
        %get3A_588 = arith.constant 16 : index
        %get3A_589 = tpu.vector_load %arg10[%get3A_587, %get3A_588] {strides = array<i32>} : memref<120x64xi32, #tpu.memory_space<vmem>>, vector<16xi32>,
        %bitcast3A_590 = vector.bitcast %get3A_589 : vector<16xi32> to vector<32xbf16>
        %lt3A_591 = arith.constant 0.000000e+00 : bf16
        %lt3A_592 = vector.broadcast %lt3A_591 : bf16 to vector<32xbf16>
        %lt3A_593 = arith.cmpf olt, %bitcast3A_590, %lt3A_592 : vector<32xbf16>
        %ne3A_594 = arith.xori %ne3A_582, %lt3A_593 : vector<32xi1>
        %abs3A_595 = math.absf %bitcast3A_590 : vector<32xbf16>
        %min3A_596 = arith.minimumf %min3A_584, %abs3A_595 : vector<32xbf16>
        %add3A_597 = arith.constant 17 : i32
        %add3A_598 = arith.addi %mul3A_111, %add3A_597 : i32
        %get3A_599 = arith.index_cast %add3A_598 : i32 to index
        %get3A_600 = arith.constant 16 : index
        %get3A_601 = tpu.vector_load %arg10[%get3A_599, %get3A_600] {strides = array<i32>} : memref<120x64xi32, #tpu.memory_space<vmem>>, vector<16xi32>,
        %bitcast3A_602 = vector.bitcast %get3A_601 : vector<16xi32> to vector<32xbf16>
        %lt3A_603 = arith.constant 0.000000e+00 : bf16
        %lt3A_604 = vector.broadcast %lt3A_603 : bf16 to vector<32xbf16>
        %lt3A_605 = arith.cmpf olt, %bitcast3A_602, %lt3A_604 : vector<32xbf16>
        %ne3A_606 = arith.xori %ne3A_594, %lt3A_605 : vector<32xi1>
        %abs3A_607 = math.absf %bitcast3A_602 : vector<32xbf16>
        %min3A_608 = arith.minimumf %min3A_596, %abs3A_607 : vector<32xbf16>
        %add3A_609 = arith.constant 18 : i32
        %add3A_610 = arith.addi %mul3A_111, %add3A_609 : i32
        %get3A_611 = arith.index_cast %add3A_610 : i32 to index
        %get3A_612 = arith.constant 16 : index
        %get3A_613 = tpu.vector_load %arg10[%get3A_611, %get3A_612] {strides = array<i32>} : memref<120x64xi32, #tpu.memory_space<vmem>>, vector<16xi32>,
        %bitcast3A_614 = vector.bitcast %get3A_613 : vector<16xi32> to vector<32xbf16>
        %lt3A_615 = arith.constant 0.000000e+00 : bf16
        %lt3A_616 = vector.broadcast %lt3A_615 : bf16 to vector<32xbf16>
        %lt3A_617 = arith.cmpf olt, %bitcast3A_614, %lt3A_616 : vector<32xbf16>
        %ne3A_618 = arith.xori %ne3A_606, %lt3A_617 : vector<32xi1>
        %abs3A_619 = math.absf %bitcast3A_614 : vector<32xbf16>
        %min3A_620 = arith.minimumf %min3A_608, %abs3A_619 : vector<32xbf16>
        %neg3A_621 = arith.constant 0.000000e+00 : bf16
        %neg3A_622 = vector.broadcast %neg3A_621 : bf16 to vector<32xbf16>
        %neg3A_623 = arith.subf %neg3A_622, %min3A_620 : vector<32xbf16>
        %select_n3A_624 = arith.select %ne3A_618, %neg3A_623, %min3A_620 : vector<32xi1>, vector<32xbf16>
        %unpack3A_625 = tpu.unpack_subelements %select_n3A_624, 0 {pack_format = #tpu.pack_format<interleaved>} : vector<32xbf16> -> vector<16xf32>
        %unpack3A_626 = tpu.unpack_subelements %select_n3A_624, 1 {pack_format = #tpu.pack_format<interleaved>} : vector<32xbf16> -> vector<16xf32>
        %add3A_627 = arith.constant 19 : i32
        %add3A_628 = arith.addi %mul3A_111, %add3A_627 : i32
        %get3A_629 = arith.index_cast %add3A_628 : i32 to index
        %get3A_630 = arith.constant 16 : index
        %get3A_631 = tpu.vector_load %arg10[%get3A_629, %get3A_630] {strides = array<i32>} : memref<120x64xi32, #tpu.memory_space<vmem>>, vector<16xi32>,
        %bitcast3A_632 = vector.bitcast %get3A_631 : vector<16xi32> to vector<32xbf16>
        %unpack3A_633 = tpu.unpack_subelements %bitcast3A_632, 0 {pack_format = #tpu.pack_format<interleaved>} : vector<32xbf16> -> vector<16xf32>
        %unpack3A_634 = tpu.unpack_subelements %bitcast3A_632, 1 {pack_format = #tpu.pack_format<interleaved>} : vector<32xbf16> -> vector<16xf32>
        %get3A_635 = arith.index_cast %add3A_102 : i32 to index
        %get3A_636 = arith.constant 32 : index
        %get3A_637 = tpu.vector_load %arg12[%get3A_635, %get3A_636] {strides = array<i32>} : memref<264x128xf32, #tpu.memory_space<vmem>>, vector<16xf32>,
        %mul3A_638 = vector.broadcast %squeeze3A : f32 to vector<16xf32>
        %mul3A_639 = arith.mulf %mul3A_638, %unpack3A_625 : vector<16xf32>
        %add3A_640 = arith.addf %get3A_637, %mul3A_639 : vector<16xf32>
        %mul3A_641 = vector.broadcast %squeeze3A_107 : f32 to vector<16xf32>
        %mul3A_642 = arith.mulf %mul3A_641, %unpack3A_633 : vector<16xf32>
        %add3A_643 = arith.addf %add3A_640, %mul3A_642 : vector<16xf32>
        %get3A_644 = arith.index_cast %add3A_102 : i32 to index
        %get3A_645 = arith.constant 32 : index
        %get3A_646 = tpu.vector_load %arg13[%get3A_644, %get3A_645] {strides = array<i32>} : memref<264x128xf32, #tpu.memory_space<vmem>>, vector<16xf32>,
        %mul3A_647 = vector.broadcast %squeeze3A_109 : f32 to vector<16xf32>
        %mul3A_648 = arith.mulf %mul3A_647, %get3A_646 : vector<16xf32>
        %add3A_649 = arith.addf %add3A_643, %mul3A_648 : vector<16xf32>
        %swap3A_650 = arith.index_cast %add3A_102 : i32 to index
        %swap3A_651 = arith.constant 32 : index
        %swap3A_652 = tpu.vector_load %arg12[%swap3A_650, %swap3A_651] {strides = array<i32>} : memref<264x128xf32, #tpu.memory_space<vmem>>, vector<16xf32>,
        tpu.vector_store %arg12[%swap3A_650, %swap3A_651], %add3A_649 {strides = array<i32>} : memref<264x128xf32, #tpu.memory_space<vmem>>, vector<16xf32>,
        %get3A_653 = arith.index_cast %add3A_102 : i32 to index
        %get3A_654 = arith.constant 48 : index
        %get3A_655 = tpu.vector_load %arg12[%get3A_653, %get3A_654] {strides = array<i32>} : memref<264x128xf32, #tpu.memory_space<vmem>>, vector<16xf32>,
        %mul3A_656 = vector.broadcast %squeeze3A : f32 to vector<16xf32>
        %mul3A_657 = arith.mulf %mul3A_656, %unpack3A_626 : vector<16xf32>
        %add3A_658 = arith.addf %get3A_655, %mul3A_657 : vector<16xf32>
        %mul3A_659 = vector.broadcast %squeeze3A_107 : f32 to vector<16xf32>
        %mul3A_660 = arith.mulf %mul3A_659, %unpack3A_634 : vector<16xf32>
        %add3A_661 = arith.addf %add3A_658, %mul3A_660 : vector<16xf32>
        %get3A_662 = arith.index_cast %add3A_102 : i32 to index
        %get3A_663 = arith.constant 48 : index
        %get3A_664 = tpu.vector_load %arg13[%get3A_662, %get3A_663] {strides = array<i32>} : memref<264x128xf32, #tpu.memory_space<vmem>>, vector<16xf32>,
        %mul3A_665 = vector.broadcast %squeeze3A_109 : f32 to vector<16xf32>
        %mul3A_666 = arith.mulf %mul3A_665, %get3A_664 : vector<16xf32>
        %add3A_667 = arith.addf %add3A_661, %mul3A_666 : vector<16xf32>
        %swap3A_668 = arith.index_cast %add3A_102 : i32 to index
        %swap3A_669 = arith.constant 48 : index
        %swap3A_670 = tpu.vector_load %arg12[%swap3A_668, %swap3A_669] {strides = array<i32>} : memref<264x128xf32, #tpu.memory_space<vmem>>, vector<16xf32>,
        tpu.vector_store %arg12[%swap3A_668, %swap3A_669], %add3A_667 {strides = array<i32>} : memref<264x128xf32, #tpu.memory_space<vmem>>, vector<16xf32>,
        %bitcast3A_671 = vector.bitcast %add3A_649 : vector<16xf32> to vector<16xi32>
        %add3A_672 = arith.constant 32768 : i32
        %add3A_673 = vector.broadcast %add3A_672 : i32 to vector<16xi32>
        %add3A_674 = arith.addi %bitcast3A_671, %add3A_673 : vector<16xi32>
        %shift_right_logical3A_675 = arith.constant 16 : i32
        %shift_right_logical3A_676 = vector.broadcast %shift_right_logical3A_675 : i32 to vector<16xi32>
        %shift_right_logical3A_677 = arith.shrui %add3A_674, %shift_right_logical3A_676 : vector<16xi32>
        %bitcast3A_678 = vector.bitcast %add3A_667 : vector<16xf32> to vector<16xi32>
        %add3A_679 = arith.constant 32768 : i32
        %add3A_680 = vector.broadcast %add3A_679 : i32 to vector<16xi32>
        %add3A_681 = arith.addi %bitcast3A_678, %add3A_680 : vector<16xi32>
        %shift_right_logical3A_682 = arith.constant 16 : i32
        %shift_right_logical3A_683 = vector.broadcast %shift_right_logical3A_682 : i32 to vector<16xi32>
        %shift_right_logical3A_684 = arith.shrui %add3A_681, %shift_right_logical3A_683 : vector<16xi32>
        %shift_left3A_685 = arith.constant 16 : i32
        %shift_left3A_686 = vector.broadcast %shift_left3A_685 : i32 to vector<16xi32>
        %shift_left3A_687 = arith.shli %shift_right_logical3A_684, %shift_left3A_686 : vector<16xi32>
        %or3A_688 = arith.ori %shift_right_logical3A_677, %shift_left3A_687 : vector<16xi32>
        %bitcast3A_689 = vector.bitcast %or3A_688 : vector<16xi32> to vector<16xi32>
        %swap3A_690 = arith.index_cast %add3A_102 : i32 to index
        %swap3A_691 = arith.constant 16 : index
        %swap3A_692 = tpu.vector_load %arg14[%swap3A_690, %swap3A_691] {strides = array<i32>} : memref<264x64xi32, #tpu.memory_space<vmem>>, vector<16xi32>,
        tpu.vector_store %arg14[%swap3A_690, %swap3A_691], %bitcast3A_689 {strides = array<i32>} : memref<264x64xi32, #tpu.memory_space<vmem>>, vector<16xi32>,
        %get3A_693 = arith.index_cast %mul3A_111 : i32 to index
        %get3A_694 = arith.constant 32 : index
        %get3A_695 = tpu.vector_load %arg10[%get3A_693, %get3A_694] {strides = array<i32>} : memref<120x64xi32, #tpu.memory_space<vmem>>, vector<16xi32>,
        %bitcast3A_696 = vector.bitcast %get3A_695 : vector<16xi32> to vector<32xbf16>
        %lt3A_697 = arith.constant 0.000000e+00 : bf16
        %lt3A_698 = vector.broadcast %lt3A_697 : bf16 to vector<32xbf16>
        %lt3A_699 = arith.cmpf olt, %bitcast3A_696, %lt3A_698 : vector<32xbf16>
        %abs3A_700 = math.absf %bitcast3A_696 : vector<32xbf16>
        %add3A_701 = arith.constant 1 : i32
        %add3A_702 = arith.addi %mul3A_111, %add3A_701 : i32
        %get3A_703 = arith.index_cast %add3A_702 : i32 to index
        %get3A_704 = arith.constant 32 : index
        %get3A_705 = tpu.vector_load %arg10[%get3A_703, %get3A_704] {strides = array<i32>} : memref<120x64xi32, #tpu.memory_space<vmem>>, vector<16xi32>,
        %bitcast3A_706 = vector.bitcast %get3A_705 : vector<16xi32> to vector<32xbf16>
        %lt3A_707 = arith.constant 0.000000e+00 : bf16
        %lt3A_708 = vector.broadcast %lt3A_707 : bf16 to vector<32xbf16>
        %lt3A_709 = arith.cmpf olt, %bitcast3A_706, %lt3A_708 : vector<32xbf16>
        %ne3A_710 = arith.xori %lt3A_699, %lt3A_709 : vector<32xi1>
        %abs3A_711 = math.absf %bitcast3A_706 : vector<32xbf16>
        %min3A_712 = arith.minimumf %abs3A_700, %abs3A_711 : vector<32xbf16>
        %add3A_713 = arith.constant 2 : i32
        %add3A_714 = arith.addi %mul3A_111, %add3A_713 : i32
        %get3A_715 = arith.index_cast %add3A_714 : i32 to index
        %get3A_716 = arith.constant 32 : index
        %get3A_717 = tpu.vector_load %arg10[%get3A_715, %get3A_716] {strides = array<i32>} : memref<120x64xi32, #tpu.memory_space<vmem>>, vector<16xi32>,
        %bitcast3A_718 = vector.bitcast %get3A_717 : vector<16xi32> to vector<32xbf16>
        %lt3A_719 = arith.constant 0.000000e+00 : bf16
        %lt3A_720 = vector.broadcast %lt3A_719 : bf16 to vector<32xbf16>
        %lt3A_721 = arith.cmpf olt, %bitcast3A_718, %lt3A_720 : vector<32xbf16>
        %ne3A_722 = arith.xori %ne3A_710, %lt3A_721 : vector<32xi1>
        %abs3A_723 = math.absf %bitcast3A_718 : vector<32xbf16>
        %min3A_724 = arith.minimumf %min3A_712, %abs3A_723 : vector<32xbf16>
        %add3A_725 = arith.constant 3 : i32
        %add3A_726 = arith.addi %mul3A_111, %add3A_725 : i32
        %get3A_727 = arith.index_cast %add3A_726 : i32 to index
        %get3A_728 = arith.constant 32 : index
        %get3A_729 = tpu.vector_load %arg10[%get3A_727, %get3A_728] {strides = array<i32>} : memref<120x64xi32, #tpu.memory_space<vmem>>, vector<16xi32>,
        %bitcast3A_730 = vector.bitcast %get3A_729 : vector<16xi32> to vector<32xbf16>
        %lt3A_731 = arith.constant 0.000000e+00 : bf16
        %lt3A_732 = vector.broadcast %lt3A_731 : bf16 to vector<32xbf16>
        %lt3A_733 = arith.cmpf olt, %bitcast3A_730, %lt3A_732 : vector<32xbf16>
        %ne3A_734 = arith.xori %ne3A_722, %lt3A_733 : vector<32xi1>
        %abs3A_735 = math.absf %bitcast3A_730 : vector<32xbf16>
        %min3A_736 = arith.minimumf %min3A_724, %abs3A_735 : vector<32xbf16>
        %add3A_737 = arith.constant 4 : i32
        %add3A_738 = arith.addi %mul3A_111, %add3A_737 : i32
        %get3A_739 = arith.index_cast %add3A_738 : i32 to index
        %get3A_740 = arith.constant 32 : index
        %get3A_741 = tpu.vector_load %arg10[%get3A_739, %get3A_740] {strides = array<i32>} : memref<120x64xi32, #tpu.memory_space<vmem>>, vector<16xi32>,
        %bitcast3A_742 = vector.bitcast %get3A_741 : vector<16xi32> to vector<32xbf16>
        %lt3A_743 = arith.constant 0.000000e+00 : bf16
        %lt3A_744 = vector.broadcast %lt3A_743 : bf16 to vector<32xbf16>
        %lt3A_745 = arith.cmpf olt, %bitcast3A_742, %lt3A_744 : vector<32xbf16>
        %ne3A_746 = arith.xori %ne3A_734, %lt3A_745 : vector<32xi1>
        %abs3A_747 = math.absf %bitcast3A_742 : vector<32xbf16>
        %min3A_748 = arith.minimumf %min3A_736, %abs3A_747 : vector<32xbf16>
        %add3A_749 = arith.constant 5 : i32
        %add3A_750 = arith.addi %mul3A_111, %add3A_749 : i32
        %get3A_751 = arith.index_cast %add3A_750 : i32 to index
        %get3A_752 = arith.constant 32 : index
        %get3A_753 = tpu.vector_load %arg10[%get3A_751, %get3A_752] {strides = array<i32>} : memref<120x64xi32, #tpu.memory_space<vmem>>, vector<16xi32>,
        %bitcast3A_754 = vector.bitcast %get3A_753 : vector<16xi32> to vector<32xbf16>
        %lt3A_755 = arith.constant 0.000000e+00 : bf16
        %lt3A_756 = vector.broadcast %lt3A_755 : bf16 to vector<32xbf16>
        %lt3A_757 = arith.cmpf olt, %bitcast3A_754, %lt3A_756 : vector<32xbf16>
        %ne3A_758 = arith.xori %ne3A_746, %lt3A_757 : vector<32xi1>
        %abs3A_759 = math.absf %bitcast3A_754 : vector<32xbf16>
        %min3A_760 = arith.minimumf %min3A_748, %abs3A_759 : vector<32xbf16>
        %add3A_761 = arith.constant 6 : i32
        %add3A_762 = arith.addi %mul3A_111, %add3A_761 : i32
        %get3A_763 = arith.index_cast %add3A_762 : i32 to index
        %get3A_764 = arith.constant 32 : index
        %get3A_765 = tpu.vector_load %arg10[%get3A_763, %get3A_764] {strides = array<i32>} : memref<120x64xi32, #tpu.memory_space<vmem>>, vector<16xi32>,
        %bitcast3A_766 = vector.bitcast %get3A_765 : vector<16xi32> to vector<32xbf16>
        %lt3A_767 = arith.constant 0.000000e+00 : bf16
        %lt3A_768 = vector.broadcast %lt3A_767 : bf16 to vector<32xbf16>
        %lt3A_769 = arith.cmpf olt, %bitcast3A_766, %lt3A_768 : vector<32xbf16>
        %ne3A_770 = arith.xori %ne3A_758, %lt3A_769 : vector<32xi1>
        %abs3A_771 = math.absf %bitcast3A_766 : vector<32xbf16>
        %min3A_772 = arith.minimumf %min3A_760, %abs3A_771 : vector<32xbf16>
        %add3A_773 = arith.constant 7 : i32
        %add3A_774 = arith.addi %mul3A_111, %add3A_773 : i32
        %get3A_775 = arith.index_cast %add3A_774 : i32 to index
        %get3A_776 = arith.constant 32 : index
        %get3A_777 = tpu.vector_load %arg10[%get3A_775, %get3A_776] {strides = array<i32>} : memref<120x64xi32, #tpu.memory_space<vmem>>, vector<16xi32>,
        %bitcast3A_778 = vector.bitcast %get3A_777 : vector<16xi32> to vector<32xbf16>
        %lt3A_779 = arith.constant 0.000000e+00 : bf16
        %lt3A_780 = vector.broadcast %lt3A_779 : bf16 to vector<32xbf16>
        %lt3A_781 = arith.cmpf olt, %bitcast3A_778, %lt3A_780 : vector<32xbf16>
        %ne3A_782 = arith.xori %ne3A_770, %lt3A_781 : vector<32xi1>
        %abs3A_783 = math.absf %bitcast3A_778 : vector<32xbf16>
        %min3A_784 = arith.minimumf %min3A_772, %abs3A_783 : vector<32xbf16>
        %add3A_785 = arith.constant 8 : i32
        %add3A_786 = arith.addi %mul3A_111, %add3A_785 : i32
        %get3A_787 = arith.index_cast %add3A_786 : i32 to index
        %get3A_788 = arith.constant 32 : index
        %get3A_789 = tpu.vector_load %arg10[%get3A_787, %get3A_788] {strides = array<i32>} : memref<120x64xi32, #tpu.memory_space<vmem>>, vector<16xi32>,
        %bitcast3A_790 = vector.bitcast %get3A_789 : vector<16xi32> to vector<32xbf16>
        %lt3A_791 = arith.constant 0.000000e+00 : bf16
        %lt3A_792 = vector.broadcast %lt3A_791 : bf16 to vector<32xbf16>
        %lt3A_793 = arith.cmpf olt, %bitcast3A_790, %lt3A_792 : vector<32xbf16>
        %ne3A_794 = arith.xori %ne3A_782, %lt3A_793 : vector<32xi1>
        %abs3A_795 = math.absf %bitcast3A_790 : vector<32xbf16>
        %min3A_796 = arith.minimumf %min3A_784, %abs3A_795 : vector<32xbf16>
        %add3A_797 = arith.constant 9 : i32
        %add3A_798 = arith.addi %mul3A_111, %add3A_797 : i32
        %get3A_799 = arith.index_cast %add3A_798 : i32 to index
        %get3A_800 = arith.constant 32 : index
        %get3A_801 = tpu.vector_load %arg10[%get3A_799, %get3A_800] {strides = array<i32>} : memref<120x64xi32, #tpu.memory_space<vmem>>, vector<16xi32>,
        %bitcast3A_802 = vector.bitcast %get3A_801 : vector<16xi32> to vector<32xbf16>
        %lt3A_803 = arith.constant 0.000000e+00 : bf16
        %lt3A_804 = vector.broadcast %lt3A_803 : bf16 to vector<32xbf16>
        %lt3A_805 = arith.cmpf olt, %bitcast3A_802, %lt3A_804 : vector<32xbf16>
        %ne3A_806 = arith.xori %ne3A_794, %lt3A_805 : vector<32xi1>
        %abs3A_807 = math.absf %bitcast3A_802 : vector<32xbf16>
        %min3A_808 = arith.minimumf %min3A_796, %abs3A_807 : vector<32xbf16>
        %add3A_809 = arith.constant 10 : i32
        %add3A_810 = arith.addi %mul3A_111, %add3A_809 : i32
        %get3A_811 = arith.index_cast %add3A_810 : i32 to index
        %get3A_812 = arith.constant 32 : index
        %get3A_813 = tpu.vector_load %arg10[%get3A_811, %get3A_812] {strides = array<i32>} : memref<120x64xi32, #tpu.memory_space<vmem>>, vector<16xi32>,
        %bitcast3A_814 = vector.bitcast %get3A_813 : vector<16xi32> to vector<32xbf16>
        %lt3A_815 = arith.constant 0.000000e+00 : bf16
        %lt3A_816 = vector.broadcast %lt3A_815 : bf16 to vector<32xbf16>
        %lt3A_817 = arith.cmpf olt, %bitcast3A_814, %lt3A_816 : vector<32xbf16>
        %ne3A_818 = arith.xori %ne3A_806, %lt3A_817 : vector<32xi1>
        %abs3A_819 = math.absf %bitcast3A_814 : vector<32xbf16>
        %min3A_820 = arith.minimumf %min3A_808, %abs3A_819 : vector<32xbf16>
        %add3A_821 = arith.constant 11 : i32
        %add3A_822 = arith.addi %mul3A_111, %add3A_821 : i32
        %get3A_823 = arith.index_cast %add3A_822 : i32 to index
        %get3A_824 = arith.constant 32 : index
        %get3A_825 = tpu.vector_load %arg10[%get3A_823, %get3A_824] {strides = array<i32>} : memref<120x64xi32, #tpu.memory_space<vmem>>, vector<16xi32>,
        %bitcast3A_826 = vector.bitcast %get3A_825 : vector<16xi32> to vector<32xbf16>
        %lt3A_827 = arith.constant 0.000000e+00 : bf16
        %lt3A_828 = vector.broadcast %lt3A_827 : bf16 to vector<32xbf16>
        %lt3A_829 = arith.cmpf olt, %bitcast3A_826, %lt3A_828 : vector<32xbf16>
        %ne3A_830 = arith.xori %ne3A_818, %lt3A_829 : vector<32xi1>
        %abs3A_831 = math.absf %bitcast3A_826 : vector<32xbf16>
        %min3A_832 = arith.minimumf %min3A_820, %abs3A_831 : vector<32xbf16>
        %add3A_833 = arith.constant 12 : i32
        %add3A_834 = arith.addi %mul3A_111, %add3A_833 : i32
        %get3A_835 = arith.index_cast %add3A_834 : i32 to index
        %get3A_836 = arith.constant 32 : index
        %get3A_837 = tpu.vector_load %arg10[%get3A_835, %get3A_836] {strides = array<i32>} : memref<120x64xi32, #tpu.memory_space<vmem>>, vector<16xi32>,
        %bitcast3A_838 = vector.bitcast %get3A_837 : vector<16xi32> to vector<32xbf16>
        %lt3A_839 = arith.constant 0.000000e+00 : bf16
        %lt3A_840 = vector.broadcast %lt3A_839 : bf16 to vector<32xbf16>
        %lt3A_841 = arith.cmpf olt, %bitcast3A_838, %lt3A_840 : vector<32xbf16>
        %ne3A_842 = arith.xori %ne3A_830, %lt3A_841 : vector<32xi1>
        %abs3A_843 = math.absf %bitcast3A_838 : vector<32xbf16>
        %min3A_844 = arith.minimumf %min3A_832, %abs3A_843 : vector<32xbf16>
        %add3A_845 = arith.constant 13 : i32
        %add3A_846 = arith.addi %mul3A_111, %add3A_845 : i32
        %get3A_847 = arith.index_cast %add3A_846 : i32 to index
        %get3A_848 = arith.constant 32 : index
        %get3A_849 = tpu.vector_load %arg10[%get3A_847, %get3A_848] {strides = array<i32>} : memref<120x64xi32, #tpu.memory_space<vmem>>, vector<16xi32>,
        %bitcast3A_850 = vector.bitcast %get3A_849 : vector<16xi32> to vector<32xbf16>
        %lt3A_851 = arith.constant 0.000000e+00 : bf16
        %lt3A_852 = vector.broadcast %lt3A_851 : bf16 to vector<32xbf16>
        %lt3A_853 = arith.cmpf olt, %bitcast3A_850, %lt3A_852 : vector<32xbf16>
        %ne3A_854 = arith.xori %ne3A_842, %lt3A_853 : vector<32xi1>
        %abs3A_855 = math.absf %bitcast3A_850 : vector<32xbf16>
        %min3A_856 = arith.minimumf %min3A_844, %abs3A_855 : vector<32xbf16>
        %add3A_857 = arith.constant 14 : i32
        %add3A_858 = arith.addi %mul3A_111, %add3A_857 : i32
        %get3A_859 = arith.index_cast %add3A_858 : i32 to index
        %get3A_860 = arith.constant 32 : index
        %get3A_861 = tpu.vector_load %arg10[%get3A_859, %get3A_860] {strides = array<i32>} : memref<120x64xi32, #tpu.memory_space<vmem>>, vector<16xi32>,
        %bitcast3A_862 = vector.bitcast %get3A_861 : vector<16xi32> to vector<32xbf16>
        %lt3A_863 = arith.constant 0.000000e+00 : bf16
        %lt3A_864 = vector.broadcast %lt3A_863 : bf16 to vector<32xbf16>
        %lt3A_865 = arith.cmpf olt, %bitcast3A_862, %lt3A_864 : vector<32xbf16>
        %ne3A_866 = arith.xori %ne3A_854, %lt3A_865 : vector<32xi1>
        %abs3A_867 = math.absf %bitcast3A_862 : vector<32xbf16>
        %min3A_868 = arith.minimumf %min3A_856, %abs3A_867 : vector<32xbf16>
        %add3A_869 = arith.constant 15 : i32
        %add3A_870 = arith.addi %mul3A_111, %add3A_869 : i32
        %get3A_871 = arith.index_cast %add3A_870 : i32 to index
        %get3A_872 = arith.constant 32 : index
        %get3A_873 = tpu.vector_load %arg10[%get3A_871, %get3A_872] {strides = array<i32>} : memref<120x64xi32, #tpu.memory_space<vmem>>, vector<16xi32>,
        %bitcast3A_874 = vector.bitcast %get3A_873 : vector<16xi32> to vector<32xbf16>
        %lt3A_875 = arith.constant 0.000000e+00 : bf16
        %lt3A_876 = vector.broadcast %lt3A_875 : bf16 to vector<32xbf16>
        %lt3A_877 = arith.cmpf olt, %bitcast3A_874, %lt3A_876 : vector<32xbf16>
        %ne3A_878 = arith.xori %ne3A_866, %lt3A_877 : vector<32xi1>
        %abs3A_879 = math.absf %bitcast3A_874 : vector<32xbf16>
        %min3A_880 = arith.minimumf %min3A_868, %abs3A_879 : vector<32xbf16>
        %add3A_881 = arith.constant 16 : i32
        %add3A_882 = arith.addi %mul3A_111, %add3A_881 : i32
        %get3A_883 = arith.index_cast %add3A_882 : i32 to index
        %get3A_884 = arith.constant 32 : index
        %get3A_885 = tpu.vector_load %arg10[%get3A_883, %get3A_884] {strides = array<i32>} : memref<120x64xi32, #tpu.memory_space<vmem>>, vector<16xi32>,
        %bitcast3A_886 = vector.bitcast %get3A_885 : vector<16xi32> to vector<32xbf16>
        %lt3A_887 = arith.constant 0.000000e+00 : bf16
        %lt3A_888 = vector.broadcast %lt3A_887 : bf16 to vector<32xbf16>
        %lt3A_889 = arith.cmpf olt, %bitcast3A_886, %lt3A_888 : vector<32xbf16>
        %ne3A_890 = arith.xori %ne3A_878, %lt3A_889 : vector<32xi1>
        %abs3A_891 = math.absf %bitcast3A_886 : vector<32xbf16>
        %min3A_892 = arith.minimumf %min3A_880, %abs3A_891 : vector<32xbf16>
        %add3A_893 = arith.constant 17 : i32
        %add3A_894 = arith.addi %mul3A_111, %add3A_893 : i32
        %get3A_895 = arith.index_cast %add3A_894 : i32 to index
        %get3A_896 = arith.constant 32 : index
        %get3A_897 = tpu.vector_load %arg10[%get3A_895, %get3A_896] {strides = array<i32>} : memref<120x64xi32, #tpu.memory_space<vmem>>, vector<16xi32>,
        %bitcast3A_898 = vector.bitcast %get3A_897 : vector<16xi32> to vector<32xbf16>
        %lt3A_899 = arith.constant 0.000000e+00 : bf16
        %lt3A_900 = vector.broadcast %lt3A_899 : bf16 to vector<32xbf16>
        %lt3A_901 = arith.cmpf olt, %bitcast3A_898, %lt3A_900 : vector<32xbf16>
        %ne3A_902 = arith.xori %ne3A_890, %lt3A_901 : vector<32xi1>
        %abs3A_903 = math.absf %bitcast3A_898 : vector<32xbf16>
        %min3A_904 = arith.minimumf %min3A_892, %abs3A_903 : vector<32xbf16>
        %add3A_905 = arith.constant 18 : i32
        %add3A_906 = arith.addi %mul3A_111, %add3A_905 : i32
        %get3A_907 = arith.index_cast %add3A_906 : i32 to index
        %get3A_908 = arith.constant 32 : index
        %get3A_909 = tpu.vector_load %arg10[%get3A_907, %get3A_908] {strides = array<i32>} : memref<120x64xi32, #tpu.memory_space<vmem>>, vector<16xi32>,
        %bitcast3A_910 = vector.bitcast %get3A_909 : vector<16xi32> to vector<32xbf16>
        %lt3A_911 = arith.constant 0.000000e+00 : bf16
        %lt3A_912 = vector.broadcast %lt3A_911 : bf16 to vector<32xbf16>
        %lt3A_913 = arith.cmpf olt, %bitcast3A_910, %lt3A_912 : vector<32xbf16>
        %ne3A_914 = arith.xori %ne3A_902, %lt3A_913 : vector<32xi1>
        %abs3A_915 = math.absf %bitcast3A_910 : vector<32xbf16>
        %min3A_916 = arith.minimumf %min3A_904, %abs3A_915 : vector<32xbf16>
        %neg3A_917 = arith.constant 0.000000e+00 : bf16
        %neg3A_918 = vector.broadcast %neg3A_917 : bf16 to vector<32xbf16>
        %neg3A_919 = arith.subf %neg3A_918, %min3A_916 : vector<32xbf16>
        %select_n3A_920 = arith.select %ne3A_914, %neg3A_919, %min3A_916 : vector<32xi1>, vector<32xbf16>
        %unpack3A_921 = tpu.unpack_subelements %select_n3A_920, 0 {pack_format = #tpu.pack_format<interleaved>} : vector<32xbf16> -> vector<16xf32>
        %unpack3A_922 = tpu.unpack_subelements %select_n3A_920, 1 {pack_format = #tpu.pack_format<interleaved>} : vector<32xbf16> -> vector<16xf32>
        %add3A_923 = arith.constant 19 : i32
        %add3A_924 = arith.addi %mul3A_111, %add3A_923 : i32
        %get3A_925 = arith.index_cast %add3A_924 : i32 to index
        %get3A_926 = arith.constant 32 : index
        %get3A_927 = tpu.vector_load %arg10[%get3A_925, %get3A_926] {strides = array<i32>} : memref<120x64xi32, #tpu.memory_space<vmem>>, vector<16xi32>,
        %bitcast3A_928 = vector.bitcast %get3A_927 : vector<16xi32> to vector<32xbf16>
        %unpack3A_929 = tpu.unpack_subelements %bitcast3A_928, 0 {pack_format = #tpu.pack_format<interleaved>} : vector<32xbf16> -> vector<16xf32>
        %unpack3A_930 = tpu.unpack_subelements %bitcast3A_928, 1 {pack_format = #tpu.pack_format<interleaved>} : vector<32xbf16> -> vector<16xf32>
        %get3A_931 = arith.index_cast %add3A_102 : i32 to index
        %get3A_932 = arith.constant 64 : index
        %get3A_933 = tpu.vector_load %arg12[%get3A_931, %get3A_932] {strides = array<i32>} : memref<264x128xf32, #tpu.memory_space<vmem>>, vector<16xf32>,
        %mul3A_934 = vector.broadcast %squeeze3A : f32 to vector<16xf32>
        %mul3A_935 = arith.mulf %mul3A_934, %unpack3A_921 : vector<16xf32>
        %add3A_936 = arith.addf %get3A_933, %mul3A_935 : vector<16xf32>
        %mul3A_937 = vector.broadcast %squeeze3A_107 : f32 to vector<16xf32>
        %mul3A_938 = arith.mulf %mul3A_937, %unpack3A_929 : vector<16xf32>
        %add3A_939 = arith.addf %add3A_936, %mul3A_938 : vector<16xf32>
        %get3A_940 = arith.index_cast %add3A_102 : i32 to index
        %get3A_941 = arith.constant 64 : index
        %get3A_942 = tpu.vector_load %arg13[%get3A_940, %get3A_941] {strides = array<i32>} : memref<264x128xf32, #tpu.memory_space<vmem>>, vector<16xf32>,
        %mul3A_943 = vector.broadcast %squeeze3A_109 : f32 to vector<16xf32>
        %mul3A_944 = arith.mulf %mul3A_943, %get3A_942 : vector<16xf32>
        %add3A_945 = arith.addf %add3A_939, %mul3A_944 : vector<16xf32>
        %swap3A_946 = arith.index_cast %add3A_102 : i32 to index
        %swap3A_947 = arith.constant 64 : index
        %swap3A_948 = tpu.vector_load %arg12[%swap3A_946, %swap3A_947] {strides = array<i32>} : memref<264x128xf32, #tpu.memory_space<vmem>>, vector<16xf32>,
        tpu.vector_store %arg12[%swap3A_946, %swap3A_947], %add3A_945 {strides = array<i32>} : memref<264x128xf32, #tpu.memory_space<vmem>>, vector<16xf32>,
        %get3A_949 = arith.index_cast %add3A_102 : i32 to index
        %get3A_950 = arith.constant 80 : index
        %get3A_951 = tpu.vector_load %arg12[%get3A_949, %get3A_950] {strides = array<i32>} : memref<264x128xf32, #tpu.memory_space<vmem>>, vector<16xf32>,
        %mul3A_952 = vector.broadcast %squeeze3A : f32 to vector<16xf32>
        %mul3A_953 = arith.mulf %mul3A_952, %unpack3A_922 : vector<16xf32>
        %add3A_954 = arith.addf %get3A_951, %mul3A_953 : vector<16xf32>
        %mul3A_955 = vector.broadcast %squeeze3A_107 : f32 to vector<16xf32>
        %mul3A_956 = arith.mulf %mul3A_955, %unpack3A_930 : vector<16xf32>
        %add3A_957 = arith.addf %add3A_954, %mul3A_956 : vector<16xf32>
        %get3A_958 = arith.index_cast %add3A_102 : i32 to index
        %get3A_959 = arith.constant 80 : index
        %get3A_960 = tpu.vector_load %arg13[%get3A_958, %get3A_959] {strides = array<i32>} : memref<264x128xf32, #tpu.memory_space<vmem>>, vector<16xf32>,
        %mul3A_961 = vector.broadcast %squeeze3A_109 : f32 to vector<16xf32>
        %mul3A_962 = arith.mulf %mul3A_961, %get3A_960 : vector<16xf32>
        %add3A_963 = arith.addf %add3A_957, %mul3A_962 : vector<16xf32>
        %swap3A_964 = arith.index_cast %add3A_102 : i32 to index
        %swap3A_965 = arith.constant 80 : index
        %swap3A_966 = tpu.vector_load %arg12[%swap3A_964, %swap3A_965] {strides = array<i32>} : memref<264x128xf32, #tpu.memory_space<vmem>>, vector<16xf32>,
        tpu.vector_store %arg12[%swap3A_964, %swap3A_965], %add3A_963 {strides = array<i32>} : memref<264x128xf32, #tpu.memory_space<vmem>>, vector<16xf32>,
        %bitcast3A_967 = vector.bitcast %add3A_945 : vector<16xf32> to vector<16xi32>
        %add3A_968 = arith.constant 32768 : i32
        %add3A_969 = vector.broadcast %add3A_968 : i32 to vector<16xi32>
        %add3A_970 = arith.addi %bitcast3A_967, %add3A_969 : vector<16xi32>
        %shift_right_logical3A_971 = arith.constant 16 : i32
        %shift_right_logical3A_972 = vector.broadcast %shift_right_logical3A_971 : i32 to vector<16xi32>
        %shift_right_logical3A_973 = arith.shrui %add3A_970, %shift_right_logical3A_972 : vector<16xi32>
        %bitcast3A_974 = vector.bitcast %add3A_963 : vector<16xf32> to vector<16xi32>
        %add3A_975 = arith.constant 32768 : i32
        %add3A_976 = vector.broadcast %add3A_975 : i32 to vector<16xi32>
        %add3A_977 = arith.addi %bitcast3A_974, %add3A_976 : vector<16xi32>
        %shift_right_logical3A_978 = arith.constant 16 : i32
        %shift_right_logical3A_979 = vector.broadcast %shift_right_logical3A_978 : i32 to vector<16xi32>
        %shift_right_logical3A_980 = arith.shrui %add3A_977, %shift_right_logical3A_979 : vector<16xi32>
        %shift_left3A_981 = arith.constant 16 : i32
        %shift_left3A_982 = vector.broadcast %shift_left3A_981 : i32 to vector<16xi32>
        %shift_left3A_983 = arith.shli %shift_right_logical3A_980, %shift_left3A_982 : vector<16xi32>
        %or3A_984 = arith.ori %shift_right_logical3A_973, %shift_left3A_983 : vector<16xi32>
        %bitcast3A_985 = vector.bitcast %or3A_984 : vector<16xi32> to vector<16xi32>
        %swap3A_986 = arith.index_cast %add3A_102 : i32 to index
        %swap3A_987 = arith.constant 32 : index
        %swap3A_988 = tpu.vector_load %arg14[%swap3A_986, %swap3A_987] {strides = array<i32>} : memref<264x64xi32, #tpu.memory_space<vmem>>, vector<16xi32>,
        tpu.vector_store %arg14[%swap3A_986, %swap3A_987], %bitcast3A_985 {strides = array<i32>} : memref<264x64xi32, #tpu.memory_space<vmem>>, vector<16xi32>,
        %get3A_989 = arith.index_cast %mul3A_111 : i32 to index
        %get3A_990 = arith.constant 48 : index
        %get3A_991 = tpu.vector_load %arg10[%get3A_989, %get3A_990] {strides = array<i32>} : memref<120x64xi32, #tpu.memory_space<vmem>>, vector<16xi32>,
        %bitcast3A_992 = vector.bitcast %get3A_991 : vector<16xi32> to vector<32xbf16>
        %lt3A_993 = arith.constant 0.000000e+00 : bf16
        %lt3A_994 = vector.broadcast %lt3A_993 : bf16 to vector<32xbf16>
        %lt3A_995 = arith.cmpf olt, %bitcast3A_992, %lt3A_994 : vector<32xbf16>
        %abs3A_996 = math.absf %bitcast3A_992 : vector<32xbf16>
        %add3A_997 = arith.constant 1 : i32
        %add3A_998 = arith.addi %mul3A_111, %add3A_997 : i32
        %get3A_999 = arith.index_cast %add3A_998 : i32 to index
        %get3A_1000 = arith.constant 48 : index
        %get3A_1001 = tpu.vector_load %arg10[%get3A_999, %get3A_1000] {strides = array<i32>} : memref<120x64xi32, #tpu.memory_space<vmem>>, vector<16xi32>,
        %bitcast3A_1002 = vector.bitcast %get3A_1001 : vector<16xi32> to vector<32xbf16>
        %lt3A_1003 = arith.constant 0.000000e+00 : bf16
        %lt3A_1004 = vector.broadcast %lt3A_1003 : bf16 to vector<32xbf16>
        %lt3A_1005 = arith.cmpf olt, %bitcast3A_1002, %lt3A_1004 : vector<32xbf16>
        %ne3A_1006 = arith.xori %lt3A_995, %lt3A_1005 : vector<32xi1>
        %abs3A_1007 = math.absf %bitcast3A_1002 : vector<32xbf16>
        %min3A_1008 = arith.minimumf %abs3A_996, %abs3A_1007 : vector<32xbf16>
        %add3A_1009 = arith.constant 2 : i32
        %add3A_1010 = arith.addi %mul3A_111, %add3A_1009 : i32
        %get3A_1011 = arith.index_cast %add3A_1010 : i32 to index
        %get3A_1012 = arith.constant 48 : index
        %get3A_1013 = tpu.vector_load %arg10[%get3A_1011, %get3A_1012] {strides = array<i32>} : memref<120x64xi32, #tpu.memory_space<vmem>>, vector<16xi32>,
        %bitcast3A_1014 = vector.bitcast %get3A_1013 : vector<16xi32> to vector<32xbf16>
        %lt3A_1015 = arith.constant 0.000000e+00 : bf16
        %lt3A_1016 = vector.broadcast %lt3A_1015 : bf16 to vector<32xbf16>
        %lt3A_1017 = arith.cmpf olt, %bitcast3A_1014, %lt3A_1016 : vector<32xbf16>
        %ne3A_1018 = arith.xori %ne3A_1006, %lt3A_1017 : vector<32xi1>
        %abs3A_1019 = math.absf %bitcast3A_1014 : vector<32xbf16>
        %min3A_1020 = arith.minimumf %min3A_1008, %abs3A_1019 : vector<32xbf16>
        %add3A_1021 = arith.constant 3 : i32
        %add3A_1022 = arith.addi %mul3A_111, %add3A_1021 : i32
        %get3A_1023 = arith.index_cast %add3A_1022 : i32 to index
        %get3A_1024 = arith.constant 48 : index
        %get3A_1025 = tpu.vector_load %arg10[%get3A_1023, %get3A_1024] {strides = array<i32>} : memref<120x64xi32, #tpu.memory_space<vmem>>, vector<16xi32>,
        %bitcast3A_1026 = vector.bitcast %get3A_1025 : vector<16xi32> to vector<32xbf16>
        %lt3A_1027 = arith.constant 0.000000e+00 : bf16
        %lt3A_1028 = vector.broadcast %lt3A_1027 : bf16 to vector<32xbf16>
        %lt3A_1029 = arith.cmpf olt, %bitcast3A_1026, %lt3A_1028 : vector<32xbf16>
        %ne3A_1030 = arith.xori %ne3A_1018, %lt3A_1029 : vector<32xi1>
        %abs3A_1031 = math.absf %bitcast3A_1026 : vector<32xbf16>
        %min3A_1032 = arith.minimumf %min3A_1020, %abs3A_1031 : vector<32xbf16>
        %add3A_1033 = arith.constant 4 : i32
        %add3A_1034 = arith.addi %mul3A_111, %add3A_1033 : i32
        %get3A_1035 = arith.index_cast %add3A_1034 : i32 to index
        %get3A_1036 = arith.constant 48 : index
        %get3A_1037 = tpu.vector_load %arg10[%get3A_1035, %get3A_1036] {strides = array<i32>} : memref<120x64xi32, #tpu.memory_space<vmem>>, vector<16xi32>,
        %bitcast3A_1038 = vector.bitcast %get3A_1037 : vector<16xi32> to vector<32xbf16>
        %lt3A_1039 = arith.constant 0.000000e+00 : bf16
        %lt3A_1040 = vector.broadcast %lt3A_1039 : bf16 to vector<32xbf16>
        %lt3A_1041 = arith.cmpf olt, %bitcast3A_1038, %lt3A_1040 : vector<32xbf16>
        %ne3A_1042 = arith.xori %ne3A_1030, %lt3A_1041 : vector<32xi1>
        %abs3A_1043 = math.absf %bitcast3A_1038 : vector<32xbf16>
        %min3A_1044 = arith.minimumf %min3A_1032, %abs3A_1043 : vector<32xbf16>
        %add3A_1045 = arith.constant 5 : i32
        %add3A_1046 = arith.addi %mul3A_111, %add3A_1045 : i32
        %get3A_1047 = arith.index_cast %add3A_1046 : i32 to index
        %get3A_1048 = arith.constant 48 : index
        %get3A_1049 = tpu.vector_load %arg10[%get3A_1047, %get3A_1048] {strides = array<i32>} : memref<120x64xi32, #tpu.memory_space<vmem>>, vector<16xi32>,
        %bitcast3A_1050 = vector.bitcast %get3A_1049 : vector<16xi32> to vector<32xbf16>
        %lt3A_1051 = arith.constant 0.000000e+00 : bf16
        %lt3A_1052 = vector.broadcast %lt3A_1051 : bf16 to vector<32xbf16>
        %lt3A_1053 = arith.cmpf olt, %bitcast3A_1050, %lt3A_1052 : vector<32xbf16>
        %ne3A_1054 = arith.xori %ne3A_1042, %lt3A_1053 : vector<32xi1>
        %abs3A_1055 = math.absf %bitcast3A_1050 : vector<32xbf16>
        %min3A_1056 = arith.minimumf %min3A_1044, %abs3A_1055 : vector<32xbf16>
        %add3A_1057 = arith.constant 6 : i32
        %add3A_1058 = arith.addi %mul3A_111, %add3A_1057 : i32
        %get3A_1059 = arith.index_cast %add3A_1058 : i32 to index
        %get3A_1060 = arith.constant 48 : index
        %get3A_1061 = tpu.vector_load %arg10[%get3A_1059, %get3A_1060] {strides = array<i32>} : memref<120x64xi32, #tpu.memory_space<vmem>>, vector<16xi32>,
        %bitcast3A_1062 = vector.bitcast %get3A_1061 : vector<16xi32> to vector<32xbf16>
        %lt3A_1063 = arith.constant 0.000000e+00 : bf16
        %lt3A_1064 = vector.broadcast %lt3A_1063 : bf16 to vector<32xbf16>
        %lt3A_1065 = arith.cmpf olt, %bitcast3A_1062, %lt3A_1064 : vector<32xbf16>
        %ne3A_1066 = arith.xori %ne3A_1054, %lt3A_1065 : vector<32xi1>
        %abs3A_1067 = math.absf %bitcast3A_1062 : vector<32xbf16>
        %min3A_1068 = arith.minimumf %min3A_1056, %abs3A_1067 : vector<32xbf16>
        %add3A_1069 = arith.constant 7 : i32
        %add3A_1070 = arith.addi %mul3A_111, %add3A_1069 : i32
        %get3A_1071 = arith.index_cast %add3A_1070 : i32 to index
        %get3A_1072 = arith.constant 48 : index
        %get3A_1073 = tpu.vector_load %arg10[%get3A_1071, %get3A_1072] {strides = array<i32>} : memref<120x64xi32, #tpu.memory_space<vmem>>, vector<16xi32>,
        %bitcast3A_1074 = vector.bitcast %get3A_1073 : vector<16xi32> to vector<32xbf16>
        %lt3A_1075 = arith.constant 0.000000e+00 : bf16
        %lt3A_1076 = vector.broadcast %lt3A_1075 : bf16 to vector<32xbf16>
        %lt3A_1077 = arith.cmpf olt, %bitcast3A_1074, %lt3A_1076 : vector<32xbf16>
        %ne3A_1078 = arith.xori %ne3A_1066, %lt3A_1077 : vector<32xi1>
        %abs3A_1079 = math.absf %bitcast3A_1074 : vector<32xbf16>
        %min3A_1080 = arith.minimumf %min3A_1068, %abs3A_1079 : vector<32xbf16>
        %add3A_1081 = arith.constant 8 : i32
        %add3A_1082 = arith.addi %mul3A_111, %add3A_1081 : i32
        %get3A_1083 = arith.index_cast %add3A_1082 : i32 to index
        %get3A_1084 = arith.constant 48 : index
        %get3A_1085 = tpu.vector_load %arg10[%get3A_1083, %get3A_1084] {strides = array<i32>} : memref<120x64xi32, #tpu.memory_space<vmem>>, vector<16xi32>,
        %bitcast3A_1086 = vector.bitcast %get3A_1085 : vector<16xi32> to vector<32xbf16>
        %lt3A_1087 = arith.constant 0.000000e+00 : bf16
        %lt3A_1088 = vector.broadcast %lt3A_1087 : bf16 to vector<32xbf16>
        %lt3A_1089 = arith.cmpf olt, %bitcast3A_1086, %lt3A_1088 : vector<32xbf16>
        %ne3A_1090 = arith.xori %ne3A_1078, %lt3A_1089 : vector<32xi1>
        %abs3A_1091 = math.absf %bitcast3A_1086 : vector<32xbf16>
        %min3A_1092 = arith.minimumf %min3A_1080, %abs3A_1091 : vector<32xbf16>
        %add3A_1093 = arith.constant 9 : i32
        %add3A_1094 = arith.addi %mul3A_111, %add3A_1093 : i32
        %get3A_1095 = arith.index_cast %add3A_1094 : i32 to index
        %get3A_1096 = arith.constant 48 : index
        %get3A_1097 = tpu.vector_load %arg10[%get3A_1095, %get3A_1096] {strides = array<i32>} : memref<120x64xi32, #tpu.memory_space<vmem>>, vector<16xi32>,
        %bitcast3A_1098 = vector.bitcast %get3A_1097 : vector<16xi32> to vector<32xbf16>
        %lt3A_1099 = arith.constant 0.000000e+00 : bf16
        %lt3A_1100 = vector.broadcast %lt3A_1099 : bf16 to vector<32xbf16>
        %lt3A_1101 = arith.cmpf olt, %bitcast3A_1098, %lt3A_1100 : vector<32xbf16>
        %ne3A_1102 = arith.xori %ne3A_1090, %lt3A_1101 : vector<32xi1>
        %abs3A_1103 = math.absf %bitcast3A_1098 : vector<32xbf16>
        %min3A_1104 = arith.minimumf %min3A_1092, %abs3A_1103 : vector<32xbf16>
        %add3A_1105 = arith.constant 10 : i32
        %add3A_1106 = arith.addi %mul3A_111, %add3A_1105 : i32
        %get3A_1107 = arith.index_cast %add3A_1106 : i32 to index
        %get3A_1108 = arith.constant 48 : index
        %get3A_1109 = tpu.vector_load %arg10[%get3A_1107, %get3A_1108] {strides = array<i32>} : memref<120x64xi32, #tpu.memory_space<vmem>>, vector<16xi32>,
        %bitcast3A_1110 = vector.bitcast %get3A_1109 : vector<16xi32> to vector<32xbf16>
        %lt3A_1111 = arith.constant 0.000000e+00 : bf16
        %lt3A_1112 = vector.broadcast %lt3A_1111 : bf16 to vector<32xbf16>
        %lt3A_1113 = arith.cmpf olt, %bitcast3A_1110, %lt3A_1112 : vector<32xbf16>
        %ne3A_1114 = arith.xori %ne3A_1102, %lt3A_1113 : vector<32xi1>
        %abs3A_1115 = math.absf %bitcast3A_1110 : vector<32xbf16>
        %min3A_1116 = arith.minimumf %min3A_1104, %abs3A_1115 : vector<32xbf16>
        %add3A_1117 = arith.constant 11 : i32
        %add3A_1118 = arith.addi %mul3A_111, %add3A_1117 : i32
        %get3A_1119 = arith.index_cast %add3A_1118 : i32 to index
        %get3A_1120 = arith.constant 48 : index
        %get3A_1121 = tpu.vector_load %arg10[%get3A_1119, %get3A_1120] {strides = array<i32>} : memref<120x64xi32, #tpu.memory_space<vmem>>, vector<16xi32>,
        %bitcast3A_1122 = vector.bitcast %get3A_1121 : vector<16xi32> to vector<32xbf16>
        %lt3A_1123 = arith.constant 0.000000e+00 : bf16
        %lt3A_1124 = vector.broadcast %lt3A_1123 : bf16 to vector<32xbf16>
        %lt3A_1125 = arith.cmpf olt, %bitcast3A_1122, %lt3A_1124 : vector<32xbf16>
        %ne3A_1126 = arith.xori %ne3A_1114, %lt3A_1125 : vector<32xi1>
        %abs3A_1127 = math.absf %bitcast3A_1122 : vector<32xbf16>
        %min3A_1128 = arith.minimumf %min3A_1116, %abs3A_1127 : vector<32xbf16>
        %add3A_1129 = arith.constant 12 : i32
        %add3A_1130 = arith.addi %mul3A_111, %add3A_1129 : i32
        %get3A_1131 = arith.index_cast %add3A_1130 : i32 to index
        %get3A_1132 = arith.constant 48 : index
        %get3A_1133 = tpu.vector_load %arg10[%get3A_1131, %get3A_1132] {strides = array<i32>} : memref<120x64xi32, #tpu.memory_space<vmem>>, vector<16xi32>,
        %bitcast3A_1134 = vector.bitcast %get3A_1133 : vector<16xi32> to vector<32xbf16>
        %lt3A_1135 = arith.constant 0.000000e+00 : bf16
        %lt3A_1136 = vector.broadcast %lt3A_1135 : bf16 to vector<32xbf16>
        %lt3A_1137 = arith.cmpf olt, %bitcast3A_1134, %lt3A_1136 : vector<32xbf16>
        %ne3A_1138 = arith.xori %ne3A_1126, %lt3A_1137 : vector<32xi1>
        %abs3A_1139 = math.absf %bitcast3A_1134 : vector<32xbf16>
        %min3A_1140 = arith.minimumf %min3A_1128, %abs3A_1139 : vector<32xbf16>
        %add3A_1141 = arith.constant 13 : i32
        %add3A_1142 = arith.addi %mul3A_111, %add3A_1141 : i32
        %get3A_1143 = arith.index_cast %add3A_1142 : i32 to index
        %get3A_1144 = arith.constant 48 : index
        %get3A_1145 = tpu.vector_load %arg10[%get3A_1143, %get3A_1144] {strides = array<i32>} : memref<120x64xi32, #tpu.memory_space<vmem>>, vector<16xi32>,
        %bitcast3A_1146 = vector.bitcast %get3A_1145 : vector<16xi32> to vector<32xbf16>
        %lt3A_1147 = arith.constant 0.000000e+00 : bf16
        %lt3A_1148 = vector.broadcast %lt3A_1147 : bf16 to vector<32xbf16>
        %lt3A_1149 = arith.cmpf olt, %bitcast3A_1146, %lt3A_1148 : vector<32xbf16>
        %ne3A_1150 = arith.xori %ne3A_1138, %lt3A_1149 : vector<32xi1>
        %abs3A_1151 = math.absf %bitcast3A_1146 : vector<32xbf16>
        %min3A_1152 = arith.minimumf %min3A_1140, %abs3A_1151 : vector<32xbf16>
        %add3A_1153 = arith.constant 14 : i32
        %add3A_1154 = arith.addi %mul3A_111, %add3A_1153 : i32
        %get3A_1155 = arith.index_cast %add3A_1154 : i32 to index
        %get3A_1156 = arith.constant 48 : index
        %get3A_1157 = tpu.vector_load %arg10[%get3A_1155, %get3A_1156] {strides = array<i32>} : memref<120x64xi32, #tpu.memory_space<vmem>>, vector<16xi32>,
        %bitcast3A_1158 = vector.bitcast %get3A_1157 : vector<16xi32> to vector<32xbf16>
        %lt3A_1159 = arith.constant 0.000000e+00 : bf16
        %lt3A_1160 = vector.broadcast %lt3A_1159 : bf16 to vector<32xbf16>
        %lt3A_1161 = arith.cmpf olt, %bitcast3A_1158, %lt3A_1160 : vector<32xbf16>
        %ne3A_1162 = arith.xori %ne3A_1150, %lt3A_1161 : vector<32xi1>
        %abs3A_1163 = math.absf %bitcast3A_1158 : vector<32xbf16>
        %min3A_1164 = arith.minimumf %min3A_1152, %abs3A_1163 : vector<32xbf16>
        %add3A_1165 = arith.constant 15 : i32
        %add3A_1166 = arith.addi %mul3A_111, %add3A_1165 : i32
        %get3A_1167 = arith.index_cast %add3A_1166 : i32 to index
        %get3A_1168 = arith.constant 48 : index
        %get3A_1169 = tpu.vector_load %arg10[%get3A_1167, %get3A_1168] {strides = array<i32>} : memref<120x64xi32, #tpu.memory_space<vmem>>, vector<16xi32>,
        %bitcast3A_1170 = vector.bitcast %get3A_1169 : vector<16xi32> to vector<32xbf16>
        %lt3A_1171 = arith.constant 0.000000e+00 : bf16
        %lt3A_1172 = vector.broadcast %lt3A_1171 : bf16 to vector<32xbf16>
        %lt3A_1173 = arith.cmpf olt, %bitcast3A_1170, %lt3A_1172 : vector<32xbf16>
        %ne3A_1174 = arith.xori %ne3A_1162, %lt3A_1173 : vector<32xi1>
        %abs3A_1175 = math.absf %bitcast3A_1170 : vector<32xbf16>
        %min3A_1176 = arith.minimumf %min3A_1164, %abs3A_1175 : vector<32xbf16>
        %add3A_1177 = arith.constant 16 : i32
        %add3A_1178 = arith.addi %mul3A_111, %add3A_1177 : i32
        %get3A_1179 = arith.index_cast %add3A_1178 : i32 to index
        %get3A_1180 = arith.constant 48 : index
        %get3A_1181 = tpu.vector_load %arg10[%get3A_1179, %get3A_1180] {strides = array<i32>} : memref<120x64xi32, #tpu.memory_space<vmem>>, vector<16xi32>,
        %bitcast3A_1182 = vector.bitcast %get3A_1181 : vector<16xi32> to vector<32xbf16>
        %lt3A_1183 = arith.constant 0.000000e+00 : bf16
        %lt3A_1184 = vector.broadcast %lt3A_1183 : bf16 to vector<32xbf16>
        %lt3A_1185 = arith.cmpf olt, %bitcast3A_1182, %lt3A_1184 : vector<32xbf16>
        %ne3A_1186 = arith.xori %ne3A_1174, %lt3A_1185 : vector<32xi1>
        %abs3A_1187 = math.absf %bitcast3A_1182 : vector<32xbf16>
        %min3A_1188 = arith.minimumf %min3A_1176, %abs3A_1187 : vector<32xbf16>
        %add3A_1189 = arith.constant 17 : i32
        %add3A_1190 = arith.addi %mul3A_111, %add3A_1189 : i32
        %get3A_1191 = arith.index_cast %add3A_1190 : i32 to index
        %get3A_1192 = arith.constant 48 : index
        %get3A_1193 = tpu.vector_load %arg10[%get3A_1191, %get3A_1192] {strides = array<i32>} : memref<120x64xi32, #tpu.memory_space<vmem>>, vector<16xi32>,
        %bitcast3A_1194 = vector.bitcast %get3A_1193 : vector<16xi32> to vector<32xbf16>
        %lt3A_1195 = arith.constant 0.000000e+00 : bf16
        %lt3A_1196 = vector.broadcast %lt3A_1195 : bf16 to vector<32xbf16>
        %lt3A_1197 = arith.cmpf olt, %bitcast3A_1194, %lt3A_1196 : vector<32xbf16>
        %ne3A_1198 = arith.xori %ne3A_1186, %lt3A_1197 : vector<32xi1>
        %abs3A_1199 = math.absf %bitcast3A_1194 : vector<32xbf16>
        %min3A_1200 = arith.minimumf %min3A_1188, %abs3A_1199 : vector<32xbf16>
        %add3A_1201 = arith.constant 18 : i32
        %add3A_1202 = arith.addi %mul3A_111, %add3A_1201 : i32
        %get3A_1203 = arith.index_cast %add3A_1202 : i32 to index
        %get3A_1204 = arith.constant 48 : index
        %get3A_1205 = tpu.vector_load %arg10[%get3A_1203, %get3A_1204] {strides = array<i32>} : memref<120x64xi32, #tpu.memory_space<vmem>>, vector<16xi32>,
        %bitcast3A_1206 = vector.bitcast %get3A_1205 : vector<16xi32> to vector<32xbf16>
        %lt3A_1207 = arith.constant 0.000000e+00 : bf16
        %lt3A_1208 = vector.broadcast %lt3A_1207 : bf16 to vector<32xbf16>
        %lt3A_1209 = arith.cmpf olt, %bitcast3A_1206, %lt3A_1208 : vector<32xbf16>
        %ne3A_1210 = arith.xori %ne3A_1198, %lt3A_1209 : vector<32xi1>
        %abs3A_1211 = math.absf %bitcast3A_1206 : vector<32xbf16>
        %min3A_1212 = arith.minimumf %min3A_1200, %abs3A_1211 : vector<32xbf16>
        %neg3A_1213 = arith.constant 0.000000e+00 : bf16
        %neg3A_1214 = vector.broadcast %neg3A_1213 : bf16 to vector<32xbf16>
        %neg3A_1215 = arith.subf %neg3A_1214, %min3A_1212 : vector<32xbf16>
        %select_n3A_1216 = arith.select %ne3A_1210, %neg3A_1215, %min3A_1212 : vector<32xi1>, vector<32xbf16>
        %unpack3A_1217 = tpu.unpack_subelements %select_n3A_1216, 0 {pack_format = #tpu.pack_format<interleaved>} : vector<32xbf16> -> vector<16xf32>
        %unpack3A_1218 = tpu.unpack_subelements %select_n3A_1216, 1 {pack_format = #tpu.pack_format<interleaved>} : vector<32xbf16> -> vector<16xf32>
        %add3A_1219 = arith.constant 19 : i32
        %add3A_1220 = arith.addi %mul3A_111, %add3A_1219 : i32
        %get3A_1221 = arith.index_cast %add3A_1220 : i32 to index
        %get3A_1222 = arith.constant 48 : index
        %get3A_1223 = tpu.vector_load %arg10[%get3A_1221, %get3A_1222] {strides = array<i32>} : memref<120x64xi32, #tpu.memory_space<vmem>>, vector<16xi32>,
        %bitcast3A_1224 = vector.bitcast %get3A_1223 : vector<16xi32> to vector<32xbf16>
        %unpack3A_1225 = tpu.unpack_subelements %bitcast3A_1224, 0 {pack_format = #tpu.pack_format<interleaved>} : vector<32xbf16> -> vector<16xf32>
        %unpack3A_1226 = tpu.unpack_subelements %bitcast3A_1224, 1 {pack_format = #tpu.pack_format<interleaved>} : vector<32xbf16> -> vector<16xf32>
        %get3A_1227 = arith.index_cast %add3A_102 : i32 to index
        %get3A_1228 = arith.constant 96 : index
        %get3A_1229 = tpu.vector_load %arg12[%get3A_1227, %get3A_1228] {strides = array<i32>} : memref<264x128xf32, #tpu.memory_space<vmem>>, vector<16xf32>,
        %mul3A_1230 = vector.broadcast %squeeze3A : f32 to vector<16xf32>
        %mul3A_1231 = arith.mulf %mul3A_1230, %unpack3A_1217 : vector<16xf32>
        %add3A_1232 = arith.addf %get3A_1229, %mul3A_1231 : vector<16xf32>
        %mul3A_1233 = vector.broadcast %squeeze3A_107 : f32 to vector<16xf32>
        %mul3A_1234 = arith.mulf %mul3A_1233, %unpack3A_1225 : vector<16xf32>
        %add3A_1235 = arith.addf %add3A_1232, %mul3A_1234 : vector<16xf32>
        %get3A_1236 = arith.index_cast %add3A_102 : i32 to index
        %get3A_1237 = arith.constant 96 : index
        %get3A_1238 = tpu.vector_load %arg13[%get3A_1236, %get3A_1237] {strides = array<i32>} : memref<264x128xf32, #tpu.memory_space<vmem>>, vector<16xf32>,
        %mul3A_1239 = vector.broadcast %squeeze3A_109 : f32 to vector<16xf32>
        %mul3A_1240 = arith.mulf %mul3A_1239, %get3A_1238 : vector<16xf32>
        %add3A_1241 = arith.addf %add3A_1235, %mul3A_1240 : vector<16xf32>
        %swap3A_1242 = arith.index_cast %add3A_102 : i32 to index
        %swap3A_1243 = arith.constant 96 : index
        %swap3A_1244 = tpu.vector_load %arg12[%swap3A_1242, %swap3A_1243] {strides = array<i32>} : memref<264x128xf32, #tpu.memory_space<vmem>>, vector<16xf32>,
        tpu.vector_store %arg12[%swap3A_1242, %swap3A_1243], %add3A_1241 {strides = array<i32>} : memref<264x128xf32, #tpu.memory_space<vmem>>, vector<16xf32>,
        %get3A_1245 = arith.index_cast %add3A_102 : i32 to index
        %get3A_1246 = arith.constant 112 : index
        %get3A_1247 = tpu.vector_load %arg12[%get3A_1245, %get3A_1246] {strides = array<i32>} : memref<264x128xf32, #tpu.memory_space<vmem>>, vector<16xf32>,
        %mul3A_1248 = vector.broadcast %squeeze3A : f32 to vector<16xf32>
        %mul3A_1249 = arith.mulf %mul3A_1248, %unpack3A_1218 : vector<16xf32>
        %add3A_1250 = arith.addf %get3A_1247, %mul3A_1249 : vector<16xf32>
        %mul3A_1251 = vector.broadcast %squeeze3A_107 : f32 to vector<16xf32>
        %mul3A_1252 = arith.mulf %mul3A_1251, %unpack3A_1226 : vector<16xf32>
        %add3A_1253 = arith.addf %add3A_1250, %mul3A_1252 : vector<16xf32>
        %get3A_1254 = arith.index_cast %add3A_102 : i32 to index
        %get3A_1255 = arith.constant 112 : index
        %get3A_1256 = tpu.vector_load %arg13[%get3A_1254, %get3A_1255] {strides = array<i32>} : memref<264x128xf32, #tpu.memory_space<vmem>>, vector<16xf32>,
        %mul3A_1257 = vector.broadcast %squeeze3A_109 : f32 to vector<16xf32>
        %mul3A_1258 = arith.mulf %mul3A_1257, %get3A_1256 : vector<16xf32>
        %add3A_1259 = arith.addf %add3A_1253, %mul3A_1258 : vector<16xf32>
        %swap3A_1260 = arith.index_cast %add3A_102 : i32 to index
        %swap3A_1261 = arith.constant 112 : index
        %swap3A_1262 = tpu.vector_load %arg12[%swap3A_1260, %swap3A_1261] {strides = array<i32>} : memref<264x128xf32, #tpu.memory_space<vmem>>, vector<16xf32>,
        tpu.vector_store %arg12[%swap3A_1260, %swap3A_1261], %add3A_1259 {strides = array<i32>} : memref<264x128xf32, #tpu.memory_space<vmem>>, vector<16xf32>,
        %bitcast3A_1263 = vector.bitcast %add3A_1241 : vector<16xf32> to vector<16xi32>
        %add3A_1264 = arith.constant 32768 : i32
        %add3A_1265 = vector.broadcast %add3A_1264 : i32 to vector<16xi32>
        %add3A_1266 = arith.addi %bitcast3A_1263, %add3A_1265 : vector<16xi32>
        %shift_right_logical3A_1267 = arith.constant 16 : i32
        %shift_right_logical3A_1268 = vector.broadcast %shift_right_logical3A_1267 : i32 to vector<16xi32>
        %shift_right_logical3A_1269 = arith.shrui %add3A_1266, %shift_right_logical3A_1268 : vector<16xi32>
        %bitcast3A_1270 = vector.bitcast %add3A_1259 : vector<16xf32> to vector<16xi32>
        %add3A_1271 = arith.constant 32768 : i32
        %add3A_1272 = vector.broadcast %add3A_1271 : i32 to vector<16xi32>
        %add3A_1273 = arith.addi %bitcast3A_1270, %add3A_1272 : vector<16xi32>
        %shift_right_logical3A_1274 = arith.constant 16 : i32
        %shift_right_logical3A_1275 = vector.broadcast %shift_right_logical3A_1274 : i32 to vector<16xi32>
        %shift_right_logical3A_1276 = arith.shrui %add3A_1273, %shift_right_logical3A_1275 : vector<16xi32>
        %shift_left3A_1277 = arith.constant 16 : i32
        %shift_left3A_1278 = vector.broadcast %shift_left3A_1277 : i32 to vector<16xi32>
        %shift_left3A_1279 = arith.shli %shift_right_logical3A_1276, %shift_left3A_1278 : vector<16xi32>
        %or3A_1280 = arith.ori %shift_right_logical3A_1269, %shift_left3A_1279 : vector<16xi32>
        %bitcast3A_1281 = vector.bitcast %or3A_1280 : vector<16xi32> to vector<16xi32>
        %swap3A_1282 = arith.index_cast %add3A_102 : i32 to index
        %swap3A_1283 = arith.constant 48 : index
        %swap3A_1284 = tpu.vector_load %arg14[%swap3A_1282, %swap3A_1283] {strides = array<i32>} : memref<264x64xi32, #tpu.memory_space<vmem>>, vector<16xi32>,
        tpu.vector_store %arg14[%swap3A_1282, %swap3A_1283], %bitcast3A_1281 {strides = array<i32>} : memref<264x64xi32, #tpu.memory_space<vmem>>, vector<16xi32>,
        %scan3A_1285 = arith.constant 1 : i32
        %scan3A_1286 = arith.addi %scan3A_99, %scan3A_1285 : i32
        %mul3A_1287 = arith.constant 6 : i32
        %mul3A_1288 = arith.muli %add3A_63, %mul3A_1287 : i32
        %add3A_1289 = arith.addi %mul3A_1288, %scan3A_1286 : i32
        %mul3A_1290 = arith.constant 3 : i32
        %mul3A_1291 = arith.muli %add3A_1289, %mul3A_1290 : i32
        %get3A_1292 = arith.index_cast %mul3A_1291 : i32 to index
        %get3A_1293 = tpu.vector_load %arg15[%get3A_1292] {strides = array<i32>} : memref<808xf32, #tpu.memory_space<vmem>>, vector<16xf32>,
        %slice3A_1294 = vector.extract_strided_slice %get3A_1293 {offsets = [0], sizes = [1], strides = [1]} : vector<16xf32> to vector<1xf32>
        %squeeze3A_1295 = vector.extract %slice3A_1294[0] : f32 from vector<1xf32>
        %slice3A_1296 = vector.extract_strided_slice %get3A_1293 {offsets = [1], sizes = [1], strides = [1]} : vector<16xf32> to vector<1xf32>
        %squeeze3A_1297 = vector.extract %slice3A_1296[0] : f32 from vector<1xf32>
        %slice3A_1298 = vector.extract_strided_slice %get3A_1293 {offsets = [2], sizes = [1], strides = [1]} : vector<16xf32> to vector<1xf32>
        %squeeze3A_1299 = vector.extract %slice3A_1298[0] : f32 from vector<1xf32>
        %mul3A_1300 = arith.constant 20 : i32
        %mul3A_1301 = arith.muli %scan3A_1286, %mul3A_1300 : i32
        %get3A_1302 = arith.index_cast %mul3A_1301 : i32 to index
        %get3A_1303 = arith.constant 0 : index
        %get3A_1304 = tpu.vector_load %arg10[%get3A_1302, %get3A_1303] {strides = array<i32>} : memref<120x64xi32, #tpu.memory_space<vmem>>, vector<16xi32>,
        %bitcast3A_1305 = vector.bitcast %get3A_1304 : vector<16xi32> to vector<32xbf16>
        %lt3A_1306 = arith.constant 0.000000e+00 : bf16
        %lt3A_1307 = vector.broadcast %lt3A_1306 : bf16 to vector<32xbf16>
        %lt3A_1308 = arith.cmpf olt, %bitcast3A_1305, %lt3A_1307 : vector<32xbf16>
        %abs3A_1309 = math.absf %bitcast3A_1305 : vector<32xbf16>
        %add3A_1310 = arith.constant 1 : i32
        %add3A_1311 = arith.addi %mul3A_1301, %add3A_1310 : i32
        %get3A_1312 = arith.index_cast %add3A_1311 : i32 to index
        %get3A_1313 = arith.constant 0 : index
        %get3A_1314 = tpu.vector_load %arg10[%get3A_1312, %get3A_1313] {strides = array<i32>} : memref<120x64xi32, #tpu.memory_space<vmem>>, vector<16xi32>,
        %bitcast3A_1315 = vector.bitcast %get3A_1314 : vector<16xi32> to vector<32xbf16>
        %lt3A_1316 = arith.constant 0.000000e+00 : bf16
        %lt3A_1317 = vector.broadcast %lt3A_1316 : bf16 to vector<32xbf16>
        %lt3A_1318 = arith.cmpf olt, %bitcast3A_1315, %lt3A_1317 : vector<32xbf16>
        %ne3A_1319 = arith.xori %lt3A_1308, %lt3A_1318 : vector<32xi1>
        %abs3A_1320 = math.absf %bitcast3A_1315 : vector<32xbf16>
        %min3A_1321 = arith.minimumf %abs3A_1309, %abs3A_1320 : vector<32xbf16>
        %add3A_1322 = arith.constant 2 : i32
        %add3A_1323 = arith.addi %mul3A_1301, %add3A_1322 : i32
        %get3A_1324 = arith.index_cast %add3A_1323 : i32 to index
        %get3A_1325 = arith.constant 0 : index
        %get3A_1326 = tpu.vector_load %arg10[%get3A_1324, %get3A_1325] {strides = array<i32>} : memref<120x64xi32, #tpu.memory_space<vmem>>, vector<16xi32>,
        %bitcast3A_1327 = vector.bitcast %get3A_1326 : vector<16xi32> to vector<32xbf16>
        %lt3A_1328 = arith.constant 0.000000e+00 : bf16
        %lt3A_1329 = vector.broadcast %lt3A_1328 : bf16 to vector<32xbf16>
        %lt3A_1330 = arith.cmpf olt, %bitcast3A_1327, %lt3A_1329 : vector<32xbf16>
        %ne3A_1331 = arith.xori %ne3A_1319, %lt3A_1330 : vector<32xi1>
        %abs3A_1332 = math.absf %bitcast3A_1327 : vector<32xbf16>
        %min3A_1333 = arith.minimumf %min3A_1321, %abs3A_1332 : vector<32xbf16>
        %add3A_1334 = arith.constant 3 : i32
        %add3A_1335 = arith.addi %mul3A_1301, %add3A_1334 : i32
        %get3A_1336 = arith.index_cast %add3A_1335 : i32 to index
        %get3A_1337 = arith.constant 0 : index
        %get3A_1338 = tpu.vector_load %arg10[%get3A_1336, %get3A_1337] {strides = array<i32>} : memref<120x64xi32, #tpu.memory_space<vmem>>, vector<16xi32>,
        %bitcast3A_1339 = vector.bitcast %get3A_1338 : vector<16xi32> to vector<32xbf16>
        %lt3A_1340 = arith.constant 0.000000e+00 : bf16
        %lt3A_1341 = vector.broadcast %lt3A_1340 : bf16 to vector<32xbf16>
        %lt3A_1342 = arith.cmpf olt, %bitcast3A_1339, %lt3A_1341 : vector<32xbf16>
        %ne3A_1343 = arith.xori %ne3A_1331, %lt3A_1342 : vector<32xi1>
        %abs3A_1344 = math.absf %bitcast3A_1339 : vector<32xbf16>
        %min3A_1345 = arith.minimumf %min3A_1333, %abs3A_1344 : vector<32xbf16>
        %add3A_1346 = arith.constant 4 : i32
        %add3A_1347 = arith.addi %mul3A_1301, %add3A_1346 : i32
        %get3A_1348 = arith.index_cast %add3A_1347 : i32 to index
        %get3A_1349 = arith.constant 0 : index
        %get3A_1350 = tpu.vector_load %arg10[%get3A_1348, %get3A_1349] {strides = array<i32>} : memref<120x64xi32, #tpu.memory_space<vmem>>, vector<16xi32>,
        %bitcast3A_1351 = vector.bitcast %get3A_1350 : vector<16xi32> to vector<32xbf16>
        %lt3A_1352 = arith.constant 0.000000e+00 : bf16
        %lt3A_1353 = vector.broadcast %lt3A_1352 : bf16 to vector<32xbf16>
        %lt3A_1354 = arith.cmpf olt, %bitcast3A_1351, %lt3A_1353 : vector<32xbf16>
        %ne3A_1355 = arith.xori %ne3A_1343, %lt3A_1354 : vector<32xi1>
        %abs3A_1356 = math.absf %bitcast3A_1351 : vector<32xbf16>
        %min3A_1357 = arith.minimumf %min3A_1345, %abs3A_1356 : vector<32xbf16>
        %add3A_1358 = arith.constant 5 : i32
        %add3A_1359 = arith.addi %mul3A_1301, %add3A_1358 : i32
        %get3A_1360 = arith.index_cast %add3A_1359 : i32 to index
        %get3A_1361 = arith.constant 0 : index
        %get3A_1362 = tpu.vector_load %arg10[%get3A_1360, %get3A_1361] {strides = array<i32>} : memref<120x64xi32, #tpu.memory_space<vmem>>, vector<16xi32>,
        %bitcast3A_1363 = vector.bitcast %get3A_1362 : vector<16xi32> to vector<32xbf16>
        %lt3A_1364 = arith.constant 0.000000e+00 : bf16
        %lt3A_1365 = vector.broadcast %lt3A_1364 : bf16 to vector<32xbf16>
        %lt3A_1366 = arith.cmpf olt, %bitcast3A_1363, %lt3A_1365 : vector<32xbf16>
        %ne3A_1367 = arith.xori %ne3A_1355, %lt3A_1366 : vector<32xi1>
        %abs3A_1368 = math.absf %bitcast3A_1363 : vector<32xbf16>
        %min3A_1369 = arith.minimumf %min3A_1357, %abs3A_1368 : vector<32xbf16>
        %add3A_1370 = arith.constant 6 : i32
        %add3A_1371 = arith.addi %mul3A_1301, %add3A_1370 : i32
        %get3A_1372 = arith.index_cast %add3A_1371 : i32 to index
        %get3A_1373 = arith.constant 0 : index
        %get3A_1374 = tpu.vector_load %arg10[%get3A_1372, %get3A_1373] {strides = array<i32>} : memref<120x64xi32, #tpu.memory_space<vmem>>, vector<16xi32>,
        %bitcast3A_1375 = vector.bitcast %get3A_1374 : vector<16xi32> to vector<32xbf16>
        %lt3A_1376 = arith.constant 0.000000e+00 : bf16
        %lt3A_1377 = vector.broadcast %lt3A_1376 : bf16 to vector<32xbf16>
        %lt3A_1378 = arith.cmpf olt, %bitcast3A_1375, %lt3A_1377 : vector<32xbf16>
        %ne3A_1379 = arith.xori %ne3A_1367, %lt3A_1378 : vector<32xi1>
        %abs3A_1380 = math.absf %bitcast3A_1375 : vector<32xbf16>
        %min3A_1381 = arith.minimumf %min3A_1369, %abs3A_1380 : vector<32xbf16>
        %add3A_1382 = arith.constant 7 : i32
        %add3A_1383 = arith.addi %mul3A_1301, %add3A_1382 : i32
        %get3A_1384 = arith.index_cast %add3A_1383 : i32 to index
        %get3A_1385 = arith.constant 0 : index
        %get3A_1386 = tpu.vector_load %arg10[%get3A_1384, %get3A_1385] {strides = array<i32>} : memref<120x64xi32, #tpu.memory_space<vmem>>, vector<16xi32>,
        %bitcast3A_1387 = vector.bitcast %get3A_1386 : vector<16xi32> to vector<32xbf16>
        %lt3A_1388 = arith.constant 0.000000e+00 : bf16
        %lt3A_1389 = vector.broadcast %lt3A_1388 : bf16 to vector<32xbf16>
        %lt3A_1390 = arith.cmpf olt, %bitcast3A_1387, %lt3A_1389 : vector<32xbf16>
        %ne3A_1391 = arith.xori %ne3A_1379, %lt3A_1390 : vector<32xi1>
        %abs3A_1392 = math.absf %bitcast3A_1387 : vector<32xbf16>
        %min3A_1393 = arith.minimumf %min3A_1381, %abs3A_1392 : vector<32xbf16>
        %add3A_1394 = arith.constant 8 : i32
        %add3A_1395 = arith.addi %mul3A_1301, %add3A_1394 : i32
        %get3A_1396 = arith.index_cast %add3A_1395 : i32 to index
        %get3A_1397 = arith.constant 0 : index
        %get3A_1398 = tpu.vector_load %arg10[%get3A_1396, %get3A_1397] {strides = array<i32>} : memref<120x64xi32, #tpu.memory_space<vmem>>, vector<16xi32>,
        %bitcast3A_1399 = vector.bitcast %get3A_1398 : vector<16xi32> to vector<32xbf16>
        %lt3A_1400 = arith.constant 0.000000e+00 : bf16
        %lt3A_1401 = vector.broadcast %lt3A_1400 : bf16 to vector<32xbf16>
        %lt3A_1402 = arith.cmpf olt, %bitcast3A_1399, %lt3A_1401 : vector<32xbf16>
        %ne3A_1403 = arith.xori %ne3A_1391, %lt3A_1402 : vector<32xi1>
        %abs3A_1404 = math.absf %bitcast3A_1399 : vector<32xbf16>
        %min3A_1405 = arith.minimumf %min3A_1393, %abs3A_1404 : vector<32xbf16>
        %add3A_1406 = arith.constant 9 : i32
        %add3A_1407 = arith.addi %mul3A_1301, %add3A_1406 : i32
        %get3A_1408 = arith.index_cast %add3A_1407 : i32 to index
        %get3A_1409 = arith.constant 0 : index
        %get3A_1410 = tpu.vector_load %arg10[%get3A_1408, %get3A_1409] {strides = array<i32>} : memref<120x64xi32, #tpu.memory_space<vmem>>, vector<16xi32>,
        %bitcast3A_1411 = vector.bitcast %get3A_1410 : vector<16xi32> to vector<32xbf16>
        %lt3A_1412 = arith.constant 0.000000e+00 : bf16
        %lt3A_1413 = vector.broadcast %lt3A_1412 : bf16 to vector<32xbf16>
        %lt3A_1414 = arith.cmpf olt, %bitcast3A_1411, %lt3A_1413 : vector<32xbf16>
        %ne3A_1415 = arith.xori %ne3A_1403, %lt3A_1414 : vector<32xi1>
        %abs3A_1416 = math.absf %bitcast3A_1411 : vector<32xbf16>
        %min3A_1417 = arith.minimumf %min3A_1405, %abs3A_1416 : vector<32xbf16>
        %add3A_1418 = arith.constant 10 : i32
        %add3A_1419 = arith.addi %mul3A_1301, %add3A_1418 : i32
        %get3A_1420 = arith.index_cast %add3A_1419 : i32 to index
        %get3A_1421 = arith.constant 0 : index
        %get3A_1422 = tpu.vector_load %arg10[%get3A_1420, %get3A_1421] {strides = array<i32>} : memref<120x64xi32, #tpu.memory_space<vmem>>, vector<16xi32>,
        %bitcast3A_1423 = vector.bitcast %get3A_1422 : vector<16xi32> to vector<32xbf16>
        %lt3A_1424 = arith.constant 0.000000e+00 : bf16
        %lt3A_1425 = vector.broadcast %lt3A_1424 : bf16 to vector<32xbf16>
        %lt3A_1426 = arith.cmpf olt, %bitcast3A_1423, %lt3A_1425 : vector<32xbf16>
        %ne3A_1427 = arith.xori %ne3A_1415, %lt3A_1426 : vector<32xi1>
        %abs3A_1428 = math.absf %bitcast3A_1423 : vector<32xbf16>
        %min3A_1429 = arith.minimumf %min3A_1417, %abs3A_1428 : vector<32xbf16>
        %add3A_1430 = arith.constant 11 : i32
        %add3A_1431 = arith.addi %mul3A_1301, %add3A_1430 : i32
        %get3A_1432 = arith.index_cast %add3A_1431 : i32 to index
        %get3A_1433 = arith.constant 0 : index
        %get3A_1434 = tpu.vector_load %arg10[%get3A_1432, %get3A_1433] {strides = array<i32>} : memref<120x64xi32, #tpu.memory_space<vmem>>, vector<16xi32>,
        %bitcast3A_1435 = vector.bitcast %get3A_1434 : vector<16xi32> to vector<32xbf16>
        %lt3A_1436 = arith.constant 0.000000e+00 : bf16
        %lt3A_1437 = vector.broadcast %lt3A_1436 : bf16 to vector<32xbf16>
        %lt3A_1438 = arith.cmpf olt, %bitcast3A_1435, %lt3A_1437 : vector<32xbf16>
        %ne3A_1439 = arith.xori %ne3A_1427, %lt3A_1438 : vector<32xi1>
        %abs3A_1440 = math.absf %bitcast3A_1435 : vector<32xbf16>
        %min3A_1441 = arith.minimumf %min3A_1429, %abs3A_1440 : vector<32xbf16>
        %add3A_1442 = arith.constant 12 : i32
        %add3A_1443 = arith.addi %mul3A_1301, %add3A_1442 : i32
        %get3A_1444 = arith.index_cast %add3A_1443 : i32 to index
        %get3A_1445 = arith.constant 0 : index
        %get3A_1446 = tpu.vector_load %arg10[%get3A_1444, %get3A_1445] {strides = array<i32>} : memref<120x64xi32, #tpu.memory_space<vmem>>, vector<16xi32>,
        %bitcast3A_1447 = vector.bitcast %get3A_1446 : vector<16xi32> to vector<32xbf16>
        %lt3A_1448 = arith.constant 0.000000e+00 : bf16
        %lt3A_1449 = vector.broadcast %lt3A_1448 : bf16 to vector<32xbf16>
        %lt3A_1450 = arith.cmpf olt, %bitcast3A_1447, %lt3A_1449 : vector<32xbf16>
        %ne3A_1451 = arith.xori %ne3A_1439, %lt3A_1450 : vector<32xi1>
        %abs3A_1452 = math.absf %bitcast3A_1447 : vector<32xbf16>
        %min3A_1453 = arith.minimumf %min3A_1441, %abs3A_1452 : vector<32xbf16>
        %add3A_1454 = arith.constant 13 : i32
        %add3A_1455 = arith.addi %mul3A_1301, %add3A_1454 : i32
        %get3A_1456 = arith.index_cast %add3A_1455 : i32 to index
        %get3A_1457 = arith.constant 0 : index
        %get3A_1458 = tpu.vector_load %arg10[%get3A_1456, %get3A_1457] {strides = array<i32>} : memref<120x64xi32, #tpu.memory_space<vmem>>, vector<16xi32>,
        %bitcast3A_1459 = vector.bitcast %get3A_1458 : vector<16xi32> to vector<32xbf16>
        %lt3A_1460 = arith.constant 0.000000e+00 : bf16
        %lt3A_1461 = vector.broadcast %lt3A_1460 : bf16 to vector<32xbf16>
        %lt3A_1462 = arith.cmpf olt, %bitcast3A_1459, %lt3A_1461 : vector<32xbf16>
        %ne3A_1463 = arith.xori %ne3A_1451, %lt3A_1462 : vector<32xi1>
        %abs3A_1464 = math.absf %bitcast3A_1459 : vector<32xbf16>
        %min3A_1465 = arith.minimumf %min3A_1453, %abs3A_1464 : vector<32xbf16>
        %add3A_1466 = arith.constant 14 : i32
        %add3A_1467 = arith.addi %mul3A_1301, %add3A_1466 : i32
        %get3A_1468 = arith.index_cast %add3A_1467 : i32 to index
        %get3A_1469 = arith.constant 0 : index
        %get3A_1470 = tpu.vector_load %arg10[%get3A_1468, %get3A_1469] {strides = array<i32>} : memref<120x64xi32, #tpu.memory_space<vmem>>, vector<16xi32>,
        %bitcast3A_1471 = vector.bitcast %get3A_1470 : vector<16xi32> to vector<32xbf16>
        %lt3A_1472 = arith.constant 0.000000e+00 : bf16
        %lt3A_1473 = vector.broadcast %lt3A_1472 : bf16 to vector<32xbf16>
        %lt3A_1474 = arith.cmpf olt, %bitcast3A_1471, %lt3A_1473 : vector<32xbf16>
        %ne3A_1475 = arith.xori %ne3A_1463, %lt3A_1474 : vector<32xi1>
        %abs3A_1476 = math.absf %bitcast3A_1471 : vector<32xbf16>
        %min3A_1477 = arith.minimumf %min3A_1465, %abs3A_1476 : vector<32xbf16>
        %add3A_1478 = arith.constant 15 : i32
        %add3A_1479 = arith.addi %mul3A_1301, %add3A_1478 : i32
        %get3A_1480 = arith.index_cast %add3A_1479 : i32 to index
        %get3A_1481 = arith.constant 0 : index
        %get3A_1482 = tpu.vector_load %arg10[%get3A_1480, %get3A_1481] {strides = array<i32>} : memref<120x64xi32, #tpu.memory_space<vmem>>, vector<16xi32>,
        %bitcast3A_1483 = vector.bitcast %get3A_1482 : vector<16xi32> to vector<32xbf16>
        %lt3A_1484 = arith.constant 0.000000e+00 : bf16
        %lt3A_1485 = vector.broadcast %lt3A_1484 : bf16 to vector<32xbf16>
        %lt3A_1486 = arith.cmpf olt, %bitcast3A_1483, %lt3A_1485 : vector<32xbf16>
        %ne3A_1487 = arith.xori %ne3A_1475, %lt3A_1486 : vector<32xi1>
        %abs3A_1488 = math.absf %bitcast3A_1483 : vector<32xbf16>
        %min3A_1489 = arith.minimumf %min3A_1477, %abs3A_1488 : vector<32xbf16>
        %add3A_1490 = arith.constant 16 : i32
        %add3A_1491 = arith.addi %mul3A_1301, %add3A_1490 : i32
        %get3A_1492 = arith.index_cast %add3A_1491 : i32 to index
        %get3A_1493 = arith.constant 0 : index
        %get3A_1494 = tpu.vector_load %arg10[%get3A_1492, %get3A_1493] {strides = array<i32>} : memref<120x64xi32, #tpu.memory_space<vmem>>, vector<16xi32>,
        %bitcast3A_1495 = vector.bitcast %get3A_1494 : vector<16xi32> to vector<32xbf16>
        %lt3A_1496 = arith.constant 0.000000e+00 : bf16
        %lt3A_1497 = vector.broadcast %lt3A_1496 : bf16 to vector<32xbf16>
        %lt3A_1498 = arith.cmpf olt, %bitcast3A_1495, %lt3A_1497 : vector<32xbf16>
        %ne3A_1499 = arith.xori %ne3A_1487, %lt3A_1498 : vector<32xi1>
        %abs3A_1500 = math.absf %bitcast3A_1495 : vector<32xbf16>
        %min3A_1501 = arith.minimumf %min3A_1489, %abs3A_1500 : vector<32xbf16>
        %add3A_1502 = arith.constant 17 : i32
        %add3A_1503 = arith.addi %mul3A_1301, %add3A_1502 : i32
        %get3A_1504 = arith.index_cast %add3A_1503 : i32 to index
        %get3A_1505 = arith.constant 0 : index
        %get3A_1506 = tpu.vector_load %arg10[%get3A_1504, %get3A_1505] {strides = array<i32>} : memref<120x64xi32, #tpu.memory_space<vmem>>, vector<16xi32>,
        %bitcast3A_1507 = vector.bitcast %get3A_1506 : vector<16xi32> to vector<32xbf16>
        %lt3A_1508 = arith.constant 0.000000e+00 : bf16
        %lt3A_1509 = vector.broadcast %lt3A_1508 : bf16 to vector<32xbf16>
        %lt3A_1510 = arith.cmpf olt, %bitcast3A_1507, %lt3A_1509 : vector<32xbf16>
        %ne3A_1511 = arith.xori %ne3A_1499, %lt3A_1510 : vector<32xi1>
        %abs3A_1512 = math.absf %bitcast3A_1507 : vector<32xbf16>
        %min3A_1513 = arith.minimumf %min3A_1501, %abs3A_1512 : vector<32xbf16>
        %add3A_1514 = arith.constant 18 : i32
        %add3A_1515 = arith.addi %mul3A_1301, %add3A_1514 : i32
        %get3A_1516 = arith.index_cast %add3A_1515 : i32 to index
        %get3A_1517 = arith.constant 0 : index
        %get3A_1518 = tpu.vector_load %arg10[%get3A_1516, %get3A_1517] {strides = array<i32>} : memref<120x64xi32, #tpu.memory_space<vmem>>, vector<16xi32>,
        %bitcast3A_1519 = vector.bitcast %get3A_1518 : vector<16xi32> to vector<32xbf16>
        %lt3A_1520 = arith.constant 0.000000e+00 : bf16
        %lt3A_1521 = vector.broadcast %lt3A_1520 : bf16 to vector<32xbf16>
        %lt3A_1522 = arith.cmpf olt, %bitcast3A_1519, %lt3A_1521 : vector<32xbf16>
        %ne3A_1523 = arith.xori %ne3A_1511, %lt3A_1522 : vector<32xi1>
        %abs3A_1524 = math.absf %bitcast3A_1519 : vector<32xbf16>
        %min3A_1525 = arith.minimumf %min3A_1513, %abs3A_1524 : vector<32xbf16>
        %neg3A_1526 = arith.constant 0.000000e+00 : bf16
        %neg3A_1527 = vector.broadcast %neg3A_1526 : bf16 to vector<32xbf16>
        %neg3A_1528 = arith.subf %neg3A_1527, %min3A_1525 : vector<32xbf16>
        %select_n3A_1529 = arith.select %ne3A_1523, %neg3A_1528, %min3A_1525 : vector<32xi1>, vector<32xbf16>
        %unpack3A_1530 = tpu.unpack_subelements %select_n3A_1529, 0 {pack_format = #tpu.pack_format<interleaved>} : vector<32xbf16> -> vector<16xf32>
        %unpack3A_1531 = tpu.unpack_subelements %select_n3A_1529, 1 {pack_format = #tpu.pack_format<interleaved>} : vector<32xbf16> -> vector<16xf32>
        %add3A_1532 = arith.constant 19 : i32
        %add3A_1533 = arith.addi %mul3A_1301, %add3A_1532 : i32
        %get3A_1534 = arith.index_cast %add3A_1533 : i32 to index
        %get3A_1535 = arith.constant 0 : index
        %get3A_1536 = tpu.vector_load %arg10[%get3A_1534, %get3A_1535] {strides = array<i32>} : memref<120x64xi32, #tpu.memory_space<vmem>>, vector<16xi32>,
        %bitcast3A_1537 = vector.bitcast %get3A_1536 : vector<16xi32> to vector<32xbf16>
        %unpack3A_1538 = tpu.unpack_subelements %bitcast3A_1537, 0 {pack_format = #tpu.pack_format<interleaved>} : vector<32xbf16> -> vector<16xf32>
        %unpack3A_1539 = tpu.unpack_subelements %bitcast3A_1537, 1 {pack_format = #tpu.pack_format<interleaved>} : vector<32xbf16> -> vector<16xf32>
        %get3A_1540 = arith.index_cast %add3A_1289 : i32 to index
        %get3A_1541 = arith.constant 0 : index
        %get3A_1542 = tpu.vector_load %arg12[%get3A_1540, %get3A_1541] {strides = array<i32>} : memref<264x128xf32, #tpu.memory_space<vmem>>, vector<16xf32>,
        %mul3A_1543 = vector.broadcast %squeeze3A_1295 : f32 to vector<16xf32>
        %mul3A_1544 = arith.mulf %mul3A_1543, %unpack3A_1530 : vector<16xf32>
        %add3A_1545 = arith.addf %get3A_1542, %mul3A_1544 : vector<16xf32>
        %mul3A_1546 = vector.broadcast %squeeze3A_1297 : f32 to vector<16xf32>
        %mul3A_1547 = arith.mulf %mul3A_1546, %unpack3A_1538 : vector<16xf32>
        %add3A_1548 = arith.addf %add3A_1545, %mul3A_1547 : vector<16xf32>
        %get3A_1549 = arith.index_cast %add3A_1289 : i32 to index
        %get3A_1550 = arith.constant 0 : index
        %get3A_1551 = tpu.vector_load %arg13[%get3A_1549, %get3A_1550] {strides = array<i32>} : memref<264x128xf32, #tpu.memory_space<vmem>>, vector<16xf32>,
        %mul3A_1552 = vector.broadcast %squeeze3A_1299 : f32 to vector<16xf32>
        %mul3A_1553 = arith.mulf %mul3A_1552, %get3A_1551 : vector<16xf32>
        %add3A_1554 = arith.addf %add3A_1548, %mul3A_1553 : vector<16xf32>
        %swap3A_1555 = arith.index_cast %add3A_1289 : i32 to index
        %swap3A_1556 = arith.constant 0 : index
        %swap3A_1557 = tpu.vector_load %arg12[%swap3A_1555, %swap3A_1556] {strides = array<i32>} : memref<264x128xf32, #tpu.memory_space<vmem>>, vector<16xf32>,
        tpu.vector_store %arg12[%swap3A_1555, %swap3A_1556], %add3A_1554 {strides = array<i32>} : memref<264x128xf32, #tpu.memory_space<vmem>>, vector<16xf32>,
        %get3A_1558 = arith.index_cast %add3A_1289 : i32 to index
        %get3A_1559 = arith.constant 16 : index
        %get3A_1560 = tpu.vector_load %arg12[%get3A_1558, %get3A_1559] {strides = array<i32>} : memref<264x128xf32, #tpu.memory_space<vmem>>, vector<16xf32>,
        %mul3A_1561 = vector.broadcast %squeeze3A_1295 : f32 to vector<16xf32>
        %mul3A_1562 = arith.mulf %mul3A_1561, %unpack3A_1531 : vector<16xf32>
        %add3A_1563 = arith.addf %get3A_1560, %mul3A_1562 : vector<16xf32>
        %mul3A_1564 = vector.broadcast %squeeze3A_1297 : f32 to vector<16xf32>
        %mul3A_1565 = arith.mulf %mul3A_1564, %unpack3A_1539 : vector<16xf32>
        %add3A_1566 = arith.addf %add3A_1563, %mul3A_1565 : vector<16xf32>
        %get3A_1567 = arith.index_cast %add3A_1289 : i32 to index
        %get3A_1568 = arith.constant 16 : index
        %get3A_1569 = tpu.vector_load %arg13[%get3A_1567, %get3A_1568] {strides = array<i32>} : memref<264x128xf32, #tpu.memory_space<vmem>>, vector<16xf32>,
        %mul3A_1570 = vector.broadcast %squeeze3A_1299 : f32 to vector<16xf32>
        %mul3A_1571 = arith.mulf %mul3A_1570, %get3A_1569 : vector<16xf32>
        %add3A_1572 = arith.addf %add3A_1566, %mul3A_1571 : vector<16xf32>
        %swap3A_1573 = arith.index_cast %add3A_1289 : i32 to index
        %swap3A_1574 = arith.constant 16 : index
        %swap3A_1575 = tpu.vector_load %arg12[%swap3A_1573, %swap3A_1574] {strides = array<i32>} : memref<264x128xf32, #tpu.memory_space<vmem>>, vector<16xf32>,
        tpu.vector_store %arg12[%swap3A_1573, %swap3A_1574], %add3A_1572 {strides = array<i32>} : memref<264x128xf32, #tpu.memory_space<vmem>>, vector<16xf32>,
        %bitcast3A_1576 = vector.bitcast %add3A_1554 : vector<16xf32> to vector<16xi32>
        %add3A_1577 = arith.constant 32768 : i32
        %add3A_1578 = vector.broadcast %add3A_1577 : i32 to vector<16xi32>
        %add3A_1579 = arith.addi %bitcast3A_1576, %add3A_1578 : vector<16xi32>
        %shift_right_logical3A_1580 = arith.constant 16 : i32
        %shift_right_logical3A_1581 = vector.broadcast %shift_right_logical3A_1580 : i32 to vector<16xi32>
        %shift_right_logical3A_1582 = arith.shrui %add3A_1579, %shift_right_logical3A_1581 : vector<16xi32>
        %bitcast3A_1583 = vector.bitcast %add3A_1572 : vector<16xf32> to vector<16xi32>
        %add3A_1584 = arith.constant 32768 : i32
        %add3A_1585 = vector.broadcast %add3A_1584 : i32 to vector<16xi32>
        %add3A_1586 = arith.addi %bitcast3A_1583, %add3A_1585 : vector<16xi32>
        %shift_right_logical3A_1587 = arith.constant 16 : i32
        %shift_right_logical3A_1588 = vector.broadcast %shift_right_logical3A_1587 : i32 to vector<16xi32>
        %shift_right_logical3A_1589 = arith.shrui %add3A_1586, %shift_right_logical3A_1588 : vector<16xi32>
        %shift_left3A_1590 = arith.constant 16 : i32
        %shift_left3A_1591 = vector.broadcast %shift_left3A_1590 : i32 to vector<16xi32>
        %shift_left3A_1592 = arith.shli %shift_right_logical3A_1589, %shift_left3A_1591 : vector<16xi32>
        %or3A_1593 = arith.ori %shift_right_logical3A_1582, %shift_left3A_1592 : vector<16xi32>
        %bitcast3A_1594 = vector.bitcast %or3A_1593 : vector<16xi32> to vector<16xi32>
        %swap3A_1595 = arith.index_cast %add3A_1289 : i32 to index
        %swap3A_1596 = arith.constant 0 : index
        %swap3A_1597 = tpu.vector_load %arg14[%swap3A_1595, %swap3A_1596] {strides = array<i32>} : memref<264x64xi32, #tpu.memory_space<vmem>>, vector<16xi32>,
        tpu.vector_store %arg14[%swap3A_1595, %swap3A_1596], %bitcast3A_1594 {strides = array<i32>} : memref<264x64xi32, #tpu.memory_space<vmem>>, vector<16xi32>,
        %get3A_1598 = arith.index_cast %mul3A_1301 : i32 to index
        %get3A_1599 = arith.constant 16 : index
        %get3A_1600 = tpu.vector_load %arg10[%get3A_1598, %get3A_1599] {strides = array<i32>} : memref<120x64xi32, #tpu.memory_space<vmem>>, vector<16xi32>,
        %bitcast3A_1601 = vector.bitcast %get3A_1600 : vector<16xi32> to vector<32xbf16>
        %lt3A_1602 = arith.constant 0.000000e+00 : bf16
        %lt3A_1603 = vector.broadcast %lt3A_1602 : bf16 to vector<32xbf16>
        %lt3A_1604 = arith.cmpf olt, %bitcast3A_1601, %lt3A_1603 : vector<32xbf16>
        %abs3A_1605 = math.absf %bitcast3A_1601 : vector<32xbf16>
        %add3A_1606 = arith.constant 1 : i32
        %add3A_1607 = arith.addi %mul3A_1301, %add3A_1606 : i32
        %get3A_1608 = arith.index_cast %add3A_1607 : i32 to index
        %get3A_1609 = arith.constant 16 : index
        %get3A_1610 = tpu.vector_load %arg10[%get3A_1608, %get3A_1609] {strides = array<i32>} : memref<120x64xi32, #tpu.memory_space<vmem>>, vector<16xi32>,
        %bitcast3A_1611 = vector.bitcast %get3A_1610 : vector<16xi32> to vector<32xbf16>
        %lt3A_1612 = arith.constant 0.000000e+00 : bf16
        %lt3A_1613 = vector.broadcast %lt3A_1612 : bf16 to vector<32xbf16>
        %lt3A_1614 = arith.cmpf olt, %bitcast3A_1611, %lt3A_1613 : vector<32xbf16>
        %ne3A_1615 = arith.xori %lt3A_1604, %lt3A_1614 : vector<32xi1>
        %abs3A_1616 = math.absf %bitcast3A_1611 : vector<32xbf16>
        %min3A_1617 = arith.minimumf %abs3A_1605, %abs3A_1616 : vector<32xbf16>
        %add3A_1618 = arith.constant 2 : i32
        %add3A_1619 = arith.addi %mul3A_1301, %add3A_1618 : i32
        %get3A_1620 = arith.index_cast %add3A_1619 : i32 to index
        %get3A_1621 = arith.constant 16 : index
        %get3A_1622 = tpu.vector_load %arg10[%get3A_1620, %get3A_1621] {strides = array<i32>} : memref<120x64xi32, #tpu.memory_space<vmem>>, vector<16xi32>,
        %bitcast3A_1623 = vector.bitcast %get3A_1622 : vector<16xi32> to vector<32xbf16>
        %lt3A_1624 = arith.constant 0.000000e+00 : bf16
        %lt3A_1625 = vector.broadcast %lt3A_1624 : bf16 to vector<32xbf16>
        %lt3A_1626 = arith.cmpf olt, %bitcast3A_1623, %lt3A_1625 : vector<32xbf16>
        %ne3A_1627 = arith.xori %ne3A_1615, %lt3A_1626 : vector<32xi1>
        %abs3A_1628 = math.absf %bitcast3A_1623 : vector<32xbf16>
        %min3A_1629 = arith.minimumf %min3A_1617, %abs3A_1628 : vector<32xbf16>
        %add3A_1630 = arith.constant 3 : i32
        %add3A_1631 = arith.addi %mul3A_1301, %add3A_1630 : i32
        %get3A_1632 = arith.index_cast %add3A_1631 : i32 to index
        %get3A_1633 = arith.constant 16 : index
        %get3A_1634 = tpu.vector_load %arg10[%get3A_1632, %get3A_1633] {strides = array<i32>} : memref<120x64xi32, #tpu.memory_space<vmem>>, vector<16xi32>,
        %bitcast3A_1635 = vector.bitcast %get3A_1634 : vector<16xi32> to vector<32xbf16>
        %lt3A_1636 = arith.constant 0.000000e+00 : bf16
        %lt3A_1637 = vector.broadcast %lt3A_1636 : bf16 to vector<32xbf16>
        %lt3A_1638 = arith.cmpf olt, %bitcast3A_1635, %lt3A_1637 : vector<32xbf16>
        %ne3A_1639 = arith.xori %ne3A_1627, %lt3A_1638 : vector<32xi1>
        %abs3A_1640 = math.absf %bitcast3A_1635 : vector<32xbf16>
        %min3A_1641 = arith.minimumf %min3A_1629, %abs3A_1640 : vector<32xbf16>
        %add3A_1642 = arith.constant 4 : i32
        %add3A_1643 = arith.addi %mul3A_1301, %add3A_1642 : i32
        %get3A_1644 = arith.index_cast %add3A_1643 : i32 to index
        %get3A_1645 = arith.constant 16 : index
        %get3A_1646 = tpu.vector_load %arg10[%get3A_1644, %get3A_1645] {strides = array<i32>} : memref<120x64xi32, #tpu.memory_space<vmem>>, vector<16xi32>,
        %bitcast3A_1647 = vector.bitcast %get3A_1646 : vector<16xi32> to vector<32xbf16>
        %lt3A_1648 = arith.constant 0.000000e+00 : bf16
        %lt3A_1649 = vector.broadcast %lt3A_1648 : bf16 to vector<32xbf16>
        %lt3A_1650 = arith.cmpf olt, %bitcast3A_1647, %lt3A_1649 : vector<32xbf16>
        %ne3A_1651 = arith.xori %ne3A_1639, %lt3A_1650 : vector<32xi1>
        %abs3A_1652 = math.absf %bitcast3A_1647 : vector<32xbf16>
        %min3A_1653 = arith.minimumf %min3A_1641, %abs3A_1652 : vector<32xbf16>
        %add3A_1654 = arith.constant 5 : i32
        %add3A_1655 = arith.addi %mul3A_1301, %add3A_1654 : i32
        %get3A_1656 = arith.index_cast %add3A_1655 : i32 to index
        %get3A_1657 = arith.constant 16 : index
        %get3A_1658 = tpu.vector_load %arg10[%get3A_1656, %get3A_1657] {strides = array<i32>} : memref<120x64xi32, #tpu.memory_space<vmem>>, vector<16xi32>,
        %bitcast3A_1659 = vector.bitcast %get3A_1658 : vector<16xi32> to vector<32xbf16>
        %lt3A_1660 = arith.constant 0.000000e+00 : bf16
        %lt3A_1661 = vector.broadcast %lt3A_1660 : bf16 to vector<32xbf16>
        %lt3A_1662 = arith.cmpf olt, %bitcast3A_1659, %lt3A_1661 : vector<32xbf16>
        %ne3A_1663 = arith.xori %ne3A_1651, %lt3A_1662 : vector<32xi1>
        %abs3A_1664 = math.absf %bitcast3A_1659 : vector<32xbf16>
        %min3A_1665 = arith.minimumf %min3A_1653, %abs3A_1664 : vector<32xbf16>
        %add3A_1666 = arith.constant 6 : i32
        %add3A_1667 = arith.addi %mul3A_1301, %add3A_1666 : i32
        %get3A_1668 = arith.index_cast %add3A_1667 : i32 to index
        %get3A_1669 = arith.constant 16 : index
        %get3A_1670 = tpu.vector_load %arg10[%get3A_1668, %get3A_1669] {strides = array<i32>} : memref<120x64xi32, #tpu.memory_space<vmem>>, vector<16xi32>,
        %bitcast3A_1671 = vector.bitcast %get3A_1670 : vector<16xi32> to vector<32xbf16>
        %lt3A_1672 = arith.constant 0.000000e+00 : bf16
        %lt3A_1673 = vector.broadcast %lt3A_1672 : bf16 to vector<32xbf16>
        %lt3A_1674 = arith.cmpf olt, %bitcast3A_1671, %lt3A_1673 : vector<32xbf16>
        %ne3A_1675 = arith.xori %ne3A_1663, %lt3A_1674 : vector<32xi1>
        %abs3A_1676 = math.absf %bitcast3A_1671 : vector<32xbf16>
        %min3A_1677 = arith.minimumf %min3A_1665, %abs3A_1676 : vector<32xbf16>
        %add3A_1678 = arith.constant 7 : i32
        %add3A_1679 = arith.addi %mul3A_1301, %add3A_1678 : i32
        %get3A_1680 = arith.index_cast %add3A_1679 : i32 to index
        %get3A_1681 = arith.constant 16 : index
        %get3A_1682 = tpu.vector_load %arg10[%get3A_1680, %get3A_1681] {strides = array<i32>} : memref<120x64xi32, #tpu.memory_space<vmem>>, vector<16xi32>,
        %bitcast3A_1683 = vector.bitcast %get3A_1682 : vector<16xi32> to vector<32xbf16>
        %lt3A_1684 = arith.constant 0.000000e+00 : bf16
        %lt3A_1685 = vector.broadcast %lt3A_1684 : bf16 to vector<32xbf16>
        %lt3A_1686 = arith.cmpf olt, %bitcast3A_1683, %lt3A_1685 : vector<32xbf16>
        %ne3A_1687 = arith.xori %ne3A_1675, %lt3A_1686 : vector<32xi1>
        %abs3A_1688 = math.absf %bitcast3A_1683 : vector<32xbf16>
        %min3A_1689 = arith.minimumf %min3A_1677, %abs3A_1688 : vector<32xbf16>
        %add3A_1690 = arith.constant 8 : i32
        %add3A_1691 = arith.addi %mul3A_1301, %add3A_1690 : i32
        %get3A_1692 = arith.index_cast %add3A_1691 : i32 to index
        %get3A_1693 = arith.constant 16 : index
        %get3A_1694 = tpu.vector_load %arg10[%get3A_1692, %get3A_1693] {strides = array<i32>} : memref<120x64xi32, #tpu.memory_space<vmem>>, vector<16xi32>,
        %bitcast3A_1695 = vector.bitcast %get3A_1694 : vector<16xi32> to vector<32xbf16>
        %lt3A_1696 = arith.constant 0.000000e+00 : bf16
        %lt3A_1697 = vector.broadcast %lt3A_1696 : bf16 to vector<32xbf16>
        %lt3A_1698 = arith.cmpf olt, %bitcast3A_1695, %lt3A_1697 : vector<32xbf16>
        %ne3A_1699 = arith.xori %ne3A_1687, %lt3A_1698 : vector<32xi1>
        %abs3A_1700 = math.absf %bitcast3A_1695 : vector<32xbf16>
        %min3A_1701 = arith.minimumf %min3A_1689, %abs3A_1700 : vector<32xbf16>
        %add3A_1702 = arith.constant 9 : i32
        %add3A_1703 = arith.addi %mul3A_1301, %add3A_1702 : i32
        %get3A_1704 = arith.index_cast %add3A_1703 : i32 to index
        %get3A_1705 = arith.constant 16 : index
        %get3A_1706 = tpu.vector_load %arg10[%get3A_1704, %get3A_1705] {strides = array<i32>} : memref<120x64xi32, #tpu.memory_space<vmem>>, vector<16xi32>,
        %bitcast3A_1707 = vector.bitcast %get3A_1706 : vector<16xi32> to vector<32xbf16>
        %lt3A_1708 = arith.constant 0.000000e+00 : bf16
        %lt3A_1709 = vector.broadcast %lt3A_1708 : bf16 to vector<32xbf16>
        %lt3A_1710 = arith.cmpf olt, %bitcast3A_1707, %lt3A_1709 : vector<32xbf16>
        %ne3A_1711 = arith.xori %ne3A_1699, %lt3A_1710 : vector<32xi1>
        %abs3A_1712 = math.absf %bitcast3A_1707 : vector<32xbf16>
        %min3A_1713 = arith.minimumf %min3A_1701, %abs3A_1712 : vector<32xbf16>
        %add3A_1714 = arith.constant 10 : i32
        %add3A_1715 = arith.addi %mul3A_1301, %add3A_1714 : i32
        %get3A_1716 = arith.index_cast %add3A_1715 : i32 to index
        %get3A_1717 = arith.constant 16 : index
        %get3A_1718 = tpu.vector_load %arg10[%get3A_1716, %get3A_1717] {strides = array<i32>} : memref<120x64xi32, #tpu.memory_space<vmem>>, vector<16xi32>,
        %bitcast3A_1719 = vector.bitcast %get3A_1718 : vector<16xi32> to vector<32xbf16>
        %lt3A_1720 = arith.constant 0.000000e+00 : bf16
        %lt3A_1721 = vector.broadcast %lt3A_1720 : bf16 to vector<32xbf16>
        %lt3A_1722 = arith.cmpf olt, %bitcast3A_1719, %lt3A_1721 : vector<32xbf16>
        %ne3A_1723 = arith.xori %ne3A_1711, %lt3A_1722 : vector<32xi1>
        %abs3A_1724 = math.absf %bitcast3A_1719 : vector<32xbf16>
        %min3A_1725 = arith.minimumf %min3A_1713, %abs3A_1724 : vector<32xbf16>
        %add3A_1726 = arith.constant 11 : i32
        %add3A_1727 = arith.addi %mul3A_1301, %add3A_1726 : i32
        %get3A_1728 = arith.index_cast %add3A_1727 : i32 to index
        %get3A_1729 = arith.constant 16 : index
        %get3A_1730 = tpu.vector_load %arg10[%get3A_1728, %get3A_1729] {strides = array<i32>} : memref<120x64xi32, #tpu.memory_space<vmem>>, vector<16xi32>,
        %bitcast3A_1731 = vector.bitcast %get3A_1730 : vector<16xi32> to vector<32xbf16>
        %lt3A_1732 = arith.constant 0.000000e+00 : bf16
        %lt3A_1733 = vector.broadcast %lt3A_1732 : bf16 to vector<32xbf16>
        %lt3A_1734 = arith.cmpf olt, %bitcast3A_1731, %lt3A_1733 : vector<32xbf16>
        %ne3A_1735 = arith.xori %ne3A_1723, %lt3A_1734 : vector<32xi1>
        %abs3A_1736 = math.absf %bitcast3A_1731 : vector<32xbf16>
        %min3A_1737 = arith.minimumf %min3A_1725, %abs3A_1736 : vector<32xbf16>
        %add3A_1738 = arith.constant 12 : i32
        %add3A_1739 = arith.addi %mul3A_1301, %add3A_1738 : i32
        %get3A_1740 = arith.index_cast %add3A_1739 : i32 to index
        %get3A_1741 = arith.constant 16 : index
        %get3A_1742 = tpu.vector_load %arg10[%get3A_1740, %get3A_1741] {strides = array<i32>} : memref<120x64xi32, #tpu.memory_space<vmem>>, vector<16xi32>,
        %bitcast3A_1743 = vector.bitcast %get3A_1742 : vector<16xi32> to vector<32xbf16>
        %lt3A_1744 = arith.constant 0.000000e+00 : bf16
        %lt3A_1745 = vector.broadcast %lt3A_1744 : bf16 to vector<32xbf16>
        %lt3A_1746 = arith.cmpf olt, %bitcast3A_1743, %lt3A_1745 : vector<32xbf16>
        %ne3A_1747 = arith.xori %ne3A_1735, %lt3A_1746 : vector<32xi1>
        %abs3A_1748 = math.absf %bitcast3A_1743 : vector<32xbf16>
        %min3A_1749 = arith.minimumf %min3A_1737, %abs3A_1748 : vector<32xbf16>
        %add3A_1750 = arith.constant 13 : i32
        %add3A_1751 = arith.addi %mul3A_1301, %add3A_1750 : i32
        %get3A_1752 = arith.index_cast %add3A_1751 : i32 to index
        %get3A_1753 = arith.constant 16 : index
        %get3A_1754 = tpu.vector_load %arg10[%get3A_1752, %get3A_1753] {strides = array<i32>} : memref<120x64xi32, #tpu.memory_space<vmem>>, vector<16xi32>,
        %bitcast3A_1755 = vector.bitcast %get3A_1754 : vector<16xi32> to vector<32xbf16>
        %lt3A_1756 = arith.constant 0.000000e+00 : bf16
        %lt3A_1757 = vector.broadcast %lt3A_1756 : bf16 to vector<32xbf16>
        %lt3A_1758 = arith.cmpf olt, %bitcast3A_1755, %lt3A_1757 : vector<32xbf16>
        %ne3A_1759 = arith.xori %ne3A_1747, %lt3A_1758 : vector<32xi1>
        %abs3A_1760 = math.absf %bitcast3A_1755 : vector<32xbf16>
        %min3A_1761 = arith.minimumf %min3A_1749, %abs3A_1760 : vector<32xbf16>
        %add3A_1762 = arith.constant 14 : i32
        %add3A_1763 = arith.addi %mul3A_1301, %add3A_1762 : i32
        %get3A_1764 = arith.index_cast %add3A_1763 : i32 to index
        %get3A_1765 = arith.constant 16 : index
        %get3A_1766 = tpu.vector_load %arg10[%get3A_1764, %get3A_1765] {strides = array<i32>} : memref<120x64xi32, #tpu.memory_space<vmem>>, vector<16xi32>,
        %bitcast3A_1767 = vector.bitcast %get3A_1766 : vector<16xi32> to vector<32xbf16>
        %lt3A_1768 = arith.constant 0.000000e+00 : bf16
        %lt3A_1769 = vector.broadcast %lt3A_1768 : bf16 to vector<32xbf16>
        %lt3A_1770 = arith.cmpf olt, %bitcast3A_1767, %lt3A_1769 : vector<32xbf16>
        %ne3A_1771 = arith.xori %ne3A_1759, %lt3A_1770 : vector<32xi1>
        %abs3A_1772 = math.absf %bitcast3A_1767 : vector<32xbf16>
        %min3A_1773 = arith.minimumf %min3A_1761, %abs3A_1772 : vector<32xbf16>
        %add3A_1774 = arith.constant 15 : i32
        %add3A_1775 = arith.addi %mul3A_1301, %add3A_1774 : i32
        %get3A_1776 = arith.index_cast %add3A_1775 : i32 to index
        %get3A_1777 = arith.constant 16 : index
        %get3A_1778 = tpu.vector_load %arg10[%get3A_1776, %get3A_1777] {strides = array<i32>} : memref<120x64xi32, #tpu.memory_space<vmem>>, vector<16xi32>,
        %bitcast3A_1779 = vector.bitcast %get3A_1778 : vector<16xi32> to vector<32xbf16>
        %lt3A_1780 = arith.constant 0.000000e+00 : bf16
        %lt3A_1781 = vector.broadcast %lt3A_1780 : bf16 to vector<32xbf16>
        %lt3A_1782 = arith.cmpf olt, %bitcast3A_1779, %lt3A_1781 : vector<32xbf16>
        %ne3A_1783 = arith.xori %ne3A_1771, %lt3A_1782 : vector<32xi1>
        %abs3A_1784 = math.absf %bitcast3A_1779 : vector<32xbf16>
        %min3A_1785 = arith.minimumf %min3A_1773, %abs3A_1784 : vector<32xbf16>
        %add3A_1786 = arith.constant 16 : i32
        %add3A_1787 = arith.addi %mul3A_1301, %add3A_1786 : i32
        %get3A_1788 = arith.index_cast %add3A_1787 : i32 to index
        %get3A_1789 = arith.constant 16 : index
        %get3A_1790 = tpu.vector_load %arg10[%get3A_1788, %get3A_1789] {strides = array<i32>} : memref<120x64xi32, #tpu.memory_space<vmem>>, vector<16xi32>,
        %bitcast3A_1791 = vector.bitcast %get3A_1790 : vector<16xi32> to vector<32xbf16>
        %lt3A_1792 = arith.constant 0.000000e+00 : bf16
        %lt3A_1793 = vector.broadcast %lt3A_1792 : bf16 to vector<32xbf16>
        %lt3A_1794 = arith.cmpf olt, %bitcast3A_1791, %lt3A_1793 : vector<32xbf16>
        %ne3A_1795 = arith.xori %ne3A_1783, %lt3A_1794 : vector<32xi1>
        %abs3A_1796 = math.absf %bitcast3A_1791 : vector<32xbf16>
        %min3A_1797 = arith.minimumf %min3A_1785, %abs3A_1796 : vector<32xbf16>
        %add3A_1798 = arith.constant 17 : i32
        %add3A_1799 = arith.addi %mul3A_1301, %add3A_1798 : i32
        %get3A_1800 = arith.index_cast %add3A_1799 : i32 to index
        %get3A_1801 = arith.constant 16 : index
        %get3A_1802 = tpu.vector_load %arg10[%get3A_1800, %get3A_1801] {strides = array<i32>} : memref<120x64xi32, #tpu.memory_space<vmem>>, vector<16xi32>,
        %bitcast3A_1803 = vector.bitcast %get3A_1802 : vector<16xi32> to vector<32xbf16>
        %lt3A_1804 = arith.constant 0.000000e+00 : bf16
        %lt3A_1805 = vector.broadcast %lt3A_1804 : bf16 to vector<32xbf16>
        %lt3A_1806 = arith.cmpf olt, %bitcast3A_1803, %lt3A_1805 : vector<32xbf16>
        %ne3A_1807 = arith.xori %ne3A_1795, %lt3A_1806 : vector<32xi1>
        %abs3A_1808 = math.absf %bitcast3A_1803 : vector<32xbf16>
        %min3A_1809 = arith.minimumf %min3A_1797, %abs3A_1808 : vector<32xbf16>
        %add3A_1810 = arith.constant 18 : i32
        %add3A_1811 = arith.addi %mul3A_1301, %add3A_1810 : i32
        %get3A_1812 = arith.index_cast %add3A_1811 : i32 to index
        %get3A_1813 = arith.constant 16 : index
        %get3A_1814 = tpu.vector_load %arg10[%get3A_1812, %get3A_1813] {strides = array<i32>} : memref<120x64xi32, #tpu.memory_space<vmem>>, vector<16xi32>,
        %bitcast3A_1815 = vector.bitcast %get3A_1814 : vector<16xi32> to vector<32xbf16>
        %lt3A_1816 = arith.constant 0.000000e+00 : bf16
        %lt3A_1817 = vector.broadcast %lt3A_1816 : bf16 to vector<32xbf16>
        %lt3A_1818 = arith.cmpf olt, %bitcast3A_1815, %lt3A_1817 : vector<32xbf16>
        %ne3A_1819 = arith.xori %ne3A_1807, %lt3A_1818 : vector<32xi1>
        %abs3A_1820 = math.absf %bitcast3A_1815 : vector<32xbf16>
        %min3A_1821 = arith.minimumf %min3A_1809, %abs3A_1820 : vector<32xbf16>
        %neg3A_1822 = arith.constant 0.000000e+00 : bf16
        %neg3A_1823 = vector.broadcast %neg3A_1822 : bf16 to vector<32xbf16>
        %neg3A_1824 = arith.subf %neg3A_1823, %min3A_1821 : vector<32xbf16>
        %select_n3A_1825 = arith.select %ne3A_1819, %neg3A_1824, %min3A_1821 : vector<32xi1>, vector<32xbf16>
        %unpack3A_1826 = tpu.unpack_subelements %select_n3A_1825, 0 {pack_format = #tpu.pack_format<interleaved>} : vector<32xbf16> -> vector<16xf32>
        %unpack3A_1827 = tpu.unpack_subelements %select_n3A_1825, 1 {pack_format = #tpu.pack_format<interleaved>} : vector<32xbf16> -> vector<16xf32>
        %add3A_1828 = arith.constant 19 : i32
        %add3A_1829 = arith.addi %mul3A_1301, %add3A_1828 : i32
        %get3A_1830 = arith.index_cast %add3A_1829 : i32 to index
        %get3A_1831 = arith.constant 16 : index
        %get3A_1832 = tpu.vector_load %arg10[%get3A_1830, %get3A_1831] {strides = array<i32>} : memref<120x64xi32, #tpu.memory_space<vmem>>, vector<16xi32>,
        %bitcast3A_1833 = vector.bitcast %get3A_1832 : vector<16xi32> to vector<32xbf16>
        %unpack3A_1834 = tpu.unpack_subelements %bitcast3A_1833, 0 {pack_format = #tpu.pack_format<interleaved>} : vector<32xbf16> -> vector<16xf32>
        %unpack3A_1835 = tpu.unpack_subelements %bitcast3A_1833, 1 {pack_format = #tpu.pack_format<interleaved>} : vector<32xbf16> -> vector<16xf32>
        %get3A_1836 = arith.index_cast %add3A_1289 : i32 to index
        %get3A_1837 = arith.constant 32 : index
        %get3A_1838 = tpu.vector_load %arg12[%get3A_1836, %get3A_1837] {strides = array<i32>} : memref<264x128xf32, #tpu.memory_space<vmem>>, vector<16xf32>,
        %mul3A_1839 = vector.broadcast %squeeze3A_1295 : f32 to vector<16xf32>
        %mul3A_1840 = arith.mulf %mul3A_1839, %unpack3A_1826 : vector<16xf32>
        %add3A_1841 = arith.addf %get3A_1838, %mul3A_1840 : vector<16xf32>
        %mul3A_1842 = vector.broadcast %squeeze3A_1297 : f32 to vector<16xf32>
        %mul3A_1843 = arith.mulf %mul3A_1842, %unpack3A_1834 : vector<16xf32>
        %add3A_1844 = arith.addf %add3A_1841, %mul3A_1843 : vector<16xf32>
        %get3A_1845 = arith.index_cast %add3A_1289 : i32 to index
        %get3A_1846 = arith.constant 32 : index
        %get3A_1847 = tpu.vector_load %arg13[%get3A_1845, %get3A_1846] {strides = array<i32>} : memref<264x128xf32, #tpu.memory_space<vmem>>, vector<16xf32>,
        %mul3A_1848 = vector.broadcast %squeeze3A_1299 : f32 to vector<16xf32>
        %mul3A_1849 = arith.mulf %mul3A_1848, %get3A_1847 : vector<16xf32>
        %add3A_1850 = arith.addf %add3A_1844, %mul3A_1849 : vector<16xf32>
        %swap3A_1851 = arith.index_cast %add3A_1289 : i32 to index
        %swap3A_1852 = arith.constant 32 : index
        %swap3A_1853 = tpu.vector_load %arg12[%swap3A_1851, %swap3A_1852] {strides = array<i32>} : memref<264x128xf32, #tpu.memory_space<vmem>>, vector<16xf32>,
        tpu.vector_store %arg12[%swap3A_1851, %swap3A_1852], %add3A_1850 {strides = array<i32>} : memref<264x128xf32, #tpu.memory_space<vmem>>, vector<16xf32>,
        %get3A_1854 = arith.index_cast %add3A_1289 : i32 to index
        %get3A_1855 = arith.constant 48 : index
        %get3A_1856 = tpu.vector_load %arg12[%get3A_1854, %get3A_1855] {strides = array<i32>} : memref<264x128xf32, #tpu.memory_space<vmem>>, vector<16xf32>,
        %mul3A_1857 = vector.broadcast %squeeze3A_1295 : f32 to vector<16xf32>
        %mul3A_1858 = arith.mulf %mul3A_1857, %unpack3A_1827 : vector<16xf32>
        %add3A_1859 = arith.addf %get3A_1856, %mul3A_1858 : vector<16xf32>
        %mul3A_1860 = vector.broadcast %squeeze3A_1297 : f32 to vector<16xf32>
        %mul3A_1861 = arith.mulf %mul3A_1860, %unpack3A_1835 : vector<16xf32>
        %add3A_1862 = arith.addf %add3A_1859, %mul3A_1861 : vector<16xf32>
        %get3A_1863 = arith.index_cast %add3A_1289 : i32 to index
        %get3A_1864 = arith.constant 48 : index
        %get3A_1865 = tpu.vector_load %arg13[%get3A_1863, %get3A_1864] {strides = array<i32>} : memref<264x128xf32, #tpu.memory_space<vmem>>, vector<16xf32>,
        %mul3A_1866 = vector.broadcast %squeeze3A_1299 : f32 to vector<16xf32>
        %mul3A_1867 = arith.mulf %mul3A_1866, %get3A_1865 : vector<16xf32>
        %add3A_1868 = arith.addf %add3A_1862, %mul3A_1867 : vector<16xf32>
        %swap3A_1869 = arith.index_cast %add3A_1289 : i32 to index
        %swap3A_1870 = arith.constant 48 : index
        %swap3A_1871 = tpu.vector_load %arg12[%swap3A_1869, %swap3A_1870] {strides = array<i32>} : memref<264x128xf32, #tpu.memory_space<vmem>>, vector<16xf32>,
        tpu.vector_store %arg12[%swap3A_1869, %swap3A_1870], %add3A_1868 {strides = array<i32>} : memref<264x128xf32, #tpu.memory_space<vmem>>, vector<16xf32>,
        %bitcast3A_1872 = vector.bitcast %add3A_1850 : vector<16xf32> to vector<16xi32>
        %add3A_1873 = arith.constant 32768 : i32
        %add3A_1874 = vector.broadcast %add3A_1873 : i32 to vector<16xi32>
        %add3A_1875 = arith.addi %bitcast3A_1872, %add3A_1874 : vector<16xi32>
        %shift_right_logical3A_1876 = arith.constant 16 : i32
        %shift_right_logical3A_1877 = vector.broadcast %shift_right_logical3A_1876 : i32 to vector<16xi32>
        %shift_right_logical3A_1878 = arith.shrui %add3A_1875, %shift_right_logical3A_1877 : vector<16xi32>
        %bitcast3A_1879 = vector.bitcast %add3A_1868 : vector<16xf32> to vector<16xi32>
        %add3A_1880 = arith.constant 32768 : i32
        %add3A_1881 = vector.broadcast %add3A_1880 : i32 to vector<16xi32>
        %add3A_1882 = arith.addi %bitcast3A_1879, %add3A_1881 : vector<16xi32>
        %shift_right_logical3A_1883 = arith.constant 16 : i32
        %shift_right_logical3A_1884 = vector.broadcast %shift_right_logical3A_1883 : i32 to vector<16xi32>
        %shift_right_logical3A_1885 = arith.shrui %add3A_1882, %shift_right_logical3A_1884 : vector<16xi32>
        %shift_left3A_1886 = arith.constant 16 : i32
        %shift_left3A_1887 = vector.broadcast %shift_left3A_1886 : i32 to vector<16xi32>
        %shift_left3A_1888 = arith.shli %shift_right_logical3A_1885, %shift_left3A_1887 : vector<16xi32>
        %or3A_1889 = arith.ori %shift_right_logical3A_1878, %shift_left3A_1888 : vector<16xi32>
        %bitcast3A_1890 = vector.bitcast %or3A_1889 : vector<16xi32> to vector<16xi32>
        %swap3A_1891 = arith.index_cast %add3A_1289 : i32 to index
        %swap3A_1892 = arith.constant 16 : index
        %swap3A_1893 = tpu.vector_load %arg14[%swap3A_1891, %swap3A_1892] {strides = array<i32>} : memref<264x64xi32, #tpu.memory_space<vmem>>, vector<16xi32>,
        tpu.vector_store %arg14[%swap3A_1891, %swap3A_1892], %bitcast3A_1890 {strides = array<i32>} : memref<264x64xi32, #tpu.memory_space<vmem>>, vector<16xi32>,
        %get3A_1894 = arith.index_cast %mul3A_1301 : i32 to index
        %get3A_1895 = arith.constant 32 : index
        %get3A_1896 = tpu.vector_load %arg10[%get3A_1894, %get3A_1895] {strides = array<i32>} : memref<120x64xi32, #tpu.memory_space<vmem>>, vector<16xi32>,
        %bitcast3A_1897 = vector.bitcast %get3A_1896 : vector<16xi32> to vector<32xbf16>
        %lt3A_1898 = arith.constant 0.000000e+00 : bf16
        %lt3A_1899 = vector.broadcast %lt3A_1898 : bf16 to vector<32xbf16>
        %lt3A_1900 = arith.cmpf olt, %bitcast3A_1897, %lt3A_1899 : vector<32xbf16>
        %abs3A_1901 = math.absf %bitcast3A_1897 : vector<32xbf16>
        %add3A_1902 = arith.constant 1 : i32
        %add3A_1903 = arith.addi %mul3A_1301, %add3A_1902 : i32
        %get3A_1904 = arith.index_cast %add3A_1903 : i32 to index
        %get3A_1905 = arith.constant 32 : index
        %get3A_1906 = tpu.vector_load %arg10[%get3A_1904, %get3A_1905] {strides = array<i32>} : memref<120x64xi32, #tpu.memory_space<vmem>>, vector<16xi32>,
        %bitcast3A_1907 = vector.bitcast %get3A_1906 : vector<16xi32> to vector<32xbf16>
        %lt3A_1908 = arith.constant 0.000000e+00 : bf16
        %lt3A_1909 = vector.broadcast %lt3A_1908 : bf16 to vector<32xbf16>
        %lt3A_1910 = arith.cmpf olt, %bitcast3A_1907, %lt3A_1909 : vector<32xbf16>
        %ne3A_1911 = arith.xori %lt3A_1900, %lt3A_1910 : vector<32xi1>
        %abs3A_1912 = math.absf %bitcast3A_1907 : vector<32xbf16>
        %min3A_1913 = arith.minimumf %abs3A_1901, %abs3A_1912 : vector<32xbf16>
        %add3A_1914 = arith.constant 2 : i32
        %add3A_1915 = arith.addi %mul3A_1301, %add3A_1914 : i32
        %get3A_1916 = arith.index_cast %add3A_1915 : i32 to index
        %get3A_1917 = arith.constant 32 : index
        %get3A_1918 = tpu.vector_load %arg10[%get3A_1916, %get3A_1917] {strides = array<i32>} : memref<120x64xi32, #tpu.memory_space<vmem>>, vector<16xi32>,
        %bitcast3A_1919 = vector.bitcast %get3A_1918 : vector<16xi32> to vector<32xbf16>
        %lt3A_1920 = arith.constant 0.000000e+00 : bf16
        %lt3A_1921 = vector.broadcast %lt3A_1920 : bf16 to vector<32xbf16>
        %lt3A_1922 = arith.cmpf olt, %bitcast3A_1919, %lt3A_1921 : vector<32xbf16>
        %ne3A_1923 = arith.xori %ne3A_1911, %lt3A_1922 : vector<32xi1>
        %abs3A_1924 = math.absf %bitcast3A_1919 : vector<32xbf16>
        %min3A_1925 = arith.minimumf %min3A_1913, %abs3A_1924 : vector<32xbf16>
        %add3A_1926 = arith.constant 3 : i32
        %add3A_1927 = arith.addi %mul3A_1301, %add3A_1926 : i32
        %get3A_1928 = arith.index_cast %add3A_1927 : i32 to index
        %get3A_1929 = arith.constant 32 : index
        %get3A_1930 = tpu.vector_load %arg10[%get3A_1928, %get3A_1929] {strides = array<i32>} : memref<120x64xi32, #tpu.memory_space<vmem>>, vector<16xi32>,
        %bitcast3A_1931 = vector.bitcast %get3A_1930 : vector<16xi32> to vector<32xbf16>
        %lt3A_1932 = arith.constant 0.000000e+00 : bf16
        %lt3A_1933 = vector.broadcast %lt3A_1932 : bf16 to vector<32xbf16>
        %lt3A_1934 = arith.cmpf olt, %bitcast3A_1931, %lt3A_1933 : vector<32xbf16>
        %ne3A_1935 = arith.xori %ne3A_1923, %lt3A_1934 : vector<32xi1>
        %abs3A_1936 = math.absf %bitcast3A_1931 : vector<32xbf16>
        %min3A_1937 = arith.minimumf %min3A_1925, %abs3A_1936 : vector<32xbf16>
        %add3A_1938 = arith.constant 4 : i32
        %add3A_1939 = arith.addi %mul3A_1301, %add3A_1938 : i32
        %get3A_1940 = arith.index_cast %add3A_1939 : i32 to index
        %get3A_1941 = arith.constant 32 : index
        %get3A_1942 = tpu.vector_load %arg10[%get3A_1940, %get3A_1941] {strides = array<i32>} : memref<120x64xi32, #tpu.memory_space<vmem>>, vector<16xi32>,
        %bitcast3A_1943 = vector.bitcast %get3A_1942 : vector<16xi32> to vector<32xbf16>
        %lt3A_1944 = arith.constant 0.000000e+00 : bf16
        %lt3A_1945 = vector.broadcast %lt3A_1944 : bf16 to vector<32xbf16>
        %lt3A_1946 = arith.cmpf olt, %bitcast3A_1943, %lt3A_1945 : vector<32xbf16>
        %ne3A_1947 = arith.xori %ne3A_1935, %lt3A_1946 : vector<32xi1>
        %abs3A_1948 = math.absf %bitcast3A_1943 : vector<32xbf16>
        %min3A_1949 = arith.minimumf %min3A_1937, %abs3A_1948 : vector<32xbf16>
        %add3A_1950 = arith.constant 5 : i32
        %add3A_1951 = arith.addi %mul3A_1301, %add3A_1950 : i32
        %get3A_1952 = arith.index_cast %add3A_1951 : i32 to index
        %get3A_1953 = arith.constant 32 : index
        %get3A_1954 = tpu.vector_load %arg10[%get3A_1952, %get3A_1953] {strides = array<i32>} : memref<120x64xi32, #tpu.memory_space<vmem>>, vector<16xi32>,
        %bitcast3A_1955 = vector.bitcast %get3A_1954 : vector<16xi32> to vector<32xbf16>
        %lt3A_1956 = arith.constant 0.000000e+00 : bf16
        %lt3A_1957 = vector.broadcast %lt3A_1956 : bf16 to vector<32xbf16>
        %lt3A_1958 = arith.cmpf olt, %bitcast3A_1955, %lt3A_1957 : vector<32xbf16>
        %ne3A_1959 = arith.xori %ne3A_1947, %lt3A_1958 : vector<32xi1>
        %abs3A_1960 = math.absf %bitcast3A_1955 : vector<32xbf16>
        %min3A_1961 = arith.minimumf %min3A_1949, %abs3A_1960 : vector<32xbf16>
        %add3A_1962 = arith.constant 6 : i32
        %add3A_1963 = arith.addi %mul3A_1301, %add3A_1962 : i32
        %get3A_1964 = arith.index_cast %add3A_1963 : i32 to index
        %get3A_1965 = arith.constant 32 : index
        %get3A_1966 = tpu.vector_load %arg10[%get3A_1964, %get3A_1965] {strides = array<i32>} : memref<120x64xi32, #tpu.memory_space<vmem>>, vector<16xi32>,
        %bitcast3A_1967 = vector.bitcast %get3A_1966 : vector<16xi32> to vector<32xbf16>
        %lt3A_1968 = arith.constant 0.000000e+00 : bf16
        %lt3A_1969 = vector.broadcast %lt3A_1968 : bf16 to vector<32xbf16>
        %lt3A_1970 = arith.cmpf olt, %bitcast3A_1967, %lt3A_1969 : vector<32xbf16>
        %ne3A_1971 = arith.xori %ne3A_1959, %lt3A_1970 : vector<32xi1>
        %abs3A_1972 = math.absf %bitcast3A_1967 : vector<32xbf16>
        %min3A_1973 = arith.minimumf %min3A_1961, %abs3A_1972 : vector<32xbf16>
        %add3A_1974 = arith.constant 7 : i32
        %add3A_1975 = arith.addi %mul3A_1301, %add3A_1974 : i32
        %get3A_1976 = arith.index_cast %add3A_1975 : i32 to index
        %get3A_1977 = arith.constant 32 : index
        %get3A_1978 = tpu.vector_load %arg10[%get3A_1976, %get3A_1977] {strides = array<i32>} : memref<120x64xi32, #tpu.memory_space<vmem>>, vector<16xi32>,
        %bitcast3A_1979 = vector.bitcast %get3A_1978 : vector<16xi32> to vector<32xbf16>
        %lt3A_1980 = arith.constant 0.000000e+00 : bf16
        %lt3A_1981 = vector.broadcast %lt3A_1980 : bf16 to vector<32xbf16>
        %lt3A_1982 = arith.cmpf olt, %bitcast3A_1979, %lt3A_1981 : vector<32xbf16>
        %ne3A_1983 = arith.xori %ne3A_1971, %lt3A_1982 : vector<32xi1>
        %abs3A_1984 = math.absf %bitcast3A_1979 : vector<32xbf16>
        %min3A_1985 = arith.minimumf %min3A_1973, %abs3A_1984 : vector<32xbf16>
        %add3A_1986 = arith.constant 8 : i32
        %add3A_1987 = arith.addi %mul3A_1301, %add3A_1986 : i32
        %get3A_1988 = arith.index_cast %add3A_1987 : i32 to index
        %get3A_1989 = arith.constant 32 : index
        %get3A_1990 = tpu.vector_load %arg10[%get3A_1988, %get3A_1989] {strides = array<i32>} : memref<120x64xi32, #tpu.memory_space<vmem>>, vector<16xi32>,
        %bitcast3A_1991 = vector.bitcast %get3A_1990 : vector<16xi32> to vector<32xbf16>
        %lt3A_1992 = arith.constant 0.000000e+00 : bf16
        %lt3A_1993 = vector.broadcast %lt3A_1992 : bf16 to vector<32xbf16>
        %lt3A_1994 = arith.cmpf olt, %bitcast3A_1991, %lt3A_1993 : vector<32xbf16>
        %ne3A_1995 = arith.xori %ne3A_1983, %lt3A_1994 : vector<32xi1>
        %abs3A_1996 = math.absf %bitcast3A_1991 : vector<32xbf16>
        %min3A_1997 = arith.minimumf %min3A_1985, %abs3A_1996 : vector<32xbf16>
        %add3A_1998 = arith.constant 9 : i32
        %add3A_1999 = arith.addi %mul3A_1301, %add3A_1998 : i32
        %get3A_2000 = arith.index_cast %add3A_1999 : i32 to index
        %get3A_2001 = arith.constant 32 : index
        %get3A_2002 = tpu.vector_load %arg10[%get3A_2000, %get3A_2001] {strides = array<i32>} : memref<120x64xi32, #tpu.memory_space<vmem>>, vector<16xi32>,
        %bitcast3A_2003 = vector.bitcast %get3A_2002 : vector<16xi32> to vector<32xbf16>
        %lt3A_2004 = arith.constant 0.000000e+00 : bf16
        %lt3A_2005 = vector.broadcast %lt3A_2004 : bf16 to vector<32xbf16>
        %lt3A_2006 = arith.cmpf olt, %bitcast3A_2003, %lt3A_2005 : vector<32xbf16>
        %ne3A_2007 = arith.xori %ne3A_1995, %lt3A_2006 : vector<32xi1>
        %abs3A_2008 = math.absf %bitcast3A_2003 : vector<32xbf16>
        %min3A_2009 = arith.minimumf %min3A_1997, %abs3A_2008 : vector<32xbf16>
        %add3A_2010 = arith.constant 10 : i32
        %add3A_2011 = arith.addi %mul3A_1301, %add3A_2010 : i32
        %get3A_2012 = arith.index_cast %add3A_2011 : i32 to index
        %get3A_2013 = arith.constant 32 : index
        %get3A_2014 = tpu.vector_load %arg10[%get3A_2012, %get3A_2013] {strides = array<i32>} : memref<120x64xi32, #tpu.memory_space<vmem>>, vector<16xi32>,
        %bitcast3A_2015 = vector.bitcast %get3A_2014 : vector<16xi32> to vector<32xbf16>
        %lt3A_2016 = arith.constant 0.000000e+00 : bf16
        %lt3A_2017 = vector.broadcast %lt3A_2016 : bf16 to vector<32xbf16>
        %lt3A_2018 = arith.cmpf olt, %bitcast3A_2015, %lt3A_2017 : vector<32xbf16>
        %ne3A_2019 = arith.xori %ne3A_2007, %lt3A_2018 : vector<32xi1>
        %abs3A_2020 = math.absf %bitcast3A_2015 : vector<32xbf16>
        %min3A_2021 = arith.minimumf %min3A_2009, %abs3A_2020 : vector<32xbf16>
        %add3A_2022 = arith.constant 11 : i32
        %add3A_2023 = arith.addi %mul3A_1301, %add3A_2022 : i32
        %get3A_2024 = arith.index_cast %add3A_2023 : i32 to index
        %get3A_2025 = arith.constant 32 : index
        %get3A_2026 = tpu.vector_load %arg10[%get3A_2024, %get3A_2025] {strides = array<i32>} : memref<120x64xi32, #tpu.memory_space<vmem>>, vector<16xi32>,
        %bitcast3A_2027 = vector.bitcast %get3A_2026 : vector<16xi32> to vector<32xbf16>
        %lt3A_2028 = arith.constant 0.000000e+00 : bf16
        %lt3A_2029 = vector.broadcast %lt3A_2028 : bf16 to vector<32xbf16>
        %lt3A_2030 = arith.cmpf olt, %bitcast3A_2027, %lt3A_2029 : vector<32xbf16>
        %ne3A_2031 = arith.xori %ne3A_2019, %lt3A_2030 : vector<32xi1>
        %abs3A_2032 = math.absf %bitcast3A_2027 : vector<32xbf16>
        %min3A_2033 = arith.minimumf %min3A_2021, %abs3A_2032 : vector<32xbf16>
        %add3A_2034 = arith.constant 12 : i32
        %add3A_2035 = arith.addi %mul3A_1301, %add3A_2034 : i32
        %get3A_2036 = arith.index_cast %add3A_2035 : i32 to index
        %get3A_2037 = arith.constant 32 : index
        %get3A_2038 = tpu.vector_load %arg10[%get3A_2036, %get3A_2037] {strides = array<i32>} : memref<120x64xi32, #tpu.memory_space<vmem>>, vector<16xi32>,
        %bitcast3A_2039 = vector.bitcast %get3A_2038 : vector<16xi32> to vector<32xbf16>
        %lt3A_2040 = arith.constant 0.000000e+00 : bf16
        %lt3A_2041 = vector.broadcast %lt3A_2040 : bf16 to vector<32xbf16>
        %lt3A_2042 = arith.cmpf olt, %bitcast3A_2039, %lt3A_2041 : vector<32xbf16>
        %ne3A_2043 = arith.xori %ne3A_2031, %lt3A_2042 : vector<32xi1>
        %abs3A_2044 = math.absf %bitcast3A_2039 : vector<32xbf16>
        %min3A_2045 = arith.minimumf %min3A_2033, %abs3A_2044 : vector<32xbf16>
        %add3A_2046 = arith.constant 13 : i32
        %add3A_2047 = arith.addi %mul3A_1301, %add3A_2046 : i32
        %get3A_2048 = arith.index_cast %add3A_2047 : i32 to index
        %get3A_2049 = arith.constant 32 : index
        %get3A_2050 = tpu.vector_load %arg10[%get3A_2048, %get3A_2049] {strides = array<i32>} : memref<120x64xi32, #tpu.memory_space<vmem>>, vector<16xi32>,
        %bitcast3A_2051 = vector.bitcast %get3A_2050 : vector<16xi32> to vector<32xbf16>
        %lt3A_2052 = arith.constant 0.000000e+00 : bf16
        %lt3A_2053 = vector.broadcast %lt3A_2052 : bf16 to vector<32xbf16>
        %lt3A_2054 = arith.cmpf olt, %bitcast3A_2051, %lt3A_2053 : vector<32xbf16>
        %ne3A_2055 = arith.xori %ne3A_2043, %lt3A_2054 : vector<32xi1>
        %abs3A_2056 = math.absf %bitcast3A_2051 : vector<32xbf16>
        %min3A_2057 = arith.minimumf %min3A_2045, %abs3A_2056 : vector<32xbf16>
        %add3A_2058 = arith.constant 14 : i32
        %add3A_2059 = arith.addi %mul3A_1301, %add3A_2058 : i32
        %get3A_2060 = arith.index_cast %add3A_2059 : i32 to index
        %get3A_2061 = arith.constant 32 : index
        %get3A_2062 = tpu.vector_load %arg10[%get3A_2060, %get3A_2061] {strides = array<i32>} : memref<120x64xi32, #tpu.memory_space<vmem>>, vector<16xi32>,
        %bitcast3A_2063 = vector.bitcast %get3A_2062 : vector<16xi32> to vector<32xbf16>
        %lt3A_2064 = arith.constant 0.000000e+00 : bf16
        %lt3A_2065 = vector.broadcast %lt3A_2064 : bf16 to vector<32xbf16>
        %lt3A_2066 = arith.cmpf olt, %bitcast3A_2063, %lt3A_2065 : vector<32xbf16>
        %ne3A_2067 = arith.xori %ne3A_2055, %lt3A_2066 : vector<32xi1>
        %abs3A_2068 = math.absf %bitcast3A_2063 : vector<32xbf16>
        %min3A_2069 = arith.minimumf %min3A_2057, %abs3A_2068 : vector<32xbf16>
        %add3A_2070 = arith.constant 15 : i32
        %add3A_2071 = arith.addi %mul3A_1301, %add3A_2070 : i32
        %get3A_2072 = arith.index_cast %add3A_2071 : i32 to index
        %get3A_2073 = arith.constant 32 : index
        %get3A_2074 = tpu.vector_load %arg10[%get3A_2072, %get3A_2073] {strides = array<i32>} : memref<120x64xi32, #tpu.memory_space<vmem>>, vector<16xi32>,
        %bitcast3A_2075 = vector.bitcast %get3A_2074 : vector<16xi32> to vector<32xbf16>
        %lt3A_2076 = arith.constant 0.000000e+00 : bf16
        %lt3A_2077 = vector.broadcast %lt3A_2076 : bf16 to vector<32xbf16>
        %lt3A_2078 = arith.cmpf olt, %bitcast3A_2075, %lt3A_2077 : vector<32xbf16>
        %ne3A_2079 = arith.xori %ne3A_2067, %lt3A_2078 : vector<32xi1>
        %abs3A_2080 = math.absf %bitcast3A_2075 : vector<32xbf16>
        %min3A_2081 = arith.minimumf %min3A_2069, %abs3A_2080 : vector<32xbf16>
        %add3A_2082 = arith.constant 16 : i32
        %add3A_2083 = arith.addi %mul3A_1301, %add3A_2082 : i32
        %get3A_2084 = arith.index_cast %add3A_2083 : i32 to index
        %get3A_2085 = arith.constant 32 : index
        %get3A_2086 = tpu.vector_load %arg10[%get3A_2084, %get3A_2085] {strides = array<i32>} : memref<120x64xi32, #tpu.memory_space<vmem>>, vector<16xi32>,
        %bitcast3A_2087 = vector.bitcast %get3A_2086 : vector<16xi32> to vector<32xbf16>
        %lt3A_2088 = arith.constant 0.000000e+00 : bf16
        %lt3A_2089 = vector.broadcast %lt3A_2088 : bf16 to vector<32xbf16>
        %lt3A_2090 = arith.cmpf olt, %bitcast3A_2087, %lt3A_2089 : vector<32xbf16>
        %ne3A_2091 = arith.xori %ne3A_2079, %lt3A_2090 : vector<32xi1>
        %abs3A_2092 = math.absf %bitcast3A_2087 : vector<32xbf16>
        %min3A_2093 = arith.minimumf %min3A_2081, %abs3A_2092 : vector<32xbf16>
        %add3A_2094 = arith.constant 17 : i32
        %add3A_2095 = arith.addi %mul3A_1301, %add3A_2094 : i32
        %get3A_2096 = arith.index_cast %add3A_2095 : i32 to index
        %get3A_2097 = arith.constant 32 : index
        %get3A_2098 = tpu.vector_load %arg10[%get3A_2096, %get3A_2097] {strides = array<i32>} : memref<120x64xi32, #tpu.memory_space<vmem>>, vector<16xi32>,
        %bitcast3A_2099 = vector.bitcast %get3A_2098 : vector<16xi32> to vector<32xbf16>
        %lt3A_2100 = arith.constant 0.000000e+00 : bf16
        %lt3A_2101 = vector.broadcast %lt3A_2100 : bf16 to vector<32xbf16>
        %lt3A_2102 = arith.cmpf olt, %bitcast3A_2099, %lt3A_2101 : vector<32xbf16>
        %ne3A_2103 = arith.xori %ne3A_2091, %lt3A_2102 : vector<32xi1>
        %abs3A_2104 = math.absf %bitcast3A_2099 : vector<32xbf16>
        %min3A_2105 = arith.minimumf %min3A_2093, %abs3A_2104 : vector<32xbf16>
        %add3A_2106 = arith.constant 18 : i32
        %add3A_2107 = arith.addi %mul3A_1301, %add3A_2106 : i32
        %get3A_2108 = arith.index_cast %add3A_2107 : i32 to index
        %get3A_2109 = arith.constant 32 : index
        %get3A_2110 = tpu.vector_load %arg10[%get3A_2108, %get3A_2109] {strides = array<i32>} : memref<120x64xi32, #tpu.memory_space<vmem>>, vector<16xi32>,
        %bitcast3A_2111 = vector.bitcast %get3A_2110 : vector<16xi32> to vector<32xbf16>
        %lt3A_2112 = arith.constant 0.000000e+00 : bf16
        %lt3A_2113 = vector.broadcast %lt3A_2112 : bf16 to vector<32xbf16>
        %lt3A_2114 = arith.cmpf olt, %bitcast3A_2111, %lt3A_2113 : vector<32xbf16>
        %ne3A_2115 = arith.xori %ne3A_2103, %lt3A_2114 : vector<32xi1>
        %abs3A_2116 = math.absf %bitcast3A_2111 : vector<32xbf16>
        %min3A_2117 = arith.minimumf %min3A_2105, %abs3A_2116 : vector<32xbf16>
        %neg3A_2118 = arith.constant 0.000000e+00 : bf16
        %neg3A_2119 = vector.broadcast %neg3A_2118 : bf16 to vector<32xbf16>
        %neg3A_2120 = arith.subf %neg3A_2119, %min3A_2117 : vector<32xbf16>
        %select_n3A_2121 = arith.select %ne3A_2115, %neg3A_2120, %min3A_2117 : vector<32xi1>, vector<32xbf16>
        %unpack3A_2122 = tpu.unpack_subelements %select_n3A_2121, 0 {pack_format = #tpu.pack_format<interleaved>} : vector<32xbf16> -> vector<16xf32>
        %unpack3A_2123 = tpu.unpack_subelements %select_n3A_2121, 1 {pack_format = #tpu.pack_format<interleaved>} : vector<32xbf16> -> vector<16xf32>
        %add3A_2124 = arith.constant 19 : i32
        %add3A_2125 = arith.addi %mul3A_1301, %add3A_2124 : i32
        %get3A_2126 = arith.index_cast %add3A_2125 : i32 to index
        %get3A_2127 = arith.constant 32 : index
        %get3A_2128 = tpu.vector_load %arg10[%get3A_2126, %get3A_2127] {strides = array<i32>} : memref<120x64xi32, #tpu.memory_space<vmem>>, vector<16xi32>,
        %bitcast3A_2129 = vector.bitcast %get3A_2128 : vector<16xi32> to vector<32xbf16>
        %unpack3A_2130 = tpu.unpack_subelements %bitcast3A_2129, 0 {pack_format = #tpu.pack_format<interleaved>} : vector<32xbf16> -> vector<16xf32>
        %unpack3A_2131 = tpu.unpack_subelements %bitcast3A_2129, 1 {pack_format = #tpu.pack_format<interleaved>} : vector<32xbf16> -> vector<16xf32>
        %get3A_2132 = arith.index_cast %add3A_1289 : i32 to index
        %get3A_2133 = arith.constant 64 : index
        %get3A_2134 = tpu.vector_load %arg12[%get3A_2132, %get3A_2133] {strides = array<i32>} : memref<264x128xf32, #tpu.memory_space<vmem>>, vector<16xf32>,
        %mul3A_2135 = vector.broadcast %squeeze3A_1295 : f32 to vector<16xf32>
        %mul3A_2136 = arith.mulf %mul3A_2135, %unpack3A_2122 : vector<16xf32>
        %add3A_2137 = arith.addf %get3A_2134, %mul3A_2136 : vector<16xf32>
        %mul3A_2138 = vector.broadcast %squeeze3A_1297 : f32 to vector<16xf32>
        %mul3A_2139 = arith.mulf %mul3A_2138, %unpack3A_2130 : vector<16xf32>
        %add3A_2140 = arith.addf %add3A_2137, %mul3A_2139 : vector<16xf32>
        %get3A_2141 = arith.index_cast %add3A_1289 : i32 to index
        %get3A_2142 = arith.constant 64 : index
        %get3A_2143 = tpu.vector_load %arg13[%get3A_2141, %get3A_2142] {strides = array<i32>} : memref<264x128xf32, #tpu.memory_space<vmem>>, vector<16xf32>,
        %mul3A_2144 = vector.broadcast %squeeze3A_1299 : f32 to vector<16xf32>
        %mul3A_2145 = arith.mulf %mul3A_2144, %get3A_2143 : vector<16xf32>
        %add3A_2146 = arith.addf %add3A_2140, %mul3A_2145 : vector<16xf32>
        %swap3A_2147 = arith.index_cast %add3A_1289 : i32 to index
        %swap3A_2148 = arith.constant 64 : index
        %swap3A_2149 = tpu.vector_load %arg12[%swap3A_2147, %swap3A_2148] {strides = array<i32>} : memref<264x128xf32, #tpu.memory_space<vmem>>, vector<16xf32>,
        tpu.vector_store %arg12[%swap3A_2147, %swap3A_2148], %add3A_2146 {strides = array<i32>} : memref<264x128xf32, #tpu.memory_space<vmem>>, vector<16xf32>,
        %get3A_2150 = arith.index_cast %add3A_1289 : i32 to index
        %get3A_2151 = arith.constant 80 : index
        %get3A_2152 = tpu.vector_load %arg12[%get3A_2150, %get3A_2151] {strides = array<i32>} : memref<264x128xf32, #tpu.memory_space<vmem>>, vector<16xf32>,
        %mul3A_2153 = vector.broadcast %squeeze3A_1295 : f32 to vector<16xf32>
        %mul3A_2154 = arith.mulf %mul3A_2153, %unpack3A_2123 : vector<16xf32>
        %add3A_2155 = arith.addf %get3A_2152, %mul3A_2154 : vector<16xf32>
        %mul3A_2156 = vector.broadcast %squeeze3A_1297 : f32 to vector<16xf32>
        %mul3A_2157 = arith.mulf %mul3A_2156, %unpack3A_2131 : vector<16xf32>
        %add3A_2158 = arith.addf %add3A_2155, %mul3A_2157 : vector<16xf32>
        %get3A_2159 = arith.index_cast %add3A_1289 : i32 to index
        %get3A_2160 = arith.constant 80 : index
        %get3A_2161 = tpu.vector_load %arg13[%get3A_2159, %get3A_2160] {strides = array<i32>} : memref<264x128xf32, #tpu.memory_space<vmem>>, vector<16xf32>,
        %mul3A_2162 = vector.broadcast %squeeze3A_1299 : f32 to vector<16xf32>
        %mul3A_2163 = arith.mulf %mul3A_2162, %get3A_2161 : vector<16xf32>
        %add3A_2164 = arith.addf %add3A_2158, %mul3A_2163 : vector<16xf32>
        %swap3A_2165 = arith.index_cast %add3A_1289 : i32 to index
        %swap3A_2166 = arith.constant 80 : index
        %swap3A_2167 = tpu.vector_load %arg12[%swap3A_2165, %swap3A_2166] {strides = array<i32>} : memref<264x128xf32, #tpu.memory_space<vmem>>, vector<16xf32>,
        tpu.vector_store %arg12[%swap3A_2165, %swap3A_2166], %add3A_2164 {strides = array<i32>} : memref<264x128xf32, #tpu.memory_space<vmem>>, vector<16xf32>,
        %bitcast3A_2168 = vector.bitcast %add3A_2146 : vector<16xf32> to vector<16xi32>
        %add3A_2169 = arith.constant 32768 : i32
        %add3A_2170 = vector.broadcast %add3A_2169 : i32 to vector<16xi32>
        %add3A_2171 = arith.addi %bitcast3A_2168, %add3A_2170 : vector<16xi32>
        %shift_right_logical3A_2172 = arith.constant 16 : i32
        %shift_right_logical3A_2173 = vector.broadcast %shift_right_logical3A_2172 : i32 to vector<16xi32>
        %shift_right_logical3A_2174 = arith.shrui %add3A_2171, %shift_right_logical3A_2173 : vector<16xi32>
        %bitcast3A_2175 = vector.bitcast %add3A_2164 : vector<16xf32> to vector<16xi32>
        %add3A_2176 = arith.constant 32768 : i32
        %add3A_2177 = vector.broadcast %add3A_2176 : i32 to vector<16xi32>
        %add3A_2178 = arith.addi %bitcast3A_2175, %add3A_2177 : vector<16xi32>
        %shift_right_logical3A_2179 = arith.constant 16 : i32
        %shift_right_logical3A_2180 = vector.broadcast %shift_right_logical3A_2179 : i32 to vector<16xi32>
        %shift_right_logical3A_2181 = arith.shrui %add3A_2178, %shift_right_logical3A_2180 : vector<16xi32>
        %shift_left3A_2182 = arith.constant 16 : i32
        %shift_left3A_2183 = vector.broadcast %shift_left3A_2182 : i32 to vector<16xi32>
        %shift_left3A_2184 = arith.shli %shift_right_logical3A_2181, %shift_left3A_2183 : vector<16xi32>
        %or3A_2185 = arith.ori %shift_right_logical3A_2174, %shift_left3A_2184 : vector<16xi32>
        %bitcast3A_2186 = vector.bitcast %or3A_2185 : vector<16xi32> to vector<16xi32>
        %swap3A_2187 = arith.index_cast %add3A_1289 : i32 to index
        %swap3A_2188 = arith.constant 32 : index
        %swap3A_2189 = tpu.vector_load %arg14[%swap3A_2187, %swap3A_2188] {strides = array<i32>} : memref<264x64xi32, #tpu.memory_space<vmem>>, vector<16xi32>,
        tpu.vector_store %arg14[%swap3A_2187, %swap3A_2188], %bitcast3A_2186 {strides = array<i32>} : memref<264x64xi32, #tpu.memory_space<vmem>>, vector<16xi32>,
        %get3A_2190 = arith.index_cast %mul3A_1301 : i32 to index
        %get3A_2191 = arith.constant 48 : index
        %get3A_2192 = tpu.vector_load %arg10[%get3A_2190, %get3A_2191] {strides = array<i32>} : memref<120x64xi32, #tpu.memory_space<vmem>>, vector<16xi32>,
        %bitcast3A_2193 = vector.bitcast %get3A_2192 : vector<16xi32> to vector<32xbf16>
        %lt3A_2194 = arith.constant 0.000000e+00 : bf16
        %lt3A_2195 = vector.broadcast %lt3A_2194 : bf16 to vector<32xbf16>
        %lt3A_2196 = arith.cmpf olt, %bitcast3A_2193, %lt3A_2195 : vector<32xbf16>
        %abs3A_2197 = math.absf %bitcast3A_2193 : vector<32xbf16>
        %add3A_2198 = arith.constant 1 : i32
        %add3A_2199 = arith.addi %mul3A_1301, %add3A_2198 : i32
        %get3A_2200 = arith.index_cast %add3A_2199 : i32 to index
        %get3A_2201 = arith.constant 48 : index
        %get3A_2202 = tpu.vector_load %arg10[%get3A_2200, %get3A_2201] {strides = array<i32>} : memref<120x64xi32, #tpu.memory_space<vmem>>, vector<16xi32>,
        %bitcast3A_2203 = vector.bitcast %get3A_2202 : vector<16xi32> to vector<32xbf16>
        %lt3A_2204 = arith.constant 0.000000e+00 : bf16
        %lt3A_2205 = vector.broadcast %lt3A_2204 : bf16 to vector<32xbf16>
        %lt3A_2206 = arith.cmpf olt, %bitcast3A_2203, %lt3A_2205 : vector<32xbf16>
        %ne3A_2207 = arith.xori %lt3A_2196, %lt3A_2206 : vector<32xi1>
        %abs3A_2208 = math.absf %bitcast3A_2203 : vector<32xbf16>
        %min3A_2209 = arith.minimumf %abs3A_2197, %abs3A_2208 : vector<32xbf16>
        %add3A_2210 = arith.constant 2 : i32
        %add3A_2211 = arith.addi %mul3A_1301, %add3A_2210 : i32
        %get3A_2212 = arith.index_cast %add3A_2211 : i32 to index
        %get3A_2213 = arith.constant 48 : index
        %get3A_2214 = tpu.vector_load %arg10[%get3A_2212, %get3A_2213] {strides = array<i32>} : memref<120x64xi32, #tpu.memory_space<vmem>>, vector<16xi32>,
        %bitcast3A_2215 = vector.bitcast %get3A_2214 : vector<16xi32> to vector<32xbf16>
        %lt3A_2216 = arith.constant 0.000000e+00 : bf16
        %lt3A_2217 = vector.broadcast %lt3A_2216 : bf16 to vector<32xbf16>
        %lt3A_2218 = arith.cmpf olt, %bitcast3A_2215, %lt3A_2217 : vector<32xbf16>
        %ne3A_2219 = arith.xori %ne3A_2207, %lt3A_2218 : vector<32xi1>
        %abs3A_2220 = math.absf %bitcast3A_2215 : vector<32xbf16>
        %min3A_2221 = arith.minimumf %min3A_2209, %abs3A_2220 : vector<32xbf16>
        %add3A_2222 = arith.constant 3 : i32
        %add3A_2223 = arith.addi %mul3A_1301, %add3A_2222 : i32
        %get3A_2224 = arith.index_cast %add3A_2223 : i32 to index
        %get3A_2225 = arith.constant 48 : index
        %get3A_2226 = tpu.vector_load %arg10[%get3A_2224, %get3A_2225] {strides = array<i32>} : memref<120x64xi32, #tpu.memory_space<vmem>>, vector<16xi32>,
        %bitcast3A_2227 = vector.bitcast %get3A_2226 : vector<16xi32> to vector<32xbf16>
        %lt3A_2228 = arith.constant 0.000000e+00 : bf16
        %lt3A_2229 = vector.broadcast %lt3A_2228 : bf16 to vector<32xbf16>
        %lt3A_2230 = arith.cmpf olt, %bitcast3A_2227, %lt3A_2229 : vector<32xbf16>
        %ne3A_2231 = arith.xori %ne3A_2219, %lt3A_2230 : vector<32xi1>
        %abs3A_2232 = math.absf %bitcast3A_2227 : vector<32xbf16>
        %min3A_2233 = arith.minimumf %min3A_2221, %abs3A_2232 : vector<32xbf16>
        %add3A_2234 = arith.constant 4 : i32
        %add3A_2235 = arith.addi %mul3A_1301, %add3A_2234 : i32
        %get3A_2236 = arith.index_cast %add3A_2235 : i32 to index
        %get3A_2237 = arith.constant 48 : index
        %get3A_2238 = tpu.vector_load %arg10[%get3A_2236, %get3A_2237] {strides = array<i32>} : memref<120x64xi32, #tpu.memory_space<vmem>>, vector<16xi32>,
        %bitcast3A_2239 = vector.bitcast %get3A_2238 : vector<16xi32> to vector<32xbf16>
        %lt3A_2240 = arith.constant 0.000000e+00 : bf16
        %lt3A_2241 = vector.broadcast %lt3A_2240 : bf16 to vector<32xbf16>
        %lt3A_2242 = arith.cmpf olt, %bitcast3A_2239, %lt3A_2241 : vector<32xbf16>
        %ne3A_2243 = arith.xori %ne3A_2231, %lt3A_2242 : vector<32xi1>
        %abs3A_2244 = math.absf %bitcast3A_2239 : vector<32xbf16>
        %min3A_2245 = arith.minimumf %min3A_2233, %abs3A_2244 : vector<32xbf16>
        %add3A_2246 = arith.constant 5 : i32
        %add3A_2247 = arith.addi %mul3A_1301, %add3A_2246 : i32
        %get3A_2248 = arith.index_cast %add3A_2247 : i32 to index
        %get3A_2249 = arith.constant 48 : index
        %get3A_2250 = tpu.vector_load %arg10[%get3A_2248, %get3A_2249] {strides = array<i32>} : memref<120x64xi32, #tpu.memory_space<vmem>>, vector<16xi32>,
        %bitcast3A_2251 = vector.bitcast %get3A_2250 : vector<16xi32> to vector<32xbf16>
        %lt3A_2252 = arith.constant 0.000000e+00 : bf16
        %lt3A_2253 = vector.broadcast %lt3A_2252 : bf16 to vector<32xbf16>
        %lt3A_2254 = arith.cmpf olt, %bitcast3A_2251, %lt3A_2253 : vector<32xbf16>
        %ne3A_2255 = arith.xori %ne3A_2243, %lt3A_2254 : vector<32xi1>
        %abs3A_2256 = math.absf %bitcast3A_2251 : vector<32xbf16>
        %min3A_2257 = arith.minimumf %min3A_2245, %abs3A_2256 : vector<32xbf16>
        %add3A_2258 = arith.constant 6 : i32
        %add3A_2259 = arith.addi %mul3A_1301, %add3A_2258 : i32
        %get3A_2260 = arith.index_cast %add3A_2259 : i32 to index
        %get3A_2261 = arith.constant 48 : index
        %get3A_2262 = tpu.vector_load %arg10[%get3A_2260, %get3A_2261] {strides = array<i32>} : memref<120x64xi32, #tpu.memory_space<vmem>>, vector<16xi32>,
        %bitcast3A_2263 = vector.bitcast %get3A_2262 : vector<16xi32> to vector<32xbf16>
        %lt3A_2264 = arith.constant 0.000000e+00 : bf16
        %lt3A_2265 = vector.broadcast %lt3A_2264 : bf16 to vector<32xbf16>
        %lt3A_2266 = arith.cmpf olt, %bitcast3A_2263, %lt3A_2265 : vector<32xbf16>
        %ne3A_2267 = arith.xori %ne3A_2255, %lt3A_2266 : vector<32xi1>
        %abs3A_2268 = math.absf %bitcast3A_2263 : vector<32xbf16>
        %min3A_2269 = arith.minimumf %min3A_2257, %abs3A_2268 : vector<32xbf16>
        %add3A_2270 = arith.constant 7 : i32
        %add3A_2271 = arith.addi %mul3A_1301, %add3A_2270 : i32
        %get3A_2272 = arith.index_cast %add3A_2271 : i32 to index
        %get3A_2273 = arith.constant 48 : index
        %get3A_2274 = tpu.vector_load %arg10[%get3A_2272, %get3A_2273] {strides = array<i32>} : memref<120x64xi32, #tpu.memory_space<vmem>>, vector<16xi32>,
        %bitcast3A_2275 = vector.bitcast %get3A_2274 : vector<16xi32> to vector<32xbf16>
        %lt3A_2276 = arith.constant 0.000000e+00 : bf16
        %lt3A_2277 = vector.broadcast %lt3A_2276 : bf16 to vector<32xbf16>
        %lt3A_2278 = arith.cmpf olt, %bitcast3A_2275, %lt3A_2277 : vector<32xbf16>
        %ne3A_2279 = arith.xori %ne3A_2267, %lt3A_2278 : vector<32xi1>
        %abs3A_2280 = math.absf %bitcast3A_2275 : vector<32xbf16>
        %min3A_2281 = arith.minimumf %min3A_2269, %abs3A_2280 : vector<32xbf16>
        %add3A_2282 = arith.constant 8 : i32
        %add3A_2283 = arith.addi %mul3A_1301, %add3A_2282 : i32
        %get3A_2284 = arith.index_cast %add3A_2283 : i32 to index
        %get3A_2285 = arith.constant 48 : index
        %get3A_2286 = tpu.vector_load %arg10[%get3A_2284, %get3A_2285] {strides = array<i32>} : memref<120x64xi32, #tpu.memory_space<vmem>>, vector<16xi32>,
        %bitcast3A_2287 = vector.bitcast %get3A_2286 : vector<16xi32> to vector<32xbf16>
        %lt3A_2288 = arith.constant 0.000000e+00 : bf16
        %lt3A_2289 = vector.broadcast %lt3A_2288 : bf16 to vector<32xbf16>
        %lt3A_2290 = arith.cmpf olt, %bitcast3A_2287, %lt3A_2289 : vector<32xbf16>
        %ne3A_2291 = arith.xori %ne3A_2279, %lt3A_2290 : vector<32xi1>
        %abs3A_2292 = math.absf %bitcast3A_2287 : vector<32xbf16>
        %min3A_2293 = arith.minimumf %min3A_2281, %abs3A_2292 : vector<32xbf16>
        %add3A_2294 = arith.constant 9 : i32
        %add3A_2295 = arith.addi %mul3A_1301, %add3A_2294 : i32
        %get3A_2296 = arith.index_cast %add3A_2295 : i32 to index
        %get3A_2297 = arith.constant 48 : index
        %get3A_2298 = tpu.vector_load %arg10[%get3A_2296, %get3A_2297] {strides = array<i32>} : memref<120x64xi32, #tpu.memory_space<vmem>>, vector<16xi32>,
        %bitcast3A_2299 = vector.bitcast %get3A_2298 : vector<16xi32> to vector<32xbf16>
        %lt3A_2300 = arith.constant 0.000000e+00 : bf16
        %lt3A_2301 = vector.broadcast %lt3A_2300 : bf16 to vector<32xbf16>
        %lt3A_2302 = arith.cmpf olt, %bitcast3A_2299, %lt3A_2301 : vector<32xbf16>
        %ne3A_2303 = arith.xori %ne3A_2291, %lt3A_2302 : vector<32xi1>
        %abs3A_2304 = math.absf %bitcast3A_2299 : vector<32xbf16>
        %min3A_2305 = arith.minimumf %min3A_2293, %abs3A_2304 : vector<32xbf16>
        %add3A_2306 = arith.constant 10 : i32
        %add3A_2307 = arith.addi %mul3A_1301, %add3A_2306 : i32
        %get3A_2308 = arith.index_cast %add3A_2307 : i32 to index
        %get3A_2309 = arith.constant 48 : index
        %get3A_2310 = tpu.vector_load %arg10[%get3A_2308, %get3A_2309] {strides = array<i32>} : memref<120x64xi32, #tpu.memory_space<vmem>>, vector<16xi32>,
        %bitcast3A_2311 = vector.bitcast %get3A_2310 : vector<16xi32> to vector<32xbf16>
        %lt3A_2312 = arith.constant 0.000000e+00 : bf16
        %lt3A_2313 = vector.broadcast %lt3A_2312 : bf16 to vector<32xbf16>
        %lt3A_2314 = arith.cmpf olt, %bitcast3A_2311, %lt3A_2313 : vector<32xbf16>
        %ne3A_2315 = arith.xori %ne3A_2303, %lt3A_2314 : vector<32xi1>
        %abs3A_2316 = math.absf %bitcast3A_2311 : vector<32xbf16>
        %min3A_2317 = arith.minimumf %min3A_2305, %abs3A_2316 : vector<32xbf16>
        %add3A_2318 = arith.constant 11 : i32
        %add3A_2319 = arith.addi %mul3A_1301, %add3A_2318 : i32
        %get3A_2320 = arith.index_cast %add3A_2319 : i32 to index
        %get3A_2321 = arith.constant 48 : index
        %get3A_2322 = tpu.vector_load %arg10[%get3A_2320, %get3A_2321] {strides = array<i32>} : memref<120x64xi32, #tpu.memory_space<vmem>>, vector<16xi32>,
        %bitcast3A_2323 = vector.bitcast %get3A_2322 : vector<16xi32> to vector<32xbf16>
        %lt3A_2324 = arith.constant 0.000000e+00 : bf16
        %lt3A_2325 = vector.broadcast %lt3A_2324 : bf16 to vector<32xbf16>
        %lt3A_2326 = arith.cmpf olt, %bitcast3A_2323, %lt3A_2325 : vector<32xbf16>
        %ne3A_2327 = arith.xori %ne3A_2315, %lt3A_2326 : vector<32xi1>
        %abs3A_2328 = math.absf %bitcast3A_2323 : vector<32xbf16>
        %min3A_2329 = arith.minimumf %min3A_2317, %abs3A_2328 : vector<32xbf16>
        %add3A_2330 = arith.constant 12 : i32
        %add3A_2331 = arith.addi %mul3A_1301, %add3A_2330 : i32
        %get3A_2332 = arith.index_cast %add3A_2331 : i32 to index
        %get3A_2333 = arith.constant 48 : index
        %get3A_2334 = tpu.vector_load %arg10[%get3A_2332, %get3A_2333] {strides = array<i32>} : memref<120x64xi32, #tpu.memory_space<vmem>>, vector<16xi32>,
        %bitcast3A_2335 = vector.bitcast %get3A_2334 : vector<16xi32> to vector<32xbf16>
        %lt3A_2336 = arith.constant 0.000000e+00 : bf16
        %lt3A_2337 = vector.broadcast %lt3A_2336 : bf16 to vector<32xbf16>
        %lt3A_2338 = arith.cmpf olt, %bitcast3A_2335, %lt3A_2337 : vector<32xbf16>
        %ne3A_2339 = arith.xori %ne3A_2327, %lt3A_2338 : vector<32xi1>
        %abs3A_2340 = math.absf %bitcast3A_2335 : vector<32xbf16>
        %min3A_2341 = arith.minimumf %min3A_2329, %abs3A_2340 : vector<32xbf16>
        %add3A_2342 = arith.constant 13 : i32
        %add3A_2343 = arith.addi %mul3A_1301, %add3A_2342 : i32
        %get3A_2344 = arith.index_cast %add3A_2343 : i32 to index
        %get3A_2345 = arith.constant 48 : index
        %get3A_2346 = tpu.vector_load %arg10[%get3A_2344, %get3A_2345] {strides = array<i32>} : memref<120x64xi32, #tpu.memory_space<vmem>>, vector<16xi32>,
        %bitcast3A_2347 = vector.bitcast %get3A_2346 : vector<16xi32> to vector<32xbf16>
        %lt3A_2348 = arith.constant 0.000000e+00 : bf16
        %lt3A_2349 = vector.broadcast %lt3A_2348 : bf16 to vector<32xbf16>
        %lt3A_2350 = arith.cmpf olt, %bitcast3A_2347, %lt3A_2349 : vector<32xbf16>
        %ne3A_2351 = arith.xori %ne3A_2339, %lt3A_2350 : vector<32xi1>
        %abs3A_2352 = math.absf %bitcast3A_2347 : vector<32xbf16>
        %min3A_2353 = arith.minimumf %min3A_2341, %abs3A_2352 : vector<32xbf16>
        %add3A_2354 = arith.constant 14 : i32
        %add3A_2355 = arith.addi %mul3A_1301, %add3A_2354 : i32
        %get3A_2356 = arith.index_cast %add3A_2355 : i32 to index
        %get3A_2357 = arith.constant 48 : index
        %get3A_2358 = tpu.vector_load %arg10[%get3A_2356, %get3A_2357] {strides = array<i32>} : memref<120x64xi32, #tpu.memory_space<vmem>>, vector<16xi32>,
        %bitcast3A_2359 = vector.bitcast %get3A_2358 : vector<16xi32> to vector<32xbf16>
        %lt3A_2360 = arith.constant 0.000000e+00 : bf16
        %lt3A_2361 = vector.broadcast %lt3A_2360 : bf16 to vector<32xbf16>
        %lt3A_2362 = arith.cmpf olt, %bitcast3A_2359, %lt3A_2361 : vector<32xbf16>
        %ne3A_2363 = arith.xori %ne3A_2351, %lt3A_2362 : vector<32xi1>
        %abs3A_2364 = math.absf %bitcast3A_2359 : vector<32xbf16>
        %min3A_2365 = arith.minimumf %min3A_2353, %abs3A_2364 : vector<32xbf16>
        %add3A_2366 = arith.constant 15 : i32
        %add3A_2367 = arith.addi %mul3A_1301, %add3A_2366 : i32
        %get3A_2368 = arith.index_cast %add3A_2367 : i32 to index
        %get3A_2369 = arith.constant 48 : index
        %get3A_2370 = tpu.vector_load %arg10[%get3A_2368, %get3A_2369] {strides = array<i32>} : memref<120x64xi32, #tpu.memory_space<vmem>>, vector<16xi32>,
        %bitcast3A_2371 = vector.bitcast %get3A_2370 : vector<16xi32> to vector<32xbf16>
        %lt3A_2372 = arith.constant 0.000000e+00 : bf16
        %lt3A_2373 = vector.broadcast %lt3A_2372 : bf16 to vector<32xbf16>
        %lt3A_2374 = arith.cmpf olt, %bitcast3A_2371, %lt3A_2373 : vector<32xbf16>
        %ne3A_2375 = arith.xori %ne3A_2363, %lt3A_2374 : vector<32xi1>
        %abs3A_2376 = math.absf %bitcast3A_2371 : vector<32xbf16>
        %min3A_2377 = arith.minimumf %min3A_2365, %abs3A_2376 : vector<32xbf16>
        %add3A_2378 = arith.constant 16 : i32
        %add3A_2379 = arith.addi %mul3A_1301, %add3A_2378 : i32
        %get3A_2380 = arith.index_cast %add3A_2379 : i32 to index
        %get3A_2381 = arith.constant 48 : index
        %get3A_2382 = tpu.vector_load %arg10[%get3A_2380, %get3A_2381] {strides = array<i32>} : memref<120x64xi32, #tpu.memory_space<vmem>>, vector<16xi32>,
        %bitcast3A_2383 = vector.bitcast %get3A_2382 : vector<16xi32> to vector<32xbf16>
        %lt3A_2384 = arith.constant 0.000000e+00 : bf16
        %lt3A_2385 = vector.broadcast %lt3A_2384 : bf16 to vector<32xbf16>
        %lt3A_2386 = arith.cmpf olt, %bitcast3A_2383, %lt3A_2385 : vector<32xbf16>
        %ne3A_2387 = arith.xori %ne3A_2375, %lt3A_2386 : vector<32xi1>
        %abs3A_2388 = math.absf %bitcast3A_2383 : vector<32xbf16>
        %min3A_2389 = arith.minimumf %min3A_2377, %abs3A_2388 : vector<32xbf16>
        %add3A_2390 = arith.constant 17 : i32
        %add3A_2391 = arith.addi %mul3A_1301, %add3A_2390 : i32
        %get3A_2392 = arith.index_cast %add3A_2391 : i32 to index
        %get3A_2393 = arith.constant 48 : index
        %get3A_2394 = tpu.vector_load %arg10[%get3A_2392, %get3A_2393] {strides = array<i32>} : memref<120x64xi32, #tpu.memory_space<vmem>>, vector<16xi32>,
        %bitcast3A_2395 = vector.bitcast %get3A_2394 : vector<16xi32> to vector<32xbf16>
        %lt3A_2396 = arith.constant 0.000000e+00 : bf16
        %lt3A_2397 = vector.broadcast %lt3A_2396 : bf16 to vector<32xbf16>
        %lt3A_2398 = arith.cmpf olt, %bitcast3A_2395, %lt3A_2397 : vector<32xbf16>
        %ne3A_2399 = arith.xori %ne3A_2387, %lt3A_2398 : vector<32xi1>
        %abs3A_2400 = math.absf %bitcast3A_2395 : vector<32xbf16>
        %min3A_2401 = arith.minimumf %min3A_2389, %abs3A_2400 : vector<32xbf16>
        %add3A_2402 = arith.constant 18 : i32
        %add3A_2403 = arith.addi %mul3A_1301, %add3A_2402 : i32
        %get3A_2404 = arith.index_cast %add3A_2403 : i32 to index
        %get3A_2405 = arith.constant 48 : index
        %get3A_2406 = tpu.vector_load %arg10[%get3A_2404, %get3A_2405] {strides = array<i32>} : memref<120x64xi32, #tpu.memory_space<vmem>>, vector<16xi32>,
        %bitcast3A_2407 = vector.bitcast %get3A_2406 : vector<16xi32> to vector<32xbf16>
        %lt3A_2408 = arith.constant 0.000000e+00 : bf16
        %lt3A_2409 = vector.broadcast %lt3A_2408 : bf16 to vector<32xbf16>
        %lt3A_2410 = arith.cmpf olt, %bitcast3A_2407, %lt3A_2409 : vector<32xbf16>
        %ne3A_2411 = arith.xori %ne3A_2399, %lt3A_2410 : vector<32xi1>
        %abs3A_2412 = math.absf %bitcast3A_2407 : vector<32xbf16>
        %min3A_2413 = arith.minimumf %min3A_2401, %abs3A_2412 : vector<32xbf16>
        %neg3A_2414 = arith.constant 0.000000e+00 : bf16
        %neg3A_2415 = vector.broadcast %neg3A_2414 : bf16 to vector<32xbf16>
        %neg3A_2416 = arith.subf %neg3A_2415, %min3A_2413 : vector<32xbf16>
        %select_n3A_2417 = arith.select %ne3A_2411, %neg3A_2416, %min3A_2413 : vector<32xi1>, vector<32xbf16>
        %unpack3A_2418 = tpu.unpack_subelements %select_n3A_2417, 0 {pack_format = #tpu.pack_format<interleaved>} : vector<32xbf16> -> vector<16xf32>
        %unpack3A_2419 = tpu.unpack_subelements %select_n3A_2417, 1 {pack_format = #tpu.pack_format<interleaved>} : vector<32xbf16> -> vector<16xf32>
        %add3A_2420 = arith.constant 19 : i32
        %add3A_2421 = arith.addi %mul3A_1301, %add3A_2420 : i32
        %get3A_2422 = arith.index_cast %add3A_2421 : i32 to index
        %get3A_2423 = arith.constant 48 : index
        %get3A_2424 = tpu.vector_load %arg10[%get3A_2422, %get3A_2423] {strides = array<i32>} : memref<120x64xi32, #tpu.memory_space<vmem>>, vector<16xi32>,
        %bitcast3A_2425 = vector.bitcast %get3A_2424 : vector<16xi32> to vector<32xbf16>
        %unpack3A_2426 = tpu.unpack_subelements %bitcast3A_2425, 0 {pack_format = #tpu.pack_format<interleaved>} : vector<32xbf16> -> vector<16xf32>
        %unpack3A_2427 = tpu.unpack_subelements %bitcast3A_2425, 1 {pack_format = #tpu.pack_format<interleaved>} : vector<32xbf16> -> vector<16xf32>
        %get3A_2428 = arith.index_cast %add3A_1289 : i32 to index
        %get3A_2429 = arith.constant 96 : index
        %get3A_2430 = tpu.vector_load %arg12[%get3A_2428, %get3A_2429] {strides = array<i32>} : memref<264x128xf32, #tpu.memory_space<vmem>>, vector<16xf32>,
        %mul3A_2431 = vector.broadcast %squeeze3A_1295 : f32 to vector<16xf32>
        %mul3A_2432 = arith.mulf %mul3A_2431, %unpack3A_2418 : vector<16xf32>
        %add3A_2433 = arith.addf %get3A_2430, %mul3A_2432 : vector<16xf32>
        %mul3A_2434 = vector.broadcast %squeeze3A_1297 : f32 to vector<16xf32>
        %mul3A_2435 = arith.mulf %mul3A_2434, %unpack3A_2426 : vector<16xf32>
        %add3A_2436 = arith.addf %add3A_2433, %mul3A_2435 : vector<16xf32>
        %get3A_2437 = arith.index_cast %add3A_1289 : i32 to index
        %get3A_2438 = arith.constant 96 : index
        %get3A_2439 = tpu.vector_load %arg13[%get3A_2437, %get3A_2438] {strides = array<i32>} : memref<264x128xf32, #tpu.memory_space<vmem>>, vector<16xf32>,
        %mul3A_2440 = vector.broadcast %squeeze3A_1299 : f32 to vector<16xf32>
        %mul3A_2441 = arith.mulf %mul3A_2440, %get3A_2439 : vector<16xf32>
        %add3A_2442 = arith.addf %add3A_2436, %mul3A_2441 : vector<16xf32>
        %swap3A_2443 = arith.index_cast %add3A_1289 : i32 to index
        %swap3A_2444 = arith.constant 96 : index
        %swap3A_2445 = tpu.vector_load %arg12[%swap3A_2443, %swap3A_2444] {strides = array<i32>} : memref<264x128xf32, #tpu.memory_space<vmem>>, vector<16xf32>,
        tpu.vector_store %arg12[%swap3A_2443, %swap3A_2444], %add3A_2442 {strides = array<i32>} : memref<264x128xf32, #tpu.memory_space<vmem>>, vector<16xf32>,
        %get3A_2446 = arith.index_cast %add3A_1289 : i32 to index
        %get3A_2447 = arith.constant 112 : index
        %get3A_2448 = tpu.vector_load %arg12[%get3A_2446, %get3A_2447] {strides = array<i32>} : memref<264x128xf32, #tpu.memory_space<vmem>>, vector<16xf32>,
        %mul3A_2449 = vector.broadcast %squeeze3A_1295 : f32 to vector<16xf32>
        %mul3A_2450 = arith.mulf %mul3A_2449, %unpack3A_2419 : vector<16xf32>
        %add3A_2451 = arith.addf %get3A_2448, %mul3A_2450 : vector<16xf32>
        %mul3A_2452 = vector.broadcast %squeeze3A_1297 : f32 to vector<16xf32>
        %mul3A_2453 = arith.mulf %mul3A_2452, %unpack3A_2427 : vector<16xf32>
        %add3A_2454 = arith.addf %add3A_2451, %mul3A_2453 : vector<16xf32>
        %get3A_2455 = arith.index_cast %add3A_1289 : i32 to index
        %get3A_2456 = arith.constant 112 : index
        %get3A_2457 = tpu.vector_load %arg13[%get3A_2455, %get3A_2456] {strides = array<i32>} : memref<264x128xf32, #tpu.memory_space<vmem>>, vector<16xf32>,
        %mul3A_2458 = vector.broadcast %squeeze3A_1299 : f32 to vector<16xf32>
        %mul3A_2459 = arith.mulf %mul3A_2458, %get3A_2457 : vector<16xf32>
        %add3A_2460 = arith.addf %add3A_2454, %mul3A_2459 : vector<16xf32>
        %swap3A_2461 = arith.index_cast %add3A_1289 : i32 to index
        %swap3A_2462 = arith.constant 112 : index
        %swap3A_2463 = tpu.vector_load %arg12[%swap3A_2461, %swap3A_2462] {strides = array<i32>} : memref<264x128xf32, #tpu.memory_space<vmem>>, vector<16xf32>,
        tpu.vector_store %arg12[%swap3A_2461, %swap3A_2462], %add3A_2460 {strides = array<i32>} : memref<264x128xf32, #tpu.memory_space<vmem>>, vector<16xf32>,
        %bitcast3A_2464 = vector.bitcast %add3A_2442 : vector<16xf32> to vector<16xi32>
        %add3A_2465 = arith.constant 32768 : i32
        %add3A_2466 = vector.broadcast %add3A_2465 : i32 to vector<16xi32>
        %add3A_2467 = arith.addi %bitcast3A_2464, %add3A_2466 : vector<16xi32>
        %shift_right_logical3A_2468 = arith.constant 16 : i32
        %shift_right_logical3A_2469 = vector.broadcast %shift_right_logical3A_2468 : i32 to vector<16xi32>
        %shift_right_logical3A_2470 = arith.shrui %add3A_2467, %shift_right_logical3A_2469 : vector<16xi32>
        %bitcast3A_2471 = vector.bitcast %add3A_2460 : vector<16xf32> to vector<16xi32>
        %add3A_2472 = arith.constant 32768 : i32
        %add3A_2473 = vector.broadcast %add3A_2472 : i32 to vector<16xi32>
        %add3A_2474 = arith.addi %bitcast3A_2471, %add3A_2473 : vector<16xi32>
        %shift_right_logical3A_2475 = arith.constant 16 : i32
        %shift_right_logical3A_2476 = vector.broadcast %shift_right_logical3A_2475 : i32 to vector<16xi32>
        %shift_right_logical3A_2477 = arith.shrui %add3A_2474, %shift_right_logical3A_2476 : vector<16xi32>
        %shift_left3A_2478 = arith.constant 16 : i32
        %shift_left3A_2479 = vector.broadcast %shift_left3A_2478 : i32 to vector<16xi32>
        %shift_left3A_2480 = arith.shli %shift_right_logical3A_2477, %shift_left3A_2479 : vector<16xi32>
        %or3A_2481 = arith.ori %shift_right_logical3A_2470, %shift_left3A_2480 : vector<16xi32>
        %bitcast3A_2482 = vector.bitcast %or3A_2481 : vector<16xi32> to vector<16xi32>
        %swap3A_2483 = arith.index_cast %add3A_1289 : i32 to index
        %swap3A_2484 = arith.constant 48 : index
        %swap3A_2485 = tpu.vector_load %arg14[%swap3A_2483, %swap3A_2484] {strides = array<i32>} : memref<264x64xi32, #tpu.memory_space<vmem>>, vector<16xi32>,
        tpu.vector_store %arg14[%swap3A_2483, %swap3A_2484], %bitcast3A_2482 {strides = array<i32>} : memref<264x64xi32, #tpu.memory_space<vmem>>, vector<16xi32>,
      }
      %scan3A_74 = arith.constant 6 : i32
      %add3A_75 = arith.constant 2 : i32
      %add3A_76 = arith.addi %add3A_63, %add3A_75 : i32
      %lt3A = arith.constant 44 : i32
      %lt3A_77 = arith.cmpi slt, %add3A_76, %lt3A : i32
      %convert_element_type3A = arith.extui %lt3A_77 : i1 to i32
      %cond3A = arith.constant 0 : i32
      %cond3A_78 = arith.cmpi ne, %convert_element_type3A, %cond3A : i32
      scf.if %cond3A_78 {
        %add3A_99 = arith.constant 2 : i32
        %add3A_100 = arith.addi %add3A_63, %add3A_99 : i32
        %dma_start3A_101 = arith.constant 0 : i32
        %dma_start3A_102 = tpu.memref_slice %arg9[%add3A_100, %dma_start3A_101] : memref<44x120xi32, #tpu.memory_space<vmem>> -> memref<1x120xi32, #tpu.memory_space<vmem>>
        %dma_start3A_103 = tpu.memref_squeeze %dma_start3A_102 : memref<1x120xi32, #tpu.memory_space<vmem>> -> memref<120xi32, #tpu.memory_space<vmem>>
        %dma_start3A_104 = arith.constant 0 : i32
        %dma_start3A_105 = arith.constant 0 : i32
        %dma_start3A_106 = tpu.memref_slice %arg2[%dma_start3A_104, %dma_start3A_105] : memref<8448x64xi32, #tpu.memory_space<hbm>> -> memref<8448x64xi32, #tpu.memory_space<hbm>>
        tpu.enqueue_indirect_dma source(%dma_start3A_106 : memref<8448x64xi32, #tpu.memory_space<hbm>>) target(%arg10 : memref<120x64xi32, #tpu.memory_space<vmem>>) offsets(%dma_start3A_103 : memref<120xi32, #tpu.memory_space<vmem>>) semaphore(%arg16 : memref<!tpu.dma_semaphore, #tpu.memory_space<semaphore_mem>>)
      } else {
      }
      %add3A_79 = arith.constant 1 : i32
      %add3A_80 = arith.addi %mul3A_61, %add3A_79 : i32
      %dma_wait3A_81 = arith.constant 0 : i32
      %dma_wait3A_82 = tpu.memref_slice %arg9[%add3A_80, %dma_wait3A_81] : memref<44x120xi32, #tpu.memory_space<vmem>> -> memref<1x120xi32, #tpu.memory_space<vmem>>
      %dma_wait3A_83 = tpu.memref_squeeze %dma_wait3A_82 : memref<1x120xi32, #tpu.memory_space<vmem>> -> memref<120xi32, #tpu.memory_space<vmem>>
      %dma_wait3A_84 = arith.constant 0 : i32
      %dma_wait3A_85 = arith.constant 0 : i32
      %dma_wait3A_86 = tpu.memref_slice %arg2[%dma_wait3A_84, %dma_wait3A_85] : memref<8448x64xi32, #tpu.memory_space<hbm>> -> memref<8448x64xi32, #tpu.memory_space<hbm>>
      tpu.wait_indirect_dma semaphore(%arg17 : memref<!tpu.dma_semaphore, #tpu.memory_space<semaphore_mem>>) src(%dma_wait3A_86 : memref<8448x64xi32, #tpu.memory_space<hbm>>) dst(%arg11 : memref<120x64xi32, #tpu.memory_space<vmem>>)
      %scan3A_87 = arith.constant 0 : i32
      %scan3A_88 = arith.constant 6 : i32
      %scan3A_89 = arith.addi %scan3A_87, %scan3A_88 : i32
      %scan3A_90 = arith.constant 2 : i32
      scf.for %scan3A_99 = %scan3A_87 to %scan3A_89 step %scan3A_90  : i32 {
        %mul3A_100 = arith.constant 6 : i32
        %mul3A_101 = arith.muli %add3A_80, %mul3A_100 : i32
        %add3A_102 = arith.addi %mul3A_101, %scan3A_99 : i32
        %mul3A_103 = arith.constant 3 : i32
        %mul3A_104 = arith.muli %add3A_102, %mul3A_103 : i32
        %get3A = arith.index_cast %mul3A_104 : i32 to index
        %get3A_105 = tpu.vector_load %arg15[%get3A] {strides = array<i32>} : memref<808xf32, #tpu.memory_space<vmem>>, vector<16xf32>,
        %slice3A = vector.extract_strided_slice %get3A_105 {offsets = [0], sizes = [1], strides = [1]} : vector<16xf32> to vector<1xf32>
        %squeeze3A = vector.extract %slice3A[0] : f32 from vector<1xf32>
        %slice3A_106 = vector.extract_strided_slice %get3A_105 {offsets = [1], sizes = [1], strides = [1]} : vector<16xf32> to vector<1xf32>
        %squeeze3A_107 = vector.extract %slice3A_106[0] : f32 from vector<1xf32>
        %slice3A_108 = vector.extract_strided_slice %get3A_105 {offsets = [2], sizes = [1], strides = [1]} : vector<16xf32> to vector<1xf32>
        %squeeze3A_109 = vector.extract %slice3A_108[0] : f32 from vector<1xf32>
        %mul3A_110 = arith.constant 20 : i32
        %mul3A_111 = arith.muli %scan3A_99, %mul3A_110 : i32
        %get3A_112 = arith.index_cast %mul3A_111 : i32 to index
        %get3A_113 = arith.constant 0 : index
        %get3A_114 = tpu.vector_load %arg11[%get3A_112, %get3A_113] {strides = array<i32>} : memref<120x64xi32, #tpu.memory_space<vmem>>, vector<16xi32>,
        %bitcast3A = vector.bitcast %get3A_114 : vector<16xi32> to vector<32xbf16>
        %lt3A_115 = arith.constant 0.000000e+00 : bf16
        %lt3A_116 = vector.broadcast %lt3A_115 : bf16 to vector<32xbf16>
        %lt3A_117 = arith.cmpf olt, %bitcast3A, %lt3A_116 : vector<32xbf16>
        %abs3A = math.absf %bitcast3A : vector<32xbf16>
        %add3A_118 = arith.constant 1 : i32
        %add3A_119 = arith.addi %mul3A_111, %add3A_118 : i32
        %get3A_120 = arith.index_cast %add3A_119 : i32 to index
        %get3A_121 = arith.constant 0 : index
        %get3A_122 = tpu.vector_load %arg11[%get3A_120, %get3A_121] {strides = array<i32>} : memref<120x64xi32, #tpu.memory_space<vmem>>, vector<16xi32>,
        %bitcast3A_123 = vector.bitcast %get3A_122 : vector<16xi32> to vector<32xbf16>
        %lt3A_124 = arith.constant 0.000000e+00 : bf16
        %lt3A_125 = vector.broadcast %lt3A_124 : bf16 to vector<32xbf16>
        %lt3A_126 = arith.cmpf olt, %bitcast3A_123, %lt3A_125 : vector<32xbf16>
        %ne3A = arith.xori %lt3A_117, %lt3A_126 : vector<32xi1>
        %abs3A_127 = math.absf %bitcast3A_123 : vector<32xbf16>
        %min3A = arith.minimumf %abs3A, %abs3A_127 : vector<32xbf16>
        %add3A_128 = arith.constant 2 : i32
        %add3A_129 = arith.addi %mul3A_111, %add3A_128 : i32
        %get3A_130 = arith.index_cast %add3A_129 : i32 to index
        %get3A_131 = arith.constant 0 : index
        %get3A_132 = tpu.vector_load %arg11[%get3A_130, %get3A_131] {strides = array<i32>} : memref<120x64xi32, #tpu.memory_space<vmem>>, vector<16xi32>,
        %bitcast3A_133 = vector.bitcast %get3A_132 : vector<16xi32> to vector<32xbf16>
        %lt3A_134 = arith.constant 0.000000e+00 : bf16
        %lt3A_135 = vector.broadcast %lt3A_134 : bf16 to vector<32xbf16>
        %lt3A_136 = arith.cmpf olt, %bitcast3A_133, %lt3A_135 : vector<32xbf16>
        %ne3A_137 = arith.xori %ne3A, %lt3A_136 : vector<32xi1>
        %abs3A_138 = math.absf %bitcast3A_133 : vector<32xbf16>
        %min3A_139 = arith.minimumf %min3A, %abs3A_138 : vector<32xbf16>
        %add3A_140 = arith.constant 3 : i32
        %add3A_141 = arith.addi %mul3A_111, %add3A_140 : i32
        %get3A_142 = arith.index_cast %add3A_141 : i32 to index
        %get3A_143 = arith.constant 0 : index
        %get3A_144 = tpu.vector_load %arg11[%get3A_142, %get3A_143] {strides = array<i32>} : memref<120x64xi32, #tpu.memory_space<vmem>>, vector<16xi32>,
        %bitcast3A_145 = vector.bitcast %get3A_144 : vector<16xi32> to vector<32xbf16>
        %lt3A_146 = arith.constant 0.000000e+00 : bf16
        %lt3A_147 = vector.broadcast %lt3A_146 : bf16 to vector<32xbf16>
        %lt3A_148 = arith.cmpf olt, %bitcast3A_145, %lt3A_147 : vector<32xbf16>
        %ne3A_149 = arith.xori %ne3A_137, %lt3A_148 : vector<32xi1>
        %abs3A_150 = math.absf %bitcast3A_145 : vector<32xbf16>
        %min3A_151 = arith.minimumf %min3A_139, %abs3A_150 : vector<32xbf16>
        %add3A_152 = arith.constant 4 : i32
        %add3A_153 = arith.addi %mul3A_111, %add3A_152 : i32
        %get3A_154 = arith.index_cast %add3A_153 : i32 to index
        %get3A_155 = arith.constant 0 : index
        %get3A_156 = tpu.vector_load %arg11[%get3A_154, %get3A_155] {strides = array<i32>} : memref<120x64xi32, #tpu.memory_space<vmem>>, vector<16xi32>,
        %bitcast3A_157 = vector.bitcast %get3A_156 : vector<16xi32> to vector<32xbf16>
        %lt3A_158 = arith.constant 0.000000e+00 : bf16
        %lt3A_159 = vector.broadcast %lt3A_158 : bf16 to vector<32xbf16>
        %lt3A_160 = arith.cmpf olt, %bitcast3A_157, %lt3A_159 : vector<32xbf16>
        %ne3A_161 = arith.xori %ne3A_149, %lt3A_160 : vector<32xi1>
        %abs3A_162 = math.absf %bitcast3A_157 : vector<32xbf16>
        %min3A_163 = arith.minimumf %min3A_151, %abs3A_162 : vector<32xbf16>
        %add3A_164 = arith.constant 5 : i32
        %add3A_165 = arith.addi %mul3A_111, %add3A_164 : i32
        %get3A_166 = arith.index_cast %add3A_165 : i32 to index
        %get3A_167 = arith.constant 0 : index
        %get3A_168 = tpu.vector_load %arg11[%get3A_166, %get3A_167] {strides = array<i32>} : memref<120x64xi32, #tpu.memory_space<vmem>>, vector<16xi32>,
        %bitcast3A_169 = vector.bitcast %get3A_168 : vector<16xi32> to vector<32xbf16>
        %lt3A_170 = arith.constant 0.000000e+00 : bf16
        %lt3A_171 = vector.broadcast %lt3A_170 : bf16 to vector<32xbf16>
        %lt3A_172 = arith.cmpf olt, %bitcast3A_169, %lt3A_171 : vector<32xbf16>
        %ne3A_173 = arith.xori %ne3A_161, %lt3A_172 : vector<32xi1>
        %abs3A_174 = math.absf %bitcast3A_169 : vector<32xbf16>
        %min3A_175 = arith.minimumf %min3A_163, %abs3A_174 : vector<32xbf16>
        %add3A_176 = arith.constant 6 : i32
        %add3A_177 = arith.addi %mul3A_111, %add3A_176 : i32
        %get3A_178 = arith.index_cast %add3A_177 : i32 to index
        %get3A_179 = arith.constant 0 : index
        %get3A_180 = tpu.vector_load %arg11[%get3A_178, %get3A_179] {strides = array<i32>} : memref<120x64xi32, #tpu.memory_space<vmem>>, vector<16xi32>,
        %bitcast3A_181 = vector.bitcast %get3A_180 : vector<16xi32> to vector<32xbf16>
        %lt3A_182 = arith.constant 0.000000e+00 : bf16
        %lt3A_183 = vector.broadcast %lt3A_182 : bf16 to vector<32xbf16>
        %lt3A_184 = arith.cmpf olt, %bitcast3A_181, %lt3A_183 : vector<32xbf16>
        %ne3A_185 = arith.xori %ne3A_173, %lt3A_184 : vector<32xi1>
        %abs3A_186 = math.absf %bitcast3A_181 : vector<32xbf16>
        %min3A_187 = arith.minimumf %min3A_175, %abs3A_186 : vector<32xbf16>
        %add3A_188 = arith.constant 7 : i32
        %add3A_189 = arith.addi %mul3A_111, %add3A_188 : i32
        %get3A_190 = arith.index_cast %add3A_189 : i32 to index
        %get3A_191 = arith.constant 0 : index
        %get3A_192 = tpu.vector_load %arg11[%get3A_190, %get3A_191] {strides = array<i32>} : memref<120x64xi32, #tpu.memory_space<vmem>>, vector<16xi32>,
        %bitcast3A_193 = vector.bitcast %get3A_192 : vector<16xi32> to vector<32xbf16>
        %lt3A_194 = arith.constant 0.000000e+00 : bf16
        %lt3A_195 = vector.broadcast %lt3A_194 : bf16 to vector<32xbf16>
        %lt3A_196 = arith.cmpf olt, %bitcast3A_193, %lt3A_195 : vector<32xbf16>
        %ne3A_197 = arith.xori %ne3A_185, %lt3A_196 : vector<32xi1>
        %abs3A_198 = math.absf %bitcast3A_193 : vector<32xbf16>
        %min3A_199 = arith.minimumf %min3A_187, %abs3A_198 : vector<32xbf16>
        %add3A_200 = arith.constant 8 : i32
        %add3A_201 = arith.addi %mul3A_111, %add3A_200 : i32
        %get3A_202 = arith.index_cast %add3A_201 : i32 to index
        %get3A_203 = arith.constant 0 : index
        %get3A_204 = tpu.vector_load %arg11[%get3A_202, %get3A_203] {strides = array<i32>} : memref<120x64xi32, #tpu.memory_space<vmem>>, vector<16xi32>,
        %bitcast3A_205 = vector.bitcast %get3A_204 : vector<16xi32> to vector<32xbf16>
        %lt3A_206 = arith.constant 0.000000e+00 : bf16
        %lt3A_207 = vector.broadcast %lt3A_206 : bf16 to vector<32xbf16>
        %lt3A_208 = arith.cmpf olt, %bitcast3A_205, %lt3A_207 : vector<32xbf16>
        %ne3A_209 = arith.xori %ne3A_197, %lt3A_208 : vector<32xi1>
        %abs3A_210 = math.absf %bitcast3A_205 : vector<32xbf16>
        %min3A_211 = arith.minimumf %min3A_199, %abs3A_210 : vector<32xbf16>
        %add3A_212 = arith.constant 9 : i32
        %add3A_213 = arith.addi %mul3A_111, %add3A_212 : i32
        %get3A_214 = arith.index_cast %add3A_213 : i32 to index
        %get3A_215 = arith.constant 0 : index
        %get3A_216 = tpu.vector_load %arg11[%get3A_214, %get3A_215] {strides = array<i32>} : memref<120x64xi32, #tpu.memory_space<vmem>>, vector<16xi32>,
        %bitcast3A_217 = vector.bitcast %get3A_216 : vector<16xi32> to vector<32xbf16>
        %lt3A_218 = arith.constant 0.000000e+00 : bf16
        %lt3A_219 = vector.broadcast %lt3A_218 : bf16 to vector<32xbf16>
        %lt3A_220 = arith.cmpf olt, %bitcast3A_217, %lt3A_219 : vector<32xbf16>
        %ne3A_221 = arith.xori %ne3A_209, %lt3A_220 : vector<32xi1>
        %abs3A_222 = math.absf %bitcast3A_217 : vector<32xbf16>
        %min3A_223 = arith.minimumf %min3A_211, %abs3A_222 : vector<32xbf16>
        %add3A_224 = arith.constant 10 : i32
        %add3A_225 = arith.addi %mul3A_111, %add3A_224 : i32
        %get3A_226 = arith.index_cast %add3A_225 : i32 to index
        %get3A_227 = arith.constant 0 : index
        %get3A_228 = tpu.vector_load %arg11[%get3A_226, %get3A_227] {strides = array<i32>} : memref<120x64xi32, #tpu.memory_space<vmem>>, vector<16xi32>,
        %bitcast3A_229 = vector.bitcast %get3A_228 : vector<16xi32> to vector<32xbf16>
        %lt3A_230 = arith.constant 0.000000e+00 : bf16
        %lt3A_231 = vector.broadcast %lt3A_230 : bf16 to vector<32xbf16>
        %lt3A_232 = arith.cmpf olt, %bitcast3A_229, %lt3A_231 : vector<32xbf16>
        %ne3A_233 = arith.xori %ne3A_221, %lt3A_232 : vector<32xi1>
        %abs3A_234 = math.absf %bitcast3A_229 : vector<32xbf16>
        %min3A_235 = arith.minimumf %min3A_223, %abs3A_234 : vector<32xbf16>
        %add3A_236 = arith.constant 11 : i32
        %add3A_237 = arith.addi %mul3A_111, %add3A_236 : i32
        %get3A_238 = arith.index_cast %add3A_237 : i32 to index
        %get3A_239 = arith.constant 0 : index
        %get3A_240 = tpu.vector_load %arg11[%get3A_238, %get3A_239] {strides = array<i32>} : memref<120x64xi32, #tpu.memory_space<vmem>>, vector<16xi32>,
        %bitcast3A_241 = vector.bitcast %get3A_240 : vector<16xi32> to vector<32xbf16>
        %lt3A_242 = arith.constant 0.000000e+00 : bf16
        %lt3A_243 = vector.broadcast %lt3A_242 : bf16 to vector<32xbf16>
        %lt3A_244 = arith.cmpf olt, %bitcast3A_241, %lt3A_243 : vector<32xbf16>
        %ne3A_245 = arith.xori %ne3A_233, %lt3A_244 : vector<32xi1>
        %abs3A_246 = math.absf %bitcast3A_241 : vector<32xbf16>
        %min3A_247 = arith.minimumf %min3A_235, %abs3A_246 : vector<32xbf16>
        %add3A_248 = arith.constant 12 : i32
        %add3A_249 = arith.addi %mul3A_111, %add3A_248 : i32
        %get3A_250 = arith.index_cast %add3A_249 : i32 to index
        %get3A_251 = arith.constant 0 : index
        %get3A_252 = tpu.vector_load %arg11[%get3A_250, %get3A_251] {strides = array<i32>} : memref<120x64xi32, #tpu.memory_space<vmem>>, vector<16xi32>,
        %bitcast3A_253 = vector.bitcast %get3A_252 : vector<16xi32> to vector<32xbf16>
        %lt3A_254 = arith.constant 0.000000e+00 : bf16
        %lt3A_255 = vector.broadcast %lt3A_254 : bf16 to vector<32xbf16>
        %lt3A_256 = arith.cmpf olt, %bitcast3A_253, %lt3A_255 : vector<32xbf16>
        %ne3A_257 = arith.xori %ne3A_245, %lt3A_256 : vector<32xi1>
        %abs3A_258 = math.absf %bitcast3A_253 : vector<32xbf16>
        %min3A_259 = arith.minimumf %min3A_247, %abs3A_258 : vector<32xbf16>
        %add3A_260 = arith.constant 13 : i32
        %add3A_261 = arith.addi %mul3A_111, %add3A_260 : i32
        %get3A_262 = arith.index_cast %add3A_261 : i32 to index
        %get3A_263 = arith.constant 0 : index
        %get3A_264 = tpu.vector_load %arg11[%get3A_262, %get3A_263] {strides = array<i32>} : memref<120x64xi32, #tpu.memory_space<vmem>>, vector<16xi32>,
        %bitcast3A_265 = vector.bitcast %get3A_264 : vector<16xi32> to vector<32xbf16>
        %lt3A_266 = arith.constant 0.000000e+00 : bf16
        %lt3A_267 = vector.broadcast %lt3A_266 : bf16 to vector<32xbf16>
        %lt3A_268 = arith.cmpf olt, %bitcast3A_265, %lt3A_267 : vector<32xbf16>
        %ne3A_269 = arith.xori %ne3A_257, %lt3A_268 : vector<32xi1>
        %abs3A_270 = math.absf %bitcast3A_265 : vector<32xbf16>
        %min3A_271 = arith.minimumf %min3A_259, %abs3A_270 : vector<32xbf16>
        %add3A_272 = arith.constant 14 : i32
        %add3A_273 = arith.addi %mul3A_111, %add3A_272 : i32
        %get3A_274 = arith.index_cast %add3A_273 : i32 to index
        %get3A_275 = arith.constant 0 : index
        %get3A_276 = tpu.vector_load %arg11[%get3A_274, %get3A_275] {strides = array<i32>} : memref<120x64xi32, #tpu.memory_space<vmem>>, vector<16xi32>,
        %bitcast3A_277 = vector.bitcast %get3A_276 : vector<16xi32> to vector<32xbf16>
        %lt3A_278 = arith.constant 0.000000e+00 : bf16
        %lt3A_279 = vector.broadcast %lt3A_278 : bf16 to vector<32xbf16>
        %lt3A_280 = arith.cmpf olt, %bitcast3A_277, %lt3A_279 : vector<32xbf16>
        %ne3A_281 = arith.xori %ne3A_269, %lt3A_280 : vector<32xi1>
        %abs3A_282 = math.absf %bitcast3A_277 : vector<32xbf16>
        %min3A_283 = arith.minimumf %min3A_271, %abs3A_282 : vector<32xbf16>
        %add3A_284 = arith.constant 15 : i32
        %add3A_285 = arith.addi %mul3A_111, %add3A_284 : i32
        %get3A_286 = arith.index_cast %add3A_285 : i32 to index
        %get3A_287 = arith.constant 0 : index
        %get3A_288 = tpu.vector_load %arg11[%get3A_286, %get3A_287] {strides = array<i32>} : memref<120x64xi32, #tpu.memory_space<vmem>>, vector<16xi32>,
        %bitcast3A_289 = vector.bitcast %get3A_288 : vector<16xi32> to vector<32xbf16>
        %lt3A_290 = arith.constant 0.000000e+00 : bf16
        %lt3A_291 = vector.broadcast %lt3A_290 : bf16 to vector<32xbf16>
        %lt3A_292 = arith.cmpf olt, %bitcast3A_289, %lt3A_291 : vector<32xbf16>
        %ne3A_293 = arith.xori %ne3A_281, %lt3A_292 : vector<32xi1>
        %abs3A_294 = math.absf %bitcast3A_289 : vector<32xbf16>
        %min3A_295 = arith.minimumf %min3A_283, %abs3A_294 : vector<32xbf16>
        %add3A_296 = arith.constant 16 : i32
        %add3A_297 = arith.addi %mul3A_111, %add3A_296 : i32
        %get3A_298 = arith.index_cast %add3A_297 : i32 to index
        %get3A_299 = arith.constant 0 : index
        %get3A_300 = tpu.vector_load %arg11[%get3A_298, %get3A_299] {strides = array<i32>} : memref<120x64xi32, #tpu.memory_space<vmem>>, vector<16xi32>,
        %bitcast3A_301 = vector.bitcast %get3A_300 : vector<16xi32> to vector<32xbf16>
        %lt3A_302 = arith.constant 0.000000e+00 : bf16
        %lt3A_303 = vector.broadcast %lt3A_302 : bf16 to vector<32xbf16>
        %lt3A_304 = arith.cmpf olt, %bitcast3A_301, %lt3A_303 : vector<32xbf16>
        %ne3A_305 = arith.xori %ne3A_293, %lt3A_304 : vector<32xi1>
        %abs3A_306 = math.absf %bitcast3A_301 : vector<32xbf16>
        %min3A_307 = arith.minimumf %min3A_295, %abs3A_306 : vector<32xbf16>
        %add3A_308 = arith.constant 17 : i32
        %add3A_309 = arith.addi %mul3A_111, %add3A_308 : i32
        %get3A_310 = arith.index_cast %add3A_309 : i32 to index
        %get3A_311 = arith.constant 0 : index
        %get3A_312 = tpu.vector_load %arg11[%get3A_310, %get3A_311] {strides = array<i32>} : memref<120x64xi32, #tpu.memory_space<vmem>>, vector<16xi32>,
        %bitcast3A_313 = vector.bitcast %get3A_312 : vector<16xi32> to vector<32xbf16>
        %lt3A_314 = arith.constant 0.000000e+00 : bf16
        %lt3A_315 = vector.broadcast %lt3A_314 : bf16 to vector<32xbf16>
        %lt3A_316 = arith.cmpf olt, %bitcast3A_313, %lt3A_315 : vector<32xbf16>
        %ne3A_317 = arith.xori %ne3A_305, %lt3A_316 : vector<32xi1>
        %abs3A_318 = math.absf %bitcast3A_313 : vector<32xbf16>
        %min3A_319 = arith.minimumf %min3A_307, %abs3A_318 : vector<32xbf16>
        %add3A_320 = arith.constant 18 : i32
        %add3A_321 = arith.addi %mul3A_111, %add3A_320 : i32
        %get3A_322 = arith.index_cast %add3A_321 : i32 to index
        %get3A_323 = arith.constant 0 : index
        %get3A_324 = tpu.vector_load %arg11[%get3A_322, %get3A_323] {strides = array<i32>} : memref<120x64xi32, #tpu.memory_space<vmem>>, vector<16xi32>,
        %bitcast3A_325 = vector.bitcast %get3A_324 : vector<16xi32> to vector<32xbf16>
        %lt3A_326 = arith.constant 0.000000e+00 : bf16
        %lt3A_327 = vector.broadcast %lt3A_326 : bf16 to vector<32xbf16>
        %lt3A_328 = arith.cmpf olt, %bitcast3A_325, %lt3A_327 : vector<32xbf16>
        %ne3A_329 = arith.xori %ne3A_317, %lt3A_328 : vector<32xi1>
        %abs3A_330 = math.absf %bitcast3A_325 : vector<32xbf16>
        %min3A_331 = arith.minimumf %min3A_319, %abs3A_330 : vector<32xbf16>
        %neg3A = arith.constant 0.000000e+00 : bf16
        %neg3A_332 = vector.broadcast %neg3A : bf16 to vector<32xbf16>
        %neg3A_333 = arith.subf %neg3A_332, %min3A_331 : vector<32xbf16>
        %select_n3A = arith.select %ne3A_329, %neg3A_333, %min3A_331 : vector<32xi1>, vector<32xbf16>
        %unpack3A = tpu.unpack_subelements %select_n3A, 0 {pack_format = #tpu.pack_format<interleaved>} : vector<32xbf16> -> vector<16xf32>
        %unpack3A_334 = tpu.unpack_subelements %select_n3A, 1 {pack_format = #tpu.pack_format<interleaved>} : vector<32xbf16> -> vector<16xf32>
        %add3A_335 = arith.constant 19 : i32
        %add3A_336 = arith.addi %mul3A_111, %add3A_335 : i32
        %get3A_337 = arith.index_cast %add3A_336 : i32 to index
        %get3A_338 = arith.constant 0 : index
        %get3A_339 = tpu.vector_load %arg11[%get3A_337, %get3A_338] {strides = array<i32>} : memref<120x64xi32, #tpu.memory_space<vmem>>, vector<16xi32>,
        %bitcast3A_340 = vector.bitcast %get3A_339 : vector<16xi32> to vector<32xbf16>
        %unpack3A_341 = tpu.unpack_subelements %bitcast3A_340, 0 {pack_format = #tpu.pack_format<interleaved>} : vector<32xbf16> -> vector<16xf32>
        %unpack3A_342 = tpu.unpack_subelements %bitcast3A_340, 1 {pack_format = #tpu.pack_format<interleaved>} : vector<32xbf16> -> vector<16xf32>
        %get3A_343 = arith.index_cast %add3A_102 : i32 to index
        %get3A_344 = arith.constant 0 : index
        %get3A_345 = tpu.vector_load %arg12[%get3A_343, %get3A_344] {strides = array<i32>} : memref<264x128xf32, #tpu.memory_space<vmem>>, vector<16xf32>,
        %mul3A_346 = vector.broadcast %squeeze3A : f32 to vector<16xf32>
        %mul3A_347 = arith.mulf %mul3A_346, %unpack3A : vector<16xf32>
        %add3A_348 = arith.addf %get3A_345, %mul3A_347 : vector<16xf32>
        %mul3A_349 = vector.broadcast %squeeze3A_107 : f32 to vector<16xf32>
        %mul3A_350 = arith.mulf %mul3A_349, %unpack3A_341 : vector<16xf32>
        %add3A_351 = arith.addf %add3A_348, %mul3A_350 : vector<16xf32>
        %get3A_352 = arith.index_cast %add3A_102 : i32 to index
        %get3A_353 = arith.constant 0 : index
        %get3A_354 = tpu.vector_load %arg13[%get3A_352, %get3A_353] {strides = array<i32>} : memref<264x128xf32, #tpu.memory_space<vmem>>, vector<16xf32>,
        %mul3A_355 = vector.broadcast %squeeze3A_109 : f32 to vector<16xf32>
        %mul3A_356 = arith.mulf %mul3A_355, %get3A_354 : vector<16xf32>
        %add3A_357 = arith.addf %add3A_351, %mul3A_356 : vector<16xf32>
        %swap3A = arith.index_cast %add3A_102 : i32 to index
        %swap3A_358 = arith.constant 0 : index
        %swap3A_359 = tpu.vector_load %arg12[%swap3A, %swap3A_358] {strides = array<i32>} : memref<264x128xf32, #tpu.memory_space<vmem>>, vector<16xf32>,
        tpu.vector_store %arg12[%swap3A, %swap3A_358], %add3A_357 {strides = array<i32>} : memref<264x128xf32, #tpu.memory_space<vmem>>, vector<16xf32>,
        %get3A_360 = arith.index_cast %add3A_102 : i32 to index
        %get3A_361 = arith.constant 16 : index
        %get3A_362 = tpu.vector_load %arg12[%get3A_360, %get3A_361] {strides = array<i32>} : memref<264x128xf32, #tpu.memory_space<vmem>>, vector<16xf32>,
        %mul3A_363 = vector.broadcast %squeeze3A : f32 to vector<16xf32>
        %mul3A_364 = arith.mulf %mul3A_363, %unpack3A_334 : vector<16xf32>
        %add3A_365 = arith.addf %get3A_362, %mul3A_364 : vector<16xf32>
        %mul3A_366 = vector.broadcast %squeeze3A_107 : f32 to vector<16xf32>
        %mul3A_367 = arith.mulf %mul3A_366, %unpack3A_342 : vector<16xf32>
        %add3A_368 = arith.addf %add3A_365, %mul3A_367 : vector<16xf32>
        %get3A_369 = arith.index_cast %add3A_102 : i32 to index
        %get3A_370 = arith.constant 16 : index
        %get3A_371 = tpu.vector_load %arg13[%get3A_369, %get3A_370] {strides = array<i32>} : memref<264x128xf32, #tpu.memory_space<vmem>>, vector<16xf32>,
        %mul3A_372 = vector.broadcast %squeeze3A_109 : f32 to vector<16xf32>
        %mul3A_373 = arith.mulf %mul3A_372, %get3A_371 : vector<16xf32>
        %add3A_374 = arith.addf %add3A_368, %mul3A_373 : vector<16xf32>
        %swap3A_375 = arith.index_cast %add3A_102 : i32 to index
        %swap3A_376 = arith.constant 16 : index
        %swap3A_377 = tpu.vector_load %arg12[%swap3A_375, %swap3A_376] {strides = array<i32>} : memref<264x128xf32, #tpu.memory_space<vmem>>, vector<16xf32>,
        tpu.vector_store %arg12[%swap3A_375, %swap3A_376], %add3A_374 {strides = array<i32>} : memref<264x128xf32, #tpu.memory_space<vmem>>, vector<16xf32>,
        %bitcast3A_378 = vector.bitcast %add3A_357 : vector<16xf32> to vector<16xi32>
        %add3A_379 = arith.constant 32768 : i32
        %add3A_380 = vector.broadcast %add3A_379 : i32 to vector<16xi32>
        %add3A_381 = arith.addi %bitcast3A_378, %add3A_380 : vector<16xi32>
        %shift_right_logical3A = arith.constant 16 : i32
        %shift_right_logical3A_382 = vector.broadcast %shift_right_logical3A : i32 to vector<16xi32>
        %shift_right_logical3A_383 = arith.shrui %add3A_381, %shift_right_logical3A_382 : vector<16xi32>
        %bitcast3A_384 = vector.bitcast %add3A_374 : vector<16xf32> to vector<16xi32>
        %add3A_385 = arith.constant 32768 : i32
        %add3A_386 = vector.broadcast %add3A_385 : i32 to vector<16xi32>
        %add3A_387 = arith.addi %bitcast3A_384, %add3A_386 : vector<16xi32>
        %shift_right_logical3A_388 = arith.constant 16 : i32
        %shift_right_logical3A_389 = vector.broadcast %shift_right_logical3A_388 : i32 to vector<16xi32>
        %shift_right_logical3A_390 = arith.shrui %add3A_387, %shift_right_logical3A_389 : vector<16xi32>
        %shift_left3A = arith.constant 16 : i32
        %shift_left3A_391 = vector.broadcast %shift_left3A : i32 to vector<16xi32>
        %shift_left3A_392 = arith.shli %shift_right_logical3A_390, %shift_left3A_391 : vector<16xi32>
        %or3A = arith.ori %shift_right_logical3A_383, %shift_left3A_392 : vector<16xi32>
        %bitcast3A_393 = vector.bitcast %or3A : vector<16xi32> to vector<16xi32>
        %swap3A_394 = arith.index_cast %add3A_102 : i32 to index
        %swap3A_395 = arith.constant 0 : index
        %swap3A_396 = tpu.vector_load %arg14[%swap3A_394, %swap3A_395] {strides = array<i32>} : memref<264x64xi32, #tpu.memory_space<vmem>>, vector<16xi32>,
        tpu.vector_store %arg14[%swap3A_394, %swap3A_395], %bitcast3A_393 {strides = array<i32>} : memref<264x64xi32, #tpu.memory_space<vmem>>, vector<16xi32>,
        %get3A_397 = arith.index_cast %mul3A_111 : i32 to index
        %get3A_398 = arith.constant 16 : index
        %get3A_399 = tpu.vector_load %arg11[%get3A_397, %get3A_398] {strides = array<i32>} : memref<120x64xi32, #tpu.memory_space<vmem>>, vector<16xi32>,
        %bitcast3A_400 = vector.bitcast %get3A_399 : vector<16xi32> to vector<32xbf16>
        %lt3A_401 = arith.constant 0.000000e+00 : bf16
        %lt3A_402 = vector.broadcast %lt3A_401 : bf16 to vector<32xbf16>
        %lt3A_403 = arith.cmpf olt, %bitcast3A_400, %lt3A_402 : vector<32xbf16>
        %abs3A_404 = math.absf %bitcast3A_400 : vector<32xbf16>
        %add3A_405 = arith.constant 1 : i32
        %add3A_406 = arith.addi %mul3A_111, %add3A_405 : i32
        %get3A_407 = arith.index_cast %add3A_406 : i32 to index
        %get3A_408 = arith.constant 16 : index
        %get3A_409 = tpu.vector_load %arg11[%get3A_407, %get3A_408] {strides = array<i32>} : memref<120x64xi32, #tpu.memory_space<vmem>>, vector<16xi32>,
        %bitcast3A_410 = vector.bitcast %get3A_409 : vector<16xi32> to vector<32xbf16>
        %lt3A_411 = arith.constant 0.000000e+00 : bf16
        %lt3A_412 = vector.broadcast %lt3A_411 : bf16 to vector<32xbf16>
        %lt3A_413 = arith.cmpf olt, %bitcast3A_410, %lt3A_412 : vector<32xbf16>
        %ne3A_414 = arith.xori %lt3A_403, %lt3A_413 : vector<32xi1>
        %abs3A_415 = math.absf %bitcast3A_410 : vector<32xbf16>
        %min3A_416 = arith.minimumf %abs3A_404, %abs3A_415 : vector<32xbf16>
        %add3A_417 = arith.constant 2 : i32
        %add3A_418 = arith.addi %mul3A_111, %add3A_417 : i32
        %get3A_419 = arith.index_cast %add3A_418 : i32 to index
        %get3A_420 = arith.constant 16 : index
        %get3A_421 = tpu.vector_load %arg11[%get3A_419, %get3A_420] {strides = array<i32>} : memref<120x64xi32, #tpu.memory_space<vmem>>, vector<16xi32>,
        %bitcast3A_422 = vector.bitcast %get3A_421 : vector<16xi32> to vector<32xbf16>
        %lt3A_423 = arith.constant 0.000000e+00 : bf16
        %lt3A_424 = vector.broadcast %lt3A_423 : bf16 to vector<32xbf16>
        %lt3A_425 = arith.cmpf olt, %bitcast3A_422, %lt3A_424 : vector<32xbf16>
        %ne3A_426 = arith.xori %ne3A_414, %lt3A_425 : vector<32xi1>
        %abs3A_427 = math.absf %bitcast3A_422 : vector<32xbf16>
        %min3A_428 = arith.minimumf %min3A_416, %abs3A_427 : vector<32xbf16>
        %add3A_429 = arith.constant 3 : i32
        %add3A_430 = arith.addi %mul3A_111, %add3A_429 : i32
        %get3A_431 = arith.index_cast %add3A_430 : i32 to index
        %get3A_432 = arith.constant 16 : index
        %get3A_433 = tpu.vector_load %arg11[%get3A_431, %get3A_432] {strides = array<i32>} : memref<120x64xi32, #tpu.memory_space<vmem>>, vector<16xi32>,
        %bitcast3A_434 = vector.bitcast %get3A_433 : vector<16xi32> to vector<32xbf16>
        %lt3A_435 = arith.constant 0.000000e+00 : bf16
        %lt3A_436 = vector.broadcast %lt3A_435 : bf16 to vector<32xbf16>
        %lt3A_437 = arith.cmpf olt, %bitcast3A_434, %lt3A_436 : vector<32xbf16>
        %ne3A_438 = arith.xori %ne3A_426, %lt3A_437 : vector<32xi1>
        %abs3A_439 = math.absf %bitcast3A_434 : vector<32xbf16>
        %min3A_440 = arith.minimumf %min3A_428, %abs3A_439 : vector<32xbf16>
        %add3A_441 = arith.constant 4 : i32
        %add3A_442 = arith.addi %mul3A_111, %add3A_441 : i32
        %get3A_443 = arith.index_cast %add3A_442 : i32 to index
        %get3A_444 = arith.constant 16 : index
        %get3A_445 = tpu.vector_load %arg11[%get3A_443, %get3A_444] {strides = array<i32>} : memref<120x64xi32, #tpu.memory_space<vmem>>, vector<16xi32>,
        %bitcast3A_446 = vector.bitcast %get3A_445 : vector<16xi32> to vector<32xbf16>
        %lt3A_447 = arith.constant 0.000000e+00 : bf16
        %lt3A_448 = vector.broadcast %lt3A_447 : bf16 to vector<32xbf16>
        %lt3A_449 = arith.cmpf olt, %bitcast3A_446, %lt3A_448 : vector<32xbf16>
        %ne3A_450 = arith.xori %ne3A_438, %lt3A_449 : vector<32xi1>
        %abs3A_451 = math.absf %bitcast3A_446 : vector<32xbf16>
        %min3A_452 = arith.minimumf %min3A_440, %abs3A_451 : vector<32xbf16>
        %add3A_453 = arith.constant 5 : i32
        %add3A_454 = arith.addi %mul3A_111, %add3A_453 : i32
        %get3A_455 = arith.index_cast %add3A_454 : i32 to index
        %get3A_456 = arith.constant 16 : index
        %get3A_457 = tpu.vector_load %arg11[%get3A_455, %get3A_456] {strides = array<i32>} : memref<120x64xi32, #tpu.memory_space<vmem>>, vector<16xi32>,
        %bitcast3A_458 = vector.bitcast %get3A_457 : vector<16xi32> to vector<32xbf16>
        %lt3A_459 = arith.constant 0.000000e+00 : bf16
        %lt3A_460 = vector.broadcast %lt3A_459 : bf16 to vector<32xbf16>
        %lt3A_461 = arith.cmpf olt, %bitcast3A_458, %lt3A_460 : vector<32xbf16>
        %ne3A_462 = arith.xori %ne3A_450, %lt3A_461 : vector<32xi1>
        %abs3A_463 = math.absf %bitcast3A_458 : vector<32xbf16>
        %min3A_464 = arith.minimumf %min3A_452, %abs3A_463 : vector<32xbf16>
        %add3A_465 = arith.constant 6 : i32
        %add3A_466 = arith.addi %mul3A_111, %add3A_465 : i32
        %get3A_467 = arith.index_cast %add3A_466 : i32 to index
        %get3A_468 = arith.constant 16 : index
        %get3A_469 = tpu.vector_load %arg11[%get3A_467, %get3A_468] {strides = array<i32>} : memref<120x64xi32, #tpu.memory_space<vmem>>, vector<16xi32>,
        %bitcast3A_470 = vector.bitcast %get3A_469 : vector<16xi32> to vector<32xbf16>
        %lt3A_471 = arith.constant 0.000000e+00 : bf16
        %lt3A_472 = vector.broadcast %lt3A_471 : bf16 to vector<32xbf16>
        %lt3A_473 = arith.cmpf olt, %bitcast3A_470, %lt3A_472 : vector<32xbf16>
        %ne3A_474 = arith.xori %ne3A_462, %lt3A_473 : vector<32xi1>
        %abs3A_475 = math.absf %bitcast3A_470 : vector<32xbf16>
        %min3A_476 = arith.minimumf %min3A_464, %abs3A_475 : vector<32xbf16>
        %add3A_477 = arith.constant 7 : i32
        %add3A_478 = arith.addi %mul3A_111, %add3A_477 : i32
        %get3A_479 = arith.index_cast %add3A_478 : i32 to index
        %get3A_480 = arith.constant 16 : index
        %get3A_481 = tpu.vector_load %arg11[%get3A_479, %get3A_480] {strides = array<i32>} : memref<120x64xi32, #tpu.memory_space<vmem>>, vector<16xi32>,
        %bitcast3A_482 = vector.bitcast %get3A_481 : vector<16xi32> to vector<32xbf16>
        %lt3A_483 = arith.constant 0.000000e+00 : bf16
        %lt3A_484 = vector.broadcast %lt3A_483 : bf16 to vector<32xbf16>
        %lt3A_485 = arith.cmpf olt, %bitcast3A_482, %lt3A_484 : vector<32xbf16>
        %ne3A_486 = arith.xori %ne3A_474, %lt3A_485 : vector<32xi1>
        %abs3A_487 = math.absf %bitcast3A_482 : vector<32xbf16>
        %min3A_488 = arith.minimumf %min3A_476, %abs3A_487 : vector<32xbf16>
        %add3A_489 = arith.constant 8 : i32
        %add3A_490 = arith.addi %mul3A_111, %add3A_489 : i32
        %get3A_491 = arith.index_cast %add3A_490 : i32 to index
        %get3A_492 = arith.constant 16 : index
        %get3A_493 = tpu.vector_load %arg11[%get3A_491, %get3A_492] {strides = array<i32>} : memref<120x64xi32, #tpu.memory_space<vmem>>, vector<16xi32>,
        %bitcast3A_494 = vector.bitcast %get3A_493 : vector<16xi32> to vector<32xbf16>
        %lt3A_495 = arith.constant 0.000000e+00 : bf16
        %lt3A_496 = vector.broadcast %lt3A_495 : bf16 to vector<32xbf16>
        %lt3A_497 = arith.cmpf olt, %bitcast3A_494, %lt3A_496 : vector<32xbf16>
        %ne3A_498 = arith.xori %ne3A_486, %lt3A_497 : vector<32xi1>
        %abs3A_499 = math.absf %bitcast3A_494 : vector<32xbf16>
        %min3A_500 = arith.minimumf %min3A_488, %abs3A_499 : vector<32xbf16>
        %add3A_501 = arith.constant 9 : i32
        %add3A_502 = arith.addi %mul3A_111, %add3A_501 : i32
        %get3A_503 = arith.index_cast %add3A_502 : i32 to index
        %get3A_504 = arith.constant 16 : index
        %get3A_505 = tpu.vector_load %arg11[%get3A_503, %get3A_504] {strides = array<i32>} : memref<120x64xi32, #tpu.memory_space<vmem>>, vector<16xi32>,
        %bitcast3A_506 = vector.bitcast %get3A_505 : vector<16xi32> to vector<32xbf16>
        %lt3A_507 = arith.constant 0.000000e+00 : bf16
        %lt3A_508 = vector.broadcast %lt3A_507 : bf16 to vector<32xbf16>
        %lt3A_509 = arith.cmpf olt, %bitcast3A_506, %lt3A_508 : vector<32xbf16>
        %ne3A_510 = arith.xori %ne3A_498, %lt3A_509 : vector<32xi1>
        %abs3A_511 = math.absf %bitcast3A_506 : vector<32xbf16>
        %min3A_512 = arith.minimumf %min3A_500, %abs3A_511 : vector<32xbf16>
        %add3A_513 = arith.constant 10 : i32
        %add3A_514 = arith.addi %mul3A_111, %add3A_513 : i32
        %get3A_515 = arith.index_cast %add3A_514 : i32 to index
        %get3A_516 = arith.constant 16 : index
        %get3A_517 = tpu.vector_load %arg11[%get3A_515, %get3A_516] {strides = array<i32>} : memref<120x64xi32, #tpu.memory_space<vmem>>, vector<16xi32>,
        %bitcast3A_518 = vector.bitcast %get3A_517 : vector<16xi32> to vector<32xbf16>
        %lt3A_519 = arith.constant 0.000000e+00 : bf16
        %lt3A_520 = vector.broadcast %lt3A_519 : bf16 to vector<32xbf16>
        %lt3A_521 = arith.cmpf olt, %bitcast3A_518, %lt3A_520 : vector<32xbf16>
        %ne3A_522 = arith.xori %ne3A_510, %lt3A_521 : vector<32xi1>
        %abs3A_523 = math.absf %bitcast3A_518 : vector<32xbf16>
        %min3A_524 = arith.minimumf %min3A_512, %abs3A_523 : vector<32xbf16>
        %add3A_525 = arith.constant 11 : i32
        %add3A_526 = arith.addi %mul3A_111, %add3A_525 : i32
        %get3A_527 = arith.index_cast %add3A_526 : i32 to index
        %get3A_528 = arith.constant 16 : index
        %get3A_529 = tpu.vector_load %arg11[%get3A_527, %get3A_528] {strides = array<i32>} : memref<120x64xi32, #tpu.memory_space<vmem>>, vector<16xi32>,
        %bitcast3A_530 = vector.bitcast %get3A_529 : vector<16xi32> to vector<32xbf16>
        %lt3A_531 = arith.constant 0.000000e+00 : bf16
        %lt3A_532 = vector.broadcast %lt3A_531 : bf16 to vector<32xbf16>
        %lt3A_533 = arith.cmpf olt, %bitcast3A_530, %lt3A_532 : vector<32xbf16>
        %ne3A_534 = arith.xori %ne3A_522, %lt3A_533 : vector<32xi1>
        %abs3A_535 = math.absf %bitcast3A_530 : vector<32xbf16>
        %min3A_536 = arith.minimumf %min3A_524, %abs3A_535 : vector<32xbf16>
        %add3A_537 = arith.constant 12 : i32
        %add3A_538 = arith.addi %mul3A_111, %add3A_537 : i32
        %get3A_539 = arith.index_cast %add3A_538 : i32 to index
        %get3A_540 = arith.constant 16 : index
        %get3A_541 = tpu.vector_load %arg11[%get3A_539, %get3A_540] {strides = array<i32>} : memref<120x64xi32, #tpu.memory_space<vmem>>, vector<16xi32>,
        %bitcast3A_542 = vector.bitcast %get3A_541 : vector<16xi32> to vector<32xbf16>
        %lt3A_543 = arith.constant 0.000000e+00 : bf16
        %lt3A_544 = vector.broadcast %lt3A_543 : bf16 to vector<32xbf16>
        %lt3A_545 = arith.cmpf olt, %bitcast3A_542, %lt3A_544 : vector<32xbf16>
        %ne3A_546 = arith.xori %ne3A_534, %lt3A_545 : vector<32xi1>
        %abs3A_547 = math.absf %bitcast3A_542 : vector<32xbf16>
        %min3A_548 = arith.minimumf %min3A_536, %abs3A_547 : vector<32xbf16>
        %add3A_549 = arith.constant 13 : i32
        %add3A_550 = arith.addi %mul3A_111, %add3A_549 : i32
        %get3A_551 = arith.index_cast %add3A_550 : i32 to index
        %get3A_552 = arith.constant 16 : index
        %get3A_553 = tpu.vector_load %arg11[%get3A_551, %get3A_552] {strides = array<i32>} : memref<120x64xi32, #tpu.memory_space<vmem>>, vector<16xi32>,
        %bitcast3A_554 = vector.bitcast %get3A_553 : vector<16xi32> to vector<32xbf16>
        %lt3A_555 = arith.constant 0.000000e+00 : bf16
        %lt3A_556 = vector.broadcast %lt3A_555 : bf16 to vector<32xbf16>
        %lt3A_557 = arith.cmpf olt, %bitcast3A_554, %lt3A_556 : vector<32xbf16>
        %ne3A_558 = arith.xori %ne3A_546, %lt3A_557 : vector<32xi1>
        %abs3A_559 = math.absf %bitcast3A_554 : vector<32xbf16>
        %min3A_560 = arith.minimumf %min3A_548, %abs3A_559 : vector<32xbf16>
        %add3A_561 = arith.constant 14 : i32
        %add3A_562 = arith.addi %mul3A_111, %add3A_561 : i32
        %get3A_563 = arith.index_cast %add3A_562 : i32 to index
        %get3A_564 = arith.constant 16 : index
        %get3A_565 = tpu.vector_load %arg11[%get3A_563, %get3A_564] {strides = array<i32>} : memref<120x64xi32, #tpu.memory_space<vmem>>, vector<16xi32>,
        %bitcast3A_566 = vector.bitcast %get3A_565 : vector<16xi32> to vector<32xbf16>
        %lt3A_567 = arith.constant 0.000000e+00 : bf16
        %lt3A_568 = vector.broadcast %lt3A_567 : bf16 to vector<32xbf16>
        %lt3A_569 = arith.cmpf olt, %bitcast3A_566, %lt3A_568 : vector<32xbf16>
        %ne3A_570 = arith.xori %ne3A_558, %lt3A_569 : vector<32xi1>
        %abs3A_571 = math.absf %bitcast3A_566 : vector<32xbf16>
        %min3A_572 = arith.minimumf %min3A_560, %abs3A_571 : vector<32xbf16>
        %add3A_573 = arith.constant 15 : i32
        %add3A_574 = arith.addi %mul3A_111, %add3A_573 : i32
        %get3A_575 = arith.index_cast %add3A_574 : i32 to index
        %get3A_576 = arith.constant 16 : index
        %get3A_577 = tpu.vector_load %arg11[%get3A_575, %get3A_576] {strides = array<i32>} : memref<120x64xi32, #tpu.memory_space<vmem>>, vector<16xi32>,
        %bitcast3A_578 = vector.bitcast %get3A_577 : vector<16xi32> to vector<32xbf16>
        %lt3A_579 = arith.constant 0.000000e+00 : bf16
        %lt3A_580 = vector.broadcast %lt3A_579 : bf16 to vector<32xbf16>
        %lt3A_581 = arith.cmpf olt, %bitcast3A_578, %lt3A_580 : vector<32xbf16>
        %ne3A_582 = arith.xori %ne3A_570, %lt3A_581 : vector<32xi1>
        %abs3A_583 = math.absf %bitcast3A_578 : vector<32xbf16>
        %min3A_584 = arith.minimumf %min3A_572, %abs3A_583 : vector<32xbf16>
        %add3A_585 = arith.constant 16 : i32
        %add3A_586 = arith.addi %mul3A_111, %add3A_585 : i32
        %get3A_587 = arith.index_cast %add3A_586 : i32 to index
        %get3A_588 = arith.constant 16 : index
        %get3A_589 = tpu.vector_load %arg11[%get3A_587, %get3A_588] {strides = array<i32>} : memref<120x64xi32, #tpu.memory_space<vmem>>, vector<16xi32>,
        %bitcast3A_590 = vector.bitcast %get3A_589 : vector<16xi32> to vector<32xbf16>
        %lt3A_591 = arith.constant 0.000000e+00 : bf16
        %lt3A_592 = vector.broadcast %lt3A_591 : bf16 to vector<32xbf16>
        %lt3A_593 = arith.cmpf olt, %bitcast3A_590, %lt3A_592 : vector<32xbf16>
        %ne3A_594 = arith.xori %ne3A_582, %lt3A_593 : vector<32xi1>
        %abs3A_595 = math.absf %bitcast3A_590 : vector<32xbf16>
        %min3A_596 = arith.minimumf %min3A_584, %abs3A_595 : vector<32xbf16>
        %add3A_597 = arith.constant 17 : i32
        %add3A_598 = arith.addi %mul3A_111, %add3A_597 : i32
        %get3A_599 = arith.index_cast %add3A_598 : i32 to index
        %get3A_600 = arith.constant 16 : index
        %get3A_601 = tpu.vector_load %arg11[%get3A_599, %get3A_600] {strides = array<i32>} : memref<120x64xi32, #tpu.memory_space<vmem>>, vector<16xi32>,
        %bitcast3A_602 = vector.bitcast %get3A_601 : vector<16xi32> to vector<32xbf16>
        %lt3A_603 = arith.constant 0.000000e+00 : bf16
        %lt3A_604 = vector.broadcast %lt3A_603 : bf16 to vector<32xbf16>
        %lt3A_605 = arith.cmpf olt, %bitcast3A_602, %lt3A_604 : vector<32xbf16>
        %ne3A_606 = arith.xori %ne3A_594, %lt3A_605 : vector<32xi1>
        %abs3A_607 = math.absf %bitcast3A_602 : vector<32xbf16>
        %min3A_608 = arith.minimumf %min3A_596, %abs3A_607 : vector<32xbf16>
        %add3A_609 = arith.constant 18 : i32
        %add3A_610 = arith.addi %mul3A_111, %add3A_609 : i32
        %get3A_611 = arith.index_cast %add3A_610 : i32 to index
        %get3A_612 = arith.constant 16 : index
        %get3A_613 = tpu.vector_load %arg11[%get3A_611, %get3A_612] {strides = array<i32>} : memref<120x64xi32, #tpu.memory_space<vmem>>, vector<16xi32>,
        %bitcast3A_614 = vector.bitcast %get3A_613 : vector<16xi32> to vector<32xbf16>
        %lt3A_615 = arith.constant 0.000000e+00 : bf16
        %lt3A_616 = vector.broadcast %lt3A_615 : bf16 to vector<32xbf16>
        %lt3A_617 = arith.cmpf olt, %bitcast3A_614, %lt3A_616 : vector<32xbf16>
        %ne3A_618 = arith.xori %ne3A_606, %lt3A_617 : vector<32xi1>
        %abs3A_619 = math.absf %bitcast3A_614 : vector<32xbf16>
        %min3A_620 = arith.minimumf %min3A_608, %abs3A_619 : vector<32xbf16>
        %neg3A_621 = arith.constant 0.000000e+00 : bf16
        %neg3A_622 = vector.broadcast %neg3A_621 : bf16 to vector<32xbf16>
        %neg3A_623 = arith.subf %neg3A_622, %min3A_620 : vector<32xbf16>
        %select_n3A_624 = arith.select %ne3A_618, %neg3A_623, %min3A_620 : vector<32xi1>, vector<32xbf16>
        %unpack3A_625 = tpu.unpack_subelements %select_n3A_624, 0 {pack_format = #tpu.pack_format<interleaved>} : vector<32xbf16> -> vector<16xf32>
        %unpack3A_626 = tpu.unpack_subelements %select_n3A_624, 1 {pack_format = #tpu.pack_format<interleaved>} : vector<32xbf16> -> vector<16xf32>
        %add3A_627 = arith.constant 19 : i32
        %add3A_628 = arith.addi %mul3A_111, %add3A_627 : i32
        %get3A_629 = arith.index_cast %add3A_628 : i32 to index
        %get3A_630 = arith.constant 16 : index
        %get3A_631 = tpu.vector_load %arg11[%get3A_629, %get3A_630] {strides = array<i32>} : memref<120x64xi32, #tpu.memory_space<vmem>>, vector<16xi32>,
        %bitcast3A_632 = vector.bitcast %get3A_631 : vector<16xi32> to vector<32xbf16>
        %unpack3A_633 = tpu.unpack_subelements %bitcast3A_632, 0 {pack_format = #tpu.pack_format<interleaved>} : vector<32xbf16> -> vector<16xf32>
        %unpack3A_634 = tpu.unpack_subelements %bitcast3A_632, 1 {pack_format = #tpu.pack_format<interleaved>} : vector<32xbf16> -> vector<16xf32>
        %get3A_635 = arith.index_cast %add3A_102 : i32 to index
        %get3A_636 = arith.constant 32 : index
        %get3A_637 = tpu.vector_load %arg12[%get3A_635, %get3A_636] {strides = array<i32>} : memref<264x128xf32, #tpu.memory_space<vmem>>, vector<16xf32>,
        %mul3A_638 = vector.broadcast %squeeze3A : f32 to vector<16xf32>
        %mul3A_639 = arith.mulf %mul3A_638, %unpack3A_625 : vector<16xf32>
        %add3A_640 = arith.addf %get3A_637, %mul3A_639 : vector<16xf32>
        %mul3A_641 = vector.broadcast %squeeze3A_107 : f32 to vector<16xf32>
        %mul3A_642 = arith.mulf %mul3A_641, %unpack3A_633 : vector<16xf32>
        %add3A_643 = arith.addf %add3A_640, %mul3A_642 : vector<16xf32>
        %get3A_644 = arith.index_cast %add3A_102 : i32 to index
        %get3A_645 = arith.constant 32 : index
        %get3A_646 = tpu.vector_load %arg13[%get3A_644, %get3A_645] {strides = array<i32>} : memref<264x128xf32, #tpu.memory_space<vmem>>, vector<16xf32>,
        %mul3A_647 = vector.broadcast %squeeze3A_109 : f32 to vector<16xf32>
        %mul3A_648 = arith.mulf %mul3A_647, %get3A_646 : vector<16xf32>
        %add3A_649 = arith.addf %add3A_643, %mul3A_648 : vector<16xf32>
        %swap3A_650 = arith.index_cast %add3A_102 : i32 to index
        %swap3A_651 = arith.constant 32 : index
        %swap3A_652 = tpu.vector_load %arg12[%swap3A_650, %swap3A_651] {strides = array<i32>} : memref<264x128xf32, #tpu.memory_space<vmem>>, vector<16xf32>,
        tpu.vector_store %arg12[%swap3A_650, %swap3A_651], %add3A_649 {strides = array<i32>} : memref<264x128xf32, #tpu.memory_space<vmem>>, vector<16xf32>,
        %get3A_653 = arith.index_cast %add3A_102 : i32 to index
        %get3A_654 = arith.constant 48 : index
        %get3A_655 = tpu.vector_load %arg12[%get3A_653, %get3A_654] {strides = array<i32>} : memref<264x128xf32, #tpu.memory_space<vmem>>, vector<16xf32>,
        %mul3A_656 = vector.broadcast %squeeze3A : f32 to vector<16xf32>
        %mul3A_657 = arith.mulf %mul3A_656, %unpack3A_626 : vector<16xf32>
        %add3A_658 = arith.addf %get3A_655, %mul3A_657 : vector<16xf32>
        %mul3A_659 = vector.broadcast %squeeze3A_107 : f32 to vector<16xf32>
        %mul3A_660 = arith.mulf %mul3A_659, %unpack3A_634 : vector<16xf32>
        %add3A_661 = arith.addf %add3A_658, %mul3A_660 : vector<16xf32>
        %get3A_662 = arith.index_cast %add3A_102 : i32 to index
        %get3A_663 = arith.constant 48 : index
        %get3A_664 = tpu.vector_load %arg13[%get3A_662, %get3A_663] {strides = array<i32>} : memref<264x128xf32, #tpu.memory_space<vmem>>, vector<16xf32>,
        %mul3A_665 = vector.broadcast %squeeze3A_109 : f32 to vector<16xf32>
        %mul3A_666 = arith.mulf %mul3A_665, %get3A_664 : vector<16xf32>
        %add3A_667 = arith.addf %add3A_661, %mul3A_666 : vector<16xf32>
        %swap3A_668 = arith.index_cast %add3A_102 : i32 to index
        %swap3A_669 = arith.constant 48 : index
        %swap3A_670 = tpu.vector_load %arg12[%swap3A_668, %swap3A_669] {strides = array<i32>} : memref<264x128xf32, #tpu.memory_space<vmem>>, vector<16xf32>,
        tpu.vector_store %arg12[%swap3A_668, %swap3A_669], %add3A_667 {strides = array<i32>} : memref<264x128xf32, #tpu.memory_space<vmem>>, vector<16xf32>,
        %bitcast3A_671 = vector.bitcast %add3A_649 : vector<16xf32> to vector<16xi32>
        %add3A_672 = arith.constant 32768 : i32
        %add3A_673 = vector.broadcast %add3A_672 : i32 to vector<16xi32>
        %add3A_674 = arith.addi %bitcast3A_671, %add3A_673 : vector<16xi32>
        %shift_right_logical3A_675 = arith.constant 16 : i32
        %shift_right_logical3A_676 = vector.broadcast %shift_right_logical3A_675 : i32 to vector<16xi32>
        %shift_right_logical3A_677 = arith.shrui %add3A_674, %shift_right_logical3A_676 : vector<16xi32>
        %bitcast3A_678 = vector.bitcast %add3A_667 : vector<16xf32> to vector<16xi32>
        %add3A_679 = arith.constant 32768 : i32
        %add3A_680 = vector.broadcast %add3A_679 : i32 to vector<16xi32>
        %add3A_681 = arith.addi %bitcast3A_678, %add3A_680 : vector<16xi32>
        %shift_right_logical3A_682 = arith.constant 16 : i32
        %shift_right_logical3A_683 = vector.broadcast %shift_right_logical3A_682 : i32 to vector<16xi32>
        %shift_right_logical3A_684 = arith.shrui %add3A_681, %shift_right_logical3A_683 : vector<16xi32>
        %shift_left3A_685 = arith.constant 16 : i32
        %shift_left3A_686 = vector.broadcast %shift_left3A_685 : i32 to vector<16xi32>
        %shift_left3A_687 = arith.shli %shift_right_logical3A_684, %shift_left3A_686 : vector<16xi32>
        %or3A_688 = arith.ori %shift_right_logical3A_677, %shift_left3A_687 : vector<16xi32>
        %bitcast3A_689 = vector.bitcast %or3A_688 : vector<16xi32> to vector<16xi32>
        %swap3A_690 = arith.index_cast %add3A_102 : i32 to index
        %swap3A_691 = arith.constant 16 : index
        %swap3A_692 = tpu.vector_load %arg14[%swap3A_690, %swap3A_691] {strides = array<i32>} : memref<264x64xi32, #tpu.memory_space<vmem>>, vector<16xi32>,
        tpu.vector_store %arg14[%swap3A_690, %swap3A_691], %bitcast3A_689 {strides = array<i32>} : memref<264x64xi32, #tpu.memory_space<vmem>>, vector<16xi32>,
        %get3A_693 = arith.index_cast %mul3A_111 : i32 to index
        %get3A_694 = arith.constant 32 : index
        %get3A_695 = tpu.vector_load %arg11[%get3A_693, %get3A_694] {strides = array<i32>} : memref<120x64xi32, #tpu.memory_space<vmem>>, vector<16xi32>,
        %bitcast3A_696 = vector.bitcast %get3A_695 : vector<16xi32> to vector<32xbf16>
        %lt3A_697 = arith.constant 0.000000e+00 : bf16
        %lt3A_698 = vector.broadcast %lt3A_697 : bf16 to vector<32xbf16>
        %lt3A_699 = arith.cmpf olt, %bitcast3A_696, %lt3A_698 : vector<32xbf16>
        %abs3A_700 = math.absf %bitcast3A_696 : vector<32xbf16>
        %add3A_701 = arith.constant 1 : i32
        %add3A_702 = arith.addi %mul3A_111, %add3A_701 : i32
        %get3A_703 = arith.index_cast %add3A_702 : i32 to index
        %get3A_704 = arith.constant 32 : index
        %get3A_705 = tpu.vector_load %arg11[%get3A_703, %get3A_704] {strides = array<i32>} : memref<120x64xi32, #tpu.memory_space<vmem>>, vector<16xi32>,
        %bitcast3A_706 = vector.bitcast %get3A_705 : vector<16xi32> to vector<32xbf16>
        %lt3A_707 = arith.constant 0.000000e+00 : bf16
        %lt3A_708 = vector.broadcast %lt3A_707 : bf16 to vector<32xbf16>
        %lt3A_709 = arith.cmpf olt, %bitcast3A_706, %lt3A_708 : vector<32xbf16>
        %ne3A_710 = arith.xori %lt3A_699, %lt3A_709 : vector<32xi1>
        %abs3A_711 = math.absf %bitcast3A_706 : vector<32xbf16>
        %min3A_712 = arith.minimumf %abs3A_700, %abs3A_711 : vector<32xbf16>
        %add3A_713 = arith.constant 2 : i32
        %add3A_714 = arith.addi %mul3A_111, %add3A_713 : i32
        %get3A_715 = arith.index_cast %add3A_714 : i32 to index
        %get3A_716 = arith.constant 32 : index
        %get3A_717 = tpu.vector_load %arg11[%get3A_715, %get3A_716] {strides = array<i32>} : memref<120x64xi32, #tpu.memory_space<vmem>>, vector<16xi32>,
        %bitcast3A_718 = vector.bitcast %get3A_717 : vector<16xi32> to vector<32xbf16>
        %lt3A_719 = arith.constant 0.000000e+00 : bf16
        %lt3A_720 = vector.broadcast %lt3A_719 : bf16 to vector<32xbf16>
        %lt3A_721 = arith.cmpf olt, %bitcast3A_718, %lt3A_720 : vector<32xbf16>
        %ne3A_722 = arith.xori %ne3A_710, %lt3A_721 : vector<32xi1>
        %abs3A_723 = math.absf %bitcast3A_718 : vector<32xbf16>
        %min3A_724 = arith.minimumf %min3A_712, %abs3A_723 : vector<32xbf16>
        %add3A_725 = arith.constant 3 : i32
        %add3A_726 = arith.addi %mul3A_111, %add3A_725 : i32
        %get3A_727 = arith.index_cast %add3A_726 : i32 to index
        %get3A_728 = arith.constant 32 : index
        %get3A_729 = tpu.vector_load %arg11[%get3A_727, %get3A_728] {strides = array<i32>} : memref<120x64xi32, #tpu.memory_space<vmem>>, vector<16xi32>,
        %bitcast3A_730 = vector.bitcast %get3A_729 : vector<16xi32> to vector<32xbf16>
        %lt3A_731 = arith.constant 0.000000e+00 : bf16
        %lt3A_732 = vector.broadcast %lt3A_731 : bf16 to vector<32xbf16>
        %lt3A_733 = arith.cmpf olt, %bitcast3A_730, %lt3A_732 : vector<32xbf16>
        %ne3A_734 = arith.xori %ne3A_722, %lt3A_733 : vector<32xi1>
        %abs3A_735 = math.absf %bitcast3A_730 : vector<32xbf16>
        %min3A_736 = arith.minimumf %min3A_724, %abs3A_735 : vector<32xbf16>
        %add3A_737 = arith.constant 4 : i32
        %add3A_738 = arith.addi %mul3A_111, %add3A_737 : i32
        %get3A_739 = arith.index_cast %add3A_738 : i32 to index
        %get3A_740 = arith.constant 32 : index
        %get3A_741 = tpu.vector_load %arg11[%get3A_739, %get3A_740] {strides = array<i32>} : memref<120x64xi32, #tpu.memory_space<vmem>>, vector<16xi32>,
        %bitcast3A_742 = vector.bitcast %get3A_741 : vector<16xi32> to vector<32xbf16>
        %lt3A_743 = arith.constant 0.000000e+00 : bf16
        %lt3A_744 = vector.broadcast %lt3A_743 : bf16 to vector<32xbf16>
        %lt3A_745 = arith.cmpf olt, %bitcast3A_742, %lt3A_744 : vector<32xbf16>
        %ne3A_746 = arith.xori %ne3A_734, %lt3A_745 : vector<32xi1>
        %abs3A_747 = math.absf %bitcast3A_742 : vector<32xbf16>
        %min3A_748 = arith.minimumf %min3A_736, %abs3A_747 : vector<32xbf16>
        %add3A_749 = arith.constant 5 : i32
        %add3A_750 = arith.addi %mul3A_111, %add3A_749 : i32
        %get3A_751 = arith.index_cast %add3A_750 : i32 to index
        %get3A_752 = arith.constant 32 : index
        %get3A_753 = tpu.vector_load %arg11[%get3A_751, %get3A_752] {strides = array<i32>} : memref<120x64xi32, #tpu.memory_space<vmem>>, vector<16xi32>,
        %bitcast3A_754 = vector.bitcast %get3A_753 : vector<16xi32> to vector<32xbf16>
        %lt3A_755 = arith.constant 0.000000e+00 : bf16
        %lt3A_756 = vector.broadcast %lt3A_755 : bf16 to vector<32xbf16>
        %lt3A_757 = arith.cmpf olt, %bitcast3A_754, %lt3A_756 : vector<32xbf16>
        %ne3A_758 = arith.xori %ne3A_746, %lt3A_757 : vector<32xi1>
        %abs3A_759 = math.absf %bitcast3A_754 : vector<32xbf16>
        %min3A_760 = arith.minimumf %min3A_748, %abs3A_759 : vector<32xbf16>
        %add3A_761 = arith.constant 6 : i32
        %add3A_762 = arith.addi %mul3A_111, %add3A_761 : i32
        %get3A_763 = arith.index_cast %add3A_762 : i32 to index
        %get3A_764 = arith.constant 32 : index
        %get3A_765 = tpu.vector_load %arg11[%get3A_763, %get3A_764] {strides = array<i32>} : memref<120x64xi32, #tpu.memory_space<vmem>>, vector<16xi32>,
        %bitcast3A_766 = vector.bitcast %get3A_765 : vector<16xi32> to vector<32xbf16>
        %lt3A_767 = arith.constant 0.000000e+00 : bf16
        %lt3A_768 = vector.broadcast %lt3A_767 : bf16 to vector<32xbf16>
        %lt3A_769 = arith.cmpf olt, %bitcast3A_766, %lt3A_768 : vector<32xbf16>
        %ne3A_770 = arith.xori %ne3A_758, %lt3A_769 : vector<32xi1>
        %abs3A_771 = math.absf %bitcast3A_766 : vector<32xbf16>
        %min3A_772 = arith.minimumf %min3A_760, %abs3A_771 : vector<32xbf16>
        %add3A_773 = arith.constant 7 : i32
        %add3A_774 = arith.addi %mul3A_111, %add3A_773 : i32
        %get3A_775 = arith.index_cast %add3A_774 : i32 to index
        %get3A_776 = arith.constant 32 : index
        %get3A_777 = tpu.vector_load %arg11[%get3A_775, %get3A_776] {strides = array<i32>} : memref<120x64xi32, #tpu.memory_space<vmem>>, vector<16xi32>,
        %bitcast3A_778 = vector.bitcast %get3A_777 : vector<16xi32> to vector<32xbf16>
        %lt3A_779 = arith.constant 0.000000e+00 : bf16
        %lt3A_780 = vector.broadcast %lt3A_779 : bf16 to vector<32xbf16>
        %lt3A_781 = arith.cmpf olt, %bitcast3A_778, %lt3A_780 : vector<32xbf16>
        %ne3A_782 = arith.xori %ne3A_770, %lt3A_781 : vector<32xi1>
        %abs3A_783 = math.absf %bitcast3A_778 : vector<32xbf16>
        %min3A_784 = arith.minimumf %min3A_772, %abs3A_783 : vector<32xbf16>
        %add3A_785 = arith.constant 8 : i32
        %add3A_786 = arith.addi %mul3A_111, %add3A_785 : i32
        %get3A_787 = arith.index_cast %add3A_786 : i32 to index
        %get3A_788 = arith.constant 32 : index
        %get3A_789 = tpu.vector_load %arg11[%get3A_787, %get3A_788] {strides = array<i32>} : memref<120x64xi32, #tpu.memory_space<vmem>>, vector<16xi32>,
        %bitcast3A_790 = vector.bitcast %get3A_789 : vector<16xi32> to vector<32xbf16>
        %lt3A_791 = arith.constant 0.000000e+00 : bf16
        %lt3A_792 = vector.broadcast %lt3A_791 : bf16 to vector<32xbf16>
        %lt3A_793 = arith.cmpf olt, %bitcast3A_790, %lt3A_792 : vector<32xbf16>
        %ne3A_794 = arith.xori %ne3A_782, %lt3A_793 : vector<32xi1>
        %abs3A_795 = math.absf %bitcast3A_790 : vector<32xbf16>
        %min3A_796 = arith.minimumf %min3A_784, %abs3A_795 : vector<32xbf16>
        %add3A_797 = arith.constant 9 : i32
        %add3A_798 = arith.addi %mul3A_111, %add3A_797 : i32
        %get3A_799 = arith.index_cast %add3A_798 : i32 to index
        %get3A_800 = arith.constant 32 : index
        %get3A_801 = tpu.vector_load %arg11[%get3A_799, %get3A_800] {strides = array<i32>} : memref<120x64xi32, #tpu.memory_space<vmem>>, vector<16xi32>,
        %bitcast3A_802 = vector.bitcast %get3A_801 : vector<16xi32> to vector<32xbf16>
        %lt3A_803 = arith.constant 0.000000e+00 : bf16
        %lt3A_804 = vector.broadcast %lt3A_803 : bf16 to vector<32xbf16>
        %lt3A_805 = arith.cmpf olt, %bitcast3A_802, %lt3A_804 : vector<32xbf16>
        %ne3A_806 = arith.xori %ne3A_794, %lt3A_805 : vector<32xi1>
        %abs3A_807 = math.absf %bitcast3A_802 : vector<32xbf16>
        %min3A_808 = arith.minimumf %min3A_796, %abs3A_807 : vector<32xbf16>
        %add3A_809 = arith.constant 10 : i32
        %add3A_810 = arith.addi %mul3A_111, %add3A_809 : i32
        %get3A_811 = arith.index_cast %add3A_810 : i32 to index
        %get3A_812 = arith.constant 32 : index
        %get3A_813 = tpu.vector_load %arg11[%get3A_811, %get3A_812] {strides = array<i32>} : memref<120x64xi32, #tpu.memory_space<vmem>>, vector<16xi32>,
        %bitcast3A_814 = vector.bitcast %get3A_813 : vector<16xi32> to vector<32xbf16>
        %lt3A_815 = arith.constant 0.000000e+00 : bf16
        %lt3A_816 = vector.broadcast %lt3A_815 : bf16 to vector<32xbf16>
        %lt3A_817 = arith.cmpf olt, %bitcast3A_814, %lt3A_816 : vector<32xbf16>
        %ne3A_818 = arith.xori %ne3A_806, %lt3A_817 : vector<32xi1>
        %abs3A_819 = math.absf %bitcast3A_814 : vector<32xbf16>
        %min3A_820 = arith.minimumf %min3A_808, %abs3A_819 : vector<32xbf16>
        %add3A_821 = arith.constant 11 : i32
        %add3A_822 = arith.addi %mul3A_111, %add3A_821 : i32
        %get3A_823 = arith.index_cast %add3A_822 : i32 to index
        %get3A_824 = arith.constant 32 : index
        %get3A_825 = tpu.vector_load %arg11[%get3A_823, %get3A_824] {strides = array<i32>} : memref<120x64xi32, #tpu.memory_space<vmem>>, vector<16xi32>,
        %bitcast3A_826 = vector.bitcast %get3A_825 : vector<16xi32> to vector<32xbf16>
        %lt3A_827 = arith.constant 0.000000e+00 : bf16
        %lt3A_828 = vector.broadcast %lt3A_827 : bf16 to vector<32xbf16>
        %lt3A_829 = arith.cmpf olt, %bitcast3A_826, %lt3A_828 : vector<32xbf16>
        %ne3A_830 = arith.xori %ne3A_818, %lt3A_829 : vector<32xi1>
        %abs3A_831 = math.absf %bitcast3A_826 : vector<32xbf16>
        %min3A_832 = arith.minimumf %min3A_820, %abs3A_831 : vector<32xbf16>
        %add3A_833 = arith.constant 12 : i32
        %add3A_834 = arith.addi %mul3A_111, %add3A_833 : i32
        %get3A_835 = arith.index_cast %add3A_834 : i32 to index
        %get3A_836 = arith.constant 32 : index
        %get3A_837 = tpu.vector_load %arg11[%get3A_835, %get3A_836] {strides = array<i32>} : memref<120x64xi32, #tpu.memory_space<vmem>>, vector<16xi32>,
        %bitcast3A_838 = vector.bitcast %get3A_837 : vector<16xi32> to vector<32xbf16>
        %lt3A_839 = arith.constant 0.000000e+00 : bf16
        %lt3A_840 = vector.broadcast %lt3A_839 : bf16 to vector<32xbf16>
        %lt3A_841 = arith.cmpf olt, %bitcast3A_838, %lt3A_840 : vector<32xbf16>
        %ne3A_842 = arith.xori %ne3A_830, %lt3A_841 : vector<32xi1>
        %abs3A_843 = math.absf %bitcast3A_838 : vector<32xbf16>
        %min3A_844 = arith.minimumf %min3A_832, %abs3A_843 : vector<32xbf16>
        %add3A_845 = arith.constant 13 : i32
        %add3A_846 = arith.addi %mul3A_111, %add3A_845 : i32
        %get3A_847 = arith.index_cast %add3A_846 : i32 to index
        %get3A_848 = arith.constant 32 : index
        %get3A_849 = tpu.vector_load %arg11[%get3A_847, %get3A_848] {strides = array<i32>} : memref<120x64xi32, #tpu.memory_space<vmem>>, vector<16xi32>,
        %bitcast3A_850 = vector.bitcast %get3A_849 : vector<16xi32> to vector<32xbf16>
        %lt3A_851 = arith.constant 0.000000e+00 : bf16
        %lt3A_852 = vector.broadcast %lt3A_851 : bf16 to vector<32xbf16>
        %lt3A_853 = arith.cmpf olt, %bitcast3A_850, %lt3A_852 : vector<32xbf16>
        %ne3A_854 = arith.xori %ne3A_842, %lt3A_853 : vector<32xi1>
        %abs3A_855 = math.absf %bitcast3A_850 : vector<32xbf16>
        %min3A_856 = arith.minimumf %min3A_844, %abs3A_855 : vector<32xbf16>
        %add3A_857 = arith.constant 14 : i32
        %add3A_858 = arith.addi %mul3A_111, %add3A_857 : i32
        %get3A_859 = arith.index_cast %add3A_858 : i32 to index
        %get3A_860 = arith.constant 32 : index
        %get3A_861 = tpu.vector_load %arg11[%get3A_859, %get3A_860] {strides = array<i32>} : memref<120x64xi32, #tpu.memory_space<vmem>>, vector<16xi32>,
        %bitcast3A_862 = vector.bitcast %get3A_861 : vector<16xi32> to vector<32xbf16>
        %lt3A_863 = arith.constant 0.000000e+00 : bf16
        %lt3A_864 = vector.broadcast %lt3A_863 : bf16 to vector<32xbf16>
        %lt3A_865 = arith.cmpf olt, %bitcast3A_862, %lt3A_864 : vector<32xbf16>
        %ne3A_866 = arith.xori %ne3A_854, %lt3A_865 : vector<32xi1>
        %abs3A_867 = math.absf %bitcast3A_862 : vector<32xbf16>
        %min3A_868 = arith.minimumf %min3A_856, %abs3A_867 : vector<32xbf16>
        %add3A_869 = arith.constant 15 : i32
        %add3A_870 = arith.addi %mul3A_111, %add3A_869 : i32
        %get3A_871 = arith.index_cast %add3A_870 : i32 to index
        %get3A_872 = arith.constant 32 : index
        %get3A_873 = tpu.vector_load %arg11[%get3A_871, %get3A_872] {strides = array<i32>} : memref<120x64xi32, #tpu.memory_space<vmem>>, vector<16xi32>,
        %bitcast3A_874 = vector.bitcast %get3A_873 : vector<16xi32> to vector<32xbf16>
        %lt3A_875 = arith.constant 0.000000e+00 : bf16
        %lt3A_876 = vector.broadcast %lt3A_875 : bf16 to vector<32xbf16>
        %lt3A_877 = arith.cmpf olt, %bitcast3A_874, %lt3A_876 : vector<32xbf16>
        %ne3A_878 = arith.xori %ne3A_866, %lt3A_877 : vector<32xi1>
        %abs3A_879 = math.absf %bitcast3A_874 : vector<32xbf16>
        %min3A_880 = arith.minimumf %min3A_868, %abs3A_879 : vector<32xbf16>
        %add3A_881 = arith.constant 16 : i32
        %add3A_882 = arith.addi %mul3A_111, %add3A_881 : i32
        %get3A_883 = arith.index_cast %add3A_882 : i32 to index
        %get3A_884 = arith.constant 32 : index
        %get3A_885 = tpu.vector_load %arg11[%get3A_883, %get3A_884] {strides = array<i32>} : memref<120x64xi32, #tpu.memory_space<vmem>>, vector<16xi32>,
        %bitcast3A_886 = vector.bitcast %get3A_885 : vector<16xi32> to vector<32xbf16>
        %lt3A_887 = arith.constant 0.000000e+00 : bf16
        %lt3A_888 = vector.broadcast %lt3A_887 : bf16 to vector<32xbf16>
        %lt3A_889 = arith.cmpf olt, %bitcast3A_886, %lt3A_888 : vector<32xbf16>
        %ne3A_890 = arith.xori %ne3A_878, %lt3A_889 : vector<32xi1>
        %abs3A_891 = math.absf %bitcast3A_886 : vector<32xbf16>
        %min3A_892 = arith.minimumf %min3A_880, %abs3A_891 : vector<32xbf16>
        %add3A_893 = arith.constant 17 : i32
        %add3A_894 = arith.addi %mul3A_111, %add3A_893 : i32
        %get3A_895 = arith.index_cast %add3A_894 : i32 to index
        %get3A_896 = arith.constant 32 : index
        %get3A_897 = tpu.vector_load %arg11[%get3A_895, %get3A_896] {strides = array<i32>} : memref<120x64xi32, #tpu.memory_space<vmem>>, vector<16xi32>,
        %bitcast3A_898 = vector.bitcast %get3A_897 : vector<16xi32> to vector<32xbf16>
        %lt3A_899 = arith.constant 0.000000e+00 : bf16
        %lt3A_900 = vector.broadcast %lt3A_899 : bf16 to vector<32xbf16>
        %lt3A_901 = arith.cmpf olt, %bitcast3A_898, %lt3A_900 : vector<32xbf16>
        %ne3A_902 = arith.xori %ne3A_890, %lt3A_901 : vector<32xi1>
        %abs3A_903 = math.absf %bitcast3A_898 : vector<32xbf16>
        %min3A_904 = arith.minimumf %min3A_892, %abs3A_903 : vector<32xbf16>
        %add3A_905 = arith.constant 18 : i32
        %add3A_906 = arith.addi %mul3A_111, %add3A_905 : i32
        %get3A_907 = arith.index_cast %add3A_906 : i32 to index
        %get3A_908 = arith.constant 32 : index
        %get3A_909 = tpu.vector_load %arg11[%get3A_907, %get3A_908] {strides = array<i32>} : memref<120x64xi32, #tpu.memory_space<vmem>>, vector<16xi32>,
        %bitcast3A_910 = vector.bitcast %get3A_909 : vector<16xi32> to vector<32xbf16>
        %lt3A_911 = arith.constant 0.000000e+00 : bf16
        %lt3A_912 = vector.broadcast %lt3A_911 : bf16 to vector<32xbf16>
        %lt3A_913 = arith.cmpf olt, %bitcast3A_910, %lt3A_912 : vector<32xbf16>
        %ne3A_914 = arith.xori %ne3A_902, %lt3A_913 : vector<32xi1>
        %abs3A_915 = math.absf %bitcast3A_910 : vector<32xbf16>
        %min3A_916 = arith.minimumf %min3A_904, %abs3A_915 : vector<32xbf16>
        %neg3A_917 = arith.constant 0.000000e+00 : bf16
        %neg3A_918 = vector.broadcast %neg3A_917 : bf16 to vector<32xbf16>
        %neg3A_919 = arith.subf %neg3A_918, %min3A_916 : vector<32xbf16>
        %select_n3A_920 = arith.select %ne3A_914, %neg3A_919, %min3A_916 : vector<32xi1>, vector<32xbf16>
        %unpack3A_921 = tpu.unpack_subelements %select_n3A_920, 0 {pack_format = #tpu.pack_format<interleaved>} : vector<32xbf16> -> vector<16xf32>
        %unpack3A_922 = tpu.unpack_subelements %select_n3A_920, 1 {pack_format = #tpu.pack_format<interleaved>} : vector<32xbf16> -> vector<16xf32>
        %add3A_923 = arith.constant 19 : i32
        %add3A_924 = arith.addi %mul3A_111, %add3A_923 : i32
        %get3A_925 = arith.index_cast %add3A_924 : i32 to index
        %get3A_926 = arith.constant 32 : index
        %get3A_927 = tpu.vector_load %arg11[%get3A_925, %get3A_926] {strides = array<i32>} : memref<120x64xi32, #tpu.memory_space<vmem>>, vector<16xi32>,
        %bitcast3A_928 = vector.bitcast %get3A_927 : vector<16xi32> to vector<32xbf16>
        %unpack3A_929 = tpu.unpack_subelements %bitcast3A_928, 0 {pack_format = #tpu.pack_format<interleaved>} : vector<32xbf16> -> vector<16xf32>
        %unpack3A_930 = tpu.unpack_subelements %bitcast3A_928, 1 {pack_format = #tpu.pack_format<interleaved>} : vector<32xbf16> -> vector<16xf32>
        %get3A_931 = arith.index_cast %add3A_102 : i32 to index
        %get3A_932 = arith.constant 64 : index
        %get3A_933 = tpu.vector_load %arg12[%get3A_931, %get3A_932] {strides = array<i32>} : memref<264x128xf32, #tpu.memory_space<vmem>>, vector<16xf32>,
        %mul3A_934 = vector.broadcast %squeeze3A : f32 to vector<16xf32>
        %mul3A_935 = arith.mulf %mul3A_934, %unpack3A_921 : vector<16xf32>
        %add3A_936 = arith.addf %get3A_933, %mul3A_935 : vector<16xf32>
        %mul3A_937 = vector.broadcast %squeeze3A_107 : f32 to vector<16xf32>
        %mul3A_938 = arith.mulf %mul3A_937, %unpack3A_929 : vector<16xf32>
        %add3A_939 = arith.addf %add3A_936, %mul3A_938 : vector<16xf32>
        %get3A_940 = arith.index_cast %add3A_102 : i32 to index
        %get3A_941 = arith.constant 64 : index
        %get3A_942 = tpu.vector_load %arg13[%get3A_940, %get3A_941] {strides = array<i32>} : memref<264x128xf32, #tpu.memory_space<vmem>>, vector<16xf32>,
        %mul3A_943 = vector.broadcast %squeeze3A_109 : f32 to vector<16xf32>
        %mul3A_944 = arith.mulf %mul3A_943, %get3A_942 : vector<16xf32>
        %add3A_945 = arith.addf %add3A_939, %mul3A_944 : vector<16xf32>
        %swap3A_946 = arith.index_cast %add3A_102 : i32 to index
        %swap3A_947 = arith.constant 64 : index
        %swap3A_948 = tpu.vector_load %arg12[%swap3A_946, %swap3A_947] {strides = array<i32>} : memref<264x128xf32, #tpu.memory_space<vmem>>, vector<16xf32>,
        tpu.vector_store %arg12[%swap3A_946, %swap3A_947], %add3A_945 {strides = array<i32>} : memref<264x128xf32, #tpu.memory_space<vmem>>, vector<16xf32>,
        %get3A_949 = arith.index_cast %add3A_102 : i32 to index
        %get3A_950 = arith.constant 80 : index
        %get3A_951 = tpu.vector_load %arg12[%get3A_949, %get3A_950] {strides = array<i32>} : memref<264x128xf32, #tpu.memory_space<vmem>>, vector<16xf32>,
        %mul3A_952 = vector.broadcast %squeeze3A : f32 to vector<16xf32>
        %mul3A_953 = arith.mulf %mul3A_952, %unpack3A_922 : vector<16xf32>
        %add3A_954 = arith.addf %get3A_951, %mul3A_953 : vector<16xf32>
        %mul3A_955 = vector.broadcast %squeeze3A_107 : f32 to vector<16xf32>
        %mul3A_956 = arith.mulf %mul3A_955, %unpack3A_930 : vector<16xf32>
        %add3A_957 = arith.addf %add3A_954, %mul3A_956 : vector<16xf32>
        %get3A_958 = arith.index_cast %add3A_102 : i32 to index
        %get3A_959 = arith.constant 80 : index
        %get3A_960 = tpu.vector_load %arg13[%get3A_958, %get3A_959] {strides = array<i32>} : memref<264x128xf32, #tpu.memory_space<vmem>>, vector<16xf32>,
        %mul3A_961 = vector.broadcast %squeeze3A_109 : f32 to vector<16xf32>
        %mul3A_962 = arith.mulf %mul3A_961, %get3A_960 : vector<16xf32>
        %add3A_963 = arith.addf %add3A_957, %mul3A_962 : vector<16xf32>
        %swap3A_964 = arith.index_cast %add3A_102 : i32 to index
        %swap3A_965 = arith.constant 80 : index
        %swap3A_966 = tpu.vector_load %arg12[%swap3A_964, %swap3A_965] {strides = array<i32>} : memref<264x128xf32, #tpu.memory_space<vmem>>, vector<16xf32>,
        tpu.vector_store %arg12[%swap3A_964, %swap3A_965], %add3A_963 {strides = array<i32>} : memref<264x128xf32, #tpu.memory_space<vmem>>, vector<16xf32>,
        %bitcast3A_967 = vector.bitcast %add3A_945 : vector<16xf32> to vector<16xi32>
        %add3A_968 = arith.constant 32768 : i32
        %add3A_969 = vector.broadcast %add3A_968 : i32 to vector<16xi32>
        %add3A_970 = arith.addi %bitcast3A_967, %add3A_969 : vector<16xi32>
        %shift_right_logical3A_971 = arith.constant 16 : i32
        %shift_right_logical3A_972 = vector.broadcast %shift_right_logical3A_971 : i32 to vector<16xi32>
        %shift_right_logical3A_973 = arith.shrui %add3A_970, %shift_right_logical3A_972 : vector<16xi32>
        %bitcast3A_974 = vector.bitcast %add3A_963 : vector<16xf32> to vector<16xi32>
        %add3A_975 = arith.constant 32768 : i32
        %add3A_976 = vector.broadcast %add3A_975 : i32 to vector<16xi32>
        %add3A_977 = arith.addi %bitcast3A_974, %add3A_976 : vector<16xi32>
        %shift_right_logical3A_978 = arith.constant 16 : i32
        %shift_right_logical3A_979 = vector.broadcast %shift_right_logical3A_978 : i32 to vector<16xi32>
        %shift_right_logical3A_980 = arith.shrui %add3A_977, %shift_right_logical3A_979 : vector<16xi32>
        %shift_left3A_981 = arith.constant 16 : i32
        %shift_left3A_982 = vector.broadcast %shift_left3A_981 : i32 to vector<16xi32>
        %shift_left3A_983 = arith.shli %shift_right_logical3A_980, %shift_left3A_982 : vector<16xi32>
        %or3A_984 = arith.ori %shift_right_logical3A_973, %shift_left3A_983 : vector<16xi32>
        %bitcast3A_985 = vector.bitcast %or3A_984 : vector<16xi32> to vector<16xi32>
        %swap3A_986 = arith.index_cast %add3A_102 : i32 to index
        %swap3A_987 = arith.constant 32 : index
        %swap3A_988 = tpu.vector_load %arg14[%swap3A_986, %swap3A_987] {strides = array<i32>} : memref<264x64xi32, #tpu.memory_space<vmem>>, vector<16xi32>,
        tpu.vector_store %arg14[%swap3A_986, %swap3A_987], %bitcast3A_985 {strides = array<i32>} : memref<264x64xi32, #tpu.memory_space<vmem>>, vector<16xi32>,
        %get3A_989 = arith.index_cast %mul3A_111 : i32 to index
        %get3A_990 = arith.constant 48 : index
        %get3A_991 = tpu.vector_load %arg11[%get3A_989, %get3A_990] {strides = array<i32>} : memref<120x64xi32, #tpu.memory_space<vmem>>, vector<16xi32>,
        %bitcast3A_992 = vector.bitcast %get3A_991 : vector<16xi32> to vector<32xbf16>
        %lt3A_993 = arith.constant 0.000000e+00 : bf16
        %lt3A_994 = vector.broadcast %lt3A_993 : bf16 to vector<32xbf16>
        %lt3A_995 = arith.cmpf olt, %bitcast3A_992, %lt3A_994 : vector<32xbf16>
        %abs3A_996 = math.absf %bitcast3A_992 : vector<32xbf16>
        %add3A_997 = arith.constant 1 : i32
        %add3A_998 = arith.addi %mul3A_111, %add3A_997 : i32
        %get3A_999 = arith.index_cast %add3A_998 : i32 to index
        %get3A_1000 = arith.constant 48 : index
        %get3A_1001 = tpu.vector_load %arg11[%get3A_999, %get3A_1000] {strides = array<i32>} : memref<120x64xi32, #tpu.memory_space<vmem>>, vector<16xi32>,
        %bitcast3A_1002 = vector.bitcast %get3A_1001 : vector<16xi32> to vector<32xbf16>
        %lt3A_1003 = arith.constant 0.000000e+00 : bf16
        %lt3A_1004 = vector.broadcast %lt3A_1003 : bf16 to vector<32xbf16>
        %lt3A_1005 = arith.cmpf olt, %bitcast3A_1002, %lt3A_1004 : vector<32xbf16>
        %ne3A_1006 = arith.xori %lt3A_995, %lt3A_1005 : vector<32xi1>
        %abs3A_1007 = math.absf %bitcast3A_1002 : vector<32xbf16>
        %min3A_1008 = arith.minimumf %abs3A_996, %abs3A_1007 : vector<32xbf16>
        %add3A_1009 = arith.constant 2 : i32
        %add3A_1010 = arith.addi %mul3A_111, %add3A_1009 : i32
        %get3A_1011 = arith.index_cast %add3A_1010 : i32 to index
        %get3A_1012 = arith.constant 48 : index
        %get3A_1013 = tpu.vector_load %arg11[%get3A_1011, %get3A_1012] {strides = array<i32>} : memref<120x64xi32, #tpu.memory_space<vmem>>, vector<16xi32>,
        %bitcast3A_1014 = vector.bitcast %get3A_1013 : vector<16xi32> to vector<32xbf16>
        %lt3A_1015 = arith.constant 0.000000e+00 : bf16
        %lt3A_1016 = vector.broadcast %lt3A_1015 : bf16 to vector<32xbf16>
        %lt3A_1017 = arith.cmpf olt, %bitcast3A_1014, %lt3A_1016 : vector<32xbf16>
        %ne3A_1018 = arith.xori %ne3A_1006, %lt3A_1017 : vector<32xi1>
        %abs3A_1019 = math.absf %bitcast3A_1014 : vector<32xbf16>
        %min3A_1020 = arith.minimumf %min3A_1008, %abs3A_1019 : vector<32xbf16>
        %add3A_1021 = arith.constant 3 : i32
        %add3A_1022 = arith.addi %mul3A_111, %add3A_1021 : i32
        %get3A_1023 = arith.index_cast %add3A_1022 : i32 to index
        %get3A_1024 = arith.constant 48 : index
        %get3A_1025 = tpu.vector_load %arg11[%get3A_1023, %get3A_1024] {strides = array<i32>} : memref<120x64xi32, #tpu.memory_space<vmem>>, vector<16xi32>,
        %bitcast3A_1026 = vector.bitcast %get3A_1025 : vector<16xi32> to vector<32xbf16>
        %lt3A_1027 = arith.constant 0.000000e+00 : bf16
        %lt3A_1028 = vector.broadcast %lt3A_1027 : bf16 to vector<32xbf16>
        %lt3A_1029 = arith.cmpf olt, %bitcast3A_1026, %lt3A_1028 : vector<32xbf16>
        %ne3A_1030 = arith.xori %ne3A_1018, %lt3A_1029 : vector<32xi1>
        %abs3A_1031 = math.absf %bitcast3A_1026 : vector<32xbf16>
        %min3A_1032 = arith.minimumf %min3A_1020, %abs3A_1031 : vector<32xbf16>
        %add3A_1033 = arith.constant 4 : i32
        %add3A_1034 = arith.addi %mul3A_111, %add3A_1033 : i32
        %get3A_1035 = arith.index_cast %add3A_1034 : i32 to index
        %get3A_1036 = arith.constant 48 : index
        %get3A_1037 = tpu.vector_load %arg11[%get3A_1035, %get3A_1036] {strides = array<i32>} : memref<120x64xi32, #tpu.memory_space<vmem>>, vector<16xi32>,
        %bitcast3A_1038 = vector.bitcast %get3A_1037 : vector<16xi32> to vector<32xbf16>
        %lt3A_1039 = arith.constant 0.000000e+00 : bf16
        %lt3A_1040 = vector.broadcast %lt3A_1039 : bf16 to vector<32xbf16>
        %lt3A_1041 = arith.cmpf olt, %bitcast3A_1038, %lt3A_1040 : vector<32xbf16>
        %ne3A_1042 = arith.xori %ne3A_1030, %lt3A_1041 : vector<32xi1>
        %abs3A_1043 = math.absf %bitcast3A_1038 : vector<32xbf16>
        %min3A_1044 = arith.minimumf %min3A_1032, %abs3A_1043 : vector<32xbf16>
        %add3A_1045 = arith.constant 5 : i32
        %add3A_1046 = arith.addi %mul3A_111, %add3A_1045 : i32
        %get3A_1047 = arith.index_cast %add3A_1046 : i32 to index
        %get3A_1048 = arith.constant 48 : index
        %get3A_1049 = tpu.vector_load %arg11[%get3A_1047, %get3A_1048] {strides = array<i32>} : memref<120x64xi32, #tpu.memory_space<vmem>>, vector<16xi32>,
        %bitcast3A_1050 = vector.bitcast %get3A_1049 : vector<16xi32> to vector<32xbf16>
        %lt3A_1051 = arith.constant 0.000000e+00 : bf16
        %lt3A_1052 = vector.broadcast %lt3A_1051 : bf16 to vector<32xbf16>
        %lt3A_1053 = arith.cmpf olt, %bitcast3A_1050, %lt3A_1052 : vector<32xbf16>
        %ne3A_1054 = arith.xori %ne3A_1042, %lt3A_1053 : vector<32xi1>
        %abs3A_1055 = math.absf %bitcast3A_1050 : vector<32xbf16>
        %min3A_1056 = arith.minimumf %min3A_1044, %abs3A_1055 : vector<32xbf16>
        %add3A_1057 = arith.constant 6 : i32
        %add3A_1058 = arith.addi %mul3A_111, %add3A_1057 : i32
        %get3A_1059 = arith.index_cast %add3A_1058 : i32 to index
        %get3A_1060 = arith.constant 48 : index
        %get3A_1061 = tpu.vector_load %arg11[%get3A_1059, %get3A_1060] {strides = array<i32>} : memref<120x64xi32, #tpu.memory_space<vmem>>, vector<16xi32>,
        %bitcast3A_1062 = vector.bitcast %get3A_1061 : vector<16xi32> to vector<32xbf16>
        %lt3A_1063 = arith.constant 0.000000e+00 : bf16
        %lt3A_1064 = vector.broadcast %lt3A_1063 : bf16 to vector<32xbf16>
        %lt3A_1065 = arith.cmpf olt, %bitcast3A_1062, %lt3A_1064 : vector<32xbf16>
        %ne3A_1066 = arith.xori %ne3A_1054, %lt3A_1065 : vector<32xi1>
        %abs3A_1067 = math.absf %bitcast3A_1062 : vector<32xbf16>
        %min3A_1068 = arith.minimumf %min3A_1056, %abs3A_1067 : vector<32xbf16>
        %add3A_1069 = arith.constant 7 : i32
        %add3A_1070 = arith.addi %mul3A_111, %add3A_1069 : i32
        %get3A_1071 = arith.index_cast %add3A_1070 : i32 to index
        %get3A_1072 = arith.constant 48 : index
        %get3A_1073 = tpu.vector_load %arg11[%get3A_1071, %get3A_1072] {strides = array<i32>} : memref<120x64xi32, #tpu.memory_space<vmem>>, vector<16xi32>,
        %bitcast3A_1074 = vector.bitcast %get3A_1073 : vector<16xi32> to vector<32xbf16>
        %lt3A_1075 = arith.constant 0.000000e+00 : bf16
        %lt3A_1076 = vector.broadcast %lt3A_1075 : bf16 to vector<32xbf16>
        %lt3A_1077 = arith.cmpf olt, %bitcast3A_1074, %lt3A_1076 : vector<32xbf16>
        %ne3A_1078 = arith.xori %ne3A_1066, %lt3A_1077 : vector<32xi1>
        %abs3A_1079 = math.absf %bitcast3A_1074 : vector<32xbf16>
        %min3A_1080 = arith.minimumf %min3A_1068, %abs3A_1079 : vector<32xbf16>
        %add3A_1081 = arith.constant 8 : i32
        %add3A_1082 = arith.addi %mul3A_111, %add3A_1081 : i32
        %get3A_1083 = arith.index_cast %add3A_1082 : i32 to index
        %get3A_1084 = arith.constant 48 : index
        %get3A_1085 = tpu.vector_load %arg11[%get3A_1083, %get3A_1084] {strides = array<i32>} : memref<120x64xi32, #tpu.memory_space<vmem>>, vector<16xi32>,
        %bitcast3A_1086 = vector.bitcast %get3A_1085 : vector<16xi32> to vector<32xbf16>
        %lt3A_1087 = arith.constant 0.000000e+00 : bf16
        %lt3A_1088 = vector.broadcast %lt3A_1087 : bf16 to vector<32xbf16>
        %lt3A_1089 = arith.cmpf olt, %bitcast3A_1086, %lt3A_1088 : vector<32xbf16>
        %ne3A_1090 = arith.xori %ne3A_1078, %lt3A_1089 : vector<32xi1>
        %abs3A_1091 = math.absf %bitcast3A_1086 : vector<32xbf16>
        %min3A_1092 = arith.minimumf %min3A_1080, %abs3A_1091 : vector<32xbf16>
        %add3A_1093 = arith.constant 9 : i32
        %add3A_1094 = arith.addi %mul3A_111, %add3A_1093 : i32
        %get3A_1095 = arith.index_cast %add3A_1094 : i32 to index
        %get3A_1096 = arith.constant 48 : index
        %get3A_1097 = tpu.vector_load %arg11[%get3A_1095, %get3A_1096] {strides = array<i32>} : memref<120x64xi32, #tpu.memory_space<vmem>>, vector<16xi32>,
        %bitcast3A_1098 = vector.bitcast %get3A_1097 : vector<16xi32> to vector<32xbf16>
        %lt3A_1099 = arith.constant 0.000000e+00 : bf16
        %lt3A_1100 = vector.broadcast %lt3A_1099 : bf16 to vector<32xbf16>
        %lt3A_1101 = arith.cmpf olt, %bitcast3A_1098, %lt3A_1100 : vector<32xbf16>
        %ne3A_1102 = arith.xori %ne3A_1090, %lt3A_1101 : vector<32xi1>
        %abs3A_1103 = math.absf %bitcast3A_1098 : vector<32xbf16>
        %min3A_1104 = arith.minimumf %min3A_1092, %abs3A_1103 : vector<32xbf16>
        %add3A_1105 = arith.constant 10 : i32
        %add3A_1106 = arith.addi %mul3A_111, %add3A_1105 : i32
        %get3A_1107 = arith.index_cast %add3A_1106 : i32 to index
        %get3A_1108 = arith.constant 48 : index
        %get3A_1109 = tpu.vector_load %arg11[%get3A_1107, %get3A_1108] {strides = array<i32>} : memref<120x64xi32, #tpu.memory_space<vmem>>, vector<16xi32>,
        %bitcast3A_1110 = vector.bitcast %get3A_1109 : vector<16xi32> to vector<32xbf16>
        %lt3A_1111 = arith.constant 0.000000e+00 : bf16
        %lt3A_1112 = vector.broadcast %lt3A_1111 : bf16 to vector<32xbf16>
        %lt3A_1113 = arith.cmpf olt, %bitcast3A_1110, %lt3A_1112 : vector<32xbf16>
        %ne3A_1114 = arith.xori %ne3A_1102, %lt3A_1113 : vector<32xi1>
        %abs3A_1115 = math.absf %bitcast3A_1110 : vector<32xbf16>
        %min3A_1116 = arith.minimumf %min3A_1104, %abs3A_1115 : vector<32xbf16>
        %add3A_1117 = arith.constant 11 : i32
        %add3A_1118 = arith.addi %mul3A_111, %add3A_1117 : i32
        %get3A_1119 = arith.index_cast %add3A_1118 : i32 to index
        %get3A_1120 = arith.constant 48 : index
        %get3A_1121 = tpu.vector_load %arg11[%get3A_1119, %get3A_1120] {strides = array<i32>} : memref<120x64xi32, #tpu.memory_space<vmem>>, vector<16xi32>,
        %bitcast3A_1122 = vector.bitcast %get3A_1121 : vector<16xi32> to vector<32xbf16>
        %lt3A_1123 = arith.constant 0.000000e+00 : bf16
        %lt3A_1124 = vector.broadcast %lt3A_1123 : bf16 to vector<32xbf16>
        %lt3A_1125 = arith.cmpf olt, %bitcast3A_1122, %lt3A_1124 : vector<32xbf16>
        %ne3A_1126 = arith.xori %ne3A_1114, %lt3A_1125 : vector<32xi1>
        %abs3A_1127 = math.absf %bitcast3A_1122 : vector<32xbf16>
        %min3A_1128 = arith.minimumf %min3A_1116, %abs3A_1127 : vector<32xbf16>
        %add3A_1129 = arith.constant 12 : i32
        %add3A_1130 = arith.addi %mul3A_111, %add3A_1129 : i32
        %get3A_1131 = arith.index_cast %add3A_1130 : i32 to index
        %get3A_1132 = arith.constant 48 : index
        %get3A_1133 = tpu.vector_load %arg11[%get3A_1131, %get3A_1132] {strides = array<i32>} : memref<120x64xi32, #tpu.memory_space<vmem>>, vector<16xi32>,
        %bitcast3A_1134 = vector.bitcast %get3A_1133 : vector<16xi32> to vector<32xbf16>
        %lt3A_1135 = arith.constant 0.000000e+00 : bf16
        %lt3A_1136 = vector.broadcast %lt3A_1135 : bf16 to vector<32xbf16>
        %lt3A_1137 = arith.cmpf olt, %bitcast3A_1134, %lt3A_1136 : vector<32xbf16>
        %ne3A_1138 = arith.xori %ne3A_1126, %lt3A_1137 : vector<32xi1>
        %abs3A_1139 = math.absf %bitcast3A_1134 : vector<32xbf16>
        %min3A_1140 = arith.minimumf %min3A_1128, %abs3A_1139 : vector<32xbf16>
        %add3A_1141 = arith.constant 13 : i32
        %add3A_1142 = arith.addi %mul3A_111, %add3A_1141 : i32
        %get3A_1143 = arith.index_cast %add3A_1142 : i32 to index
        %get3A_1144 = arith.constant 48 : index
        %get3A_1145 = tpu.vector_load %arg11[%get3A_1143, %get3A_1144] {strides = array<i32>} : memref<120x64xi32, #tpu.memory_space<vmem>>, vector<16xi32>,
        %bitcast3A_1146 = vector.bitcast %get3A_1145 : vector<16xi32> to vector<32xbf16>
        %lt3A_1147 = arith.constant 0.000000e+00 : bf16
        %lt3A_1148 = vector.broadcast %lt3A_1147 : bf16 to vector<32xbf16>
        %lt3A_1149 = arith.cmpf olt, %bitcast3A_1146, %lt3A_1148 : vector<32xbf16>
        %ne3A_1150 = arith.xori %ne3A_1138, %lt3A_1149 : vector<32xi1>
        %abs3A_1151 = math.absf %bitcast3A_1146 : vector<32xbf16>
        %min3A_1152 = arith.minimumf %min3A_1140, %abs3A_1151 : vector<32xbf16>
        %add3A_1153 = arith.constant 14 : i32
        %add3A_1154 = arith.addi %mul3A_111, %add3A_1153 : i32
        %get3A_1155 = arith.index_cast %add3A_1154 : i32 to index
        %get3A_1156 = arith.constant 48 : index
        %get3A_1157 = tpu.vector_load %arg11[%get3A_1155, %get3A_1156] {strides = array<i32>} : memref<120x64xi32, #tpu.memory_space<vmem>>, vector<16xi32>,
        %bitcast3A_1158 = vector.bitcast %get3A_1157 : vector<16xi32> to vector<32xbf16>
        %lt3A_1159 = arith.constant 0.000000e+00 : bf16
        %lt3A_1160 = vector.broadcast %lt3A_1159 : bf16 to vector<32xbf16>
        %lt3A_1161 = arith.cmpf olt, %bitcast3A_1158, %lt3A_1160 : vector<32xbf16>
        %ne3A_1162 = arith.xori %ne3A_1150, %lt3A_1161 : vector<32xi1>
        %abs3A_1163 = math.absf %bitcast3A_1158 : vector<32xbf16>
        %min3A_1164 = arith.minimumf %min3A_1152, %abs3A_1163 : vector<32xbf16>
        %add3A_1165 = arith.constant 15 : i32
        %add3A_1166 = arith.addi %mul3A_111, %add3A_1165 : i32
        %get3A_1167 = arith.index_cast %add3A_1166 : i32 to index
        %get3A_1168 = arith.constant 48 : index
        %get3A_1169 = tpu.vector_load %arg11[%get3A_1167, %get3A_1168] {strides = array<i32>} : memref<120x64xi32, #tpu.memory_space<vmem>>, vector<16xi32>,
        %bitcast3A_1170 = vector.bitcast %get3A_1169 : vector<16xi32> to vector<32xbf16>
        %lt3A_1171 = arith.constant 0.000000e+00 : bf16
        %lt3A_1172 = vector.broadcast %lt3A_1171 : bf16 to vector<32xbf16>
        %lt3A_1173 = arith.cmpf olt, %bitcast3A_1170, %lt3A_1172 : vector<32xbf16>
        %ne3A_1174 = arith.xori %ne3A_1162, %lt3A_1173 : vector<32xi1>
        %abs3A_1175 = math.absf %bitcast3A_1170 : vector<32xbf16>
        %min3A_1176 = arith.minimumf %min3A_1164, %abs3A_1175 : vector<32xbf16>
        %add3A_1177 = arith.constant 16 : i32
        %add3A_1178 = arith.addi %mul3A_111, %add3A_1177 : i32
        %get3A_1179 = arith.index_cast %add3A_1178 : i32 to index
        %get3A_1180 = arith.constant 48 : index
        %get3A_1181 = tpu.vector_load %arg11[%get3A_1179, %get3A_1180] {strides = array<i32>} : memref<120x64xi32, #tpu.memory_space<vmem>>, vector<16xi32>,
        %bitcast3A_1182 = vector.bitcast %get3A_1181 : vector<16xi32> to vector<32xbf16>
        %lt3A_1183 = arith.constant 0.000000e+00 : bf16
        %lt3A_1184 = vector.broadcast %lt3A_1183 : bf16 to vector<32xbf16>
        %lt3A_1185 = arith.cmpf olt, %bitcast3A_1182, %lt3A_1184 : vector<32xbf16>
        %ne3A_1186 = arith.xori %ne3A_1174, %lt3A_1185 : vector<32xi1>
        %abs3A_1187 = math.absf %bitcast3A_1182 : vector<32xbf16>
        %min3A_1188 = arith.minimumf %min3A_1176, %abs3A_1187 : vector<32xbf16>
        %add3A_1189 = arith.constant 17 : i32
        %add3A_1190 = arith.addi %mul3A_111, %add3A_1189 : i32
        %get3A_1191 = arith.index_cast %add3A_1190 : i32 to index
        %get3A_1192 = arith.constant 48 : index
        %get3A_1193 = tpu.vector_load %arg11[%get3A_1191, %get3A_1192] {strides = array<i32>} : memref<120x64xi32, #tpu.memory_space<vmem>>, vector<16xi32>,
        %bitcast3A_1194 = vector.bitcast %get3A_1193 : vector<16xi32> to vector<32xbf16>
        %lt3A_1195 = arith.constant 0.000000e+00 : bf16
        %lt3A_1196 = vector.broadcast %lt3A_1195 : bf16 to vector<32xbf16>
        %lt3A_1197 = arith.cmpf olt, %bitcast3A_1194, %lt3A_1196 : vector<32xbf16>
        %ne3A_1198 = arith.xori %ne3A_1186, %lt3A_1197 : vector<32xi1>
        %abs3A_1199 = math.absf %bitcast3A_1194 : vector<32xbf16>
        %min3A_1200 = arith.minimumf %min3A_1188, %abs3A_1199 : vector<32xbf16>
        %add3A_1201 = arith.constant 18 : i32
        %add3A_1202 = arith.addi %mul3A_111, %add3A_1201 : i32
        %get3A_1203 = arith.index_cast %add3A_1202 : i32 to index
        %get3A_1204 = arith.constant 48 : index
        %get3A_1205 = tpu.vector_load %arg11[%get3A_1203, %get3A_1204] {strides = array<i32>} : memref<120x64xi32, #tpu.memory_space<vmem>>, vector<16xi32>,
        %bitcast3A_1206 = vector.bitcast %get3A_1205 : vector<16xi32> to vector<32xbf16>
        %lt3A_1207 = arith.constant 0.000000e+00 : bf16
        %lt3A_1208 = vector.broadcast %lt3A_1207 : bf16 to vector<32xbf16>
        %lt3A_1209 = arith.cmpf olt, %bitcast3A_1206, %lt3A_1208 : vector<32xbf16>
        %ne3A_1210 = arith.xori %ne3A_1198, %lt3A_1209 : vector<32xi1>
        %abs3A_1211 = math.absf %bitcast3A_1206 : vector<32xbf16>
        %min3A_1212 = arith.minimumf %min3A_1200, %abs3A_1211 : vector<32xbf16>
        %neg3A_1213 = arith.constant 0.000000e+00 : bf16
        %neg3A_1214 = vector.broadcast %neg3A_1213 : bf16 to vector<32xbf16>
        %neg3A_1215 = arith.subf %neg3A_1214, %min3A_1212 : vector<32xbf16>
        %select_n3A_1216 = arith.select %ne3A_1210, %neg3A_1215, %min3A_1212 : vector<32xi1>, vector<32xbf16>
        %unpack3A_1217 = tpu.unpack_subelements %select_n3A_1216, 0 {pack_format = #tpu.pack_format<interleaved>} : vector<32xbf16> -> vector<16xf32>
        %unpack3A_1218 = tpu.unpack_subelements %select_n3A_1216, 1 {pack_format = #tpu.pack_format<interleaved>} : vector<32xbf16> -> vector<16xf32>
        %add3A_1219 = arith.constant 19 : i32
        %add3A_1220 = arith.addi %mul3A_111, %add3A_1219 : i32
        %get3A_1221 = arith.index_cast %add3A_1220 : i32 to index
        %get3A_1222 = arith.constant 48 : index
        %get3A_1223 = tpu.vector_load %arg11[%get3A_1221, %get3A_1222] {strides = array<i32>} : memref<120x64xi32, #tpu.memory_space<vmem>>, vector<16xi32>,
        %bitcast3A_1224 = vector.bitcast %get3A_1223 : vector<16xi32> to vector<32xbf16>
        %unpack3A_1225 = tpu.unpack_subelements %bitcast3A_1224, 0 {pack_format = #tpu.pack_format<interleaved>} : vector<32xbf16> -> vector<16xf32>
        %unpack3A_1226 = tpu.unpack_subelements %bitcast3A_1224, 1 {pack_format = #tpu.pack_format<interleaved>} : vector<32xbf16> -> vector<16xf32>
        %get3A_1227 = arith.index_cast %add3A_102 : i32 to index
        %get3A_1228 = arith.constant 96 : index
        %get3A_1229 = tpu.vector_load %arg12[%get3A_1227, %get3A_1228] {strides = array<i32>} : memref<264x128xf32, #tpu.memory_space<vmem>>, vector<16xf32>,
        %mul3A_1230 = vector.broadcast %squeeze3A : f32 to vector<16xf32>
        %mul3A_1231 = arith.mulf %mul3A_1230, %unpack3A_1217 : vector<16xf32>
        %add3A_1232 = arith.addf %get3A_1229, %mul3A_1231 : vector<16xf32>
        %mul3A_1233 = vector.broadcast %squeeze3A_107 : f32 to vector<16xf32>
        %mul3A_1234 = arith.mulf %mul3A_1233, %unpack3A_1225 : vector<16xf32>
        %add3A_1235 = arith.addf %add3A_1232, %mul3A_1234 : vector<16xf32>
        %get3A_1236 = arith.index_cast %add3A_102 : i32 to index
        %get3A_1237 = arith.constant 96 : index
        %get3A_1238 = tpu.vector_load %arg13[%get3A_1236, %get3A_1237] {strides = array<i32>} : memref<264x128xf32, #tpu.memory_space<vmem>>, vector<16xf32>,
        %mul3A_1239 = vector.broadcast %squeeze3A_109 : f32 to vector<16xf32>
        %mul3A_1240 = arith.mulf %mul3A_1239, %get3A_1238 : vector<16xf32>
        %add3A_1241 = arith.addf %add3A_1235, %mul3A_1240 : vector<16xf32>
        %swap3A_1242 = arith.index_cast %add3A_102 : i32 to index
        %swap3A_1243 = arith.constant 96 : index
        %swap3A_1244 = tpu.vector_load %arg12[%swap3A_1242, %swap3A_1243] {strides = array<i32>} : memref<264x128xf32, #tpu.memory_space<vmem>>, vector<16xf32>,
        tpu.vector_store %arg12[%swap3A_1242, %swap3A_1243], %add3A_1241 {strides = array<i32>} : memref<264x128xf32, #tpu.memory_space<vmem>>, vector<16xf32>,
        %get3A_1245 = arith.index_cast %add3A_102 : i32 to index
        %get3A_1246 = arith.constant 112 : index
        %get3A_1247 = tpu.vector_load %arg12[%get3A_1245, %get3A_1246] {strides = array<i32>} : memref<264x128xf32, #tpu.memory_space<vmem>>, vector<16xf32>,
        %mul3A_1248 = vector.broadcast %squeeze3A : f32 to vector<16xf32>
        %mul3A_1249 = arith.mulf %mul3A_1248, %unpack3A_1218 : vector<16xf32>
        %add3A_1250 = arith.addf %get3A_1247, %mul3A_1249 : vector<16xf32>
        %mul3A_1251 = vector.broadcast %squeeze3A_107 : f32 to vector<16xf32>
        %mul3A_1252 = arith.mulf %mul3A_1251, %unpack3A_1226 : vector<16xf32>
        %add3A_1253 = arith.addf %add3A_1250, %mul3A_1252 : vector<16xf32>
        %get3A_1254 = arith.index_cast %add3A_102 : i32 to index
        %get3A_1255 = arith.constant 112 : index
        %get3A_1256 = tpu.vector_load %arg13[%get3A_1254, %get3A_1255] {strides = array<i32>} : memref<264x128xf32, #tpu.memory_space<vmem>>, vector<16xf32>,
        %mul3A_1257 = vector.broadcast %squeeze3A_109 : f32 to vector<16xf32>
        %mul3A_1258 = arith.mulf %mul3A_1257, %get3A_1256 : vector<16xf32>
        %add3A_1259 = arith.addf %add3A_1253, %mul3A_1258 : vector<16xf32>
        %swap3A_1260 = arith.index_cast %add3A_102 : i32 to index
        %swap3A_1261 = arith.constant 112 : index
        %swap3A_1262 = tpu.vector_load %arg12[%swap3A_1260, %swap3A_1261] {strides = array<i32>} : memref<264x128xf32, #tpu.memory_space<vmem>>, vector<16xf32>,
        tpu.vector_store %arg12[%swap3A_1260, %swap3A_1261], %add3A_1259 {strides = array<i32>} : memref<264x128xf32, #tpu.memory_space<vmem>>, vector<16xf32>,
        %bitcast3A_1263 = vector.bitcast %add3A_1241 : vector<16xf32> to vector<16xi32>
        %add3A_1264 = arith.constant 32768 : i32
        %add3A_1265 = vector.broadcast %add3A_1264 : i32 to vector<16xi32>
        %add3A_1266 = arith.addi %bitcast3A_1263, %add3A_1265 : vector<16xi32>
        %shift_right_logical3A_1267 = arith.constant 16 : i32
        %shift_right_logical3A_1268 = vector.broadcast %shift_right_logical3A_1267 : i32 to vector<16xi32>
        %shift_right_logical3A_1269 = arith.shrui %add3A_1266, %shift_right_logical3A_1268 : vector<16xi32>
        %bitcast3A_1270 = vector.bitcast %add3A_1259 : vector<16xf32> to vector<16xi32>
        %add3A_1271 = arith.constant 32768 : i32
        %add3A_1272 = vector.broadcast %add3A_1271 : i32 to vector<16xi32>
        %add3A_1273 = arith.addi %bitcast3A_1270, %add3A_1272 : vector<16xi32>
        %shift_right_logical3A_1274 = arith.constant 16 : i32
        %shift_right_logical3A_1275 = vector.broadcast %shift_right_logical3A_1274 : i32 to vector<16xi32>
        %shift_right_logical3A_1276 = arith.shrui %add3A_1273, %shift_right_logical3A_1275 : vector<16xi32>
        %shift_left3A_1277 = arith.constant 16 : i32
        %shift_left3A_1278 = vector.broadcast %shift_left3A_1277 : i32 to vector<16xi32>
        %shift_left3A_1279 = arith.shli %shift_right_logical3A_1276, %shift_left3A_1278 : vector<16xi32>
        %or3A_1280 = arith.ori %shift_right_logical3A_1269, %shift_left3A_1279 : vector<16xi32>
        %bitcast3A_1281 = vector.bitcast %or3A_1280 : vector<16xi32> to vector<16xi32>
        %swap3A_1282 = arith.index_cast %add3A_102 : i32 to index
        %swap3A_1283 = arith.constant 48 : index
        %swap3A_1284 = tpu.vector_load %arg14[%swap3A_1282, %swap3A_1283] {strides = array<i32>} : memref<264x64xi32, #tpu.memory_space<vmem>>, vector<16xi32>,
        tpu.vector_store %arg14[%swap3A_1282, %swap3A_1283], %bitcast3A_1281 {strides = array<i32>} : memref<264x64xi32, #tpu.memory_space<vmem>>, vector<16xi32>,
        %scan3A_1285 = arith.constant 1 : i32
        %scan3A_1286 = arith.addi %scan3A_99, %scan3A_1285 : i32
        %mul3A_1287 = arith.constant 6 : i32
        %mul3A_1288 = arith.muli %add3A_80, %mul3A_1287 : i32
        %add3A_1289 = arith.addi %mul3A_1288, %scan3A_1286 : i32
        %mul3A_1290 = arith.constant 3 : i32
        %mul3A_1291 = arith.muli %add3A_1289, %mul3A_1290 : i32
        %get3A_1292 = arith.index_cast %mul3A_1291 : i32 to index
        %get3A_1293 = tpu.vector_load %arg15[%get3A_1292] {strides = array<i32>} : memref<808xf32, #tpu.memory_space<vmem>>, vector<16xf32>,
        %slice3A_1294 = vector.extract_strided_slice %get3A_1293 {offsets = [0], sizes = [1], strides = [1]} : vector<16xf32> to vector<1xf32>
        %squeeze3A_1295 = vector.extract %slice3A_1294[0] : f32 from vector<1xf32>
        %slice3A_1296 = vector.extract_strided_slice %get3A_1293 {offsets = [1], sizes = [1], strides = [1]} : vector<16xf32> to vector<1xf32>
        %squeeze3A_1297 = vector.extract %slice3A_1296[0] : f32 from vector<1xf32>
        %slice3A_1298 = vector.extract_strided_slice %get3A_1293 {offsets = [2], sizes = [1], strides = [1]} : vector<16xf32> to vector<1xf32>
        %squeeze3A_1299 = vector.extract %slice3A_1298[0] : f32 from vector<1xf32>
        %mul3A_1300 = arith.constant 20 : i32
        %mul3A_1301 = arith.muli %scan3A_1286, %mul3A_1300 : i32
        %get3A_1302 = arith.index_cast %mul3A_1301 : i32 to index
        %get3A_1303 = arith.constant 0 : index
        %get3A_1304 = tpu.vector_load %arg11[%get3A_1302, %get3A_1303] {strides = array<i32>} : memref<120x64xi32, #tpu.memory_space<vmem>>, vector<16xi32>,
        %bitcast3A_1305 = vector.bitcast %get3A_1304 : vector<16xi32> to vector<32xbf16>
        %lt3A_1306 = arith.constant 0.000000e+00 : bf16
        %lt3A_1307 = vector.broadcast %lt3A_1306 : bf16 to vector<32xbf16>
        %lt3A_1308 = arith.cmpf olt, %bitcast3A_1305, %lt3A_1307 : vector<32xbf16>
        %abs3A_1309 = math.absf %bitcast3A_1305 : vector<32xbf16>
        %add3A_1310 = arith.constant 1 : i32
        %add3A_1311 = arith.addi %mul3A_1301, %add3A_1310 : i32
        %get3A_1312 = arith.index_cast %add3A_1311 : i32 to index
        %get3A_1313 = arith.constant 0 : index
        %get3A_1314 = tpu.vector_load %arg11[%get3A_1312, %get3A_1313] {strides = array<i32>} : memref<120x64xi32, #tpu.memory_space<vmem>>, vector<16xi32>,
        %bitcast3A_1315 = vector.bitcast %get3A_1314 : vector<16xi32> to vector<32xbf16>
        %lt3A_1316 = arith.constant 0.000000e+00 : bf16
        %lt3A_1317 = vector.broadcast %lt3A_1316 : bf16 to vector<32xbf16>
        %lt3A_1318 = arith.cmpf olt, %bitcast3A_1315, %lt3A_1317 : vector<32xbf16>
        %ne3A_1319 = arith.xori %lt3A_1308, %lt3A_1318 : vector<32xi1>
        %abs3A_1320 = math.absf %bitcast3A_1315 : vector<32xbf16>
        %min3A_1321 = arith.minimumf %abs3A_1309, %abs3A_1320 : vector<32xbf16>
        %add3A_1322 = arith.constant 2 : i32
        %add3A_1323 = arith.addi %mul3A_1301, %add3A_1322 : i32
        %get3A_1324 = arith.index_cast %add3A_1323 : i32 to index
        %get3A_1325 = arith.constant 0 : index
        %get3A_1326 = tpu.vector_load %arg11[%get3A_1324, %get3A_1325] {strides = array<i32>} : memref<120x64xi32, #tpu.memory_space<vmem>>, vector<16xi32>,
        %bitcast3A_1327 = vector.bitcast %get3A_1326 : vector<16xi32> to vector<32xbf16>
        %lt3A_1328 = arith.constant 0.000000e+00 : bf16
        %lt3A_1329 = vector.broadcast %lt3A_1328 : bf16 to vector<32xbf16>
        %lt3A_1330 = arith.cmpf olt, %bitcast3A_1327, %lt3A_1329 : vector<32xbf16>
        %ne3A_1331 = arith.xori %ne3A_1319, %lt3A_1330 : vector<32xi1>
        %abs3A_1332 = math.absf %bitcast3A_1327 : vector<32xbf16>
        %min3A_1333 = arith.minimumf %min3A_1321, %abs3A_1332 : vector<32xbf16>
        %add3A_1334 = arith.constant 3 : i32
        %add3A_1335 = arith.addi %mul3A_1301, %add3A_1334 : i32
        %get3A_1336 = arith.index_cast %add3A_1335 : i32 to index
        %get3A_1337 = arith.constant 0 : index
        %get3A_1338 = tpu.vector_load %arg11[%get3A_1336, %get3A_1337] {strides = array<i32>} : memref<120x64xi32, #tpu.memory_space<vmem>>, vector<16xi32>,
        %bitcast3A_1339 = vector.bitcast %get3A_1338 : vector<16xi32> to vector<32xbf16>
        %lt3A_1340 = arith.constant 0.000000e+00 : bf16
        %lt3A_1341 = vector.broadcast %lt3A_1340 : bf16 to vector<32xbf16>
        %lt3A_1342 = arith.cmpf olt, %bitcast3A_1339, %lt3A_1341 : vector<32xbf16>
        %ne3A_1343 = arith.xori %ne3A_1331, %lt3A_1342 : vector<32xi1>
        %abs3A_1344 = math.absf %bitcast3A_1339 : vector<32xbf16>
        %min3A_1345 = arith.minimumf %min3A_1333, %abs3A_1344 : vector<32xbf16>
        %add3A_1346 = arith.constant 4 : i32
        %add3A_1347 = arith.addi %mul3A_1301, %add3A_1346 : i32
        %get3A_1348 = arith.index_cast %add3A_1347 : i32 to index
        %get3A_1349 = arith.constant 0 : index
        %get3A_1350 = tpu.vector_load %arg11[%get3A_1348, %get3A_1349] {strides = array<i32>} : memref<120x64xi32, #tpu.memory_space<vmem>>, vector<16xi32>,
        %bitcast3A_1351 = vector.bitcast %get3A_1350 : vector<16xi32> to vector<32xbf16>
        %lt3A_1352 = arith.constant 0.000000e+00 : bf16
        %lt3A_1353 = vector.broadcast %lt3A_1352 : bf16 to vector<32xbf16>
        %lt3A_1354 = arith.cmpf olt, %bitcast3A_1351, %lt3A_1353 : vector<32xbf16>
        %ne3A_1355 = arith.xori %ne3A_1343, %lt3A_1354 : vector<32xi1>
        %abs3A_1356 = math.absf %bitcast3A_1351 : vector<32xbf16>
        %min3A_1357 = arith.minimumf %min3A_1345, %abs3A_1356 : vector<32xbf16>
        %add3A_1358 = arith.constant 5 : i32
        %add3A_1359 = arith.addi %mul3A_1301, %add3A_1358 : i32
        %get3A_1360 = arith.index_cast %add3A_1359 : i32 to index
        %get3A_1361 = arith.constant 0 : index
        %get3A_1362 = tpu.vector_load %arg11[%get3A_1360, %get3A_1361] {strides = array<i32>} : memref<120x64xi32, #tpu.memory_space<vmem>>, vector<16xi32>,
        %bitcast3A_1363 = vector.bitcast %get3A_1362 : vector<16xi32> to vector<32xbf16>
        %lt3A_1364 = arith.constant 0.000000e+00 : bf16
        %lt3A_1365 = vector.broadcast %lt3A_1364 : bf16 to vector<32xbf16>
        %lt3A_1366 = arith.cmpf olt, %bitcast3A_1363, %lt3A_1365 : vector<32xbf16>
        %ne3A_1367 = arith.xori %ne3A_1355, %lt3A_1366 : vector<32xi1>
        %abs3A_1368 = math.absf %bitcast3A_1363 : vector<32xbf16>
        %min3A_1369 = arith.minimumf %min3A_1357, %abs3A_1368 : vector<32xbf16>
        %add3A_1370 = arith.constant 6 : i32
        %add3A_1371 = arith.addi %mul3A_1301, %add3A_1370 : i32
        %get3A_1372 = arith.index_cast %add3A_1371 : i32 to index
        %get3A_1373 = arith.constant 0 : index
        %get3A_1374 = tpu.vector_load %arg11[%get3A_1372, %get3A_1373] {strides = array<i32>} : memref<120x64xi32, #tpu.memory_space<vmem>>, vector<16xi32>,
        %bitcast3A_1375 = vector.bitcast %get3A_1374 : vector<16xi32> to vector<32xbf16>
        %lt3A_1376 = arith.constant 0.000000e+00 : bf16
        %lt3A_1377 = vector.broadcast %lt3A_1376 : bf16 to vector<32xbf16>
        %lt3A_1378 = arith.cmpf olt, %bitcast3A_1375, %lt3A_1377 : vector<32xbf16>
        %ne3A_1379 = arith.xori %ne3A_1367, %lt3A_1378 : vector<32xi1>
        %abs3A_1380 = math.absf %bitcast3A_1375 : vector<32xbf16>
        %min3A_1381 = arith.minimumf %min3A_1369, %abs3A_1380 : vector<32xbf16>
        %add3A_1382 = arith.constant 7 : i32
        %add3A_1383 = arith.addi %mul3A_1301, %add3A_1382 : i32
        %get3A_1384 = arith.index_cast %add3A_1383 : i32 to index
        %get3A_1385 = arith.constant 0 : index
        %get3A_1386 = tpu.vector_load %arg11[%get3A_1384, %get3A_1385] {strides = array<i32>} : memref<120x64xi32, #tpu.memory_space<vmem>>, vector<16xi32>,
        %bitcast3A_1387 = vector.bitcast %get3A_1386 : vector<16xi32> to vector<32xbf16>
        %lt3A_1388 = arith.constant 0.000000e+00 : bf16
        %lt3A_1389 = vector.broadcast %lt3A_1388 : bf16 to vector<32xbf16>
        %lt3A_1390 = arith.cmpf olt, %bitcast3A_1387, %lt3A_1389 : vector<32xbf16>
        %ne3A_1391 = arith.xori %ne3A_1379, %lt3A_1390 : vector<32xi1>
        %abs3A_1392 = math.absf %bitcast3A_1387 : vector<32xbf16>
        %min3A_1393 = arith.minimumf %min3A_1381, %abs3A_1392 : vector<32xbf16>
        %add3A_1394 = arith.constant 8 : i32
        %add3A_1395 = arith.addi %mul3A_1301, %add3A_1394 : i32
        %get3A_1396 = arith.index_cast %add3A_1395 : i32 to index
        %get3A_1397 = arith.constant 0 : index
        %get3A_1398 = tpu.vector_load %arg11[%get3A_1396, %get3A_1397] {strides = array<i32>} : memref<120x64xi32, #tpu.memory_space<vmem>>, vector<16xi32>,
        %bitcast3A_1399 = vector.bitcast %get3A_1398 : vector<16xi32> to vector<32xbf16>
        %lt3A_1400 = arith.constant 0.000000e+00 : bf16
        %lt3A_1401 = vector.broadcast %lt3A_1400 : bf16 to vector<32xbf16>
        %lt3A_1402 = arith.cmpf olt, %bitcast3A_1399, %lt3A_1401 : vector<32xbf16>
        %ne3A_1403 = arith.xori %ne3A_1391, %lt3A_1402 : vector<32xi1>
        %abs3A_1404 = math.absf %bitcast3A_1399 : vector<32xbf16>
        %min3A_1405 = arith.minimumf %min3A_1393, %abs3A_1404 : vector<32xbf16>
        %add3A_1406 = arith.constant 9 : i32
        %add3A_1407 = arith.addi %mul3A_1301, %add3A_1406 : i32
        %get3A_1408 = arith.index_cast %add3A_1407 : i32 to index
        %get3A_1409 = arith.constant 0 : index
        %get3A_1410 = tpu.vector_load %arg11[%get3A_1408, %get3A_1409] {strides = array<i32>} : memref<120x64xi32, #tpu.memory_space<vmem>>, vector<16xi32>,
        %bitcast3A_1411 = vector.bitcast %get3A_1410 : vector<16xi32> to vector<32xbf16>
        %lt3A_1412 = arith.constant 0.000000e+00 : bf16
        %lt3A_1413 = vector.broadcast %lt3A_1412 : bf16 to vector<32xbf16>
        %lt3A_1414 = arith.cmpf olt, %bitcast3A_1411, %lt3A_1413 : vector<32xbf16>
        %ne3A_1415 = arith.xori %ne3A_1403, %lt3A_1414 : vector<32xi1>
        %abs3A_1416 = math.absf %bitcast3A_1411 : vector<32xbf16>
        %min3A_1417 = arith.minimumf %min3A_1405, %abs3A_1416 : vector<32xbf16>
        %add3A_1418 = arith.constant 10 : i32
        %add3A_1419 = arith.addi %mul3A_1301, %add3A_1418 : i32
        %get3A_1420 = arith.index_cast %add3A_1419 : i32 to index
        %get3A_1421 = arith.constant 0 : index
        %get3A_1422 = tpu.vector_load %arg11[%get3A_1420, %get3A_1421] {strides = array<i32>} : memref<120x64xi32, #tpu.memory_space<vmem>>, vector<16xi32>,
        %bitcast3A_1423 = vector.bitcast %get3A_1422 : vector<16xi32> to vector<32xbf16>
        %lt3A_1424 = arith.constant 0.000000e+00 : bf16
        %lt3A_1425 = vector.broadcast %lt3A_1424 : bf16 to vector<32xbf16>
        %lt3A_1426 = arith.cmpf olt, %bitcast3A_1423, %lt3A_1425 : vector<32xbf16>
        %ne3A_1427 = arith.xori %ne3A_1415, %lt3A_1426 : vector<32xi1>
        %abs3A_1428 = math.absf %bitcast3A_1423 : vector<32xbf16>
        %min3A_1429 = arith.minimumf %min3A_1417, %abs3A_1428 : vector<32xbf16>
        %add3A_1430 = arith.constant 11 : i32
        %add3A_1431 = arith.addi %mul3A_1301, %add3A_1430 : i32
        %get3A_1432 = arith.index_cast %add3A_1431 : i32 to index
        %get3A_1433 = arith.constant 0 : index
        %get3A_1434 = tpu.vector_load %arg11[%get3A_1432, %get3A_1433] {strides = array<i32>} : memref<120x64xi32, #tpu.memory_space<vmem>>, vector<16xi32>,
        %bitcast3A_1435 = vector.bitcast %get3A_1434 : vector<16xi32> to vector<32xbf16>
        %lt3A_1436 = arith.constant 0.000000e+00 : bf16
        %lt3A_1437 = vector.broadcast %lt3A_1436 : bf16 to vector<32xbf16>
        %lt3A_1438 = arith.cmpf olt, %bitcast3A_1435, %lt3A_1437 : vector<32xbf16>
        %ne3A_1439 = arith.xori %ne3A_1427, %lt3A_1438 : vector<32xi1>
        %abs3A_1440 = math.absf %bitcast3A_1435 : vector<32xbf16>
        %min3A_1441 = arith.minimumf %min3A_1429, %abs3A_1440 : vector<32xbf16>
        %add3A_1442 = arith.constant 12 : i32
        %add3A_1443 = arith.addi %mul3A_1301, %add3A_1442 : i32
        %get3A_1444 = arith.index_cast %add3A_1443 : i32 to index
        %get3A_1445 = arith.constant 0 : index
        %get3A_1446 = tpu.vector_load %arg11[%get3A_1444, %get3A_1445] {strides = array<i32>} : memref<120x64xi32, #tpu.memory_space<vmem>>, vector<16xi32>,
        %bitcast3A_1447 = vector.bitcast %get3A_1446 : vector<16xi32> to vector<32xbf16>
        %lt3A_1448 = arith.constant 0.000000e+00 : bf16
        %lt3A_1449 = vector.broadcast %lt3A_1448 : bf16 to vector<32xbf16>
        %lt3A_1450 = arith.cmpf olt, %bitcast3A_1447, %lt3A_1449 : vector<32xbf16>
        %ne3A_1451 = arith.xori %ne3A_1439, %lt3A_1450 : vector<32xi1>
        %abs3A_1452 = math.absf %bitcast3A_1447 : vector<32xbf16>
        %min3A_1453 = arith.minimumf %min3A_1441, %abs3A_1452 : vector<32xbf16>
        %add3A_1454 = arith.constant 13 : i32
        %add3A_1455 = arith.addi %mul3A_1301, %add3A_1454 : i32
        %get3A_1456 = arith.index_cast %add3A_1455 : i32 to index
        %get3A_1457 = arith.constant 0 : index
        %get3A_1458 = tpu.vector_load %arg11[%get3A_1456, %get3A_1457] {strides = array<i32>} : memref<120x64xi32, #tpu.memory_space<vmem>>, vector<16xi32>,
        %bitcast3A_1459 = vector.bitcast %get3A_1458 : vector<16xi32> to vector<32xbf16>
        %lt3A_1460 = arith.constant 0.000000e+00 : bf16
        %lt3A_1461 = vector.broadcast %lt3A_1460 : bf16 to vector<32xbf16>
        %lt3A_1462 = arith.cmpf olt, %bitcast3A_1459, %lt3A_1461 : vector<32xbf16>
        %ne3A_1463 = arith.xori %ne3A_1451, %lt3A_1462 : vector<32xi1>
        %abs3A_1464 = math.absf %bitcast3A_1459 : vector<32xbf16>
        %min3A_1465 = arith.minimumf %min3A_1453, %abs3A_1464 : vector<32xbf16>
        %add3A_1466 = arith.constant 14 : i32
        %add3A_1467 = arith.addi %mul3A_1301, %add3A_1466 : i32
        %get3A_1468 = arith.index_cast %add3A_1467 : i32 to index
        %get3A_1469 = arith.constant 0 : index
        %get3A_1470 = tpu.vector_load %arg11[%get3A_1468, %get3A_1469] {strides = array<i32>} : memref<120x64xi32, #tpu.memory_space<vmem>>, vector<16xi32>,
        %bitcast3A_1471 = vector.bitcast %get3A_1470 : vector<16xi32> to vector<32xbf16>
        %lt3A_1472 = arith.constant 0.000000e+00 : bf16
        %lt3A_1473 = vector.broadcast %lt3A_1472 : bf16 to vector<32xbf16>
        %lt3A_1474 = arith.cmpf olt, %bitcast3A_1471, %lt3A_1473 : vector<32xbf16>
        %ne3A_1475 = arith.xori %ne3A_1463, %lt3A_1474 : vector<32xi1>
        %abs3A_1476 = math.absf %bitcast3A_1471 : vector<32xbf16>
        %min3A_1477 = arith.minimumf %min3A_1465, %abs3A_1476 : vector<32xbf16>
        %add3A_1478 = arith.constant 15 : i32
        %add3A_1479 = arith.addi %mul3A_1301, %add3A_1478 : i32
        %get3A_1480 = arith.index_cast %add3A_1479 : i32 to index
        %get3A_1481 = arith.constant 0 : index
        %get3A_1482 = tpu.vector_load %arg11[%get3A_1480, %get3A_1481] {strides = array<i32>} : memref<120x64xi32, #tpu.memory_space<vmem>>, vector<16xi32>,
        %bitcast3A_1483 = vector.bitcast %get3A_1482 : vector<16xi32> to vector<32xbf16>
        %lt3A_1484 = arith.constant 0.000000e+00 : bf16
        %lt3A_1485 = vector.broadcast %lt3A_1484 : bf16 to vector<32xbf16>
        %lt3A_1486 = arith.cmpf olt, %bitcast3A_1483, %lt3A_1485 : vector<32xbf16>
        %ne3A_1487 = arith.xori %ne3A_1475, %lt3A_1486 : vector<32xi1>
        %abs3A_1488 = math.absf %bitcast3A_1483 : vector<32xbf16>
        %min3A_1489 = arith.minimumf %min3A_1477, %abs3A_1488 : vector<32xbf16>
        %add3A_1490 = arith.constant 16 : i32
        %add3A_1491 = arith.addi %mul3A_1301, %add3A_1490 : i32
        %get3A_1492 = arith.index_cast %add3A_1491 : i32 to index
        %get3A_1493 = arith.constant 0 : index
        %get3A_1494 = tpu.vector_load %arg11[%get3A_1492, %get3A_1493] {strides = array<i32>} : memref<120x64xi32, #tpu.memory_space<vmem>>, vector<16xi32>,
        %bitcast3A_1495 = vector.bitcast %get3A_1494 : vector<16xi32> to vector<32xbf16>
        %lt3A_1496 = arith.constant 0.000000e+00 : bf16
        %lt3A_1497 = vector.broadcast %lt3A_1496 : bf16 to vector<32xbf16>
        %lt3A_1498 = arith.cmpf olt, %bitcast3A_1495, %lt3A_1497 : vector<32xbf16>
        %ne3A_1499 = arith.xori %ne3A_1487, %lt3A_1498 : vector<32xi1>
        %abs3A_1500 = math.absf %bitcast3A_1495 : vector<32xbf16>
        %min3A_1501 = arith.minimumf %min3A_1489, %abs3A_1500 : vector<32xbf16>
        %add3A_1502 = arith.constant 17 : i32
        %add3A_1503 = arith.addi %mul3A_1301, %add3A_1502 : i32
        %get3A_1504 = arith.index_cast %add3A_1503 : i32 to index
        %get3A_1505 = arith.constant 0 : index
        %get3A_1506 = tpu.vector_load %arg11[%get3A_1504, %get3A_1505] {strides = array<i32>} : memref<120x64xi32, #tpu.memory_space<vmem>>, vector<16xi32>,
        %bitcast3A_1507 = vector.bitcast %get3A_1506 : vector<16xi32> to vector<32xbf16>
        %lt3A_1508 = arith.constant 0.000000e+00 : bf16
        %lt3A_1509 = vector.broadcast %lt3A_1508 : bf16 to vector<32xbf16>
        %lt3A_1510 = arith.cmpf olt, %bitcast3A_1507, %lt3A_1509 : vector<32xbf16>
        %ne3A_1511 = arith.xori %ne3A_1499, %lt3A_1510 : vector<32xi1>
        %abs3A_1512 = math.absf %bitcast3A_1507 : vector<32xbf16>
        %min3A_1513 = arith.minimumf %min3A_1501, %abs3A_1512 : vector<32xbf16>
        %add3A_1514 = arith.constant 18 : i32
        %add3A_1515 = arith.addi %mul3A_1301, %add3A_1514 : i32
        %get3A_1516 = arith.index_cast %add3A_1515 : i32 to index
        %get3A_1517 = arith.constant 0 : index
        %get3A_1518 = tpu.vector_load %arg11[%get3A_1516, %get3A_1517] {strides = array<i32>} : memref<120x64xi32, #tpu.memory_space<vmem>>, vector<16xi32>,
        %bitcast3A_1519 = vector.bitcast %get3A_1518 : vector<16xi32> to vector<32xbf16>
        %lt3A_1520 = arith.constant 0.000000e+00 : bf16
        %lt3A_1521 = vector.broadcast %lt3A_1520 : bf16 to vector<32xbf16>
        %lt3A_1522 = arith.cmpf olt, %bitcast3A_1519, %lt3A_1521 : vector<32xbf16>
        %ne3A_1523 = arith.xori %ne3A_1511, %lt3A_1522 : vector<32xi1>
        %abs3A_1524 = math.absf %bitcast3A_1519 : vector<32xbf16>
        %min3A_1525 = arith.minimumf %min3A_1513, %abs3A_1524 : vector<32xbf16>
        %neg3A_1526 = arith.constant 0.000000e+00 : bf16
        %neg3A_1527 = vector.broadcast %neg3A_1526 : bf16 to vector<32xbf16>
        %neg3A_1528 = arith.subf %neg3A_1527, %min3A_1525 : vector<32xbf16>
        %select_n3A_1529 = arith.select %ne3A_1523, %neg3A_1528, %min3A_1525 : vector<32xi1>, vector<32xbf16>
        %unpack3A_1530 = tpu.unpack_subelements %select_n3A_1529, 0 {pack_format = #tpu.pack_format<interleaved>} : vector<32xbf16> -> vector<16xf32>
        %unpack3A_1531 = tpu.unpack_subelements %select_n3A_1529, 1 {pack_format = #tpu.pack_format<interleaved>} : vector<32xbf16> -> vector<16xf32>
        %add3A_1532 = arith.constant 19 : i32
        %add3A_1533 = arith.addi %mul3A_1301, %add3A_1532 : i32
        %get3A_1534 = arith.index_cast %add3A_1533 : i32 to index
        %get3A_1535 = arith.constant 0 : index
        %get3A_1536 = tpu.vector_load %arg11[%get3A_1534, %get3A_1535] {strides = array<i32>} : memref<120x64xi32, #tpu.memory_space<vmem>>, vector<16xi32>,
        %bitcast3A_1537 = vector.bitcast %get3A_1536 : vector<16xi32> to vector<32xbf16>
        %unpack3A_1538 = tpu.unpack_subelements %bitcast3A_1537, 0 {pack_format = #tpu.pack_format<interleaved>} : vector<32xbf16> -> vector<16xf32>
        %unpack3A_1539 = tpu.unpack_subelements %bitcast3A_1537, 1 {pack_format = #tpu.pack_format<interleaved>} : vector<32xbf16> -> vector<16xf32>
        %get3A_1540 = arith.index_cast %add3A_1289 : i32 to index
        %get3A_1541 = arith.constant 0 : index
        %get3A_1542 = tpu.vector_load %arg12[%get3A_1540, %get3A_1541] {strides = array<i32>} : memref<264x128xf32, #tpu.memory_space<vmem>>, vector<16xf32>,
        %mul3A_1543 = vector.broadcast %squeeze3A_1295 : f32 to vector<16xf32>
        %mul3A_1544 = arith.mulf %mul3A_1543, %unpack3A_1530 : vector<16xf32>
        %add3A_1545 = arith.addf %get3A_1542, %mul3A_1544 : vector<16xf32>
        %mul3A_1546 = vector.broadcast %squeeze3A_1297 : f32 to vector<16xf32>
        %mul3A_1547 = arith.mulf %mul3A_1546, %unpack3A_1538 : vector<16xf32>
        %add3A_1548 = arith.addf %add3A_1545, %mul3A_1547 : vector<16xf32>
        %get3A_1549 = arith.index_cast %add3A_1289 : i32 to index
        %get3A_1550 = arith.constant 0 : index
        %get3A_1551 = tpu.vector_load %arg13[%get3A_1549, %get3A_1550] {strides = array<i32>} : memref<264x128xf32, #tpu.memory_space<vmem>>, vector<16xf32>,
        %mul3A_1552 = vector.broadcast %squeeze3A_1299 : f32 to vector<16xf32>
        %mul3A_1553 = arith.mulf %mul3A_1552, %get3A_1551 : vector<16xf32>
        %add3A_1554 = arith.addf %add3A_1548, %mul3A_1553 : vector<16xf32>
        %swap3A_1555 = arith.index_cast %add3A_1289 : i32 to index
        %swap3A_1556 = arith.constant 0 : index
        %swap3A_1557 = tpu.vector_load %arg12[%swap3A_1555, %swap3A_1556] {strides = array<i32>} : memref<264x128xf32, #tpu.memory_space<vmem>>, vector<16xf32>,
        tpu.vector_store %arg12[%swap3A_1555, %swap3A_1556], %add3A_1554 {strides = array<i32>} : memref<264x128xf32, #tpu.memory_space<vmem>>, vector<16xf32>,
        %get3A_1558 = arith.index_cast %add3A_1289 : i32 to index
        %get3A_1559 = arith.constant 16 : index
        %get3A_1560 = tpu.vector_load %arg12[%get3A_1558, %get3A_1559] {strides = array<i32>} : memref<264x128xf32, #tpu.memory_space<vmem>>, vector<16xf32>,
        %mul3A_1561 = vector.broadcast %squeeze3A_1295 : f32 to vector<16xf32>
        %mul3A_1562 = arith.mulf %mul3A_1561, %unpack3A_1531 : vector<16xf32>
        %add3A_1563 = arith.addf %get3A_1560, %mul3A_1562 : vector<16xf32>
        %mul3A_1564 = vector.broadcast %squeeze3A_1297 : f32 to vector<16xf32>
        %mul3A_1565 = arith.mulf %mul3A_1564, %unpack3A_1539 : vector<16xf32>
        %add3A_1566 = arith.addf %add3A_1563, %mul3A_1565 : vector<16xf32>
        %get3A_1567 = arith.index_cast %add3A_1289 : i32 to index
        %get3A_1568 = arith.constant 16 : index
        %get3A_1569 = tpu.vector_load %arg13[%get3A_1567, %get3A_1568] {strides = array<i32>} : memref<264x128xf32, #tpu.memory_space<vmem>>, vector<16xf32>,
        %mul3A_1570 = vector.broadcast %squeeze3A_1299 : f32 to vector<16xf32>
        %mul3A_1571 = arith.mulf %mul3A_1570, %get3A_1569 : vector<16xf32>
        %add3A_1572 = arith.addf %add3A_1566, %mul3A_1571 : vector<16xf32>
        %swap3A_1573 = arith.index_cast %add3A_1289 : i32 to index
        %swap3A_1574 = arith.constant 16 : index
        %swap3A_1575 = tpu.vector_load %arg12[%swap3A_1573, %swap3A_1574] {strides = array<i32>} : memref<264x128xf32, #tpu.memory_space<vmem>>, vector<16xf32>,
        tpu.vector_store %arg12[%swap3A_1573, %swap3A_1574], %add3A_1572 {strides = array<i32>} : memref<264x128xf32, #tpu.memory_space<vmem>>, vector<16xf32>,
        %bitcast3A_1576 = vector.bitcast %add3A_1554 : vector<16xf32> to vector<16xi32>
        %add3A_1577 = arith.constant 32768 : i32
        %add3A_1578 = vector.broadcast %add3A_1577 : i32 to vector<16xi32>
        %add3A_1579 = arith.addi %bitcast3A_1576, %add3A_1578 : vector<16xi32>
        %shift_right_logical3A_1580 = arith.constant 16 : i32
        %shift_right_logical3A_1581 = vector.broadcast %shift_right_logical3A_1580 : i32 to vector<16xi32>
        %shift_right_logical3A_1582 = arith.shrui %add3A_1579, %shift_right_logical3A_1581 : vector<16xi32>
        %bitcast3A_1583 = vector.bitcast %add3A_1572 : vector<16xf32> to vector<16xi32>
        %add3A_1584 = arith.constant 32768 : i32
        %add3A_1585 = vector.broadcast %add3A_1584 : i32 to vector<16xi32>
        %add3A_1586 = arith.addi %bitcast3A_1583, %add3A_1585 : vector<16xi32>
        %shift_right_logical3A_1587 = arith.constant 16 : i32
        %shift_right_logical3A_1588 = vector.broadcast %shift_right_logical3A_1587 : i32 to vector<16xi32>
        %shift_right_logical3A_1589 = arith.shrui %add3A_1586, %shift_right_logical3A_1588 : vector<16xi32>
        %shift_left3A_1590 = arith.constant 16 : i32
        %shift_left3A_1591 = vector.broadcast %shift_left3A_1590 : i32 to vector<16xi32>
        %shift_left3A_1592 = arith.shli %shift_right_logical3A_1589, %shift_left3A_1591 : vector<16xi32>
        %or3A_1593 = arith.ori %shift_right_logical3A_1582, %shift_left3A_1592 : vector<16xi32>
        %bitcast3A_1594 = vector.bitcast %or3A_1593 : vector<16xi32> to vector<16xi32>
        %swap3A_1595 = arith.index_cast %add3A_1289 : i32 to index
        %swap3A_1596 = arith.constant 0 : index
        %swap3A_1597 = tpu.vector_load %arg14[%swap3A_1595, %swap3A_1596] {strides = array<i32>} : memref<264x64xi32, #tpu.memory_space<vmem>>, vector<16xi32>,
        tpu.vector_store %arg14[%swap3A_1595, %swap3A_1596], %bitcast3A_1594 {strides = array<i32>} : memref<264x64xi32, #tpu.memory_space<vmem>>, vector<16xi32>,
        %get3A_1598 = arith.index_cast %mul3A_1301 : i32 to index
        %get3A_1599 = arith.constant 16 : index
        %get3A_1600 = tpu.vector_load %arg11[%get3A_1598, %get3A_1599] {strides = array<i32>} : memref<120x64xi32, #tpu.memory_space<vmem>>, vector<16xi32>,
        %bitcast3A_1601 = vector.bitcast %get3A_1600 : vector<16xi32> to vector<32xbf16>
        %lt3A_1602 = arith.constant 0.000000e+00 : bf16
        %lt3A_1603 = vector.broadcast %lt3A_1602 : bf16 to vector<32xbf16>
        %lt3A_1604 = arith.cmpf olt, %bitcast3A_1601, %lt3A_1603 : vector<32xbf16>
        %abs3A_1605 = math.absf %bitcast3A_1601 : vector<32xbf16>
        %add3A_1606 = arith.constant 1 : i32
        %add3A_1607 = arith.addi %mul3A_1301, %add3A_1606 : i32
        %get3A_1608 = arith.index_cast %add3A_1607 : i32 to index
        %get3A_1609 = arith.constant 16 : index
        %get3A_1610 = tpu.vector_load %arg11[%get3A_1608, %get3A_1609] {strides = array<i32>} : memref<120x64xi32, #tpu.memory_space<vmem>>, vector<16xi32>,
        %bitcast3A_1611 = vector.bitcast %get3A_1610 : vector<16xi32> to vector<32xbf16>
        %lt3A_1612 = arith.constant 0.000000e+00 : bf16
        %lt3A_1613 = vector.broadcast %lt3A_1612 : bf16 to vector<32xbf16>
        %lt3A_1614 = arith.cmpf olt, %bitcast3A_1611, %lt3A_1613 : vector<32xbf16>
        %ne3A_1615 = arith.xori %lt3A_1604, %lt3A_1614 : vector<32xi1>
        %abs3A_1616 = math.absf %bitcast3A_1611 : vector<32xbf16>
        %min3A_1617 = arith.minimumf %abs3A_1605, %abs3A_1616 : vector<32xbf16>
        %add3A_1618 = arith.constant 2 : i32
        %add3A_1619 = arith.addi %mul3A_1301, %add3A_1618 : i32
        %get3A_1620 = arith.index_cast %add3A_1619 : i32 to index
        %get3A_1621 = arith.constant 16 : index
        %get3A_1622 = tpu.vector_load %arg11[%get3A_1620, %get3A_1621] {strides = array<i32>} : memref<120x64xi32, #tpu.memory_space<vmem>>, vector<16xi32>,
        %bitcast3A_1623 = vector.bitcast %get3A_1622 : vector<16xi32> to vector<32xbf16>
        %lt3A_1624 = arith.constant 0.000000e+00 : bf16
        %lt3A_1625 = vector.broadcast %lt3A_1624 : bf16 to vector<32xbf16>
        %lt3A_1626 = arith.cmpf olt, %bitcast3A_1623, %lt3A_1625 : vector<32xbf16>
        %ne3A_1627 = arith.xori %ne3A_1615, %lt3A_1626 : vector<32xi1>
        %abs3A_1628 = math.absf %bitcast3A_1623 : vector<32xbf16>
        %min3A_1629 = arith.minimumf %min3A_1617, %abs3A_1628 : vector<32xbf16>
        %add3A_1630 = arith.constant 3 : i32
        %add3A_1631 = arith.addi %mul3A_1301, %add3A_1630 : i32
        %get3A_1632 = arith.index_cast %add3A_1631 : i32 to index
        %get3A_1633 = arith.constant 16 : index
        %get3A_1634 = tpu.vector_load %arg11[%get3A_1632, %get3A_1633] {strides = array<i32>} : memref<120x64xi32, #tpu.memory_space<vmem>>, vector<16xi32>,
        %bitcast3A_1635 = vector.bitcast %get3A_1634 : vector<16xi32> to vector<32xbf16>
        %lt3A_1636 = arith.constant 0.000000e+00 : bf16
        %lt3A_1637 = vector.broadcast %lt3A_1636 : bf16 to vector<32xbf16>
        %lt3A_1638 = arith.cmpf olt, %bitcast3A_1635, %lt3A_1637 : vector<32xbf16>
        %ne3A_1639 = arith.xori %ne3A_1627, %lt3A_1638 : vector<32xi1>
        %abs3A_1640 = math.absf %bitcast3A_1635 : vector<32xbf16>
        %min3A_1641 = arith.minimumf %min3A_1629, %abs3A_1640 : vector<32xbf16>
        %add3A_1642 = arith.constant 4 : i32
        %add3A_1643 = arith.addi %mul3A_1301, %add3A_1642 : i32
        %get3A_1644 = arith.index_cast %add3A_1643 : i32 to index
        %get3A_1645 = arith.constant 16 : index
        %get3A_1646 = tpu.vector_load %arg11[%get3A_1644, %get3A_1645] {strides = array<i32>} : memref<120x64xi32, #tpu.memory_space<vmem>>, vector<16xi32>,
        %bitcast3A_1647 = vector.bitcast %get3A_1646 : vector<16xi32> to vector<32xbf16>
        %lt3A_1648 = arith.constant 0.000000e+00 : bf16
        %lt3A_1649 = vector.broadcast %lt3A_1648 : bf16 to vector<32xbf16>
        %lt3A_1650 = arith.cmpf olt, %bitcast3A_1647, %lt3A_1649 : vector<32xbf16>
        %ne3A_1651 = arith.xori %ne3A_1639, %lt3A_1650 : vector<32xi1>
        %abs3A_1652 = math.absf %bitcast3A_1647 : vector<32xbf16>
        %min3A_1653 = arith.minimumf %min3A_1641, %abs3A_1652 : vector<32xbf16>
        %add3A_1654 = arith.constant 5 : i32
        %add3A_1655 = arith.addi %mul3A_1301, %add3A_1654 : i32
        %get3A_1656 = arith.index_cast %add3A_1655 : i32 to index
        %get3A_1657 = arith.constant 16 : index
        %get3A_1658 = tpu.vector_load %arg11[%get3A_1656, %get3A_1657] {strides = array<i32>} : memref<120x64xi32, #tpu.memory_space<vmem>>, vector<16xi32>,
        %bitcast3A_1659 = vector.bitcast %get3A_1658 : vector<16xi32> to vector<32xbf16>
        %lt3A_1660 = arith.constant 0.000000e+00 : bf16
        %lt3A_1661 = vector.broadcast %lt3A_1660 : bf16 to vector<32xbf16>
        %lt3A_1662 = arith.cmpf olt, %bitcast3A_1659, %lt3A_1661 : vector<32xbf16>
        %ne3A_1663 = arith.xori %ne3A_1651, %lt3A_1662 : vector<32xi1>
        %abs3A_1664 = math.absf %bitcast3A_1659 : vector<32xbf16>
        %min3A_1665 = arith.minimumf %min3A_1653, %abs3A_1664 : vector<32xbf16>
        %add3A_1666 = arith.constant 6 : i32
        %add3A_1667 = arith.addi %mul3A_1301, %add3A_1666 : i32
        %get3A_1668 = arith.index_cast %add3A_1667 : i32 to index
        %get3A_1669 = arith.constant 16 : index
        %get3A_1670 = tpu.vector_load %arg11[%get3A_1668, %get3A_1669] {strides = array<i32>} : memref<120x64xi32, #tpu.memory_space<vmem>>, vector<16xi32>,
        %bitcast3A_1671 = vector.bitcast %get3A_1670 : vector<16xi32> to vector<32xbf16>
        %lt3A_1672 = arith.constant 0.000000e+00 : bf16
        %lt3A_1673 = vector.broadcast %lt3A_1672 : bf16 to vector<32xbf16>
        %lt3A_1674 = arith.cmpf olt, %bitcast3A_1671, %lt3A_1673 : vector<32xbf16>
        %ne3A_1675 = arith.xori %ne3A_1663, %lt3A_1674 : vector<32xi1>
        %abs3A_1676 = math.absf %bitcast3A_1671 : vector<32xbf16>
        %min3A_1677 = arith.minimumf %min3A_1665, %abs3A_1676 : vector<32xbf16>
        %add3A_1678 = arith.constant 7 : i32
        %add3A_1679 = arith.addi %mul3A_1301, %add3A_1678 : i32
        %get3A_1680 = arith.index_cast %add3A_1679 : i32 to index
        %get3A_1681 = arith.constant 16 : index
        %get3A_1682 = tpu.vector_load %arg11[%get3A_1680, %get3A_1681] {strides = array<i32>} : memref<120x64xi32, #tpu.memory_space<vmem>>, vector<16xi32>,
        %bitcast3A_1683 = vector.bitcast %get3A_1682 : vector<16xi32> to vector<32xbf16>
        %lt3A_1684 = arith.constant 0.000000e+00 : bf16
        %lt3A_1685 = vector.broadcast %lt3A_1684 : bf16 to vector<32xbf16>
        %lt3A_1686 = arith.cmpf olt, %bitcast3A_1683, %lt3A_1685 : vector<32xbf16>
        %ne3A_1687 = arith.xori %ne3A_1675, %lt3A_1686 : vector<32xi1>
        %abs3A_1688 = math.absf %bitcast3A_1683 : vector<32xbf16>
        %min3A_1689 = arith.minimumf %min3A_1677, %abs3A_1688 : vector<32xbf16>
        %add3A_1690 = arith.constant 8 : i32
        %add3A_1691 = arith.addi %mul3A_1301, %add3A_1690 : i32
        %get3A_1692 = arith.index_cast %add3A_1691 : i32 to index
        %get3A_1693 = arith.constant 16 : index
        %get3A_1694 = tpu.vector_load %arg11[%get3A_1692, %get3A_1693] {strides = array<i32>} : memref<120x64xi32, #tpu.memory_space<vmem>>, vector<16xi32>,
        %bitcast3A_1695 = vector.bitcast %get3A_1694 : vector<16xi32> to vector<32xbf16>
        %lt3A_1696 = arith.constant 0.000000e+00 : bf16
        %lt3A_1697 = vector.broadcast %lt3A_1696 : bf16 to vector<32xbf16>
        %lt3A_1698 = arith.cmpf olt, %bitcast3A_1695, %lt3A_1697 : vector<32xbf16>
        %ne3A_1699 = arith.xori %ne3A_1687, %lt3A_1698 : vector<32xi1>
        %abs3A_1700 = math.absf %bitcast3A_1695 : vector<32xbf16>
        %min3A_1701 = arith.minimumf %min3A_1689, %abs3A_1700 : vector<32xbf16>
        %add3A_1702 = arith.constant 9 : i32
        %add3A_1703 = arith.addi %mul3A_1301, %add3A_1702 : i32
        %get3A_1704 = arith.index_cast %add3A_1703 : i32 to index
        %get3A_1705 = arith.constant 16 : index
        %get3A_1706 = tpu.vector_load %arg11[%get3A_1704, %get3A_1705] {strides = array<i32>} : memref<120x64xi32, #tpu.memory_space<vmem>>, vector<16xi32>,
        %bitcast3A_1707 = vector.bitcast %get3A_1706 : vector<16xi32> to vector<32xbf16>
        %lt3A_1708 = arith.constant 0.000000e+00 : bf16
        %lt3A_1709 = vector.broadcast %lt3A_1708 : bf16 to vector<32xbf16>
        %lt3A_1710 = arith.cmpf olt, %bitcast3A_1707, %lt3A_1709 : vector<32xbf16>
        %ne3A_1711 = arith.xori %ne3A_1699, %lt3A_1710 : vector<32xi1>
        %abs3A_1712 = math.absf %bitcast3A_1707 : vector<32xbf16>
        %min3A_1713 = arith.minimumf %min3A_1701, %abs3A_1712 : vector<32xbf16>
        %add3A_1714 = arith.constant 10 : i32
        %add3A_1715 = arith.addi %mul3A_1301, %add3A_1714 : i32
        %get3A_1716 = arith.index_cast %add3A_1715 : i32 to index
        %get3A_1717 = arith.constant 16 : index
        %get3A_1718 = tpu.vector_load %arg11[%get3A_1716, %get3A_1717] {strides = array<i32>} : memref<120x64xi32, #tpu.memory_space<vmem>>, vector<16xi32>,
        %bitcast3A_1719 = vector.bitcast %get3A_1718 : vector<16xi32> to vector<32xbf16>
        %lt3A_1720 = arith.constant 0.000000e+00 : bf16
        %lt3A_1721 = vector.broadcast %lt3A_1720 : bf16 to vector<32xbf16>
        %lt3A_1722 = arith.cmpf olt, %bitcast3A_1719, %lt3A_1721 : vector<32xbf16>
        %ne3A_1723 = arith.xori %ne3A_1711, %lt3A_1722 : vector<32xi1>
        %abs3A_1724 = math.absf %bitcast3A_1719 : vector<32xbf16>
        %min3A_1725 = arith.minimumf %min3A_1713, %abs3A_1724 : vector<32xbf16>
        %add3A_1726 = arith.constant 11 : i32
        %add3A_1727 = arith.addi %mul3A_1301, %add3A_1726 : i32
        %get3A_1728 = arith.index_cast %add3A_1727 : i32 to index
        %get3A_1729 = arith.constant 16 : index
        %get3A_1730 = tpu.vector_load %arg11[%get3A_1728, %get3A_1729] {strides = array<i32>} : memref<120x64xi32, #tpu.memory_space<vmem>>, vector<16xi32>,
        %bitcast3A_1731 = vector.bitcast %get3A_1730 : vector<16xi32> to vector<32xbf16>
        %lt3A_1732 = arith.constant 0.000000e+00 : bf16
        %lt3A_1733 = vector.broadcast %lt3A_1732 : bf16 to vector<32xbf16>
        %lt3A_1734 = arith.cmpf olt, %bitcast3A_1731, %lt3A_1733 : vector<32xbf16>
        %ne3A_1735 = arith.xori %ne3A_1723, %lt3A_1734 : vector<32xi1>
        %abs3A_1736 = math.absf %bitcast3A_1731 : vector<32xbf16>
        %min3A_1737 = arith.minimumf %min3A_1725, %abs3A_1736 : vector<32xbf16>
        %add3A_1738 = arith.constant 12 : i32
        %add3A_1739 = arith.addi %mul3A_1301, %add3A_1738 : i32
        %get3A_1740 = arith.index_cast %add3A_1739 : i32 to index
        %get3A_1741 = arith.constant 16 : index
        %get3A_1742 = tpu.vector_load %arg11[%get3A_1740, %get3A_1741] {strides = array<i32>} : memref<120x64xi32, #tpu.memory_space<vmem>>, vector<16xi32>,
        %bitcast3A_1743 = vector.bitcast %get3A_1742 : vector<16xi32> to vector<32xbf16>
        %lt3A_1744 = arith.constant 0.000000e+00 : bf16
        %lt3A_1745 = vector.broadcast %lt3A_1744 : bf16 to vector<32xbf16>
        %lt3A_1746 = arith.cmpf olt, %bitcast3A_1743, %lt3A_1745 : vector<32xbf16>
        %ne3A_1747 = arith.xori %ne3A_1735, %lt3A_1746 : vector<32xi1>
        %abs3A_1748 = math.absf %bitcast3A_1743 : vector<32xbf16>
        %min3A_1749 = arith.minimumf %min3A_1737, %abs3A_1748 : vector<32xbf16>
        %add3A_1750 = arith.constant 13 : i32
        %add3A_1751 = arith.addi %mul3A_1301, %add3A_1750 : i32
        %get3A_1752 = arith.index_cast %add3A_1751 : i32 to index
        %get3A_1753 = arith.constant 16 : index
        %get3A_1754 = tpu.vector_load %arg11[%get3A_1752, %get3A_1753] {strides = array<i32>} : memref<120x64xi32, #tpu.memory_space<vmem>>, vector<16xi32>,
        %bitcast3A_1755 = vector.bitcast %get3A_1754 : vector<16xi32> to vector<32xbf16>
        %lt3A_1756 = arith.constant 0.000000e+00 : bf16
        %lt3A_1757 = vector.broadcast %lt3A_1756 : bf16 to vector<32xbf16>
        %lt3A_1758 = arith.cmpf olt, %bitcast3A_1755, %lt3A_1757 : vector<32xbf16>
        %ne3A_1759 = arith.xori %ne3A_1747, %lt3A_1758 : vector<32xi1>
        %abs3A_1760 = math.absf %bitcast3A_1755 : vector<32xbf16>
        %min3A_1761 = arith.minimumf %min3A_1749, %abs3A_1760 : vector<32xbf16>
        %add3A_1762 = arith.constant 14 : i32
        %add3A_1763 = arith.addi %mul3A_1301, %add3A_1762 : i32
        %get3A_1764 = arith.index_cast %add3A_1763 : i32 to index
        %get3A_1765 = arith.constant 16 : index
        %get3A_1766 = tpu.vector_load %arg11[%get3A_1764, %get3A_1765] {strides = array<i32>} : memref<120x64xi32, #tpu.memory_space<vmem>>, vector<16xi32>,
        %bitcast3A_1767 = vector.bitcast %get3A_1766 : vector<16xi32> to vector<32xbf16>
        %lt3A_1768 = arith.constant 0.000000e+00 : bf16
        %lt3A_1769 = vector.broadcast %lt3A_1768 : bf16 to vector<32xbf16>
        %lt3A_1770 = arith.cmpf olt, %bitcast3A_1767, %lt3A_1769 : vector<32xbf16>
        %ne3A_1771 = arith.xori %ne3A_1759, %lt3A_1770 : vector<32xi1>
        %abs3A_1772 = math.absf %bitcast3A_1767 : vector<32xbf16>
        %min3A_1773 = arith.minimumf %min3A_1761, %abs3A_1772 : vector<32xbf16>
        %add3A_1774 = arith.constant 15 : i32
        %add3A_1775 = arith.addi %mul3A_1301, %add3A_1774 : i32
        %get3A_1776 = arith.index_cast %add3A_1775 : i32 to index
        %get3A_1777 = arith.constant 16 : index
        %get3A_1778 = tpu.vector_load %arg11[%get3A_1776, %get3A_1777] {strides = array<i32>} : memref<120x64xi32, #tpu.memory_space<vmem>>, vector<16xi32>,
        %bitcast3A_1779 = vector.bitcast %get3A_1778 : vector<16xi32> to vector<32xbf16>
        %lt3A_1780 = arith.constant 0.000000e+00 : bf16
        %lt3A_1781 = vector.broadcast %lt3A_1780 : bf16 to vector<32xbf16>
        %lt3A_1782 = arith.cmpf olt, %bitcast3A_1779, %lt3A_1781 : vector<32xbf16>
        %ne3A_1783 = arith.xori %ne3A_1771, %lt3A_1782 : vector<32xi1>
        %abs3A_1784 = math.absf %bitcast3A_1779 : vector<32xbf16>
        %min3A_1785 = arith.minimumf %min3A_1773, %abs3A_1784 : vector<32xbf16>
        %add3A_1786 = arith.constant 16 : i32
        %add3A_1787 = arith.addi %mul3A_1301, %add3A_1786 : i32
        %get3A_1788 = arith.index_cast %add3A_1787 : i32 to index
        %get3A_1789 = arith.constant 16 : index
        %get3A_1790 = tpu.vector_load %arg11[%get3A_1788, %get3A_1789] {strides = array<i32>} : memref<120x64xi32, #tpu.memory_space<vmem>>, vector<16xi32>,
        %bitcast3A_1791 = vector.bitcast %get3A_1790 : vector<16xi32> to vector<32xbf16>
        %lt3A_1792 = arith.constant 0.000000e+00 : bf16
        %lt3A_1793 = vector.broadcast %lt3A_1792 : bf16 to vector<32xbf16>
        %lt3A_1794 = arith.cmpf olt, %bitcast3A_1791, %lt3A_1793 : vector<32xbf16>
        %ne3A_1795 = arith.xori %ne3A_1783, %lt3A_1794 : vector<32xi1>
        %abs3A_1796 = math.absf %bitcast3A_1791 : vector<32xbf16>
        %min3A_1797 = arith.minimumf %min3A_1785, %abs3A_1796 : vector<32xbf16>
        %add3A_1798 = arith.constant 17 : i32
        %add3A_1799 = arith.addi %mul3A_1301, %add3A_1798 : i32
        %get3A_1800 = arith.index_cast %add3A_1799 : i32 to index
        %get3A_1801 = arith.constant 16 : index
        %get3A_1802 = tpu.vector_load %arg11[%get3A_1800, %get3A_1801] {strides = array<i32>} : memref<120x64xi32, #tpu.memory_space<vmem>>, vector<16xi32>,
        %bitcast3A_1803 = vector.bitcast %get3A_1802 : vector<16xi32> to vector<32xbf16>
        %lt3A_1804 = arith.constant 0.000000e+00 : bf16
        %lt3A_1805 = vector.broadcast %lt3A_1804 : bf16 to vector<32xbf16>
        %lt3A_1806 = arith.cmpf olt, %bitcast3A_1803, %lt3A_1805 : vector<32xbf16>
        %ne3A_1807 = arith.xori %ne3A_1795, %lt3A_1806 : vector<32xi1>
        %abs3A_1808 = math.absf %bitcast3A_1803 : vector<32xbf16>
        %min3A_1809 = arith.minimumf %min3A_1797, %abs3A_1808 : vector<32xbf16>
        %add3A_1810 = arith.constant 18 : i32
        %add3A_1811 = arith.addi %mul3A_1301, %add3A_1810 : i32
        %get3A_1812 = arith.index_cast %add3A_1811 : i32 to index
        %get3A_1813 = arith.constant 16 : index
        %get3A_1814 = tpu.vector_load %arg11[%get3A_1812, %get3A_1813] {strides = array<i32>} : memref<120x64xi32, #tpu.memory_space<vmem>>, vector<16xi32>,
        %bitcast3A_1815 = vector.bitcast %get3A_1814 : vector<16xi32> to vector<32xbf16>
        %lt3A_1816 = arith.constant 0.000000e+00 : bf16
        %lt3A_1817 = vector.broadcast %lt3A_1816 : bf16 to vector<32xbf16>
        %lt3A_1818 = arith.cmpf olt, %bitcast3A_1815, %lt3A_1817 : vector<32xbf16>
        %ne3A_1819 = arith.xori %ne3A_1807, %lt3A_1818 : vector<32xi1>
        %abs3A_1820 = math.absf %bitcast3A_1815 : vector<32xbf16>
        %min3A_1821 = arith.minimumf %min3A_1809, %abs3A_1820 : vector<32xbf16>
        %neg3A_1822 = arith.constant 0.000000e+00 : bf16
        %neg3A_1823 = vector.broadcast %neg3A_1822 : bf16 to vector<32xbf16>
        %neg3A_1824 = arith.subf %neg3A_1823, %min3A_1821 : vector<32xbf16>
        %select_n3A_1825 = arith.select %ne3A_1819, %neg3A_1824, %min3A_1821 : vector<32xi1>, vector<32xbf16>
        %unpack3A_1826 = tpu.unpack_subelements %select_n3A_1825, 0 {pack_format = #tpu.pack_format<interleaved>} : vector<32xbf16> -> vector<16xf32>
        %unpack3A_1827 = tpu.unpack_subelements %select_n3A_1825, 1 {pack_format = #tpu.pack_format<interleaved>} : vector<32xbf16> -> vector<16xf32>
        %add3A_1828 = arith.constant 19 : i32
        %add3A_1829 = arith.addi %mul3A_1301, %add3A_1828 : i32
        %get3A_1830 = arith.index_cast %add3A_1829 : i32 to index
        %get3A_1831 = arith.constant 16 : index
        %get3A_1832 = tpu.vector_load %arg11[%get3A_1830, %get3A_1831] {strides = array<i32>} : memref<120x64xi32, #tpu.memory_space<vmem>>, vector<16xi32>,
        %bitcast3A_1833 = vector.bitcast %get3A_1832 : vector<16xi32> to vector<32xbf16>
        %unpack3A_1834 = tpu.unpack_subelements %bitcast3A_1833, 0 {pack_format = #tpu.pack_format<interleaved>} : vector<32xbf16> -> vector<16xf32>
        %unpack3A_1835 = tpu.unpack_subelements %bitcast3A_1833, 1 {pack_format = #tpu.pack_format<interleaved>} : vector<32xbf16> -> vector<16xf32>
        %get3A_1836 = arith.index_cast %add3A_1289 : i32 to index
        %get3A_1837 = arith.constant 32 : index
        %get3A_1838 = tpu.vector_load %arg12[%get3A_1836, %get3A_1837] {strides = array<i32>} : memref<264x128xf32, #tpu.memory_space<vmem>>, vector<16xf32>,
        %mul3A_1839 = vector.broadcast %squeeze3A_1295 : f32 to vector<16xf32>
        %mul3A_1840 = arith.mulf %mul3A_1839, %unpack3A_1826 : vector<16xf32>
        %add3A_1841 = arith.addf %get3A_1838, %mul3A_1840 : vector<16xf32>
        %mul3A_1842 = vector.broadcast %squeeze3A_1297 : f32 to vector<16xf32>
        %mul3A_1843 = arith.mulf %mul3A_1842, %unpack3A_1834 : vector<16xf32>
        %add3A_1844 = arith.addf %add3A_1841, %mul3A_1843 : vector<16xf32>
        %get3A_1845 = arith.index_cast %add3A_1289 : i32 to index
        %get3A_1846 = arith.constant 32 : index
        %get3A_1847 = tpu.vector_load %arg13[%get3A_1845, %get3A_1846] {strides = array<i32>} : memref<264x128xf32, #tpu.memory_space<vmem>>, vector<16xf32>,
        %mul3A_1848 = vector.broadcast %squeeze3A_1299 : f32 to vector<16xf32>
        %mul3A_1849 = arith.mulf %mul3A_1848, %get3A_1847 : vector<16xf32>
        %add3A_1850 = arith.addf %add3A_1844, %mul3A_1849 : vector<16xf32>
        %swap3A_1851 = arith.index_cast %add3A_1289 : i32 to index
        %swap3A_1852 = arith.constant 32 : index
        %swap3A_1853 = tpu.vector_load %arg12[%swap3A_1851, %swap3A_1852] {strides = array<i32>} : memref<264x128xf32, #tpu.memory_space<vmem>>, vector<16xf32>,
        tpu.vector_store %arg12[%swap3A_1851, %swap3A_1852], %add3A_1850 {strides = array<i32>} : memref<264x128xf32, #tpu.memory_space<vmem>>, vector<16xf32>,
        %get3A_1854 = arith.index_cast %add3A_1289 : i32 to index
        %get3A_1855 = arith.constant 48 : index
        %get3A_1856 = tpu.vector_load %arg12[%get3A_1854, %get3A_1855] {strides = array<i32>} : memref<264x128xf32, #tpu.memory_space<vmem>>, vector<16xf32>,
        %mul3A_1857 = vector.broadcast %squeeze3A_1295 : f32 to vector<16xf32>
        %mul3A_1858 = arith.mulf %mul3A_1857, %unpack3A_1827 : vector<16xf32>
        %add3A_1859 = arith.addf %get3A_1856, %mul3A_1858 : vector<16xf32>
        %mul3A_1860 = vector.broadcast %squeeze3A_1297 : f32 to vector<16xf32>
        %mul3A_1861 = arith.mulf %mul3A_1860, %unpack3A_1835 : vector<16xf32>
        %add3A_1862 = arith.addf %add3A_1859, %mul3A_1861 : vector<16xf32>
        %get3A_1863 = arith.index_cast %add3A_1289 : i32 to index
        %get3A_1864 = arith.constant 48 : index
        %get3A_1865 = tpu.vector_load %arg13[%get3A_1863, %get3A_1864] {strides = array<i32>} : memref<264x128xf32, #tpu.memory_space<vmem>>, vector<16xf32>,
        %mul3A_1866 = vector.broadcast %squeeze3A_1299 : f32 to vector<16xf32>
        %mul3A_1867 = arith.mulf %mul3A_1866, %get3A_1865 : vector<16xf32>
        %add3A_1868 = arith.addf %add3A_1862, %mul3A_1867 : vector<16xf32>
        %swap3A_1869 = arith.index_cast %add3A_1289 : i32 to index
        %swap3A_1870 = arith.constant 48 : index
        %swap3A_1871 = tpu.vector_load %arg12[%swap3A_1869, %swap3A_1870] {strides = array<i32>} : memref<264x128xf32, #tpu.memory_space<vmem>>, vector<16xf32>,
        tpu.vector_store %arg12[%swap3A_1869, %swap3A_1870], %add3A_1868 {strides = array<i32>} : memref<264x128xf32, #tpu.memory_space<vmem>>, vector<16xf32>,
        %bitcast3A_1872 = vector.bitcast %add3A_1850 : vector<16xf32> to vector<16xi32>
        %add3A_1873 = arith.constant 32768 : i32
        %add3A_1874 = vector.broadcast %add3A_1873 : i32 to vector<16xi32>
        %add3A_1875 = arith.addi %bitcast3A_1872, %add3A_1874 : vector<16xi32>
        %shift_right_logical3A_1876 = arith.constant 16 : i32
        %shift_right_logical3A_1877 = vector.broadcast %shift_right_logical3A_1876 : i32 to vector<16xi32>
        %shift_right_logical3A_1878 = arith.shrui %add3A_1875, %shift_right_logical3A_1877 : vector<16xi32>
        %bitcast3A_1879 = vector.bitcast %add3A_1868 : vector<16xf32> to vector<16xi32>
        %add3A_1880 = arith.constant 32768 : i32
        %add3A_1881 = vector.broadcast %add3A_1880 : i32 to vector<16xi32>
        %add3A_1882 = arith.addi %bitcast3A_1879, %add3A_1881 : vector<16xi32>
        %shift_right_logical3A_1883 = arith.constant 16 : i32
        %shift_right_logical3A_1884 = vector.broadcast %shift_right_logical3A_1883 : i32 to vector<16xi32>
        %shift_right_logical3A_1885 = arith.shrui %add3A_1882, %shift_right_logical3A_1884 : vector<16xi32>
        %shift_left3A_1886 = arith.constant 16 : i32
        %shift_left3A_1887 = vector.broadcast %shift_left3A_1886 : i32 to vector<16xi32>
        %shift_left3A_1888 = arith.shli %shift_right_logical3A_1885, %shift_left3A_1887 : vector<16xi32>
        %or3A_1889 = arith.ori %shift_right_logical3A_1878, %shift_left3A_1888 : vector<16xi32>
        %bitcast3A_1890 = vector.bitcast %or3A_1889 : vector<16xi32> to vector<16xi32>
        %swap3A_1891 = arith.index_cast %add3A_1289 : i32 to index
        %swap3A_1892 = arith.constant 16 : index
        %swap3A_1893 = tpu.vector_load %arg14[%swap3A_1891, %swap3A_1892] {strides = array<i32>} : memref<264x64xi32, #tpu.memory_space<vmem>>, vector<16xi32>,
        tpu.vector_store %arg14[%swap3A_1891, %swap3A_1892], %bitcast3A_1890 {strides = array<i32>} : memref<264x64xi32, #tpu.memory_space<vmem>>, vector<16xi32>,
        %get3A_1894 = arith.index_cast %mul3A_1301 : i32 to index
        %get3A_1895 = arith.constant 32 : index
        %get3A_1896 = tpu.vector_load %arg11[%get3A_1894, %get3A_1895] {strides = array<i32>} : memref<120x64xi32, #tpu.memory_space<vmem>>, vector<16xi32>,
        %bitcast3A_1897 = vector.bitcast %get3A_1896 : vector<16xi32> to vector<32xbf16>
        %lt3A_1898 = arith.constant 0.000000e+00 : bf16
        %lt3A_1899 = vector.broadcast %lt3A_1898 : bf16 to vector<32xbf16>
        %lt3A_1900 = arith.cmpf olt, %bitcast3A_1897, %lt3A_1899 : vector<32xbf16>
        %abs3A_1901 = math.absf %bitcast3A_1897 : vector<32xbf16>
        %add3A_1902 = arith.constant 1 : i32
        %add3A_1903 = arith.addi %mul3A_1301, %add3A_1902 : i32
        %get3A_1904 = arith.index_cast %add3A_1903 : i32 to index
        %get3A_1905 = arith.constant 32 : index
        %get3A_1906 = tpu.vector_load %arg11[%get3A_1904, %get3A_1905] {strides = array<i32>} : memref<120x64xi32, #tpu.memory_space<vmem>>, vector<16xi32>,
        %bitcast3A_1907 = vector.bitcast %get3A_1906 : vector<16xi32> to vector<32xbf16>
        %lt3A_1908 = arith.constant 0.000000e+00 : bf16
        %lt3A_1909 = vector.broadcast %lt3A_1908 : bf16 to vector<32xbf16>
        %lt3A_1910 = arith.cmpf olt, %bitcast3A_1907, %lt3A_1909 : vector<32xbf16>
        %ne3A_1911 = arith.xori %lt3A_1900, %lt3A_1910 : vector<32xi1>
        %abs3A_1912 = math.absf %bitcast3A_1907 : vector<32xbf16>
        %min3A_1913 = arith.minimumf %abs3A_1901, %abs3A_1912 : vector<32xbf16>
        %add3A_1914 = arith.constant 2 : i32
        %add3A_1915 = arith.addi %mul3A_1301, %add3A_1914 : i32
        %get3A_1916 = arith.index_cast %add3A_1915 : i32 to index
        %get3A_1917 = arith.constant 32 : index
        %get3A_1918 = tpu.vector_load %arg11[%get3A_1916, %get3A_1917] {strides = array<i32>} : memref<120x64xi32, #tpu.memory_space<vmem>>, vector<16xi32>,
        %bitcast3A_1919 = vector.bitcast %get3A_1918 : vector<16xi32> to vector<32xbf16>
        %lt3A_1920 = arith.constant 0.000000e+00 : bf16
        %lt3A_1921 = vector.broadcast %lt3A_1920 : bf16 to vector<32xbf16>
        %lt3A_1922 = arith.cmpf olt, %bitcast3A_1919, %lt3A_1921 : vector<32xbf16>
        %ne3A_1923 = arith.xori %ne3A_1911, %lt3A_1922 : vector<32xi1>
        %abs3A_1924 = math.absf %bitcast3A_1919 : vector<32xbf16>
        %min3A_1925 = arith.minimumf %min3A_1913, %abs3A_1924 : vector<32xbf16>
        %add3A_1926 = arith.constant 3 : i32
        %add3A_1927 = arith.addi %mul3A_1301, %add3A_1926 : i32
        %get3A_1928 = arith.index_cast %add3A_1927 : i32 to index
        %get3A_1929 = arith.constant 32 : index
        %get3A_1930 = tpu.vector_load %arg11[%get3A_1928, %get3A_1929] {strides = array<i32>} : memref<120x64xi32, #tpu.memory_space<vmem>>, vector<16xi32>,
        %bitcast3A_1931 = vector.bitcast %get3A_1930 : vector<16xi32> to vector<32xbf16>
        %lt3A_1932 = arith.constant 0.000000e+00 : bf16
        %lt3A_1933 = vector.broadcast %lt3A_1932 : bf16 to vector<32xbf16>
        %lt3A_1934 = arith.cmpf olt, %bitcast3A_1931, %lt3A_1933 : vector<32xbf16>
        %ne3A_1935 = arith.xori %ne3A_1923, %lt3A_1934 : vector<32xi1>
        %abs3A_1936 = math.absf %bitcast3A_1931 : vector<32xbf16>
        %min3A_1937 = arith.minimumf %min3A_1925, %abs3A_1936 : vector<32xbf16>
        %add3A_1938 = arith.constant 4 : i32
        %add3A_1939 = arith.addi %mul3A_1301, %add3A_1938 : i32
        %get3A_1940 = arith.index_cast %add3A_1939 : i32 to index
        %get3A_1941 = arith.constant 32 : index
        %get3A_1942 = tpu.vector_load %arg11[%get3A_1940, %get3A_1941] {strides = array<i32>} : memref<120x64xi32, #tpu.memory_space<vmem>>, vector<16xi32>,
        %bitcast3A_1943 = vector.bitcast %get3A_1942 : vector<16xi32> to vector<32xbf16>
        %lt3A_1944 = arith.constant 0.000000e+00 : bf16
        %lt3A_1945 = vector.broadcast %lt3A_1944 : bf16 to vector<32xbf16>
        %lt3A_1946 = arith.cmpf olt, %bitcast3A_1943, %lt3A_1945 : vector<32xbf16>
        %ne3A_1947 = arith.xori %ne3A_1935, %lt3A_1946 : vector<32xi1>
        %abs3A_1948 = math.absf %bitcast3A_1943 : vector<32xbf16>
        %min3A_1949 = arith.minimumf %min3A_1937, %abs3A_1948 : vector<32xbf16>
        %add3A_1950 = arith.constant 5 : i32
        %add3A_1951 = arith.addi %mul3A_1301, %add3A_1950 : i32
        %get3A_1952 = arith.index_cast %add3A_1951 : i32 to index
        %get3A_1953 = arith.constant 32 : index
        %get3A_1954 = tpu.vector_load %arg11[%get3A_1952, %get3A_1953] {strides = array<i32>} : memref<120x64xi32, #tpu.memory_space<vmem>>, vector<16xi32>,
        %bitcast3A_1955 = vector.bitcast %get3A_1954 : vector<16xi32> to vector<32xbf16>
        %lt3A_1956 = arith.constant 0.000000e+00 : bf16
        %lt3A_1957 = vector.broadcast %lt3A_1956 : bf16 to vector<32xbf16>
        %lt3A_1958 = arith.cmpf olt, %bitcast3A_1955, %lt3A_1957 : vector<32xbf16>
        %ne3A_1959 = arith.xori %ne3A_1947, %lt3A_1958 : vector<32xi1>
        %abs3A_1960 = math.absf %bitcast3A_1955 : vector<32xbf16>
        %min3A_1961 = arith.minimumf %min3A_1949, %abs3A_1960 : vector<32xbf16>
        %add3A_1962 = arith.constant 6 : i32
        %add3A_1963 = arith.addi %mul3A_1301, %add3A_1962 : i32
        %get3A_1964 = arith.index_cast %add3A_1963 : i32 to index
        %get3A_1965 = arith.constant 32 : index
        %get3A_1966 = tpu.vector_load %arg11[%get3A_1964, %get3A_1965] {strides = array<i32>} : memref<120x64xi32, #tpu.memory_space<vmem>>, vector<16xi32>,
        %bitcast3A_1967 = vector.bitcast %get3A_1966 : vector<16xi32> to vector<32xbf16>
        %lt3A_1968 = arith.constant 0.000000e+00 : bf16
        %lt3A_1969 = vector.broadcast %lt3A_1968 : bf16 to vector<32xbf16>
        %lt3A_1970 = arith.cmpf olt, %bitcast3A_1967, %lt3A_1969 : vector<32xbf16>
        %ne3A_1971 = arith.xori %ne3A_1959, %lt3A_1970 : vector<32xi1>
        %abs3A_1972 = math.absf %bitcast3A_1967 : vector<32xbf16>
        %min3A_1973 = arith.minimumf %min3A_1961, %abs3A_1972 : vector<32xbf16>
        %add3A_1974 = arith.constant 7 : i32
        %add3A_1975 = arith.addi %mul3A_1301, %add3A_1974 : i32
        %get3A_1976 = arith.index_cast %add3A_1975 : i32 to index
        %get3A_1977 = arith.constant 32 : index
        %get3A_1978 = tpu.vector_load %arg11[%get3A_1976, %get3A_1977] {strides = array<i32>} : memref<120x64xi32, #tpu.memory_space<vmem>>, vector<16xi32>,
        %bitcast3A_1979 = vector.bitcast %get3A_1978 : vector<16xi32> to vector<32xbf16>
        %lt3A_1980 = arith.constant 0.000000e+00 : bf16
        %lt3A_1981 = vector.broadcast %lt3A_1980 : bf16 to vector<32xbf16>
        %lt3A_1982 = arith.cmpf olt, %bitcast3A_1979, %lt3A_1981 : vector<32xbf16>
        %ne3A_1983 = arith.xori %ne3A_1971, %lt3A_1982 : vector<32xi1>
        %abs3A_1984 = math.absf %bitcast3A_1979 : vector<32xbf16>
        %min3A_1985 = arith.minimumf %min3A_1973, %abs3A_1984 : vector<32xbf16>
        %add3A_1986 = arith.constant 8 : i32
        %add3A_1987 = arith.addi %mul3A_1301, %add3A_1986 : i32
        %get3A_1988 = arith.index_cast %add3A_1987 : i32 to index
        %get3A_1989 = arith.constant 32 : index
        %get3A_1990 = tpu.vector_load %arg11[%get3A_1988, %get3A_1989] {strides = array<i32>} : memref<120x64xi32, #tpu.memory_space<vmem>>, vector<16xi32>,
        %bitcast3A_1991 = vector.bitcast %get3A_1990 : vector<16xi32> to vector<32xbf16>
        %lt3A_1992 = arith.constant 0.000000e+00 : bf16
        %lt3A_1993 = vector.broadcast %lt3A_1992 : bf16 to vector<32xbf16>
        %lt3A_1994 = arith.cmpf olt, %bitcast3A_1991, %lt3A_1993 : vector<32xbf16>
        %ne3A_1995 = arith.xori %ne3A_1983, %lt3A_1994 : vector<32xi1>
        %abs3A_1996 = math.absf %bitcast3A_1991 : vector<32xbf16>
        %min3A_1997 = arith.minimumf %min3A_1985, %abs3A_1996 : vector<32xbf16>
        %add3A_1998 = arith.constant 9 : i32
        %add3A_1999 = arith.addi %mul3A_1301, %add3A_1998 : i32
        %get3A_2000 = arith.index_cast %add3A_1999 : i32 to index
        %get3A_2001 = arith.constant 32 : index
        %get3A_2002 = tpu.vector_load %arg11[%get3A_2000, %get3A_2001] {strides = array<i32>} : memref<120x64xi32, #tpu.memory_space<vmem>>, vector<16xi32>,
        %bitcast3A_2003 = vector.bitcast %get3A_2002 : vector<16xi32> to vector<32xbf16>
        %lt3A_2004 = arith.constant 0.000000e+00 : bf16
        %lt3A_2005 = vector.broadcast %lt3A_2004 : bf16 to vector<32xbf16>
        %lt3A_2006 = arith.cmpf olt, %bitcast3A_2003, %lt3A_2005 : vector<32xbf16>
        %ne3A_2007 = arith.xori %ne3A_1995, %lt3A_2006 : vector<32xi1>
        %abs3A_2008 = math.absf %bitcast3A_2003 : vector<32xbf16>
        %min3A_2009 = arith.minimumf %min3A_1997, %abs3A_2008 : vector<32xbf16>
        %add3A_2010 = arith.constant 10 : i32
        %add3A_2011 = arith.addi %mul3A_1301, %add3A_2010 : i32
        %get3A_2012 = arith.index_cast %add3A_2011 : i32 to index
        %get3A_2013 = arith.constant 32 : index
        %get3A_2014 = tpu.vector_load %arg11[%get3A_2012, %get3A_2013] {strides = array<i32>} : memref<120x64xi32, #tpu.memory_space<vmem>>, vector<16xi32>,
        %bitcast3A_2015 = vector.bitcast %get3A_2014 : vector<16xi32> to vector<32xbf16>
        %lt3A_2016 = arith.constant 0.000000e+00 : bf16
        %lt3A_2017 = vector.broadcast %lt3A_2016 : bf16 to vector<32xbf16>
        %lt3A_2018 = arith.cmpf olt, %bitcast3A_2015, %lt3A_2017 : vector<32xbf16>
        %ne3A_2019 = arith.xori %ne3A_2007, %lt3A_2018 : vector<32xi1>
        %abs3A_2020 = math.absf %bitcast3A_2015 : vector<32xbf16>
        %min3A_2021 = arith.minimumf %min3A_2009, %abs3A_2020 : vector<32xbf16>
        %add3A_2022 = arith.constant 11 : i32
        %add3A_2023 = arith.addi %mul3A_1301, %add3A_2022 : i32
        %get3A_2024 = arith.index_cast %add3A_2023 : i32 to index
        %get3A_2025 = arith.constant 32 : index
        %get3A_2026 = tpu.vector_load %arg11[%get3A_2024, %get3A_2025] {strides = array<i32>} : memref<120x64xi32, #tpu.memory_space<vmem>>, vector<16xi32>,
        %bitcast3A_2027 = vector.bitcast %get3A_2026 : vector<16xi32> to vector<32xbf16>
        %lt3A_2028 = arith.constant 0.000000e+00 : bf16
        %lt3A_2029 = vector.broadcast %lt3A_2028 : bf16 to vector<32xbf16>
        %lt3A_2030 = arith.cmpf olt, %bitcast3A_2027, %lt3A_2029 : vector<32xbf16>
        %ne3A_2031 = arith.xori %ne3A_2019, %lt3A_2030 : vector<32xi1>
        %abs3A_2032 = math.absf %bitcast3A_2027 : vector<32xbf16>
        %min3A_2033 = arith.minimumf %min3A_2021, %abs3A_2032 : vector<32xbf16>
        %add3A_2034 = arith.constant 12 : i32
        %add3A_2035 = arith.addi %mul3A_1301, %add3A_2034 : i32
        %get3A_2036 = arith.index_cast %add3A_2035 : i32 to index
        %get3A_2037 = arith.constant 32 : index
        %get3A_2038 = tpu.vector_load %arg11[%get3A_2036, %get3A_2037] {strides = array<i32>} : memref<120x64xi32, #tpu.memory_space<vmem>>, vector<16xi32>,
        %bitcast3A_2039 = vector.bitcast %get3A_2038 : vector<16xi32> to vector<32xbf16>
        %lt3A_2040 = arith.constant 0.000000e+00 : bf16
        %lt3A_2041 = vector.broadcast %lt3A_2040 : bf16 to vector<32xbf16>
        %lt3A_2042 = arith.cmpf olt, %bitcast3A_2039, %lt3A_2041 : vector<32xbf16>
        %ne3A_2043 = arith.xori %ne3A_2031, %lt3A_2042 : vector<32xi1>
        %abs3A_2044 = math.absf %bitcast3A_2039 : vector<32xbf16>
        %min3A_2045 = arith.minimumf %min3A_2033, %abs3A_2044 : vector<32xbf16>
        %add3A_2046 = arith.constant 13 : i32
        %add3A_2047 = arith.addi %mul3A_1301, %add3A_2046 : i32
        %get3A_2048 = arith.index_cast %add3A_2047 : i32 to index
        %get3A_2049 = arith.constant 32 : index
        %get3A_2050 = tpu.vector_load %arg11[%get3A_2048, %get3A_2049] {strides = array<i32>} : memref<120x64xi32, #tpu.memory_space<vmem>>, vector<16xi32>,
        %bitcast3A_2051 = vector.bitcast %get3A_2050 : vector<16xi32> to vector<32xbf16>
        %lt3A_2052 = arith.constant 0.000000e+00 : bf16
        %lt3A_2053 = vector.broadcast %lt3A_2052 : bf16 to vector<32xbf16>
        %lt3A_2054 = arith.cmpf olt, %bitcast3A_2051, %lt3A_2053 : vector<32xbf16>
        %ne3A_2055 = arith.xori %ne3A_2043, %lt3A_2054 : vector<32xi1>
        %abs3A_2056 = math.absf %bitcast3A_2051 : vector<32xbf16>
        %min3A_2057 = arith.minimumf %min3A_2045, %abs3A_2056 : vector<32xbf16>
        %add3A_2058 = arith.constant 14 : i32
        %add3A_2059 = arith.addi %mul3A_1301, %add3A_2058 : i32
        %get3A_2060 = arith.index_cast %add3A_2059 : i32 to index
        %get3A_2061 = arith.constant 32 : index
        %get3A_2062 = tpu.vector_load %arg11[%get3A_2060, %get3A_2061] {strides = array<i32>} : memref<120x64xi32, #tpu.memory_space<vmem>>, vector<16xi32>,
        %bitcast3A_2063 = vector.bitcast %get3A_2062 : vector<16xi32> to vector<32xbf16>
        %lt3A_2064 = arith.constant 0.000000e+00 : bf16
        %lt3A_2065 = vector.broadcast %lt3A_2064 : bf16 to vector<32xbf16>
        %lt3A_2066 = arith.cmpf olt, %bitcast3A_2063, %lt3A_2065 : vector<32xbf16>
        %ne3A_2067 = arith.xori %ne3A_2055, %lt3A_2066 : vector<32xi1>
        %abs3A_2068 = math.absf %bitcast3A_2063 : vector<32xbf16>
        %min3A_2069 = arith.minimumf %min3A_2057, %abs3A_2068 : vector<32xbf16>
        %add3A_2070 = arith.constant 15 : i32
        %add3A_2071 = arith.addi %mul3A_1301, %add3A_2070 : i32
        %get3A_2072 = arith.index_cast %add3A_2071 : i32 to index
        %get3A_2073 = arith.constant 32 : index
        %get3A_2074 = tpu.vector_load %arg11[%get3A_2072, %get3A_2073] {strides = array<i32>} : memref<120x64xi32, #tpu.memory_space<vmem>>, vector<16xi32>,
        %bitcast3A_2075 = vector.bitcast %get3A_2074 : vector<16xi32> to vector<32xbf16>
        %lt3A_2076 = arith.constant 0.000000e+00 : bf16
        %lt3A_2077 = vector.broadcast %lt3A_2076 : bf16 to vector<32xbf16>
        %lt3A_2078 = arith.cmpf olt, %bitcast3A_2075, %lt3A_2077 : vector<32xbf16>
        %ne3A_2079 = arith.xori %ne3A_2067, %lt3A_2078 : vector<32xi1>
        %abs3A_2080 = math.absf %bitcast3A_2075 : vector<32xbf16>
        %min3A_2081 = arith.minimumf %min3A_2069, %abs3A_2080 : vector<32xbf16>
        %add3A_2082 = arith.constant 16 : i32
        %add3A_2083 = arith.addi %mul3A_1301, %add3A_2082 : i32
        %get3A_2084 = arith.index_cast %add3A_2083 : i32 to index
        %get3A_2085 = arith.constant 32 : index
        %get3A_2086 = tpu.vector_load %arg11[%get3A_2084, %get3A_2085] {strides = array<i32>} : memref<120x64xi32, #tpu.memory_space<vmem>>, vector<16xi32>,
        %bitcast3A_2087 = vector.bitcast %get3A_2086 : vector<16xi32> to vector<32xbf16>
        %lt3A_2088 = arith.constant 0.000000e+00 : bf16
        %lt3A_2089 = vector.broadcast %lt3A_2088 : bf16 to vector<32xbf16>
        %lt3A_2090 = arith.cmpf olt, %bitcast3A_2087, %lt3A_2089 : vector<32xbf16>
        %ne3A_2091 = arith.xori %ne3A_2079, %lt3A_2090 : vector<32xi1>
        %abs3A_2092 = math.absf %bitcast3A_2087 : vector<32xbf16>
        %min3A_2093 = arith.minimumf %min3A_2081, %abs3A_2092 : vector<32xbf16>
        %add3A_2094 = arith.constant 17 : i32
        %add3A_2095 = arith.addi %mul3A_1301, %add3A_2094 : i32
        %get3A_2096 = arith.index_cast %add3A_2095 : i32 to index
        %get3A_2097 = arith.constant 32 : index
        %get3A_2098 = tpu.vector_load %arg11[%get3A_2096, %get3A_2097] {strides = array<i32>} : memref<120x64xi32, #tpu.memory_space<vmem>>, vector<16xi32>,
        %bitcast3A_2099 = vector.bitcast %get3A_2098 : vector<16xi32> to vector<32xbf16>
        %lt3A_2100 = arith.constant 0.000000e+00 : bf16
        %lt3A_2101 = vector.broadcast %lt3A_2100 : bf16 to vector<32xbf16>
        %lt3A_2102 = arith.cmpf olt, %bitcast3A_2099, %lt3A_2101 : vector<32xbf16>
        %ne3A_2103 = arith.xori %ne3A_2091, %lt3A_2102 : vector<32xi1>
        %abs3A_2104 = math.absf %bitcast3A_2099 : vector<32xbf16>
        %min3A_2105 = arith.minimumf %min3A_2093, %abs3A_2104 : vector<32xbf16>
        %add3A_2106 = arith.constant 18 : i32
        %add3A_2107 = arith.addi %mul3A_1301, %add3A_2106 : i32
        %get3A_2108 = arith.index_cast %add3A_2107 : i32 to index
        %get3A_2109 = arith.constant 32 : index
        %get3A_2110 = tpu.vector_load %arg11[%get3A_2108, %get3A_2109] {strides = array<i32>} : memref<120x64xi32, #tpu.memory_space<vmem>>, vector<16xi32>,
        %bitcast3A_2111 = vector.bitcast %get3A_2110 : vector<16xi32> to vector<32xbf16>
        %lt3A_2112 = arith.constant 0.000000e+00 : bf16
        %lt3A_2113 = vector.broadcast %lt3A_2112 : bf16 to vector<32xbf16>
        %lt3A_2114 = arith.cmpf olt, %bitcast3A_2111, %lt3A_2113 : vector<32xbf16>
        %ne3A_2115 = arith.xori %ne3A_2103, %lt3A_2114 : vector<32xi1>
        %abs3A_2116 = math.absf %bitcast3A_2111 : vector<32xbf16>
        %min3A_2117 = arith.minimumf %min3A_2105, %abs3A_2116 : vector<32xbf16>
        %neg3A_2118 = arith.constant 0.000000e+00 : bf16
        %neg3A_2119 = vector.broadcast %neg3A_2118 : bf16 to vector<32xbf16>
        %neg3A_2120 = arith.subf %neg3A_2119, %min3A_2117 : vector<32xbf16>
        %select_n3A_2121 = arith.select %ne3A_2115, %neg3A_2120, %min3A_2117 : vector<32xi1>, vector<32xbf16>
        %unpack3A_2122 = tpu.unpack_subelements %select_n3A_2121, 0 {pack_format = #tpu.pack_format<interleaved>} : vector<32xbf16> -> vector<16xf32>
        %unpack3A_2123 = tpu.unpack_subelements %select_n3A_2121, 1 {pack_format = #tpu.pack_format<interleaved>} : vector<32xbf16> -> vector<16xf32>
        %add3A_2124 = arith.constant 19 : i32
        %add3A_2125 = arith.addi %mul3A_1301, %add3A_2124 : i32
        %get3A_2126 = arith.index_cast %add3A_2125 : i32 to index
        %get3A_2127 = arith.constant 32 : index
        %get3A_2128 = tpu.vector_load %arg11[%get3A_2126, %get3A_2127] {strides = array<i32>} : memref<120x64xi32, #tpu.memory_space<vmem>>, vector<16xi32>,
        %bitcast3A_2129 = vector.bitcast %get3A_2128 : vector<16xi32> to vector<32xbf16>
        %unpack3A_2130 = tpu.unpack_subelements %bitcast3A_2129, 0 {pack_format = #tpu.pack_format<interleaved>} : vector<32xbf16> -> vector<16xf32>
        %unpack3A_2131 = tpu.unpack_subelements %bitcast3A_2129, 1 {pack_format = #tpu.pack_format<interleaved>} : vector<32xbf16> -> vector<16xf32>
        %get3A_2132 = arith.index_cast %add3A_1289 : i32 to index
        %get3A_2133 = arith.constant 64 : index
        %get3A_2134 = tpu.vector_load %arg12[%get3A_2132, %get3A_2133] {strides = array<i32>} : memref<264x128xf32, #tpu.memory_space<vmem>>, vector<16xf32>,
        %mul3A_2135 = vector.broadcast %squeeze3A_1295 : f32 to vector<16xf32>
        %mul3A_2136 = arith.mulf %mul3A_2135, %unpack3A_2122 : vector<16xf32>
        %add3A_2137 = arith.addf %get3A_2134, %mul3A_2136 : vector<16xf32>
        %mul3A_2138 = vector.broadcast %squeeze3A_1297 : f32 to vector<16xf32>
        %mul3A_2139 = arith.mulf %mul3A_2138, %unpack3A_2130 : vector<16xf32>
        %add3A_2140 = arith.addf %add3A_2137, %mul3A_2139 : vector<16xf32>
        %get3A_2141 = arith.index_cast %add3A_1289 : i32 to index
        %get3A_2142 = arith.constant 64 : index
        %get3A_2143 = tpu.vector_load %arg13[%get3A_2141, %get3A_2142] {strides = array<i32>} : memref<264x128xf32, #tpu.memory_space<vmem>>, vector<16xf32>,
        %mul3A_2144 = vector.broadcast %squeeze3A_1299 : f32 to vector<16xf32>
        %mul3A_2145 = arith.mulf %mul3A_2144, %get3A_2143 : vector<16xf32>
        %add3A_2146 = arith.addf %add3A_2140, %mul3A_2145 : vector<16xf32>
        %swap3A_2147 = arith.index_cast %add3A_1289 : i32 to index
        %swap3A_2148 = arith.constant 64 : index
        %swap3A_2149 = tpu.vector_load %arg12[%swap3A_2147, %swap3A_2148] {strides = array<i32>} : memref<264x128xf32, #tpu.memory_space<vmem>>, vector<16xf32>,
        tpu.vector_store %arg12[%swap3A_2147, %swap3A_2148], %add3A_2146 {strides = array<i32>} : memref<264x128xf32, #tpu.memory_space<vmem>>, vector<16xf32>,
        %get3A_2150 = arith.index_cast %add3A_1289 : i32 to index
        %get3A_2151 = arith.constant 80 : index
        %get3A_2152 = tpu.vector_load %arg12[%get3A_2150, %get3A_2151] {strides = array<i32>} : memref<264x128xf32, #tpu.memory_space<vmem>>, vector<16xf32>,
        %mul3A_2153 = vector.broadcast %squeeze3A_1295 : f32 to vector<16xf32>
        %mul3A_2154 = arith.mulf %mul3A_2153, %unpack3A_2123 : vector<16xf32>
        %add3A_2155 = arith.addf %get3A_2152, %mul3A_2154 : vector<16xf32>
        %mul3A_2156 = vector.broadcast %squeeze3A_1297 : f32 to vector<16xf32>
        %mul3A_2157 = arith.mulf %mul3A_2156, %unpack3A_2131 : vector<16xf32>
        %add3A_2158 = arith.addf %add3A_2155, %mul3A_2157 : vector<16xf32>
        %get3A_2159 = arith.index_cast %add3A_1289 : i32 to index
        %get3A_2160 = arith.constant 80 : index
        %get3A_2161 = tpu.vector_load %arg13[%get3A_2159, %get3A_2160] {strides = array<i32>} : memref<264x128xf32, #tpu.memory_space<vmem>>, vector<16xf32>,
        %mul3A_2162 = vector.broadcast %squeeze3A_1299 : f32 to vector<16xf32>
        %mul3A_2163 = arith.mulf %mul3A_2162, %get3A_2161 : vector<16xf32>
        %add3A_2164 = arith.addf %add3A_2158, %mul3A_2163 : vector<16xf32>
        %swap3A_2165 = arith.index_cast %add3A_1289 : i32 to index
        %swap3A_2166 = arith.constant 80 : index
        %swap3A_2167 = tpu.vector_load %arg12[%swap3A_2165, %swap3A_2166] {strides = array<i32>} : memref<264x128xf32, #tpu.memory_space<vmem>>, vector<16xf32>,
        tpu.vector_store %arg12[%swap3A_2165, %swap3A_2166], %add3A_2164 {strides = array<i32>} : memref<264x128xf32, #tpu.memory_space<vmem>>, vector<16xf32>,
        %bitcast3A_2168 = vector.bitcast %add3A_2146 : vector<16xf32> to vector<16xi32>
        %add3A_2169 = arith.constant 32768 : i32
        %add3A_2170 = vector.broadcast %add3A_2169 : i32 to vector<16xi32>
        %add3A_2171 = arith.addi %bitcast3A_2168, %add3A_2170 : vector<16xi32>
        %shift_right_logical3A_2172 = arith.constant 16 : i32
        %shift_right_logical3A_2173 = vector.broadcast %shift_right_logical3A_2172 : i32 to vector<16xi32>
        %shift_right_logical3A_2174 = arith.shrui %add3A_2171, %shift_right_logical3A_2173 : vector<16xi32>
        %bitcast3A_2175 = vector.bitcast %add3A_2164 : vector<16xf32> to vector<16xi32>
        %add3A_2176 = arith.constant 32768 : i32
        %add3A_2177 = vector.broadcast %add3A_2176 : i32 to vector<16xi32>
        %add3A_2178 = arith.addi %bitcast3A_2175, %add3A_2177 : vector<16xi32>
        %shift_right_logical3A_2179 = arith.constant 16 : i32
        %shift_right_logical3A_2180 = vector.broadcast %shift_right_logical3A_2179 : i32 to vector<16xi32>
        %shift_right_logical3A_2181 = arith.shrui %add3A_2178, %shift_right_logical3A_2180 : vector<16xi32>
        %shift_left3A_2182 = arith.constant 16 : i32
        %shift_left3A_2183 = vector.broadcast %shift_left3A_2182 : i32 to vector<16xi32>
        %shift_left3A_2184 = arith.shli %shift_right_logical3A_2181, %shift_left3A_2183 : vector<16xi32>
        %or3A_2185 = arith.ori %shift_right_logical3A_2174, %shift_left3A_2184 : vector<16xi32>
        %bitcast3A_2186 = vector.bitcast %or3A_2185 : vector<16xi32> to vector<16xi32>
        %swap3A_2187 = arith.index_cast %add3A_1289 : i32 to index
        %swap3A_2188 = arith.constant 32 : index
        %swap3A_2189 = tpu.vector_load %arg14[%swap3A_2187, %swap3A_2188] {strides = array<i32>} : memref<264x64xi32, #tpu.memory_space<vmem>>, vector<16xi32>,
        tpu.vector_store %arg14[%swap3A_2187, %swap3A_2188], %bitcast3A_2186 {strides = array<i32>} : memref<264x64xi32, #tpu.memory_space<vmem>>, vector<16xi32>,
        %get3A_2190 = arith.index_cast %mul3A_1301 : i32 to index
        %get3A_2191 = arith.constant 48 : index
        %get3A_2192 = tpu.vector_load %arg11[%get3A_2190, %get3A_2191] {strides = array<i32>} : memref<120x64xi32, #tpu.memory_space<vmem>>, vector<16xi32>,
        %bitcast3A_2193 = vector.bitcast %get3A_2192 : vector<16xi32> to vector<32xbf16>
        %lt3A_2194 = arith.constant 0.000000e+00 : bf16
        %lt3A_2195 = vector.broadcast %lt3A_2194 : bf16 to vector<32xbf16>
        %lt3A_2196 = arith.cmpf olt, %bitcast3A_2193, %lt3A_2195 : vector<32xbf16>
        %abs3A_2197 = math.absf %bitcast3A_2193 : vector<32xbf16>
        %add3A_2198 = arith.constant 1 : i32
        %add3A_2199 = arith.addi %mul3A_1301, %add3A_2198 : i32
        %get3A_2200 = arith.index_cast %add3A_2199 : i32 to index
        %get3A_2201 = arith.constant 48 : index
        %get3A_2202 = tpu.vector_load %arg11[%get3A_2200, %get3A_2201] {strides = array<i32>} : memref<120x64xi32, #tpu.memory_space<vmem>>, vector<16xi32>,
        %bitcast3A_2203 = vector.bitcast %get3A_2202 : vector<16xi32> to vector<32xbf16>
        %lt3A_2204 = arith.constant 0.000000e+00 : bf16
        %lt3A_2205 = vector.broadcast %lt3A_2204 : bf16 to vector<32xbf16>
        %lt3A_2206 = arith.cmpf olt, %bitcast3A_2203, %lt3A_2205 : vector<32xbf16>
        %ne3A_2207 = arith.xori %lt3A_2196, %lt3A_2206 : vector<32xi1>
        %abs3A_2208 = math.absf %bitcast3A_2203 : vector<32xbf16>
        %min3A_2209 = arith.minimumf %abs3A_2197, %abs3A_2208 : vector<32xbf16>
        %add3A_2210 = arith.constant 2 : i32
        %add3A_2211 = arith.addi %mul3A_1301, %add3A_2210 : i32
        %get3A_2212 = arith.index_cast %add3A_2211 : i32 to index
        %get3A_2213 = arith.constant 48 : index
        %get3A_2214 = tpu.vector_load %arg11[%get3A_2212, %get3A_2213] {strides = array<i32>} : memref<120x64xi32, #tpu.memory_space<vmem>>, vector<16xi32>,
        %bitcast3A_2215 = vector.bitcast %get3A_2214 : vector<16xi32> to vector<32xbf16>
        %lt3A_2216 = arith.constant 0.000000e+00 : bf16
        %lt3A_2217 = vector.broadcast %lt3A_2216 : bf16 to vector<32xbf16>
        %lt3A_2218 = arith.cmpf olt, %bitcast3A_2215, %lt3A_2217 : vector<32xbf16>
        %ne3A_2219 = arith.xori %ne3A_2207, %lt3A_2218 : vector<32xi1>
        %abs3A_2220 = math.absf %bitcast3A_2215 : vector<32xbf16>
        %min3A_2221 = arith.minimumf %min3A_2209, %abs3A_2220 : vector<32xbf16>
        %add3A_2222 = arith.constant 3 : i32
        %add3A_2223 = arith.addi %mul3A_1301, %add3A_2222 : i32
        %get3A_2224 = arith.index_cast %add3A_2223 : i32 to index
        %get3A_2225 = arith.constant 48 : index
        %get3A_2226 = tpu.vector_load %arg11[%get3A_2224, %get3A_2225] {strides = array<i32>} : memref<120x64xi32, #tpu.memory_space<vmem>>, vector<16xi32>,
        %bitcast3A_2227 = vector.bitcast %get3A_2226 : vector<16xi32> to vector<32xbf16>
        %lt3A_2228 = arith.constant 0.000000e+00 : bf16
        %lt3A_2229 = vector.broadcast %lt3A_2228 : bf16 to vector<32xbf16>
        %lt3A_2230 = arith.cmpf olt, %bitcast3A_2227, %lt3A_2229 : vector<32xbf16>
        %ne3A_2231 = arith.xori %ne3A_2219, %lt3A_2230 : vector<32xi1>
        %abs3A_2232 = math.absf %bitcast3A_2227 : vector<32xbf16>
        %min3A_2233 = arith.minimumf %min3A_2221, %abs3A_2232 : vector<32xbf16>
        %add3A_2234 = arith.constant 4 : i32
        %add3A_2235 = arith.addi %mul3A_1301, %add3A_2234 : i32
        %get3A_2236 = arith.index_cast %add3A_2235 : i32 to index
        %get3A_2237 = arith.constant 48 : index
        %get3A_2238 = tpu.vector_load %arg11[%get3A_2236, %get3A_2237] {strides = array<i32>} : memref<120x64xi32, #tpu.memory_space<vmem>>, vector<16xi32>,
        %bitcast3A_2239 = vector.bitcast %get3A_2238 : vector<16xi32> to vector<32xbf16>
        %lt3A_2240 = arith.constant 0.000000e+00 : bf16
        %lt3A_2241 = vector.broadcast %lt3A_2240 : bf16 to vector<32xbf16>
        %lt3A_2242 = arith.cmpf olt, %bitcast3A_2239, %lt3A_2241 : vector<32xbf16>
        %ne3A_2243 = arith.xori %ne3A_2231, %lt3A_2242 : vector<32xi1>
        %abs3A_2244 = math.absf %bitcast3A_2239 : vector<32xbf16>
        %min3A_2245 = arith.minimumf %min3A_2233, %abs3A_2244 : vector<32xbf16>
        %add3A_2246 = arith.constant 5 : i32
        %add3A_2247 = arith.addi %mul3A_1301, %add3A_2246 : i32
        %get3A_2248 = arith.index_cast %add3A_2247 : i32 to index
        %get3A_2249 = arith.constant 48 : index
        %get3A_2250 = tpu.vector_load %arg11[%get3A_2248, %get3A_2249] {strides = array<i32>} : memref<120x64xi32, #tpu.memory_space<vmem>>, vector<16xi32>,
        %bitcast3A_2251 = vector.bitcast %get3A_2250 : vector<16xi32> to vector<32xbf16>
        %lt3A_2252 = arith.constant 0.000000e+00 : bf16
        %lt3A_2253 = vector.broadcast %lt3A_2252 : bf16 to vector<32xbf16>
        %lt3A_2254 = arith.cmpf olt, %bitcast3A_2251, %lt3A_2253 : vector<32xbf16>
        %ne3A_2255 = arith.xori %ne3A_2243, %lt3A_2254 : vector<32xi1>
        %abs3A_2256 = math.absf %bitcast3A_2251 : vector<32xbf16>
        %min3A_2257 = arith.minimumf %min3A_2245, %abs3A_2256 : vector<32xbf16>
        %add3A_2258 = arith.constant 6 : i32
        %add3A_2259 = arith.addi %mul3A_1301, %add3A_2258 : i32
        %get3A_2260 = arith.index_cast %add3A_2259 : i32 to index
        %get3A_2261 = arith.constant 48 : index
        %get3A_2262 = tpu.vector_load %arg11[%get3A_2260, %get3A_2261] {strides = array<i32>} : memref<120x64xi32, #tpu.memory_space<vmem>>, vector<16xi32>,
        %bitcast3A_2263 = vector.bitcast %get3A_2262 : vector<16xi32> to vector<32xbf16>
        %lt3A_2264 = arith.constant 0.000000e+00 : bf16
        %lt3A_2265 = vector.broadcast %lt3A_2264 : bf16 to vector<32xbf16>
        %lt3A_2266 = arith.cmpf olt, %bitcast3A_2263, %lt3A_2265 : vector<32xbf16>
        %ne3A_2267 = arith.xori %ne3A_2255, %lt3A_2266 : vector<32xi1>
        %abs3A_2268 = math.absf %bitcast3A_2263 : vector<32xbf16>
        %min3A_2269 = arith.minimumf %min3A_2257, %abs3A_2268 : vector<32xbf16>
        %add3A_2270 = arith.constant 7 : i32
        %add3A_2271 = arith.addi %mul3A_1301, %add3A_2270 : i32
        %get3A_2272 = arith.index_cast %add3A_2271 : i32 to index
        %get3A_2273 = arith.constant 48 : index
        %get3A_2274 = tpu.vector_load %arg11[%get3A_2272, %get3A_2273] {strides = array<i32>} : memref<120x64xi32, #tpu.memory_space<vmem>>, vector<16xi32>,
        %bitcast3A_2275 = vector.bitcast %get3A_2274 : vector<16xi32> to vector<32xbf16>
        %lt3A_2276 = arith.constant 0.000000e+00 : bf16
        %lt3A_2277 = vector.broadcast %lt3A_2276 : bf16 to vector<32xbf16>
        %lt3A_2278 = arith.cmpf olt, %bitcast3A_2275, %lt3A_2277 : vector<32xbf16>
        %ne3A_2279 = arith.xori %ne3A_2267, %lt3A_2278 : vector<32xi1>
        %abs3A_2280 = math.absf %bitcast3A_2275 : vector<32xbf16>
        %min3A_2281 = arith.minimumf %min3A_2269, %abs3A_2280 : vector<32xbf16>
        %add3A_2282 = arith.constant 8 : i32
        %add3A_2283 = arith.addi %mul3A_1301, %add3A_2282 : i32
        %get3A_2284 = arith.index_cast %add3A_2283 : i32 to index
        %get3A_2285 = arith.constant 48 : index
        %get3A_2286 = tpu.vector_load %arg11[%get3A_2284, %get3A_2285] {strides = array<i32>} : memref<120x64xi32, #tpu.memory_space<vmem>>, vector<16xi32>,
        %bitcast3A_2287 = vector.bitcast %get3A_2286 : vector<16xi32> to vector<32xbf16>
        %lt3A_2288 = arith.constant 0.000000e+00 : bf16
        %lt3A_2289 = vector.broadcast %lt3A_2288 : bf16 to vector<32xbf16>
        %lt3A_2290 = arith.cmpf olt, %bitcast3A_2287, %lt3A_2289 : vector<32xbf16>
        %ne3A_2291 = arith.xori %ne3A_2279, %lt3A_2290 : vector<32xi1>
        %abs3A_2292 = math.absf %bitcast3A_2287 : vector<32xbf16>
        %min3A_2293 = arith.minimumf %min3A_2281, %abs3A_2292 : vector<32xbf16>
        %add3A_2294 = arith.constant 9 : i32
        %add3A_2295 = arith.addi %mul3A_1301, %add3A_2294 : i32
        %get3A_2296 = arith.index_cast %add3A_2295 : i32 to index
        %get3A_2297 = arith.constant 48 : index
        %get3A_2298 = tpu.vector_load %arg11[%get3A_2296, %get3A_2297] {strides = array<i32>} : memref<120x64xi32, #tpu.memory_space<vmem>>, vector<16xi32>,
        %bitcast3A_2299 = vector.bitcast %get3A_2298 : vector<16xi32> to vector<32xbf16>
        %lt3A_2300 = arith.constant 0.000000e+00 : bf16
        %lt3A_2301 = vector.broadcast %lt3A_2300 : bf16 to vector<32xbf16>
        %lt3A_2302 = arith.cmpf olt, %bitcast3A_2299, %lt3A_2301 : vector<32xbf16>
        %ne3A_2303 = arith.xori %ne3A_2291, %lt3A_2302 : vector<32xi1>
        %abs3A_2304 = math.absf %bitcast3A_2299 : vector<32xbf16>
        %min3A_2305 = arith.minimumf %min3A_2293, %abs3A_2304 : vector<32xbf16>
        %add3A_2306 = arith.constant 10 : i32
        %add3A_2307 = arith.addi %mul3A_1301, %add3A_2306 : i32
        %get3A_2308 = arith.index_cast %add3A_2307 : i32 to index
        %get3A_2309 = arith.constant 48 : index
        %get3A_2310 = tpu.vector_load %arg11[%get3A_2308, %get3A_2309] {strides = array<i32>} : memref<120x64xi32, #tpu.memory_space<vmem>>, vector<16xi32>,
        %bitcast3A_2311 = vector.bitcast %get3A_2310 : vector<16xi32> to vector<32xbf16>
        %lt3A_2312 = arith.constant 0.000000e+00 : bf16
        %lt3A_2313 = vector.broadcast %lt3A_2312 : bf16 to vector<32xbf16>
        %lt3A_2314 = arith.cmpf olt, %bitcast3A_2311, %lt3A_2313 : vector<32xbf16>
        %ne3A_2315 = arith.xori %ne3A_2303, %lt3A_2314 : vector<32xi1>
        %abs3A_2316 = math.absf %bitcast3A_2311 : vector<32xbf16>
        %min3A_2317 = arith.minimumf %min3A_2305, %abs3A_2316 : vector<32xbf16>
        %add3A_2318 = arith.constant 11 : i32
        %add3A_2319 = arith.addi %mul3A_1301, %add3A_2318 : i32
        %get3A_2320 = arith.index_cast %add3A_2319 : i32 to index
        %get3A_2321 = arith.constant 48 : index
        %get3A_2322 = tpu.vector_load %arg11[%get3A_2320, %get3A_2321] {strides = array<i32>} : memref<120x64xi32, #tpu.memory_space<vmem>>, vector<16xi32>,
        %bitcast3A_2323 = vector.bitcast %get3A_2322 : vector<16xi32> to vector<32xbf16>
        %lt3A_2324 = arith.constant 0.000000e+00 : bf16
        %lt3A_2325 = vector.broadcast %lt3A_2324 : bf16 to vector<32xbf16>
        %lt3A_2326 = arith.cmpf olt, %bitcast3A_2323, %lt3A_2325 : vector<32xbf16>
        %ne3A_2327 = arith.xori %ne3A_2315, %lt3A_2326 : vector<32xi1>
        %abs3A_2328 = math.absf %bitcast3A_2323 : vector<32xbf16>
        %min3A_2329 = arith.minimumf %min3A_2317, %abs3A_2328 : vector<32xbf16>
        %add3A_2330 = arith.constant 12 : i32
        %add3A_2331 = arith.addi %mul3A_1301, %add3A_2330 : i32
        %get3A_2332 = arith.index_cast %add3A_2331 : i32 to index
        %get3A_2333 = arith.constant 48 : index
        %get3A_2334 = tpu.vector_load %arg11[%get3A_2332, %get3A_2333] {strides = array<i32>} : memref<120x64xi32, #tpu.memory_space<vmem>>, vector<16xi32>,
        %bitcast3A_2335 = vector.bitcast %get3A_2334 : vector<16xi32> to vector<32xbf16>
        %lt3A_2336 = arith.constant 0.000000e+00 : bf16
        %lt3A_2337 = vector.broadcast %lt3A_2336 : bf16 to vector<32xbf16>
        %lt3A_2338 = arith.cmpf olt, %bitcast3A_2335, %lt3A_2337 : vector<32xbf16>
        %ne3A_2339 = arith.xori %ne3A_2327, %lt3A_2338 : vector<32xi1>
        %abs3A_2340 = math.absf %bitcast3A_2335 : vector<32xbf16>
        %min3A_2341 = arith.minimumf %min3A_2329, %abs3A_2340 : vector<32xbf16>
        %add3A_2342 = arith.constant 13 : i32
        %add3A_2343 = arith.addi %mul3A_1301, %add3A_2342 : i32
        %get3A_2344 = arith.index_cast %add3A_2343 : i32 to index
        %get3A_2345 = arith.constant 48 : index
        %get3A_2346 = tpu.vector_load %arg11[%get3A_2344, %get3A_2345] {strides = array<i32>} : memref<120x64xi32, #tpu.memory_space<vmem>>, vector<16xi32>,
        %bitcast3A_2347 = vector.bitcast %get3A_2346 : vector<16xi32> to vector<32xbf16>
        %lt3A_2348 = arith.constant 0.000000e+00 : bf16
        %lt3A_2349 = vector.broadcast %lt3A_2348 : bf16 to vector<32xbf16>
        %lt3A_2350 = arith.cmpf olt, %bitcast3A_2347, %lt3A_2349 : vector<32xbf16>
        %ne3A_2351 = arith.xori %ne3A_2339, %lt3A_2350 : vector<32xi1>
        %abs3A_2352 = math.absf %bitcast3A_2347 : vector<32xbf16>
        %min3A_2353 = arith.minimumf %min3A_2341, %abs3A_2352 : vector<32xbf16>
        %add3A_2354 = arith.constant 14 : i32
        %add3A_2355 = arith.addi %mul3A_1301, %add3A_2354 : i32
        %get3A_2356 = arith.index_cast %add3A_2355 : i32 to index
        %get3A_2357 = arith.constant 48 : index
        %get3A_2358 = tpu.vector_load %arg11[%get3A_2356, %get3A_2357] {strides = array<i32>} : memref<120x64xi32, #tpu.memory_space<vmem>>, vector<16xi32>,
        %bitcast3A_2359 = vector.bitcast %get3A_2358 : vector<16xi32> to vector<32xbf16>
        %lt3A_2360 = arith.constant 0.000000e+00 : bf16
        %lt3A_2361 = vector.broadcast %lt3A_2360 : bf16 to vector<32xbf16>
        %lt3A_2362 = arith.cmpf olt, %bitcast3A_2359, %lt3A_2361 : vector<32xbf16>
        %ne3A_2363 = arith.xori %ne3A_2351, %lt3A_2362 : vector<32xi1>
        %abs3A_2364 = math.absf %bitcast3A_2359 : vector<32xbf16>
        %min3A_2365 = arith.minimumf %min3A_2353, %abs3A_2364 : vector<32xbf16>
        %add3A_2366 = arith.constant 15 : i32
        %add3A_2367 = arith.addi %mul3A_1301, %add3A_2366 : i32
        %get3A_2368 = arith.index_cast %add3A_2367 : i32 to index
        %get3A_2369 = arith.constant 48 : index
        %get3A_2370 = tpu.vector_load %arg11[%get3A_2368, %get3A_2369] {strides = array<i32>} : memref<120x64xi32, #tpu.memory_space<vmem>>, vector<16xi32>,
        %bitcast3A_2371 = vector.bitcast %get3A_2370 : vector<16xi32> to vector<32xbf16>
        %lt3A_2372 = arith.constant 0.000000e+00 : bf16
        %lt3A_2373 = vector.broadcast %lt3A_2372 : bf16 to vector<32xbf16>
        %lt3A_2374 = arith.cmpf olt, %bitcast3A_2371, %lt3A_2373 : vector<32xbf16>
        %ne3A_2375 = arith.xori %ne3A_2363, %lt3A_2374 : vector<32xi1>
        %abs3A_2376 = math.absf %bitcast3A_2371 : vector<32xbf16>
        %min3A_2377 = arith.minimumf %min3A_2365, %abs3A_2376 : vector<32xbf16>
        %add3A_2378 = arith.constant 16 : i32
        %add3A_2379 = arith.addi %mul3A_1301, %add3A_2378 : i32
        %get3A_2380 = arith.index_cast %add3A_2379 : i32 to index
        %get3A_2381 = arith.constant 48 : index
        %get3A_2382 = tpu.vector_load %arg11[%get3A_2380, %get3A_2381] {strides = array<i32>} : memref<120x64xi32, #tpu.memory_space<vmem>>, vector<16xi32>,
        %bitcast3A_2383 = vector.bitcast %get3A_2382 : vector<16xi32> to vector<32xbf16>
        %lt3A_2384 = arith.constant 0.000000e+00 : bf16
        %lt3A_2385 = vector.broadcast %lt3A_2384 : bf16 to vector<32xbf16>
        %lt3A_2386 = arith.cmpf olt, %bitcast3A_2383, %lt3A_2385 : vector<32xbf16>
        %ne3A_2387 = arith.xori %ne3A_2375, %lt3A_2386 : vector<32xi1>
        %abs3A_2388 = math.absf %bitcast3A_2383 : vector<32xbf16>
        %min3A_2389 = arith.minimumf %min3A_2377, %abs3A_2388 : vector<32xbf16>
        %add3A_2390 = arith.constant 17 : i32
        %add3A_2391 = arith.addi %mul3A_1301, %add3A_2390 : i32
        %get3A_2392 = arith.index_cast %add3A_2391 : i32 to index
        %get3A_2393 = arith.constant 48 : index
        %get3A_2394 = tpu.vector_load %arg11[%get3A_2392, %get3A_2393] {strides = array<i32>} : memref<120x64xi32, #tpu.memory_space<vmem>>, vector<16xi32>,
        %bitcast3A_2395 = vector.bitcast %get3A_2394 : vector<16xi32> to vector<32xbf16>
        %lt3A_2396 = arith.constant 0.000000e+00 : bf16
        %lt3A_2397 = vector.broadcast %lt3A_2396 : bf16 to vector<32xbf16>
        %lt3A_2398 = arith.cmpf olt, %bitcast3A_2395, %lt3A_2397 : vector<32xbf16>
        %ne3A_2399 = arith.xori %ne3A_2387, %lt3A_2398 : vector<32xi1>
        %abs3A_2400 = math.absf %bitcast3A_2395 : vector<32xbf16>
        %min3A_2401 = arith.minimumf %min3A_2389, %abs3A_2400 : vector<32xbf16>
        %add3A_2402 = arith.constant 18 : i32
        %add3A_2403 = arith.addi %mul3A_1301, %add3A_2402 : i32
        %get3A_2404 = arith.index_cast %add3A_2403 : i32 to index
        %get3A_2405 = arith.constant 48 : index
        %get3A_2406 = tpu.vector_load %arg11[%get3A_2404, %get3A_2405] {strides = array<i32>} : memref<120x64xi32, #tpu.memory_space<vmem>>, vector<16xi32>,
        %bitcast3A_2407 = vector.bitcast %get3A_2406 : vector<16xi32> to vector<32xbf16>
        %lt3A_2408 = arith.constant 0.000000e+00 : bf16
        %lt3A_2409 = vector.broadcast %lt3A_2408 : bf16 to vector<32xbf16>
        %lt3A_2410 = arith.cmpf olt, %bitcast3A_2407, %lt3A_2409 : vector<32xbf16>
        %ne3A_2411 = arith.xori %ne3A_2399, %lt3A_2410 : vector<32xi1>
        %abs3A_2412 = math.absf %bitcast3A_2407 : vector<32xbf16>
        %min3A_2413 = arith.minimumf %min3A_2401, %abs3A_2412 : vector<32xbf16>
        %neg3A_2414 = arith.constant 0.000000e+00 : bf16
        %neg3A_2415 = vector.broadcast %neg3A_2414 : bf16 to vector<32xbf16>
        %neg3A_2416 = arith.subf %neg3A_2415, %min3A_2413 : vector<32xbf16>
        %select_n3A_2417 = arith.select %ne3A_2411, %neg3A_2416, %min3A_2413 : vector<32xi1>, vector<32xbf16>
        %unpack3A_2418 = tpu.unpack_subelements %select_n3A_2417, 0 {pack_format = #tpu.pack_format<interleaved>} : vector<32xbf16> -> vector<16xf32>
        %unpack3A_2419 = tpu.unpack_subelements %select_n3A_2417, 1 {pack_format = #tpu.pack_format<interleaved>} : vector<32xbf16> -> vector<16xf32>
        %add3A_2420 = arith.constant 19 : i32
        %add3A_2421 = arith.addi %mul3A_1301, %add3A_2420 : i32
        %get3A_2422 = arith.index_cast %add3A_2421 : i32 to index
        %get3A_2423 = arith.constant 48 : index
        %get3A_2424 = tpu.vector_load %arg11[%get3A_2422, %get3A_2423] {strides = array<i32>} : memref<120x64xi32, #tpu.memory_space<vmem>>, vector<16xi32>,
        %bitcast3A_2425 = vector.bitcast %get3A_2424 : vector<16xi32> to vector<32xbf16>
        %unpack3A_2426 = tpu.unpack_subelements %bitcast3A_2425, 0 {pack_format = #tpu.pack_format<interleaved>} : vector<32xbf16> -> vector<16xf32>
        %unpack3A_2427 = tpu.unpack_subelements %bitcast3A_2425, 1 {pack_format = #tpu.pack_format<interleaved>} : vector<32xbf16> -> vector<16xf32>
        %get3A_2428 = arith.index_cast %add3A_1289 : i32 to index
        %get3A_2429 = arith.constant 96 : index
        %get3A_2430 = tpu.vector_load %arg12[%get3A_2428, %get3A_2429] {strides = array<i32>} : memref<264x128xf32, #tpu.memory_space<vmem>>, vector<16xf32>,
        %mul3A_2431 = vector.broadcast %squeeze3A_1295 : f32 to vector<16xf32>
        %mul3A_2432 = arith.mulf %mul3A_2431, %unpack3A_2418 : vector<16xf32>
        %add3A_2433 = arith.addf %get3A_2430, %mul3A_2432 : vector<16xf32>
        %mul3A_2434 = vector.broadcast %squeeze3A_1297 : f32 to vector<16xf32>
        %mul3A_2435 = arith.mulf %mul3A_2434, %unpack3A_2426 : vector<16xf32>
        %add3A_2436 = arith.addf %add3A_2433, %mul3A_2435 : vector<16xf32>
        %get3A_2437 = arith.index_cast %add3A_1289 : i32 to index
        %get3A_2438 = arith.constant 96 : index
        %get3A_2439 = tpu.vector_load %arg13[%get3A_2437, %get3A_2438] {strides = array<i32>} : memref<264x128xf32, #tpu.memory_space<vmem>>, vector<16xf32>,
        %mul3A_2440 = vector.broadcast %squeeze3A_1299 : f32 to vector<16xf32>
        %mul3A_2441 = arith.mulf %mul3A_2440, %get3A_2439 : vector<16xf32>
        %add3A_2442 = arith.addf %add3A_2436, %mul3A_2441 : vector<16xf32>
        %swap3A_2443 = arith.index_cast %add3A_1289 : i32 to index
        %swap3A_2444 = arith.constant 96 : index
        %swap3A_2445 = tpu.vector_load %arg12[%swap3A_2443, %swap3A_2444] {strides = array<i32>} : memref<264x128xf32, #tpu.memory_space<vmem>>, vector<16xf32>,
        tpu.vector_store %arg12[%swap3A_2443, %swap3A_2444], %add3A_2442 {strides = array<i32>} : memref<264x128xf32, #tpu.memory_space<vmem>>, vector<16xf32>,
        %get3A_2446 = arith.index_cast %add3A_1289 : i32 to index
        %get3A_2447 = arith.constant 112 : index
        %get3A_2448 = tpu.vector_load %arg12[%get3A_2446, %get3A_2447] {strides = array<i32>} : memref<264x128xf32, #tpu.memory_space<vmem>>, vector<16xf32>,
        %mul3A_2449 = vector.broadcast %squeeze3A_1295 : f32 to vector<16xf32>
        %mul3A_2450 = arith.mulf %mul3A_2449, %unpack3A_2419 : vector<16xf32>
        %add3A_2451 = arith.addf %get3A_2448, %mul3A_2450 : vector<16xf32>
        %mul3A_2452 = vector.broadcast %squeeze3A_1297 : f32 to vector<16xf32>
        %mul3A_2453 = arith.mulf %mul3A_2452, %unpack3A_2427 : vector<16xf32>
        %add3A_2454 = arith.addf %add3A_2451, %mul3A_2453 : vector<16xf32>
        %get3A_2455 = arith.index_cast %add3A_1289 : i32 to index
        %get3A_2456 = arith.constant 112 : index
        %get3A_2457 = tpu.vector_load %arg13[%get3A_2455, %get3A_2456] {strides = array<i32>} : memref<264x128xf32, #tpu.memory_space<vmem>>, vector<16xf32>,
        %mul3A_2458 = vector.broadcast %squeeze3A_1299 : f32 to vector<16xf32>
        %mul3A_2459 = arith.mulf %mul3A_2458, %get3A_2457 : vector<16xf32>
        %add3A_2460 = arith.addf %add3A_2454, %mul3A_2459 : vector<16xf32>
        %swap3A_2461 = arith.index_cast %add3A_1289 : i32 to index
        %swap3A_2462 = arith.constant 112 : index
        %swap3A_2463 = tpu.vector_load %arg12[%swap3A_2461, %swap3A_2462] {strides = array<i32>} : memref<264x128xf32, #tpu.memory_space<vmem>>, vector<16xf32>,
        tpu.vector_store %arg12[%swap3A_2461, %swap3A_2462], %add3A_2460 {strides = array<i32>} : memref<264x128xf32, #tpu.memory_space<vmem>>, vector<16xf32>,
        %bitcast3A_2464 = vector.bitcast %add3A_2442 : vector<16xf32> to vector<16xi32>
        %add3A_2465 = arith.constant 32768 : i32
        %add3A_2466 = vector.broadcast %add3A_2465 : i32 to vector<16xi32>
        %add3A_2467 = arith.addi %bitcast3A_2464, %add3A_2466 : vector<16xi32>
        %shift_right_logical3A_2468 = arith.constant 16 : i32
        %shift_right_logical3A_2469 = vector.broadcast %shift_right_logical3A_2468 : i32 to vector<16xi32>
        %shift_right_logical3A_2470 = arith.shrui %add3A_2467, %shift_right_logical3A_2469 : vector<16xi32>
        %bitcast3A_2471 = vector.bitcast %add3A_2460 : vector<16xf32> to vector<16xi32>
        %add3A_2472 = arith.constant 32768 : i32
        %add3A_2473 = vector.broadcast %add3A_2472 : i32 to vector<16xi32>
        %add3A_2474 = arith.addi %bitcast3A_2471, %add3A_2473 : vector<16xi32>
        %shift_right_logical3A_2475 = arith.constant 16 : i32
        %shift_right_logical3A_2476 = vector.broadcast %shift_right_logical3A_2475 : i32 to vector<16xi32>
        %shift_right_logical3A_2477 = arith.shrui %add3A_2474, %shift_right_logical3A_2476 : vector<16xi32>
        %shift_left3A_2478 = arith.constant 16 : i32
        %shift_left3A_2479 = vector.broadcast %shift_left3A_2478 : i32 to vector<16xi32>
        %shift_left3A_2480 = arith.shli %shift_right_logical3A_2477, %shift_left3A_2479 : vector<16xi32>
        %or3A_2481 = arith.ori %shift_right_logical3A_2470, %shift_left3A_2480 : vector<16xi32>
        %bitcast3A_2482 = vector.bitcast %or3A_2481 : vector<16xi32> to vector<16xi32>
        %swap3A_2483 = arith.index_cast %add3A_1289 : i32 to index
        %swap3A_2484 = arith.constant 48 : index
        %swap3A_2485 = tpu.vector_load %arg14[%swap3A_2483, %swap3A_2484] {strides = array<i32>} : memref<264x64xi32, #tpu.memory_space<vmem>>, vector<16xi32>,
        tpu.vector_store %arg14[%swap3A_2483, %swap3A_2484], %bitcast3A_2482 {strides = array<i32>} : memref<264x64xi32, #tpu.memory_space<vmem>>, vector<16xi32>,
      }
      %scan3A_91 = arith.constant 6 : i32
      %add3A_92 = arith.constant 2 : i32
      %add3A_93 = arith.addi %add3A_80, %add3A_92 : i32
      %lt3A_94 = arith.constant 44 : i32
      %lt3A_95 = arith.cmpi slt, %add3A_93, %lt3A_94 : i32
      %convert_element_type3A_96 = arith.extui %lt3A_95 : i1 to i32
      %cond3A_97 = arith.constant 0 : i32
      %cond3A_98 = arith.cmpi ne, %convert_element_type3A_96, %cond3A_97 : i32
      scf.if %cond3A_98 {
        %add3A_99 = arith.constant 2 : i32
        %add3A_100 = arith.addi %add3A_80, %add3A_99 : i32
        %dma_start3A_101 = arith.constant 0 : i32
        %dma_start3A_102 = tpu.memref_slice %arg9[%add3A_100, %dma_start3A_101] : memref<44x120xi32, #tpu.memory_space<vmem>> -> memref<1x120xi32, #tpu.memory_space<vmem>>
        %dma_start3A_103 = tpu.memref_squeeze %dma_start3A_102 : memref<1x120xi32, #tpu.memory_space<vmem>> -> memref<120xi32, #tpu.memory_space<vmem>>
        %dma_start3A_104 = arith.constant 0 : i32
        %dma_start3A_105 = arith.constant 0 : i32
        %dma_start3A_106 = tpu.memref_slice %arg2[%dma_start3A_104, %dma_start3A_105] : memref<8448x64xi32, #tpu.memory_space<hbm>> -> memref<8448x64xi32, #tpu.memory_space<hbm>>
        tpu.enqueue_indirect_dma source(%dma_start3A_106 : memref<8448x64xi32, #tpu.memory_space<hbm>>) target(%arg11 : memref<120x64xi32, #tpu.memory_space<vmem>>) offsets(%dma_start3A_103 : memref<120xi32, #tpu.memory_space<vmem>>) semaphore(%arg17 : memref<!tpu.dma_semaphore, #tpu.memory_space<semaphore_mem>>)
      } else {
      }
    }
    %scan3A_42 = arith.constant 22 : i32
    %dma_start3A_43 = arith.constant 0 : i32
    %dma_start3A_44 = tpu.memref_slice %arg7[%mul3A_2, %dma_start3A_43] : memref<8448x128xf32, #tpu.memory_space<hbm>> -> memref<264x128xf32, #tpu.memory_space<hbm>>
    %dma_start3A_45 = arith.constant 0 : i32
    %dma_start3A_46 = tpu.memref_slice %arg7[%mul3A_2, %dma_start3A_45] : memref<8448x128xf32, #tpu.memory_space<hbm>> -> memref<264x128xf32, #tpu.memory_space<hbm>>
    tpu.enqueue_dma source(%arg12 : memref<264x128xf32, #tpu.memory_space<vmem>>) target(%dma_start3A_46 : memref<264x128xf32, #tpu.memory_space<hbm>>) target_semaphore(%arg16 : memref<!tpu.dma_semaphore, #tpu.memory_space<semaphore_mem>>)
    %dma_start3A_47 = arith.constant 0 : i32
    %dma_start3A_48 = tpu.memref_slice %arg8[%mul3A_2, %dma_start3A_47] : memref<8448x64xi32, #tpu.memory_space<hbm>> -> memref<264x64xi32, #tpu.memory_space<hbm>>
    %dma_start3A_49 = arith.constant 0 : i32
    %dma_start3A_50 = tpu.memref_slice %arg8[%mul3A_2, %dma_start3A_49] : memref<8448x64xi32, #tpu.memory_space<hbm>> -> memref<264x64xi32, #tpu.memory_space<hbm>>
    tpu.enqueue_dma source(%arg14 : memref<264x64xi32, #tpu.memory_space<vmem>>) target(%dma_start3A_50 : memref<264x64xi32, #tpu.memory_space<hbm>>) target_semaphore(%arg17 : memref<!tpu.dma_semaphore, #tpu.memory_space<semaphore_mem>>)
    %dma_wait3A_51 = arith.constant 0 : i32
    %dma_wait3A_52 = tpu.memref_slice %arg7[%mul3A_2, %dma_wait3A_51] : memref<8448x128xf32, #tpu.memory_space<hbm>> -> memref<264x128xf32, #tpu.memory_space<hbm>>
    %dma_wait3A_53 = arith.constant 0 : i32
    %dma_wait3A_54 = tpu.memref_slice %arg7[%mul3A_2, %dma_wait3A_53] : memref<8448x128xf32, #tpu.memory_space<hbm>> -> memref<264x128xf32, #tpu.memory_space<hbm>>
    tpu.wait_dma2 semaphore(%arg16 : memref<!tpu.dma_semaphore, #tpu.memory_space<semaphore_mem>>) src(%arg12 : memref<264x128xf32, #tpu.memory_space<vmem>>) dst(%dma_wait3A_54 : memref<264x128xf32, #tpu.memory_space<hbm>>)
    %dma_wait3A_55 = arith.constant 0 : i32
    %dma_wait3A_56 = tpu.memref_slice %arg8[%mul3A_2, %dma_wait3A_55] : memref<8448x64xi32, #tpu.memory_space<hbm>> -> memref<264x64xi32, #tpu.memory_space<hbm>>
    %dma_wait3A_57 = arith.constant 0 : i32
    %dma_wait3A_58 = tpu.memref_slice %arg8[%mul3A_2, %dma_wait3A_57] : memref<8448x64xi32, #tpu.memory_space<hbm>> -> memref<264x64xi32, #tpu.memory_space<hbm>>
    tpu.wait_dma2 semaphore(%arg17 : memref<!tpu.dma_semaphore, #tpu.memory_space<semaphore_mem>>) src(%arg14 : memref<264x64xi32, #tpu.memory_space<vmem>>) dst(%dma_wait3A_58 : memref<264x64xi32, #tpu.memory_space<hbm>>)
    return
  }
}

</mosaic_0001>

<sc_bundles>
// kernel: _bp_iter.3.cloned.1.call-start
scs
__scs_entry_jumppad:
0x0: {  	(pc) =	sbr.rel $0x88, $3  }
0x1: {  	(tag) =	ssettag $0x0;
	lr =	simm.s32 $0x1  }
0x2: {  	[smem:$0x3F9C] =	sst lr;
	_ =	strace $0xD0000000  }
0x3: {  	_ = 	snop  }
0x4: {  	_ = 	snop  }
0x5: {  	_ = 	snop  }
0x6: {  	_ = 	snop  }
0x7: {  	_ = 	snop  }
__scs_overlays_trampoline_lowered:
0x8: {  	[smem:$0x3FAB] =	sst s0  }
0x9: {  	[smem:$0x3FAC] =	sst s1  }
0xa: {  	[smem:$0x3FAD] =	sst s2  }
0xb: {  	[smem:$0x3FAE] =	sst s3  }
0xc: {  	[smem:$0x3FAF] =	sst s4  }
0xd: {  	[smem:$0x3FB0] =	sst s5  }
0xe: {  	[smem:$0x3FB1] =	sst s6  }
0xf: {  	[smem:$0x3FB2] =	sst s7  }
0x10: {  	[smem:$0x3FB3] =	sst s8  }
0x11: {  	[smem:$0x3FB4] =	sst s9;
	s0 =	simm.s32 @!p0 $0x0  }
0x12: {  	s1 =	sld [smem:$0x3F9A];
	s0 =	simm.s32 @p0 $0x1  }
0x13: {  	[smem:$0x3FB5] =	sst s0;
	s0 =	simm.s32 @!p1 $0x0  }
0x14: {  	s2 =	sld [smem:$0x3F99];
	s0 =	simm.s32 @p1 $0x1  }
0x15: {  	[smem:$0x3FB6] =	sst s0;
	s0 =	simm.s32 @!p2 $0x0  }
0x16: {  	s3 =	sld [smem:$0x3FDB];
	s0 =	simm.s32 @p2 $0x1  }
0x17: {  	s4 =	simm.s32 $0x1BF5;
	[smem:$0x3FB8] =	sst s0  }
0x18: {  	s0 =	sld [smem:$0x3F9B];
	_ =	swait.ge [sflag:s4], $0x0  }
0x19: {  	s7 =	sld [smem:$0x3F9C]  }
0x1a: {  	s8 =	sadd.s32 $0xFFFFE003, lr  }
0x1b: {  	s9 =	sadd.s32 $0xFFFFFEF7, lr;
	s5 =	simm.s32 $0xFFFFFFFF;
	p2 =	slt.u32 s8, $0xFFFFF086  }
0x1c: {  	p1 =	slt.u32 s9, $0xF7A;
	s5 =	simm.s32 @!p2 $0x0  }
0x1d: {  	s5 =	simm.s32 @p1 $0x1;
	p0 =	seq.s32 s7, s2  }
0x1e: {  	s7 =	smul.u32 @!p0 $0xF7A, s2;
	p2 =	seq.s32 @!p0 s5, $0x0  }
0x1f: {  	s9 =	smul.u32 $0xF7A, s1;
	s8 =	simm.s32 @!p0 $0x1BF5;
	p2 =	por !p2, p0  }
0x20: {  	[sflag:s8] =	ssyncset.s32 @!p0 $0xFFFFF086;
	s6 =	sadd.s32 @!p0 s3, s7;
	s7 =	simm.s32 @!p0 $0x108  }
0x21: {  	s3 =	sadd.s32 s3, s9;
	s6 =	sadd.s32 @!p0 $0x88, s6;
	s7 =	simm.s32 @p2 $0x1082  }
0x22: {  	[simem:s7], [sflag:s8] =	dma.local @!p0 [hbm:s6], $0xF7A  }
0x23: {  	s9 =	sor.u32 $0xD0000000, s2;
	s6 =	simm.s32 $0x108;
	_ =	swait.ge @!p0 [sflag:s8], $0x0  }
0x24: {  	s3 =	sadd.s32 $0x88, s3;
	s6 =	simm.s32 @!p1 $0x1082;
	[sflag:s4] =	ssyncset.s32 $0xFFFFF086  }
0x25: {  	[simem:s6], [sflag:s4] =	dma.local [hbm:s3], $0xF7A  }
0x26: {  	[smem:$0x3F9C] =	sst s1;
	(tag) =	ssettag s2;
	_ =	strace s9  }
0x27: {  	s1 =	sld [smem:$0x3FAC]  }
0x28: {  	s2 =	sld [smem:$0x3FAD]  }
0x29: {  	s4 =	sld [smem:$0x3FAF]  }
0x2a: {  	p0 =	seq.s32 s5, $0x0;
	s5 =	sld [smem:$0x3FB0]  }
0x2b: {  	s6 =	sld [smem:$0x3FB1]  }
0x2c: {  	s7 =	sld [smem:$0x3FB2]  }
0x2d: {  	s3 =	simm.s32 $0x108;
	s8 =	sld [smem:$0x3FB3]  }
0x2e: {  	s3 =	simm.s32 @!p0 $0x1082;
	s9 =	sld [smem:$0x3FB4]  }
0x2f: {  	lr =	sadd.s32 s0, s3;
	s0 =	sld [smem:$0x3FAB]  }
0x30: {  	s3 =	sld [smem:$0x3FAE]  }
0x31: {  	[smem:$0x3FB7] =	sst s10  }
0x32: {  	s10 =	sld [smem:$0x3FB5];
	_ =	sdelay $0x3  }
0x33: {  	p0 =	seq.s32 s10, $0x1;
	s10 =	sld [smem:$0x3FB7];
	_ =	sdelay $0x3  }
0x34: {  	[smem:$0x3FB7] =	sst s10  }
0x35: {  	s10 =	sld [smem:$0x3FB6];
	_ =	sdelay $0x3  }
0x36: {  	p1 =	seq.s32 s10, $0x1;
	s10 =	sld [smem:$0x3FB7];
	_ =	sdelay $0x3  }
0x37: {  	[smem:$0x3FB7] =	sst s10  }
0x38: {  	s10 =	sld [smem:$0x3FB8]  }
0x39: {  	_ = 	snop;
	(pc) =	sbr.ind lr, $3  }
0x3a: {  	_ = 	snop  }
0x3b: {  	_ = 	snop  }
0x3c: {  	p2 =	seq.s32 s10, $0x1;
	s10 =	sld [smem:$0x3FB7]  }
0x3d: {  	_ =	shalt  }
0x3e: {  	_ =	shalt  }
0x3f: {  	_ =	shalt  }
0x40: {  	_ =	shalt  }
0x41: {  	_ =	shalt  }
0x42: {  	_ =	shalt  }
0x43: {  	_ =	shalt  }
0x44: {  	_ =	shalt  }
0x45: {  	_ =	shalt  }
0x46: {  	_ =	shalt  }
0x47: {  	_ =	shalt  }
0x48: {  	_ =	shalt  }
0x49: {  	_ =	shalt  }
0x4a: {  	_ =	shalt  }
0x4b: {  	_ =	shalt  }
0x4c: {  	_ =	shalt  }
0x4d: {  	_ =	shalt  }
0x4e: {  	_ =	shalt  }
0x4f: {  	_ =	shalt  }
0x50: {  	_ =	shalt  }
0x51: {  	_ =	shalt  }
0x52: {  	_ =	shalt  }
0x53: {  	_ =	shalt  }
0x54: {  	_ =	shalt  }
0x55: {  	_ =	shalt  }
0x56: {  	_ =	shalt  }
0x57: {  	_ =	shalt  }
0x58: {  	_ =	shalt  }
0x59: {  	_ =	shalt  }
0x5a: {  	_ =	shalt  }
0x5b: {  	_ =	shalt  }
0x5c: {  	_ =	shalt  }
0x5d: {  	_ =	shalt  }
0x5e: {  	_ =	shalt  }
0x5f: {  	_ =	shalt  }
0x60: {  	_ =	shalt  }
0x61: {  	_ =	shalt  }
0x62: {  	_ =	shalt  }
0x63: {  	_ =	shalt  }
0x64: {  	_ =	shalt  }
0x65: {  	_ =	shalt  }
0x66: {  	_ =	shalt  }
0x67: {  	_ =	shalt  }
0x68: {  	_ =	shalt  }
0x69: {  	_ =	shalt  }
0x6a: {  	_ =	shalt  }
0x6b: {  	_ =	shalt  }
0x6c: {  	_ =	shalt  }
0x6d: {  	_ =	shalt  }
0x6e: {  	_ =	shalt  }
0x6f: {  	_ =	shalt  }
0x70: {  	_ =	shalt  }
0x71: {  	_ =	shalt  }
0x72: {  	_ =	shalt  }
0x73: {  	_ =	shalt  }
0x74: {  	_ =	shalt  }
0x75: {  	_ =	shalt  }
0x76: {  	_ =	shalt  }
0x77: {  	_ =	shalt  }
0x78: {  	_ =	shalt  }
0x79: {  	_ =	shalt  }
0x7a: {  	_ =	shalt  }
0x7b: {  	_ =	shalt  }
0x7c: {  	_ =	shalt  }
0x7d: {  	_ =	shalt  }
0x7e: {  	_ =	shalt  }
0x7f: {  	_ =	shalt  }
0x80: {  	_ =	shalt  }
0x81: {  	_ =	shalt  }
0x82: {  	_ =	shalt  }
0x83: {  	_ =	shalt  }
0x84: {  	_ =	shalt  }
0x85: {  	_ =	shalt  }
0x86: {  	_ =	shalt  }
0x87: {  	_ =	shalt  }
.Lfunc_end0:
.L_simem_size_0:
called_computation_lowered:
.L_overlay_start_0:
0x88: {  	s2 =	sld [smem:$0x3FD9]  }
0x89: {  	s3 =	sld [smem:$0x3FFE];
	_ =	sdelay $0x1  }
0x8a: {  	s1 =	srdreg.scid  }
0x8b: {  	s0 =	sand.u32 $0x1, s1  }
0x8c: {  	s14 =	sshll.u32 s0, $0xA;
	s2 =	sadd.s32 s3, s2  }
0x8d: {  	s2 =	sadd.s32 s2, s14  }
0x8e: {  	[smem:$0x3FC3] =	sst s2  }
0x8f: {  	_ = 	snop  }
0x90: {  	s2 =	sld [smem:$0x3FD0]  }
0x91: {  	s15 =	sld [smem:$0x3FC8]  }
0x92: {  	s4 =	sld [smem:$0x3FC7]  }
0x93: {  	s6 =	simm.s32 $0xA;
	s7 =	simm.s32 $0x10;
	s5 =	sld [smem:$0x3FC6]  }
0x94: {  	[smem:s7], [sflag:s6] =	dma.local [hbm:s2], $0x1  }
0x95: {  	_ =	swait.eq [sflag:s6], $0x1  }
0x96: {  	[sflag:s6] =	ssyncset.done $0x0  }
0x97: {  	s16 =	sld [smem:$0x10];
	[sflag:s6] =	ssyncadd.s32 $0xFFFFFFFF  }
0x98: {  	s17 =	sld [smem:$0x11];
	(tm) =	ssettm $0x1  }
0x99: {  	s18 =	sld [smem:$0x3FFB];
	_ =	sdelay $0x3  }
0x9a: {  	_ =	strace s18  }
0x9b: {  	s7 =	sld [smem:$0x3FFC];
	_ =	sdelay $0x3  }
0x9c: {  	_ =	strace s7  }
0x9d: {  	s7 =	sld [smem:$0x3FFD];
	_ =	sdelay $0x3  }
0x9e: {  	_ =	strace s7  }
0x9f: {  	_ =	strace $0x8FFFFFFF  }
0xa0: {  	s19 =	sld [smem:$0x3FDB];
	_ =	sdelay $0x1  }
0xa1: {  	s8 =	simm.s32 $_scs_section_size  }
0xa2: {  	s9 =	simm.s32 $_size__tile_overlayer_lowered;
	s10 =	simm.s32 $_tile_overlayer_lowered  }
0xa3: {  	s22 =	simm.s32 $0x1BFF;
	s21 =	sshll.u32 s10, $0x1;
	s7 =	sadd.s32 s8, s19  }
0xa4: {  	s11 =	simm.s32 $0x0;
	s20 =	sshll.u32 s9, $0x1;
	s9 =	sadd.s32 s21, s7  }
0xa5: {  	[timem:s11], [sflag:s22] =	dma.local [hbm:s9], s20  }
0xa6: {  	_ =	swait.ge [sflag:s22], s20  }
0xa7: {  	s8 =	ssub.s32 $0x0, s20;
	[sflag:s22] =	ssyncset.done $0x0  }
0xa8: {  	[sflag:s22] =	ssyncadd.s32 s8;
	_ =	sdelay $0x1  }
0xa9: {  	s23 =	simm.s32 $0x1B8B  }
0xaa: {  	_ =	swait.ge [sflag:s23], $0x1  }
0xab: {  	[sflag:s23] =	ssyncset.done $0x0  }
0xac: {  	s25 =	simm.s32 $0x1B8E;
	s24 =	sld [smem:$0x3FFE];
	[sflag:s23] =	ssyncadd.s32 $0xFFFFFFFF  }
0xad: {  	s26 =	simm.s32 $execute0_lowered;
	[smem:$0x3FD2] =	sst s25  }
0xae: {  	s9 =	sshll.u32 s26, $0x1;
	_ =	strace $0x80000046;
	[dreg:$0x1] =	wrdreg $0xFFFFFFFF  }
0xaf: {  	s28 =	simm.s32 $_size_execute0_lowered;
	s7 =	sadd.s32 s7, s9;
	[dreg:$0x0] =	wrdreg $0x0  }
0xb0: {  	s9 =	sshll.u32 s28, $0x1;
	[dreg:$0x2] =	wrdreg s7  }
0xb1: {  	[dreg:$0x3] =	wrdreg s9  }
0xb2: {  	[dreg:$0x4] =	wrdreg $0xC0  }
0xb3: {  	_ =	task [dreg:s11], $0x5FFFF  }
0xb4: {  	[dreg:$0x1] =	wrdreg $0xFFFFFFFF  }
0xb5: {  	[dreg:$0x0] =	wrdreg $0x60  }
0xb6: {  	[dreg:$0x2] =	wrdreg s17  }
0xb7: {  	[dreg:$0x3] =	wrdreg s15  }
0xb8: {  	[dreg:$0x4] =	wrdreg s4  }
0xb9: {  	[dreg:$0x5] =	wrdreg s5  }
0xba: {  	[dreg:$0x6] =	wrdreg s24  }
0xbb: {  	[dreg:$0x7] =	wrdreg s16  }
0xbc: {  	[dreg:$0x8] =	wrdreg $0x9  }
0xbd: {  	_ =	task.clear_ibuf [dreg:s11], $0x9FFFF;
	_ =	strace $0x90000046  }
0xbe: {  	s29 =	simm.s32 $0x9;
	_ =	strace $0x80000048  }
0xbf: {  	_ =	swait.ge [sflag:s29], $0x1  }
0xc0: {  	[sflag:s29] =	ssyncadd.s32 $0xFFFFFFFF  }
0xc1: {  	_ =	strace $0x90000048  }
0xc2: {  	_ =	sfence  }
0xc3: {  	s30 =	sld [smem:$0x0];
	_ =	sdelay $0x2  }
0xc4: {  	s31 =	sshll.u32 s1, $0xD;
	s1 =	sshrl.u32 s1, $0x2  }
0xc5: {  	s3 =	sand.u32 $0x4000, s31;
	s1 =	sadd.s32 s1, s30  }
0xc6: {  	s0 =	sor.u32 s3, s0;
	s1 =	sshll.u32 s1, $0x11  }
0xc7: {  	s0 =	sor.u32 s1, s0  }
0xc8: {  	s0 =	sadd.s32 $0x8F2B, s0  }
0xc9: {  	[sflag:s0] =	ssyncadd.remote.s32 $0x1  }
0xca: {  	_ =	sfence.sel $0xFFFF  }
0xcb: {  	[dreg:$0x0] =	wrdreg $0xFFFFFFFF;
	(pc) =	sbr.abs _section_cstart, $3  }
0xcc: {  	[dreg:$0x1] =	wrdreg $0xFFFFFFFF  }
0xcd: {  	_ =	task.clear_ibuf [dreg:s11], $0x2FFFF;
	_ =	strace $0x9FFFFFFF  }
0xce: {  	(tm) =	ssettm $0x7FFFFFFF  }
0xcf: {  	_ =	shalt  }
tec
execute0_lowered:
.L_overlay_start_1:
0x0: {  	(tag) =	ssettag $0x1  }
0x1: {  	s1 =	rddreg [dreg:$0x0]  }
0x2: {  	s2 =	rddreg [dreg:$0x1]  }
0x3: {  	s6 =	rddreg [dreg:$0x2]  }
0x4: {  	s5 =	rddreg [dreg:$0x3]  }
0x5: {  	s3 =	srdreg.scid;
	s7 =	rddreg [dreg:$0x4]  }
0x6: {  	s0 =	stileid.u32;
	s9 =	rddreg [dreg:$0x5];
	s14 =	simm.s32 $0x32A0  }
0x7: {  	s15 =	simm.s32 $0x19AA0;
	s16 =	simm.s32 $0x50A0;
	s17 =	simm.s32 $0xD4A0  }
0x8: {  	s18 =	simm.s32 $0x3;
	s4 =	sand.u32 $0x1, s3;
	s31 =	sshll.u32 s0, $0x1  }
0x9: {  	s19 =	simm.s32 $0x4;
	s20 =	simm.s32 $0x5;
	s8 =	sor.u32 s4, s31  }
0xa: {  	s21 =	simm.s32 $0x1;
	s22 =	simm.s32 $0x2;
	s10 =	smul.u32 $0x294, s8  }
0xb: {  	s23 =	simm.s32 $0x158A0;
	s24 =	simm.s32 $0x0;
	s11 =	smul.u32 $0x840, s8  }
0xc: {  	s3 =	simm.s32 $0x0;
	s4 =	ssub.s32 $0x2, s4;
	s12 =	smul.u32 $0x63, s8  }
0xd: {  	[smem:$0x7FF] =	sst s3;
	s13 =	sshrl.u32 s4, $0x1;
	s8 =	smul.u32 $0x1080, s8  }
.Ltmp0:
0xe: {  	_ =	strace $0x80000047;
	s13 =	ssub.s32 s4, s13;
	(pc) =	sbr.rel .LBB2_1-.Ltmp0, $4  }
0xf: {  	s10 =	sadd.s32 s10, s7;
	s11 =	sadd.s32 s11, s7;
	s5 =	sadd.s32 s5, s12  }
0x10: {  	s6 =	sadd.s32 s6, s8;
	s7 =	sadd.s32 s2, s8;
	s8 =	sadd.s32 s9, s8  }
0x11: {  	s12 =	simm.s32 $0x78;
	s4 =	sadd.s32 $0xA00, s10;
	s9 =	sadd.s32 $0x5E00, s11  }
0x12: {  	v0 =	vimm.bf16 $0.0e+00;
	s10 =	smax.u32 s13, $0x1;
	s11 =	simm.s32 $0x6;
	s13 =	simm.s32 $0x14A0  }
.LBB2_8:
0x13: {  	[hbm4b:s8+s3] =	stream.linear.scatter [tilespmem:s16], [sflag:$0x1], $0x8400, $0x38;
	[tilespmem:$0x19DC8] =	vst v63  }
0x14: {  	s24 =	sadd.s32 $0x1, s24  }
0x15: {  	[hbm4b:s9+s3] =	stream.linear.scatter [tilespmem:s23], [sflag:$0x2], $0x4200, $0x38;
	[tilespmem:$0x19DC8] =	vst v63  }
0x16: {  	p0 =	sne.s32 s24, s10;
	_ =	swait.ge [sflag:s21], $0x8400  }
.Ltmp1:
0x17: {  	[sflag:s21] =	ssyncset.done $0x0;
	(pc) =	sbr.rel @!p0 .LBB2_9-.Ltmp1, $4  }
0x18: {  	[sflag:s21] =	ssyncadd.s32 $0xFFFF7C00  }
0x19: {  	_ =	swait.ge [sflag:s22], $0x4200  }
0x1a: {  	[sflag:s22] =	ssyncset.done $0x0  }
0x1b: {  	[sflag:s22] =	ssyncadd.s32 $0xFFFFBE00  }
.LBB2_1:
0x1c: {  	[tilespmem:s3], [sflag:$0x6] =	stream.linear.gather [hbm4b:s4+s3], $0x14A0, $0x38;
	[tilespmem:$0x19DC8] =	vst v63  }
0x1d: {  	_ =	swait.ge [sflag:s11], $0x14A0  }
0x1e: {  	[sflag:s11] =	ssyncset.done $0x0  }
0x1f: {  	[sflag:s11] =	ssyncadd.s32 $0xFFFFEB60  }
0x20: {  	[tilespmem:s13], [sflag:$0x1] =	stream.indirect.gather [hbm4b:s1+s12], $0x40, s3, s12, $0xb8;
	[tilespmem:$0x19DC8] =	vst v63  }
0x21: {  	_ = 	snop  }
0x22: {  	[tilespmem:s14], [sflag:$0x2] =	stream.indirect.gather [hbm4b:s1+s12], $0x40, s12, s12, $0xb8;
	[tilespmem:$0x19DC8] =	vst v63  }
0x23: {  	_ = 	snop  }
0x24: {  	[tilespmem:s15], [sflag:$0x3] =	stream.linear.gather [hbm4b:s5+s3], $0x328, $0x38;
	[tilespmem:$0x19DC8] =	vst v63  }
0x25: {  	_ = 	snop  }
0x26: {  	[tilespmem:s16], [sflag:$0x4] =	stream.linear.gather [hbm4b:s6+s3], $0x8400, $0x38;
	[tilespmem:$0x19DC8] =	vst v63  }
0x27: {  	_ = 	snop  }
0x28: {  	[tilespmem:s17], [sflag:$0x5] =	stream.linear.gather [hbm4b:s7+s3], $0x8400, $0x38;
	[tilespmem:$0x19DC8] =	vst v63  }
0x29: {  	_ =	swait.ge [sflag:s18], $0x328  }
0x2a: {  	[sflag:s18] =	ssyncset.done $0x0  }
0x2b: {  	[sflag:s18] =	ssyncadd.s32 $0xFFFFFCD8  }
0x2c: {  	_ =	swait.ge [sflag:s19], $0x8400  }
0x2d: {  	[sflag:s19] =	ssyncset.done $0x0  }
0x2e: {  	[sflag:s19] =	ssyncadd.s32 $0xFFFF7C00  }
0x2f: {  	_ =	swait.ge [sflag:s20], $0x8400  }
0x30: {  	[sflag:s20] =	ssyncset.done $0x0  }
0x31: {  	s25 =	simm.s32 $0x0;
	[sflag:s20] =	ssyncadd.s32 $0xFFFF7C00  }
.LBB2_2:
0x32: {  	_ =	swait.ge [sflag:s21], $0x1E00  }
0x33: {  	[sflag:s21] =	ssyncset.done $0x0  }
0x34: {  	s26 =	smul.u32 $0xC, s25;
	s28 =	simm.s32 $0x0;
	[sflag:s21] =	ssyncadd.s32 $0xFFFFE200  }
.LBB2_3:
0x35: {  	s2 =	smul.u32 $0x1400, s28;
	_ =	sdelay $0x1  }
0x36: {  	s29 =	sshra.s32 s2, $0x2  }
0x37: {  	v1 =	vld [tilespmem:s29+$0x14A0]  }
0x38: {  	v2 =	vld [tilespmem:s29+$0x14E0]  }
0x39: {  	v3 =	vld [tilespmem:s29+$0x1520]  }
0x3a: {  	v4 =	vld [tilespmem:s29+$0x1560]  }
0x3b: {  	v5 =	vld [tilespmem:s29+$0x15A0];
	_ =	sdelay $0x1  }
0x3c: {  	v6 =	vld [tilespmem:s29+$0x15E0]  }
0x3d: {  	v26 =	vld [tilespmem:s29+$0x16A0];
	vm0 =	vlt.bf16 v1, $0.0e+00;
	vm1 =	vlt.bf16 v2, $0.0e+00  }
0x3e: {  	v28 =	vld [tilespmem:s29+$0x16E0];
	v1 =	vand.u32 $0x7FFF7FFF, v1;
	v2 =	vand.u32 $0x7FFF7FFF, v2;
	vm10 =	vlt.bf16 v3, $0.0e+00  }
0x3f: {  	vm11 =	vlt.bf16 v4, $0.0e+00;
	v4 =	vand.u32 $0x7FFF7FFF, v4;
	vm12 =	vlt.bf16 v5, $0.0e+00  }
0x40: {  	v25 =	vand.u32 $0x7FFF7FFF, v5;
	v1 =	vmin.bf16 v1, v2;
	v2 =	vand.u32 $0x7FFF7FFF, v3;
	v3 =	vld [tilespmem:s29+$0x1620]  }
0x41: {  	v29 =	vld [tilespmem:s29+$0x1720];
	vm13 =	vlt.bf16 v6, $0.0e+00;
	v27 =	vand.u32 $0x7FFF7FFF, v6;
	vm0 =	vmxor vm0, vm1  }
0x42: {  	vm4 =	vlt.bf16 v26, $0.0e+00;
	vm0 =	vmxor vm0, vm10;
	v1 =	vmin.bf16 v1, v2;
	v2 =	vld [tilespmem:s29+$0x1660]  }
0x43: {  	vm5 =	vlt.bf16 v28, $0.0e+00;
	vm0 =	vmxor vm0, vm11;
	v1 =	vmin.bf16 v1, v4  }
0x44: {  	v30 =	vld [tilespmem:s29+$0x17A0];
	v6 =	vand.u32 $0x7FFF7FFF, v28;
	vm0 =	vmxor vm0, vm12;
	v1 =	vmin.bf16 v1, v25  }
0x45: {  	v1 =	vmin.bf16 v1, v27;
	vm14 =	vlt.bf16 v3, $0.0e+00;
	v3 =	vand.u32 $0x7FFF7FFF, v3  }
0x46: {  	vm6 =	vlt.bf16 v29, $0.0e+00;
	vm0 =	vmxor vm0, vm13;
	v1 =	vmin.bf16 v1, v3;
	v3 =	vld [tilespmem:s29+$0x1760]  }
0x47: {  	v31 =	vld [tilespmem:s29+$0x1820];
	vm0 =	vmxor vm0, vm14;
	vm15 =	vlt.bf16 v2, $0.0e+00;
	v2 =	vand.u32 $0x7FFF7FFF, v2  }
0x48: {  	v32 =	vld [tilespmem:s29+$0x1860];
	vm0 =	vmxor vm0, vm15;
	v1 =	vmin.bf16 v1, v2;
	v2 =	vand.u32 $0x7FFF7FFF, v26  }
0x49: {  	vm8 =	vlt.bf16 v30, $0.0e+00;
	vm0 =	vmxor vm0, vm4;
	v1 =	vmin.bf16 v1, v2;
	v2 =	vld [tilespmem:s29+$0x17E0]  }
0x4a: {  	v4 =	vand.u32 $0x7FFF7FFF, v29;
	vm0 =	vmxor vm0, vm5;
	v1 =	vmin.bf16 v1, v6  }
0x4b: {  	v1 =	vmin.bf16 v1, v4;
	vm7 =	vlt.bf16 v3, $0.0e+00;
	v3 =	vand.u32 $0x7FFF7FFF, v3  }
0x4c: {  	v5 =	vand.u32 $0x7FFF7FFF, v30;
	vm0 =	vmxor vm0, vm6;
	v1 =	vmin.bf16 v1, v3;
	v3 =	vld [tilespmem:s29+$0x18A0]  }
0x4d: {  	v7 =	vld [tilespmem:s29+$0x18E0];
	vm10 =	vlt.bf16 v31, $0.0e+00;
	vm11 =	vlt.bf16 v32, $0.0e+00;
	vm0 =	vmxor vm0, vm7  }
0x4e: {  	s31 =	sadd.s32 s26, s28;
	v33 =	vld [tilespmem:s29+$0x1920];
	vm9 =	vlt.bf16 v2, $0.0e+00;
	v1 =	vmin.bf16 v1, v5;
	v2 =	vand.u32 $0x7FFF7FFF, v2  }
0x4f: {  	s30 =	smul.u32 $0xC, s31;
	vm0 =	vmxor vm0, vm8;
	v1 =	vmin.bf16 v1, v2;
	v2 =	vand.u32 $0x7FFF7FFF, v31  }
0x50: {  	vm0 =	vmxor vm0, vm9;
	v1 =	vmin.bf16 v1, v2;
	v2 =	vand.u32 $0x7FFF7FFF, v32  }
0x51: {  	s30 =	sshra.s32 s30, $0x2;
	vm0 =	vmxor vm0, vm10;
	v1 =	vmin.bf16 v1, v2;
	v2 =	vand.u32 $0x7FFF7FFF, v3  }
0x52: {  	v34 =	vld [tilespmem:s30+$0x19AA0];
	vm0 =	vmxor vm0, vm11;
	v1 =	vmin.bf16 v1, v2;
	v2 =	vand.u32 $0x7FFF7FFF, v7  }
0x53: {  	vm12 =	vlt.bf16 v3, $0.0e+00;
	v1 =	vmin.bf16 v1, v2;
	v2 =	vand.u32 $0x7FFF7FFF, v33  }
0x54: {  	s30 =	sshll.u32 s31, $0x7;
	vm13 =	vlt.bf16 v7, $0.0e+00;
	v3 =	vld [tilespmem:s29+$0x1960];
	vm0 =	vmxor vm0, vm12;
	v1 =	vmin.bf16 v1, v2  }
0x55: {  	v35 =	vld [tilespmem:s30+$0x50A0];
	vm14 =	vlt.bf16 v33, $0.0e+00;
	vm0 =	vmxor vm0, vm13;
	v2 =	vsub.bf16 v0, v1  }
0x56: {  	v36 =	vld [tilespmem:s30+$0x50B0];
	vm0 =	vmxor vm0, vm14  }
0x57: {  	v8 =	vld [tilespmem:s30+$0xD4A0];
	v2 =	vsel vm0, v2, v1;
	v1 =	vbroadcast v34, $0x0  }
0x58: {  	v10 =	vld [tilespmem:s30+$0xD4B0];
	v37 =	vunpack.i.l.bf16.f32 v2;
	v9 =	vunpack.i.u.bf16.f32 v2;
	v2 =	vbroadcast v34, $0x1  }
0x59: {  	v11 =	vunpack.i.l.bf16.f32 v3;
	v7 =	vmul.f32 v37, v1;
	v9 =	vmul.f32 v9, v1  }
0x5a: {  	v12 =	vunpack.i.u.bf16.f32 v3;
	v3 =	vbroadcast v34, $0x2;
	v38 =	vmul.f32 v11, v2  }
0x5b: {  	v40 =	vmul.f32 v12, v2;
	v5 =	vadd.f32 v35, v7;
	v39 =	vadd.f32 v36, v9  }
0x5c: {  	v41 =	vmul.f32 v8, v3  }
0x5d: {  	v42 =	vmul.f32 v10, v3;
	v5 =	vadd.f32 v5, v38;
	v4 =	vadd.f32 v39, v40;
	_ =	sdelay $0x1  }
0x5e: {  	v5 =	vadd.f32 v41, v5;
	v4 =	vadd.f32 v42, v4;
	_ =	sdelay $0x1  }
0x5f: {  	v43 =	vadd.s32 $0x8000, v5;
	v44 =	vadd.s32 $0x8000, v4  }
0x60: {  	s2 =	sshll.u32 s31, $0x6;
	[tilespmem:s30+$0x50A0] =	vst v5;
	v45 =	vshrl.u32 v43, $0x10;
	v46 =	vand.u32 $0xFFFF0000, v44  }
0x61: {  	s31 =	sand.u32 $0x3FFFFFC0, s2;
	[tilespmem:s30+$0x50B0] =	vst v4;
	v47 =	vor.u32 v45, v46  }
0x62: {  	[tilespmem:s31+$0x158A0] =	vst v47  }
0x63: {  	v4 =	vld [tilespmem:s29+$0x14B0]  }
0x64: {  	v48 =	vld [tilespmem:s29+$0x14F0]  }
0x65: {  	v49 =	vld [tilespmem:s29+$0x1530]  }
0x66: {  	v50 =	vld [tilespmem:s29+$0x1570]  }
0x67: {  	v51 =	vld [tilespmem:s29+$0x15B0]  }
0x68: {  	v52 =	vld [tilespmem:s29+$0x15F0]  }
0x69: {  	v54 =	vld [tilespmem:s29+$0x1630]  }
0x6a: {  	v55 =	vld [tilespmem:s29+$0x1670]  }
0x6b: {  	v57 =	vld [tilespmem:s29+$0x16B0]  }
0x6c: {  	v59 =	vld [tilespmem:s29+$0x16F0];
	vm15 =	vlt.bf16 v4, $0.0e+00;
	vm4 =	vlt.bf16 v48, $0.0e+00  }
0x6d: {  	v60 =	vld [tilespmem:s29+$0x1730];
	v4 =	vand.u32 $0x7FFF7FFF, v4;
	v5 =	vand.u32 $0x7FFF7FFF, v48;
	vm5 =	vlt.bf16 v49, $0.0e+00  }
0x6e: {  	v61 =	vld [tilespmem:s29+$0x1770];
	v53 =	vand.u32 $0x7FFF7FFF, v49;
	vm6 =	vlt.bf16 v50, $0.0e+00;
	v7 =	vand.u32 $0x7FFF7FFF, v50  }
0x6f: {  	v63 =	vld [tilespmem:s29+$0x17B0];
	vm7 =	vlt.bf16 v51, $0.0e+00;
	v56 =	vand.u32 $0x7FFF7FFF, v51;
	vm8 =	vlt.bf16 v52, $0.0e+00  }
0x70: {  	v13 =	vld [tilespmem:s29+$0x1830];
	v58 =	vand.u32 $0x7FFF7FFF, v52;
	vm9 =	vlt.bf16 v54, $0.0e+00;
	v6 =	vand.u32 $0x7FFF7FFF, v54  }
0x71: {  	v14 =	vld [tilespmem:s29+$0x1870];
	vm10 =	vlt.bf16 v55, $0.0e+00;
	vm11 =	vlt.bf16 v57, $0.0e+00;
	v62 =	vand.u32 $0x7FFF7FFF, v57  }
0x72: {  	vm12 =	vlt.bf16 v59, $0.0e+00;
	v9 =	vand.u32 $0x7FFF7FFF, v59;
	v4 =	vmin.bf16 v4, v5  }
0x73: {  	v15 =	vld [tilespmem:s29+$0x18B0];
	vm13 =	vlt.bf16 v60, $0.0e+00;
	vm14 =	vlt.bf16 v61, $0.0e+00;
	v4 =	vmin.bf16 v4, v53  }
0x74: {  	v16 =	vld [tilespmem:s29+$0x18F0];
	v8 =	vand.u32 $0x7FFF7FFF, v63;
	vm0 =	vmxor vm15, vm4;
	v4 =	vmin.bf16 v4, v7  }
0x75: {  	v18 =	vand.u32 $0x7FFF7FFF, v13;
	vm0 =	vmxor vm0, vm5;
	v4 =	vmin.bf16 v4, v56  }
0x76: {  	v19 =	vand.u32 $0x7FFF7FFF, v14;
	vm0 =	vmxor vm0, vm6;
	v4 =	vmin.bf16 v4, v58  }
0x77: {  	v17 =	vld [tilespmem:s29+$0x1930];
	v5 =	vand.u32 $0x7FFF7FFF, v55;
	vm0 =	vmxor vm0, vm7;
	v4 =	vmin.bf16 v4, v6  }
0x78: {  	v12 =	vld [tilespmem:s29+$0x17F0];
	v20 =	vand.u32 $0x7FFF7FFF, v15;
	vm0 =	vmxor vm0, vm8;
	v4 =	vmin.bf16 v4, v5  }
0x79: {  	v21 =	vand.u32 $0x7FFF7FFF, v16;
	vm0 =	vmxor vm0, vm9;
	v4 =	vmin.bf16 v4, v62  }
0x7a: {  	v7 =	vand.u32 $0x7FFF7FFF, v60;
	vm0 =	vmxor vm0, vm10;
	v4 =	vmin.bf16 v4, v9  }
0x7b: {  	v6 =	vand.u32 $0x7FFF7FFF, v61;
	vm0 =	vmxor vm0, vm11;
	v4 =	vmin.bf16 v4, v7  }
0x7c: {  	v22 =	vand.u32 $0x7FFF7FFF, v17;
	vm0 =	vmxor vm0, vm12;
	v4 =	vmin.bf16 v4, v6  }
0x7d: {  	v5 =	vand.u32 $0x7FFF7FFF, v12;
	vm0 =	vmxor vm0, vm13;
	v4 =	vmin.bf16 v4, v8  }
0x7e: {  	vm15 =	vlt.bf16 v63, $0.0e+00;
	vm0 =	vmxor vm0, vm14;
	v4 =	vmin.bf16 v4, v5  }
0x7f: {  	vm4 =	vlt.bf16 v12, $0.0e+00;
	vm0 =	vmxor vm0, vm15;
	v4 =	vmin.bf16 v4, v18  }
0x80: {  	vm5 =	vlt.bf16 v13, $0.0e+00;
	vm0 =	vmxor vm0, vm4;
	v4 =	vmin.bf16 v4, v19  }
0x81: {  	vm6 =	vlt.bf16 v14, $0.0e+00;
	vm0 =	vmxor vm0, vm5;
	v4 =	vmin.bf16 v4, v20  }
0x82: {  	vm7 =	vlt.bf16 v15, $0.0e+00;
	vm0 =	vmxor vm0, vm6;
	v4 =	vmin.bf16 v4, v21  }
0x83: {  	v23 =	vld [tilespmem:s29+$0x1970];
	vm8 =	vlt.bf16 v16, $0.0e+00;
	vm0 =	vmxor vm0, vm7;
	v4 =	vmin.bf16 v4, v22  }
0x84: {  	v24 =	vld [tilespmem:s30+$0x50C0];
	vm9 =	vlt.bf16 v17, $0.0e+00;
	vm0 =	vmxor vm0, vm8;
	v5 =	vsub.bf16 v0, v4  }
0x85: {  	v25 =	vld [tilespmem:s30+$0x50D0];
	vm0 =	vmxor vm0, vm9  }
0x86: {  	v27 =	vld [tilespmem:s30+$0xD4C0];
	v4 =	vsel vm0, v5, v4  }
0x87: {  	v28 =	vld [tilespmem:s30+$0xD4D0];
	v26 =	vunpack.i.l.bf16.f32 v4;
	v4 =	vunpack.i.u.bf16.f32 v4  }
0x88: {  	v29 =	vunpack.i.l.bf16.f32 v23;
	v8 =	vmul.f32 v26, v1;
	v4 =	vmul.f32 v4, v1  }
0x89: {  	v30 =	vmul.f32 v29, v2;
	v6 =	vunpack.i.u.bf16.f32 v23  }
0x8a: {  	v31 =	vmul.f32 v6, v2;
	v7 =	vadd.f32 v24, v8;
	v4 =	vadd.f32 v25, v4  }
0x8b: {  	v33 =	vmul.f32 v27, v3  }
0x8c: {  	v34 =	vmul.f32 v28, v3;
	v32 =	vadd.f32 v7, v30;
	v4 =	vadd.f32 v4, v31;
	_ =	sdelay $0x1  }
0x8d: {  	v6 =	vadd.f32 v33, v32;
	v4 =	vadd.f32 v34, v4;
	_ =	sdelay $0x1  }
0x8e: {  	v35 =	vadd.s32 $0x8000, v6;
	v36 =	vadd.s32 $0x8000, v4  }
0x8f: {  	[tilespmem:s30+$0x50C0] =	vst v6;
	v5 =	vshrl.u32 v35, $0x10;
	v37 =	vand.u32 $0xFFFF0000, v36  }
0x90: {  	[tilespmem:s30+$0x50D0] =	vst v4;
	v38 =	vor.u32 v5, v37  }
0x91: {  	[tilespmem:s31+$0x158B0] =	vst v38  }
0x92: {  	v4 =	vld [tilespmem:s29+$0x14C0]  }
0x93: {  	v39 =	vld [tilespmem:s29+$0x1500]  }
0x94: {  	v40 =	vld [tilespmem:s29+$0x1540]  }
0x95: {  	v41 =	vld [tilespmem:s29+$0x1580]  }
0x96: {  	v42 =	vld [tilespmem:s29+$0x15C0]  }
0x97: {  	v43 =	vld [tilespmem:s29+$0x1600]  }
0x98: {  	v45 =	vld [tilespmem:s29+$0x1640]  }
0x99: {  	v46 =	vld [tilespmem:s29+$0x1680]  }
0x9a: {  	v48 =	vld [tilespmem:s29+$0x16C0]  }
0x9b: {  	v50 =	vld [tilespmem:s29+$0x1700];
	vm10 =	vlt.bf16 v4, $0.0e+00;
	vm11 =	vlt.bf16 v39, $0.0e+00  }
0x9c: {  	v51 =	vld [tilespmem:s29+$0x1740];
	v4 =	vand.u32 $0x7FFF7FFF, v4;
	v5 =	vand.u32 $0x7FFF7FFF, v39;
	vm12 =	vlt.bf16 v40, $0.0e+00  }
0x9d: {  	v52 =	vld [tilespmem:s29+$0x1780];
	v44 =	vand.u32 $0x7FFF7FFF, v40;
	vm13 =	vlt.bf16 v41, $0.0e+00;
	v7 =	vand.u32 $0x7FFF7FFF, v41  }
0x9e: {  	v54 =	vld [tilespmem:s29+$0x17C0];
	vm14 =	vlt.bf16 v42, $0.0e+00;
	v47 =	vand.u32 $0x7FFF7FFF, v42;
	vm15 =	vlt.bf16 v43, $0.0e+00  }
0x9f: {  	v56 =	vld [tilespmem:s29+$0x1840];
	v49 =	vand.u32 $0x7FFF7FFF, v43;
	vm4 =	vlt.bf16 v45, $0.0e+00;
	v6 =	vand.u32 $0x7FFF7FFF, v45  }
0xa0: {  	v57 =	vld [tilespmem:s29+$0x1880];
	vm5 =	vlt.bf16 v46, $0.0e+00;
	vm6 =	vlt.bf16 v48, $0.0e+00;
	v53 =	vand.u32 $0x7FFF7FFF, v48  }
0xa1: {  	vm7 =	vlt.bf16 v50, $0.0e+00;
	v9 =	vand.u32 $0x7FFF7FFF, v50;
	v4 =	vmin.bf16 v4, v5  }
0xa2: {  	v58 =	vld [tilespmem:s29+$0x18C0];
	vm8 =	vlt.bf16 v51, $0.0e+00;
	vm9 =	vlt.bf16 v52, $0.0e+00;
	v4 =	vmin.bf16 v4, v44  }
0xa3: {  	v60 =	vld [tilespmem:s29+$0x1940];
	v8 =	vand.u32 $0x7FFF7FFF, v54;
	vm0 =	vmxor vm10, vm11;
	v4 =	vmin.bf16 v4, v7  }
0xa4: {  	v61 =	vand.u32 $0x7FFF7FFF, v56;
	vm0 =	vmxor vm0, vm12;
	v4 =	vmin.bf16 v4, v47  }
0xa5: {  	v62 =	vand.u32 $0x7FFF7FFF, v57;
	vm0 =	vmxor vm0, vm13;
	v4 =	vmin.bf16 v4, v49  }
0xa6: {  	v5 =	vand.u32 $0x7FFF7FFF, v46;
	vm0 =	vmxor vm0, vm14;
	v4 =	vmin.bf16 v4, v6  }
0xa7: {  	v55 =	vld [tilespmem:s29+$0x1800];
	v63 =	vand.u32 $0x7FFF7FFF, v58;
	vm0 =	vmxor vm0, vm15;
	v4 =	vmin.bf16 v4, v5  }
0xa8: {  	v11 =	vand.u32 $0x7FFF7FFF, v60;
	vm0 =	vmxor vm0, vm4;
	v4 =	vmin.bf16 v4, v53  }
0xa9: {  	v7 =	vand.u32 $0x7FFF7FFF, v51;
	vm0 =	vmxor vm0, vm5;
	v4 =	vmin.bf16 v4, v9  }
0xaa: {  	v6 =	vand.u32 $0x7FFF7FFF, v52;
	vm0 =	vmxor vm0, vm6;
	v4 =	vmin.bf16 v4, v7  }
0xab: {  	v59 =	vld [tilespmem:s29+$0x1900];
	vm10 =	vlt.bf16 v54, $0.0e+00;
	vm0 =	vmxor vm0, vm7;
	v4 =	vmin.bf16 v4, v6  }
0xac: {  	v5 =	vand.u32 $0x7FFF7FFF, v55;
	vm0 =	vmxor vm0, vm8;
	v4 =	vmin.bf16 v4, v8  }
0xad: {  	vm11 =	vlt.bf16 v55, $0.0e+00;
	vm0 =	vmxor vm0, vm9;
	v4 =	vmin.bf16 v4, v5  }
0xae: {  	vm12 =	vlt.bf16 v56, $0.0e+00;
	vm0 =	vmxor vm0, vm10;
	v4 =	vmin.bf16 v4, v61  }
0xaf: {  	vm13 =	vlt.bf16 v57, $0.0e+00;
	vm0 =	vmxor vm0, vm11;
	v4 =	vmin.bf16 v4, v62  }
0xb0: {  	v9 =	vand.u32 $0x7FFF7FFF, v59;
	vm0 =	vmxor vm0, vm12;
	v4 =	vmin.bf16 v4, v63  }
0xb1: {  	vm14 =	vlt.bf16 v58, $0.0e+00;
	vm0 =	vmxor vm0, vm13;
	v4 =	vmin.bf16 v4, v9  }
0xb2: {  	v12 =	vld [tilespmem:s29+$0x1980];
	vm15 =	vlt.bf16 v59, $0.0e+00;
	vm0 =	vmxor vm0, vm14;
	v4 =	vmin.bf16 v4, v11  }
0xb3: {  	v13 =	vld [tilespmem:s30+$0x50E0];
	vm4 =	vlt.bf16 v60, $0.0e+00;
	vm0 =	vmxor vm0, vm15;
	v5 =	vsub.bf16 v0, v4  }
0xb4: {  	v14 =	vld [tilespmem:s30+$0x50F0];
	vm0 =	vmxor vm0, vm4  }
0xb5: {  	v16 =	vld [tilespmem:s30+$0xD4E0];
	v4 =	vsel vm0, v5, v4  }
0xb6: {  	v17 =	vld [tilespmem:s30+$0xD4F0];
	v15 =	vunpack.i.l.bf16.f32 v4;
	v4 =	vunpack.i.u.bf16.f32 v4  }
0xb7: {  	v18 =	vunpack.i.l.bf16.f32 v12;
	v8 =	vmul.f32 v15, v1;
	v4 =	vmul.f32 v4, v1  }
0xb8: {  	v19 =	vmul.f32 v18, v2;
	v6 =	vunpack.i.u.bf16.f32 v12  }
0xb9: {  	v20 =	vmul.f32 v6, v2;
	v7 =	vadd.f32 v13, v8;
	v4 =	vadd.f32 v14, v4  }
0xba: {  	v22 =	vmul.f32 v16, v3  }
0xbb: {  	v23 =	vmul.f32 v17, v3;
	v21 =	vadd.f32 v7, v19;
	v4 =	vadd.f32 v4, v20;
	_ =	sdelay $0x1  }
0xbc: {  	v6 =	vadd.f32 v22, v21;
	v4 =	vadd.f32 v23, v4;
	_ =	sdelay $0x1  }
0xbd: {  	v24 =	vadd.s32 $0x8000, v6;
	v25 =	vadd.s32 $0x8000, v4  }
0xbe: {  	[tilespmem:s30+$0x50E0] =	vst v6;
	v5 =	vshrl.u32 v24, $0x10;
	v26 =	vand.u32 $0xFFFF0000, v25  }
0xbf: {  	[tilespmem:s30+$0x50F0] =	vst v4;
	v27 =	vor.u32 v5, v26  }
0xc0: {  	[tilespmem:s31+$0x158C0] =	vst v27  }
0xc1: {  	v4 =	vld [tilespmem:s29+$0x14D0]  }
0xc2: {  	v28 =	vld [tilespmem:s29+$0x1510]  }
0xc3: {  	v29 =	vld [tilespmem:s29+$0x1550]  }
0xc4: {  	v30 =	vld [tilespmem:s29+$0x1590]  }
0xc5: {  	v31 =	vld [tilespmem:s29+$0x15D0]  }
0xc6: {  	v32 =	vld [tilespmem:s29+$0x1610]  }
0xc7: {  	v34 =	vld [tilespmem:s29+$0x1650]  }
0xc8: {  	v35 =	vld [tilespmem:s29+$0x1690]  }
0xc9: {  	v37 =	vld [tilespmem:s29+$0x16D0]  }
0xca: {  	v39 =	vld [tilespmem:s29+$0x1710];
	vm5 =	vlt.bf16 v4, $0.0e+00;
	vm6 =	vlt.bf16 v28, $0.0e+00  }
0xcb: {  	v40 =	vld [tilespmem:s29+$0x1750];
	v4 =	vand.u32 $0x7FFF7FFF, v4;
	v5 =	vand.u32 $0x7FFF7FFF, v28;
	vm7 =	vlt.bf16 v29, $0.0e+00  }
0xcc: {  	v41 =	vld [tilespmem:s29+$0x1790];
	v33 =	vand.u32 $0x7FFF7FFF, v29;
	vm8 =	vlt.bf16 v30, $0.0e+00;
	v7 =	vand.u32 $0x7FFF7FFF, v30  }
0xcd: {  	v43 =	vld [tilespmem:s29+$0x17D0];
	vm9 =	vlt.bf16 v31, $0.0e+00;
	v36 =	vand.u32 $0x7FFF7FFF, v31;
	vm10 =	vlt.bf16 v32, $0.0e+00  }
0xce: {  	v45 =	vld [tilespmem:s29+$0x1850];
	v38 =	vand.u32 $0x7FFF7FFF, v32;
	vm11 =	vlt.bf16 v34, $0.0e+00;
	v6 =	vand.u32 $0x7FFF7FFF, v34  }
0xcf: {  	v46 =	vld [tilespmem:s29+$0x1890];
	vm12 =	vlt.bf16 v35, $0.0e+00;
	vm13 =	vlt.bf16 v37, $0.0e+00;
	v42 =	vand.u32 $0x7FFF7FFF, v37  }
0xd0: {  	vm14 =	vlt.bf16 v39, $0.0e+00;
	v9 =	vand.u32 $0x7FFF7FFF, v39;
	v4 =	vmin.bf16 v4, v5  }
0xd1: {  	v47 =	vld [tilespmem:s29+$0x18D0];
	vm15 =	vlt.bf16 v40, $0.0e+00;
	vm4 =	vlt.bf16 v41, $0.0e+00;
	v4 =	vmin.bf16 v4, v33  }
0xd2: {  	v48 =	vld [tilespmem:s29+$0x1910];
	v8 =	vand.u32 $0x7FFF7FFF, v43;
	vm0 =	vmxor vm5, vm6;
	v4 =	vmin.bf16 v4, v7  }
0xd3: {  	v50 =	vand.u32 $0x7FFF7FFF, v45;
	vm0 =	vmxor vm0, vm7;
	v4 =	vmin.bf16 v4, v36  }
0xd4: {  	v51 =	vand.u32 $0x7FFF7FFF, v46;
	vm0 =	vmxor vm0, vm8;
	v4 =	vmin.bf16 v4, v38  }
0xd5: {  	v49 =	vld [tilespmem:s29+$0x1950];
	v5 =	vand.u32 $0x7FFF7FFF, v35;
	vm0 =	vmxor vm0, vm9;
	v4 =	vmin.bf16 v4, v6  }
0xd6: {  	v44 =	vld [tilespmem:s29+$0x1810];
	v52 =	vand.u32 $0x7FFF7FFF, v47;
	vm0 =	vmxor vm0, vm10;
	v4 =	vmin.bf16 v4, v5  }
0xd7: {  	v53 =	vand.u32 $0x7FFF7FFF, v48;
	vm0 =	vmxor vm0, vm11;
	v4 =	vmin.bf16 v4, v42  }
0xd8: {  	v7 =	vand.u32 $0x7FFF7FFF, v40;
	vm0 =	vmxor vm0, vm12;
	v4 =	vmin.bf16 v4, v9  }
0xd9: {  	v6 =	vand.u32 $0x7FFF7FFF, v41;
	vm0 =	vmxor vm0, vm13;
	v4 =	vmin.bf16 v4, v7  }
0xda: {  	v54 =	vand.u32 $0x7FFF7FFF, v49;
	vm0 =	vmxor vm0, vm14;
	v4 =	vmin.bf16 v4, v6  }
0xdb: {  	v5 =	vand.u32 $0x7FFF7FFF, v44;
	vm0 =	vmxor vm0, vm15;
	v4 =	vmin.bf16 v4, v8  }
0xdc: {  	vm5 =	vlt.bf16 v43, $0.0e+00;
	vm0 =	vmxor vm0, vm4;
	v4 =	vmin.bf16 v4, v5  }
0xdd: {  	vm6 =	vlt.bf16 v44, $0.0e+00;
	vm0 =	vmxor vm0, vm5;
	v4 =	vmin.bf16 v4, v50  }
0xde: {  	vm7 =	vlt.bf16 v45, $0.0e+00;
	vm0 =	vmxor vm0, vm6;
	v4 =	vmin.bf16 v4, v51  }
0xdf: {  	vm8 =	vlt.bf16 v46, $0.0e+00;
	vm0 =	vmxor vm0, vm7;
	v4 =	vmin.bf16 v4, v52  }
0xe0: {  	vm9 =	vlt.bf16 v47, $0.0e+00;
	vm0 =	vmxor vm0, vm8;
	v4 =	vmin.bf16 v4, v53  }
0xe1: {  	v55 =	vld [tilespmem:s29+$0x1990];
	vm10 =	vlt.bf16 v48, $0.0e+00;
	vm0 =	vmxor vm0, vm9;
	v4 =	vmin.bf16 v4, v54  }
0xe2: {  	v56 =	vld [tilespmem:s30+$0x5100];
	vm11 =	vlt.bf16 v49, $0.0e+00;
	vm0 =	vmxor vm0, vm10;
	v5 =	vsub.bf16 v0, v4  }
0xe3: {  	v57 =	vld [tilespmem:s30+$0x5110];
	vm0 =	vmxor vm0, vm11  }
0xe4: {  	v59 =	vld [tilespmem:s30+$0xD500];
	v4 =	vsel vm0, v5, v4  }
0xe5: {  	v60 =	vld [tilespmem:s30+$0xD510];
	v58 =	vunpack.i.l.bf16.f32 v4;
	v4 =	vunpack.i.u.bf16.f32 v4  }
0xe6: {  	v61 =	vunpack.i.l.bf16.f32 v55;
	v8 =	vmul.f32 v58, v1;
	v1 =	vmul.f32 v4, v1  }
0xe7: {  	v62 =	vunpack.i.u.bf16.f32 v55;
	v12 =	vmul.f32 v61, v2  }
0xe8: {  	v2 =	vmul.f32 v62, v2;
	v63 =	vadd.f32 v56, v8;
	v1 =	vadd.f32 v57, v1  }
0xe9: {  	v14 =	vmul.f32 v59, v3  }
0xea: {  	v13 =	vadd.f32 v63, v12;
	v1 =	vadd.f32 v1, v2;
	v2 =	vmul.f32 v60, v3;
	_ =	sdelay $0x1  }
0xeb: {  	v3 =	vadd.f32 v14, v13;
	v1 =	vadd.f32 v2, v1;
	_ =	sdelay $0x1  }
0xec: {  	s2 =	sor.u32 $0x1, s28;
	v2 =	vadd.s32 $0x8000, v3;
	v15 =	vadd.s32 $0x8000, v1  }
0xed: {  	s29 =	smul.u32 $0x1400, s2;
	[tilespmem:s30+$0x5100] =	vst v3;
	v2 =	vshrl.u32 v2, $0x10;
	v3 =	vand.u32 $0xFFFF0000, v15  }
0xee: {  	[tilespmem:s30+$0x5110] =	vst v1;
	v1 =	vor.u32 v2, v3  }
0xef: {  	s29 =	sshra.s32 s29, $0x2;
	[tilespmem:s31+$0x158D0] =	vst v1  }
0xf0: {  	v1 =	vld [tilespmem:s29+$0x14A0]  }
0xf1: {  	v2 =	vld [tilespmem:s29+$0x14E0]  }
0xf2: {  	v3 =	vld [tilespmem:s29+$0x1520]  }
0xf3: {  	v16 =	vld [tilespmem:s29+$0x1560]  }
0xf4: {  	v17 =	vld [tilespmem:s29+$0x15A0];
	_ =	sdelay $0x1  }
0xf5: {  	v18 =	vld [tilespmem:s29+$0x15E0]  }
0xf6: {  	v20 =	vld [tilespmem:s29+$0x16A0];
	vm12 =	vlt.bf16 v1, $0.0e+00;
	vm13 =	vlt.bf16 v2, $0.0e+00  }
0xf7: {  	v22 =	vld [tilespmem:s29+$0x16E0];
	v1 =	vand.u32 $0x7FFF7FFF, v1;
	v2 =	vand.u32 $0x7FFF7FFF, v2;
	vm14 =	vlt.bf16 v3, $0.0e+00  }
0xf8: {  	vm15 =	vlt.bf16 v16, $0.0e+00;
	v4 =	vand.u32 $0x7FFF7FFF, v16;
	vm4 =	vlt.bf16 v17, $0.0e+00  }
0xf9: {  	v19 =	vand.u32 $0x7FFF7FFF, v17;
	v1 =	vmin.bf16 v1, v2;
	v2 =	vand.u32 $0x7FFF7FFF, v3;
	v3 =	vld [tilespmem:s29+$0x1620]  }
0xfa: {  	v23 =	vld [tilespmem:s29+$0x1720];
	vm5 =	vlt.bf16 v18, $0.0e+00;
	v21 =	vand.u32 $0x7FFF7FFF, v18;
	vm0 =	vmxor vm12, vm13  }
0xfb: {  	vm8 =	vlt.bf16 v20, $0.0e+00;
	vm0 =	vmxor vm0, vm14;
	v1 =	vmin.bf16 v1, v2;
	v2 =	vld [tilespmem:s29+$0x1660]  }
0xfc: {  	vm9 =	vlt.bf16 v22, $0.0e+00;
	vm0 =	vmxor vm0, vm15;
	v1 =	vmin.bf16 v1, v4  }
0xfd: {  	v24 =	vld [tilespmem:s29+$0x17A0];
	v6 =	vand.u32 $0x7FFF7FFF, v22;
	vm0 =	vmxor vm0, vm4;
	v1 =	vmin.bf16 v1, v19  }
0xfe: {  	v1 =	vmin.bf16 v1, v21;
	vm6 =	vlt.bf16 v3, $0.0e+00;
	v3 =	vand.u32 $0x7FFF7FFF, v3  }
0xff: {  	vm10 =	vlt.bf16 v23, $0.0e+00;
	vm0 =	vmxor vm0, vm5;
	v1 =	vmin.bf16 v1, v3;
	v3 =	vld [tilespmem:s29+$0x1760]  }
0x100: {  	v25 =	vld [tilespmem:s29+$0x1820];
	vm0 =	vmxor vm0, vm6;
	vm7 =	vlt.bf16 v2, $0.0e+00;
	v2 =	vand.u32 $0x7FFF7FFF, v2  }
0x101: {  	v26 =	vld [tilespmem:s29+$0x1860];
	vm0 =	vmxor vm0, vm7;
	v1 =	vmin.bf16 v1, v2;
	v2 =	vand.u32 $0x7FFF7FFF, v20  }
0x102: {  	v5 =	vand.u32 $0x7FFF7FFF, v24;
	vm0 =	vmxor vm0, vm8;
	v1 =	vmin.bf16 v1, v2;
	v2 =	vld [tilespmem:s29+$0x17E0]  }
0x103: {  	v4 =	vand.u32 $0x7FFF7FFF, v23;
	vm0 =	vmxor vm0, vm9;
	v1 =	vmin.bf16 v1, v6  }
0x104: {  	v1 =	vmin.bf16 v1, v4;
	vm11 =	vlt.bf16 v3, $0.0e+00;
	v3 =	vand.u32 $0x7FFF7FFF, v3  }
0x105: {  	vm12 =	vlt.bf16 v24, $0.0e+00;
	vm0 =	vmxor vm0, vm10;
	v1 =	vmin.bf16 v1, v3;
	v3 =	vld [tilespmem:s29+$0x18A0]  }
0x106: {  	v27 =	vld [tilespmem:s29+$0x18E0];
	vm14 =	vlt.bf16 v25, $0.0e+00;
	vm15 =	vlt.bf16 v26, $0.0e+00;
	vm0 =	vmxor vm0, vm11  }
0x107: {  	s2 =	sadd.s32 s26, s2;
	v28 =	vld [tilespmem:s29+$0x1920];
	vm13 =	vlt.bf16 v2, $0.0e+00;
	v1 =	vmin.bf16 v1, v5;
	v2 =	vand.u32 $0x7FFF7FFF, v2  }
0x108: {  	s31 =	smul.u32 $0xC, s2;
	vm0 =	vmxor vm0, vm12;
	v1 =	vmin.bf16 v1, v2;
	v2 =	vand.u32 $0x7FFF7FFF, v25  }
0x109: {  	vm0 =	vmxor vm0, vm13;
	v1 =	vmin.bf16 v1, v2;
	v2 =	vand.u32 $0x7FFF7FFF, v26  }
0x10a: {  	s30 =	sshra.s32 s31, $0x2;
	vm0 =	vmxor vm0, vm14;
	v1 =	vmin.bf16 v1, v2;
	v2 =	vand.u32 $0x7FFF7FFF, v3  }
0x10b: {  	v29 =	vld [tilespmem:s30+$0x19AA0];
	vm0 =	vmxor vm0, vm15;
	v1 =	vmin.bf16 v1, v2;
	v2 =	vand.u32 $0x7FFF7FFF, v27  }
0x10c: {  	vm4 =	vlt.bf16 v3, $0.0e+00;
	v1 =	vmin.bf16 v1, v2;
	v2 =	vand.u32 $0x7FFF7FFF, v28  }
0x10d: {  	s30 =	sshll.u32 s2, $0x7;
	vm5 =	vlt.bf16 v27, $0.0e+00;
	v3 =	vld [tilespmem:s29+$0x1960];
	vm0 =	vmxor vm0, vm4;
	v1 =	vmin.bf16 v1, v2  }
0x10e: {  	v30 =	vld [tilespmem:s30+$0x50A0];
	vm6 =	vlt.bf16 v28, $0.0e+00;
	vm0 =	vmxor vm0, vm5;
	v2 =	vsub.bf16 v0, v1  }
0x10f: {  	v31 =	vld [tilespmem:s30+$0x50B0];
	vm0 =	vmxor vm0, vm6  }
0x110: {  	v33 =	vld [tilespmem:s30+$0xD4A0];
	v2 =	vsel vm0, v2, v1;
	v1 =	vbroadcast v29, $0x0  }
0x111: {  	v35 =	vld [tilespmem:s30+$0xD4B0];
	v32 =	vunpack.i.l.bf16.f32 v2;
	v34 =	vunpack.i.u.bf16.f32 v2;
	v2 =	vbroadcast v29, $0x1  }
0x112: {  	v36 =	vunpack.i.l.bf16.f32 v3;
	v7 =	vmul.f32 v32, v1;
	v9 =	vmul.f32 v34, v1  }
0x113: {  	v37 =	vunpack.i.u.bf16.f32 v3;
	v3 =	vbroadcast v29, $0x2;
	v38 =	vmul.f32 v36, v2  }
0x114: {  	v40 =	vmul.f32 v37, v2;
	v5 =	vadd.f32 v30, v7;
	v39 =	vadd.f32 v31, v9  }
0x115: {  	v41 =	vmul.f32 v33, v3  }
0x116: {  	v42 =	vmul.f32 v35, v3;
	v5 =	vadd.f32 v5, v38;
	v4 =	vadd.f32 v39, v40;
	_ =	sdelay $0x1  }
0x117: {  	v5 =	vadd.f32 v41, v5;
	v4 =	vadd.f32 v42, v4;
	_ =	sdelay $0x1  }
0x118: {  	v43 =	vadd.s32 $0x8000, v5;
	v44 =	vadd.s32 $0x8000, v4  }
0x119: {  	s2 =	sshll.u32 s2, $0x6;
	[tilespmem:s30+$0x50A0] =	vst v5;
	v45 =	vshrl.u32 v43, $0x10;
	v46 =	vand.u32 $0xFFFF0000, v44  }
0x11a: {  	s2 =	sand.u32 $0x3FFFFFC0, s2;
	[tilespmem:s30+$0x50B0] =	vst v4;
	v47 =	vor.u32 v45, v46  }
0x11b: {  	[tilespmem:s2+$0x158A0] =	vst v47  }
0x11c: {  	v4 =	vld [tilespmem:s29+$0x14B0]  }
0x11d: {  	v48 =	vld [tilespmem:s29+$0x14F0]  }
0x11e: {  	v49 =	vld [tilespmem:s29+$0x1530]  }
0x11f: {  	v50 =	vld [tilespmem:s29+$0x1570]  }
0x120: {  	v51 =	vld [tilespmem:s29+$0x15B0]  }
0x121: {  	v52 =	vld [tilespmem:s29+$0x15F0]  }
0x122: {  	v54 =	vld [tilespmem:s29+$0x1630]  }
0x123: {  	v55 =	vld [tilespmem:s29+$0x1670]  }
0x124: {  	v57 =	vld [tilespmem:s29+$0x16B0]  }
0x125: {  	v59 =	vld [tilespmem:s29+$0x16F0];
	vm7 =	vlt.bf16 v4, $0.0e+00;
	vm8 =	vlt.bf16 v48, $0.0e+00  }
0x126: {  	v60 =	vld [tilespmem:s29+$0x1730];
	v4 =	vand.u32 $0x7FFF7FFF, v4;
	v5 =	vand.u32 $0x7FFF7FFF, v48;
	vm9 =	vlt.bf16 v49, $0.0e+00  }
0x127: {  	v61 =	vld [tilespmem:s29+$0x1770];
	v53 =	vand.u32 $0x7FFF7FFF, v49;
	vm10 =	vlt.bf16 v50, $0.0e+00;
	v7 =	vand.u32 $0x7FFF7FFF, v50  }
0x128: {  	v63 =	vld [tilespmem:s29+$0x17B0];
	vm11 =	vlt.bf16 v51, $0.0e+00;
	v56 =	vand.u32 $0x7FFF7FFF, v51;
	vm12 =	vlt.bf16 v52, $0.0e+00  }
0x129: {  	v13 =	vld [tilespmem:s29+$0x1830];
	v58 =	vand.u32 $0x7FFF7FFF, v52;
	vm13 =	vlt.bf16 v54, $0.0e+00;
	v6 =	vand.u32 $0x7FFF7FFF, v54  }
0x12a: {  	v14 =	vld [tilespmem:s29+$0x1870];
	vm14 =	vlt.bf16 v55, $0.0e+00;
	vm15 =	vlt.bf16 v57, $0.0e+00;
	v62 =	vand.u32 $0x7FFF7FFF, v57  }
0x12b: {  	vm4 =	vlt.bf16 v59, $0.0e+00;
	v9 =	vand.u32 $0x7FFF7FFF, v59;
	v4 =	vmin.bf16 v4, v5  }
0x12c: {  	v15 =	vld [tilespmem:s29+$0x18B0];
	vm5 =	vlt.bf16 v60, $0.0e+00;
	vm6 =	vlt.bf16 v61, $0.0e+00;
	v4 =	vmin.bf16 v4, v53  }
0x12d: {  	v16 =	vld [tilespmem:s29+$0x18F0];
	v8 =	vand.u32 $0x7FFF7FFF, v63;
	vm0 =	vmxor vm7, vm8;
	v4 =	vmin.bf16 v4, v7  }
0x12e: {  	v18 =	vand.u32 $0x7FFF7FFF, v13;
	vm0 =	vmxor vm0, vm9;
	v4 =	vmin.bf16 v4, v56  }
0x12f: {  	v19 =	vand.u32 $0x7FFF7FFF, v14;
	vm0 =	vmxor vm0, vm10;
	v4 =	vmin.bf16 v4, v58  }
0x130: {  	v17 =	vld [tilespmem:s29+$0x1930];
	v5 =	vand.u32 $0x7FFF7FFF, v55;
	vm0 =	vmxor vm0, vm11;
	v4 =	vmin.bf16 v4, v6  }
0x131: {  	v12 =	vld [tilespmem:s29+$0x17F0];
	v20 =	vand.u32 $0x7FFF7FFF, v15;
	vm0 =	vmxor vm0, vm12;
	v4 =	vmin.bf16 v4, v5  }
0x132: {  	v21 =	vand.u32 $0x7FFF7FFF, v16;
	vm0 =	vmxor vm0, vm13;
	v4 =	vmin.bf16 v4, v62  }
0x133: {  	v7 =	vand.u32 $0x7FFF7FFF, v60;
	vm0 =	vmxor vm0, vm14;
	v4 =	vmin.bf16 v4, v9  }
0x134: {  	v6 =	vand.u32 $0x7FFF7FFF, v61;
	vm0 =	vmxor vm0, vm15;
	v4 =	vmin.bf16 v4, v7  }
0x135: {  	v22 =	vand.u32 $0x7FFF7FFF, v17;
	vm0 =	vmxor vm0, vm4;
	v4 =	vmin.bf16 v4, v6  }
0x136: {  	v5 =	vand.u32 $0x7FFF7FFF, v12;
	vm0 =	vmxor vm0, vm5;
	v4 =	vmin.bf16 v4, v8  }
0x137: {  	vm7 =	vlt.bf16 v63, $0.0e+00;
	vm0 =	vmxor vm0, vm6;
	v4 =	vmin.bf16 v4, v5  }
0x138: {  	vm8 =	vlt.bf16 v12, $0.0e+00;
	vm0 =	vmxor vm0, vm7;
	v4 =	vmin.bf16 v4, v18  }
0x139: {  	vm9 =	vlt.bf16 v13, $0.0e+00;
	vm0 =	vmxor vm0, vm8;
	v4 =	vmin.bf16 v4, v19  }
0x13a: {  	vm10 =	vlt.bf16 v14, $0.0e+00;
	vm0 =	vmxor vm0, vm9;
	v4 =	vmin.bf16 v4, v20  }
0x13b: {  	vm11 =	vlt.bf16 v15, $0.0e+00;
	vm0 =	vmxor vm0, vm10;
	v4 =	vmin.bf16 v4, v21  }
0x13c: {  	v23 =	vld [tilespmem:s29+$0x1970];
	vm12 =	vlt.bf16 v16, $0.0e+00;
	vm0 =	vmxor vm0, vm11;
	v4 =	vmin.bf16 v4, v22  }
0x13d: {  	v24 =	vld [tilespmem:s30+$0x50C0];
	vm13 =	vlt.bf16 v17, $0.0e+00;
	vm0 =	vmxor vm0, vm12;
	v5 =	vsub.bf16 v0, v4  }
0x13e: {  	v25 =	vld [tilespmem:s30+$0x50D0];
	vm0 =	vmxor vm0, vm13  }
0x13f: {  	v27 =	vld [tilespmem:s30+$0xD4C0];
	v4 =	vsel vm0, v5, v4  }
0x140: {  	v28 =	vld [tilespmem:s30+$0xD4D0];
	v26 =	vunpack.i.l.bf16.f32 v4;
	v4 =	vunpack.i.u.bf16.f32 v4  }
0x141: {  	v29 =	vunpack.i.l.bf16.f32 v23;
	v8 =	vmul.f32 v26, v1;
	v4 =	vmul.f32 v4, v1  }
0x142: {  	v30 =	vmul.f32 v29, v2;
	v6 =	vunpack.i.u.bf16.f32 v23  }
0x143: {  	v31 =	vmul.f32 v6, v2;
	v7 =	vadd.f32 v24, v8;
	v4 =	vadd.f32 v25, v4  }
0x144: {  	v33 =	vmul.f32 v27, v3  }
0x145: {  	v34 =	vmul.f32 v28, v3;
	v32 =	vadd.f32 v7, v30;
	v4 =	vadd.f32 v4, v31;
	_ =	sdelay $0x1  }
0x146: {  	v6 =	vadd.f32 v33, v32;
	v4 =	vadd.f32 v34, v4;
	_ =	sdelay $0x1  }
0x147: {  	v35 =	vadd.s32 $0x8000, v6;
	v36 =	vadd.s32 $0x8000, v4  }
0x148: {  	[tilespmem:s30+$0x50C0] =	vst v6;
	v5 =	vshrl.u32 v35, $0x10;
	v37 =	vand.u32 $0xFFFF0000, v36  }
0x149: {  	[tilespmem:s30+$0x50D0] =	vst v4;
	v38 =	vor.u32 v5, v37  }
0x14a: {  	[tilespmem:s2+$0x158B0] =	vst v38  }
0x14b: {  	v4 =	vld [tilespmem:s29+$0x14C0]  }
0x14c: {  	v39 =	vld [tilespmem:s29+$0x1500]  }
0x14d: {  	v40 =	vld [tilespmem:s29+$0x1540]  }
0x14e: {  	v41 =	vld [tilespmem:s29+$0x1580]  }
0x14f: {  	v42 =	vld [tilespmem:s29+$0x15C0]  }
0x150: {  	v43 =	vld [tilespmem:s29+$0x1600]  }
0x151: {  	v45 =	vld [tilespmem:s29+$0x1640]  }
0x152: {  	v46 =	vld [tilespmem:s29+$0x1680]  }
0x153: {  	v48 =	vld [tilespmem:s29+$0x16C0]  }
0x154: {  	v50 =	vld [tilespmem:s29+$0x1700];
	vm14 =	vlt.bf16 v4, $0.0e+00;
	vm15 =	vlt.bf16 v39, $0.0e+00  }
0x155: {  	v51 =	vld [tilespmem:s29+$0x1740];
	v4 =	vand.u32 $0x7FFF7FFF, v4;
	v5 =	vand.u32 $0x7FFF7FFF, v39;
	vm4 =	vlt.bf16 v40, $0.0e+00  }
0x156: {  	v52 =	vld [tilespmem:s29+$0x1780];
	v44 =	vand.u32 $0x7FFF7FFF, v40;
	vm5 =	vlt.bf16 v41, $0.0e+00;
	v7 =	vand.u32 $0x7FFF7FFF, v41  }
0x157: {  	v54 =	vld [tilespmem:s29+$0x17C0];
	vm6 =	vlt.bf16 v42, $0.0e+00;
	v47 =	vand.u32 $0x7FFF7FFF, v42;
	vm7 =	vlt.bf16 v43, $0.0e+00  }
0x158: {  	v56 =	vld [tilespmem:s29+$0x1840];
	v49 =	vand.u32 $0x7FFF7FFF, v43;
	vm8 =	vlt.bf16 v45, $0.0e+00;
	v6 =	vand.u32 $0x7FFF7FFF, v45  }
0x159: {  	v57 =	vld [tilespmem:s29+$0x1880];
	vm9 =	vlt.bf16 v46, $0.0e+00;
	vm10 =	vlt.bf16 v48, $0.0e+00;
	v53 =	vand.u32 $0x7FFF7FFF, v48  }
0x15a: {  	vm11 =	vlt.bf16 v50, $0.0e+00;
	v9 =	vand.u32 $0x7FFF7FFF, v50;
	v4 =	vmin.bf16 v4, v5  }
0x15b: {  	v58 =	vld [tilespmem:s29+$0x18C0];
	vm12 =	vlt.bf16 v51, $0.0e+00;
	vm13 =	vlt.bf16 v52, $0.0e+00;
	v4 =	vmin.bf16 v4, v44  }
0x15c: {  	v60 =	vld [tilespmem:s29+$0x1940];
	v8 =	vand.u32 $0x7FFF7FFF, v54;
	vm0 =	vmxor vm14, vm15;
	v4 =	vmin.bf16 v4, v7  }
0x15d: {  	v61 =	vand.u32 $0x7FFF7FFF, v56;
	vm0 =	vmxor vm0, vm4;
	v4 =	vmin.bf16 v4, v47  }
0x15e: {  	v62 =	vand.u32 $0x7FFF7FFF, v57;
	vm0 =	vmxor vm0, vm5;
	v4 =	vmin.bf16 v4, v49  }
0x15f: {  	v5 =	vand.u32 $0x7FFF7FFF, v46;
	vm0 =	vmxor vm0, vm6;
	v4 =	vmin.bf16 v4, v6  }
0x160: {  	v55 =	vld [tilespmem:s29+$0x1800];
	v63 =	vand.u32 $0x7FFF7FFF, v58;
	vm0 =	vmxor vm0, vm7;
	v4 =	vmin.bf16 v4, v5  }
0x161: {  	v11 =	vand.u32 $0x7FFF7FFF, v60;
	vm0 =	vmxor vm0, vm8;
	v4 =	vmin.bf16 v4, v53  }
0x162: {  	v7 =	vand.u32 $0x7FFF7FFF, v51;
	vm0 =	vmxor vm0, vm9;
	v4 =	vmin.bf16 v4, v9  }
0x163: {  	v6 =	vand.u32 $0x7FFF7FFF, v52;
	vm0 =	vmxor vm0, vm10;
	v4 =	vmin.bf16 v4, v7  }
0x164: {  	v59 =	vld [tilespmem:s29+$0x1900];
	vm14 =	vlt.bf16 v54, $0.0e+00;
	vm0 =	vmxor vm0, vm11;
	v4 =	vmin.bf16 v4, v6  }
0x165: {  	v5 =	vand.u32 $0x7FFF7FFF, v55;
	vm0 =	vmxor vm0, vm12;
	v4 =	vmin.bf16 v4, v8  }
0x166: {  	vm15 =	vlt.bf16 v55, $0.0e+00;
	vm0 =	vmxor vm0, vm13;
	v4 =	vmin.bf16 v4, v5  }
0x167: {  	vm4 =	vlt.bf16 v56, $0.0e+00;
	vm0 =	vmxor vm0, vm14;
	v4 =	vmin.bf16 v4, v61  }
0x168: {  	vm5 =	vlt.bf16 v57, $0.0e+00;
	vm0 =	vmxor vm0, vm15;
	v4 =	vmin.bf16 v4, v62  }
0x169: {  	v9 =	vand.u32 $0x7FFF7FFF, v59;
	vm0 =	vmxor vm0, vm4;
	v4 =	vmin.bf16 v4, v63  }
0x16a: {  	vm6 =	vlt.bf16 v58, $0.0e+00;
	vm0 =	vmxor vm0, vm5;
	v4 =	vmin.bf16 v4, v9  }
0x16b: {  	v12 =	vld [tilespmem:s29+$0x1980];
	vm7 =	vlt.bf16 v59, $0.0e+00;
	vm0 =	vmxor vm0, vm6;
	v4 =	vmin.bf16 v4, v11  }
0x16c: {  	v13 =	vld [tilespmem:s30+$0x50E0];
	vm8 =	vlt.bf16 v60, $0.0e+00;
	vm0 =	vmxor vm0, vm7;
	v5 =	vsub.bf16 v0, v4  }
0x16d: {  	v14 =	vld [tilespmem:s30+$0x50F0];
	vm0 =	vmxor vm0, vm8  }
0x16e: {  	v16 =	vld [tilespmem:s30+$0xD4E0];
	v4 =	vsel vm0, v5, v4  }
0x16f: {  	v17 =	vld [tilespmem:s30+$0xD4F0];
	v15 =	vunpack.i.l.bf16.f32 v4;
	v4 =	vunpack.i.u.bf16.f32 v4  }
0x170: {  	v18 =	vunpack.i.l.bf16.f32 v12;
	v8 =	vmul.f32 v15, v1;
	v4 =	vmul.f32 v4, v1  }
0x171: {  	v19 =	vmul.f32 v18, v2;
	v6 =	vunpack.i.u.bf16.f32 v12  }
0x172: {  	v20 =	vmul.f32 v6, v2;
	v7 =	vadd.f32 v13, v8;
	v4 =	vadd.f32 v14, v4  }
0x173: {  	v22 =	vmul.f32 v16, v3  }
0x174: {  	v23 =	vmul.f32 v17, v3;
	v21 =	vadd.f32 v7, v19;
	v4 =	vadd.f32 v4, v20;
	_ =	sdelay $0x1  }
0x175: {  	v6 =	vadd.f32 v22, v21;
	v4 =	vadd.f32 v23, v4;
	_ =	sdelay $0x1  }
0x176: {  	v24 =	vadd.s32 $0x8000, v6;
	v25 =	vadd.s32 $0x8000, v4  }
0x177: {  	[tilespmem:s30+$0x50E0] =	vst v6;
	v5 =	vshrl.u32 v24, $0x10;
	v26 =	vand.u32 $0xFFFF0000, v25  }
0x178: {  	[tilespmem:s30+$0x50F0] =	vst v4;
	v27 =	vor.u32 v5, v26  }
0x179: {  	[tilespmem:s2+$0x158C0] =	vst v27  }
0x17a: {  	v4 =	vld [tilespmem:s29+$0x14D0]  }
0x17b: {  	v28 =	vld [tilespmem:s29+$0x1510]  }
0x17c: {  	v29 =	vld [tilespmem:s29+$0x1550]  }
0x17d: {  	v30 =	vld [tilespmem:s29+$0x1590]  }
0x17e: {  	v31 =	vld [tilespmem:s29+$0x15D0]  }
0x17f: {  	v32 =	vld [tilespmem:s29+$0x1610]  }
0x180: {  	v34 =	vld [tilespmem:s29+$0x1650]  }
0x181: {  	v35 =	vld [tilespmem:s29+$0x1690]  }
0x182: {  	v37 =	vld [tilespmem:s29+$0x16D0]  }
0x183: {  	v39 =	vld [tilespmem:s29+$0x1710];
	vm9 =	vlt.bf16 v4, $0.0e+00;
	vm10 =	vlt.bf16 v28, $0.0e+00  }
0x184: {  	v40 =	vld [tilespmem:s29+$0x1750];
	v4 =	vand.u32 $0x7FFF7FFF, v4;
	v5 =	vand.u32 $0x7FFF7FFF, v28;
	vm11 =	vlt.bf16 v29, $0.0e+00  }
0x185: {  	v41 =	vld [tilespmem:s29+$0x1790];
	v33 =	vand.u32 $0x7FFF7FFF, v29;
	vm12 =	vlt.bf16 v30, $0.0e+00;
	v7 =	vand.u32 $0x7FFF7FFF, v30  }
0x186: {  	v43 =	vld [tilespmem:s29+$0x17D0];
	vm13 =	vlt.bf16 v31, $0.0e+00;
	v36 =	vand.u32 $0x7FFF7FFF, v31;
	vm14 =	vlt.bf16 v32, $0.0e+00  }
0x187: {  	v45 =	vld [tilespmem:s29+$0x1850];
	v38 =	vand.u32 $0x7FFF7FFF, v32;
	vm15 =	vlt.bf16 v34, $0.0e+00;
	v6 =	vand.u32 $0x7FFF7FFF, v34  }
0x188: {  	v46 =	vld [tilespmem:s29+$0x1890];
	vm4 =	vlt.bf16 v35, $0.0e+00;
	vm5 =	vlt.bf16 v37, $0.0e+00;
	v42 =	vand.u32 $0x7FFF7FFF, v37  }
0x189: {  	vm6 =	vlt.bf16 v39, $0.0e+00;
	v9 =	vand.u32 $0x7FFF7FFF, v39;
	v4 =	vmin.bf16 v4, v5  }
0x18a: {  	v47 =	vld [tilespmem:s29+$0x18D0];
	vm7 =	vlt.bf16 v40, $0.0e+00;
	vm8 =	vlt.bf16 v41, $0.0e+00;
	v4 =	vmin.bf16 v4, v33  }
0x18b: {  	v48 =	vld [tilespmem:s29+$0x1910];
	v8 =	vand.u32 $0x7FFF7FFF, v43;
	vm0 =	vmxor vm9, vm10;
	v4 =	vmin.bf16 v4, v7  }
0x18c: {  	v50 =	vand.u32 $0x7FFF7FFF, v45;
	vm0 =	vmxor vm0, vm11;
	v4 =	vmin.bf16 v4, v36  }
0x18d: {  	v51 =	vand.u32 $0x7FFF7FFF, v46;
	vm0 =	vmxor vm0, vm12;
	v4 =	vmin.bf16 v4, v38  }
0x18e: {  	v49 =	vld [tilespmem:s29+$0x1950];
	v5 =	vand.u32 $0x7FFF7FFF, v35;
	vm0 =	vmxor vm0, vm13;
	v4 =	vmin.bf16 v4, v6  }
0x18f: {  	v44 =	vld [tilespmem:s29+$0x1810];
	v52 =	vand.u32 $0x7FFF7FFF, v47;
	vm0 =	vmxor vm0, vm14;
	v4 =	vmin.bf16 v4, v5  }
0x190: {  	v53 =	vand.u32 $0x7FFF7FFF, v48;
	vm0 =	vmxor vm0, vm15;
	v4 =	vmin.bf16 v4, v42  }
0x191: {  	v7 =	vand.u32 $0x7FFF7FFF, v40;
	vm0 =	vmxor vm0, vm4;
	v4 =	vmin.bf16 v4, v9  }
0x192: {  	v6 =	vand.u32 $0x7FFF7FFF, v41;
	vm0 =	vmxor vm0, vm5;
	v4 =	vmin.bf16 v4, v7  }
0x193: {  	v54 =	vand.u32 $0x7FFF7FFF, v49;
	vm0 =	vmxor vm0, vm6;
	v4 =	vmin.bf16 v4, v6  }
0x194: {  	v5 =	vand.u32 $0x7FFF7FFF, v44;
	vm0 =	vmxor vm0, vm7;
	v4 =	vmin.bf16 v4, v8  }
0x195: {  	vm9 =	vlt.bf16 v43, $0.0e+00;
	vm0 =	vmxor vm0, vm8;
	v4 =	vmin.bf16 v4, v5  }
0x196: {  	vm10 =	vlt.bf16 v44, $0.0e+00;
	vm0 =	vmxor vm0, vm9;
	v4 =	vmin.bf16 v4, v50  }
0x197: {  	vm11 =	vlt.bf16 v45, $0.0e+00;
	vm0 =	vmxor vm0, vm10;
	v4 =	vmin.bf16 v4, v51  }
0x198: {  	vm12 =	vlt.bf16 v46, $0.0e+00;
	vm0 =	vmxor vm0, vm11;
	v4 =	vmin.bf16 v4, v52  }
0x199: {  	vm13 =	vlt.bf16 v47, $0.0e+00;
	vm0 =	vmxor vm0, vm12;
	v4 =	vmin.bf16 v4, v53  }
0x19a: {  	v55 =	vld [tilespmem:s29+$0x1990];
	vm14 =	vlt.bf16 v48, $0.0e+00;
	vm0 =	vmxor vm0, vm13;
	v4 =	vmin.bf16 v4, v54  }
0x19b: {  	v56 =	vld [tilespmem:s30+$0x5100];
	vm15 =	vlt.bf16 v49, $0.0e+00;
	vm0 =	vmxor vm0, vm14;
	v5 =	vsub.bf16 v0, v4  }
0x19c: {  	v57 =	vld [tilespmem:s30+$0x5110];
	vm0 =	vmxor vm0, vm15  }
0x19d: {  	v59 =	vld [tilespmem:s30+$0xD500];
	v4 =	vsel vm0, v5, v4  }
0x19e: {  	v60 =	vld [tilespmem:s30+$0xD510];
	v58 =	vunpack.i.l.bf16.f32 v4;
	v4 =	vunpack.i.u.bf16.f32 v4  }
0x19f: {  	v61 =	vunpack.i.l.bf16.f32 v55;
	v8 =	vmul.f32 v58, v1;
	v1 =	vmul.f32 v4, v1  }
0x1a0: {  	v6 =	vunpack.i.u.bf16.f32 v55;
	v4 =	vmul.f32 v61, v2  }
0x1a1: {  	v2 =	vmul.f32 v6, v2;
	v7 =	vadd.f32 v56, v8;
	v1 =	vadd.f32 v57, v1  }
0x1a2: {  	v62 =	vmul.f32 v59, v3  }
0x1a3: {  	v4 =	vadd.f32 v7, v4;
	v1 =	vadd.f32 v1, v2;
	v2 =	vmul.f32 v60, v3;
	_ =	sdelay $0x1  }
0x1a4: {  	p0 =	slt.u32 s28, $0x4;
	v3 =	vadd.f32 v62, v4;
	v1 =	vadd.f32 v2, v1  }
.Ltmp2:
0x1a5: {  	_ = 	snop;
	(pc) =	sbr.rel @p0 .LBB2_3-.Ltmp2, $4  }
0x1a6: {  	v2 =	vadd.s32 $0x8000, v3;
	v63 =	vadd.s32 $0x8000, v1  }
0x1a7: {  	[tilespmem:s30+$0x5100] =	vst v3;
	v2 =	vshrl.u32 v2, $0x10;
	v3 =	vand.u32 $0xFFFF0000, v63  }
0x1a8: {  	[tilespmem:s30+$0x5110] =	vst v1;
	s30 =	sadd.s32 $0x2, s28;
	v1 =	vor.u32 v2, v3  }
0x1a9: {  	s28 =	smov.u32 s30;
	[tilespmem:s2+$0x158D0] =	vst v1  }
0x1aa: {  	p0 =	seq.s32 s25, $0x15  }
0x1ab: {  	s2 =	smul.u32 @!p0 $0x3C0, s25;
	_ =	sdelay $0x1  }
0x1ac: {  	s2 =	sshra.s32 @!p0 s2, $0x2  }
0x1ad: {  	s28 =	simm.s32 @!p0 $0x78;
	s29 =	simm.s32 @!p0 $0x14A0;
	s2 =	sadd.s32 @!p0 $0xF0, s2  }
0x1ae: {  	[tilespmem:s29], [sflag:$0x1] =	stream.indirect.gather @!p0 [hbm4b:s1+s28], $0x40, s2, s28, $0xb8;
	[tilespmem:$0x19DC8] =	vst v63  }
0x1af: {  	_ =	swait.ge [sflag:s22], $0x1E00  }
0x1b0: {  	[sflag:s22] =	ssyncset.done $0x0  }
0x1b1: {  	s26 =	sadd.s32 $0x6, s26;
	s28 =	simm.s32 $0x0;
	[sflag:s22] =	ssyncadd.s32 $0xFFFFE200  }
.LBB2_5:
0x1b2: {  	s2 =	smul.u32 $0x1400, s28;
	_ =	sdelay $0x1  }
0x1b3: {  	s29 =	sshra.s32 s2, $0x2  }
0x1b4: {  	v1 =	vld [tilespmem:s29+$0x32A0]  }
0x1b5: {  	v2 =	vld [tilespmem:s29+$0x32E0]  }
0x1b6: {  	v3 =	vld [tilespmem:s29+$0x3320]  }
0x1b7: {  	v4 =	vld [tilespmem:s29+$0x3360]  }
0x1b8: {  	v5 =	vld [tilespmem:s29+$0x33A0];
	_ =	sdelay $0x1  }
0x1b9: {  	v6 =	vld [tilespmem:s29+$0x33E0]  }
0x1ba: {  	v26 =	vld [tilespmem:s29+$0x34A0];
	vm0 =	vlt.bf16 v1, $0.0e+00;
	vm1 =	vlt.bf16 v2, $0.0e+00  }
0x1bb: {  	v28 =	vld [tilespmem:s29+$0x34E0];
	v1 =	vand.u32 $0x7FFF7FFF, v1;
	v2 =	vand.u32 $0x7FFF7FFF, v2;
	vm10 =	vlt.bf16 v3, $0.0e+00  }
0x1bc: {  	vm11 =	vlt.bf16 v4, $0.0e+00;
	v4 =	vand.u32 $0x7FFF7FFF, v4;
	vm12 =	vlt.bf16 v5, $0.0e+00  }
0x1bd: {  	v25 =	vand.u32 $0x7FFF7FFF, v5;
	v1 =	vmin.bf16 v1, v2;
	v2 =	vand.u32 $0x7FFF7FFF, v3;
	v3 =	vld [tilespmem:s29+$0x3420]  }
0x1be: {  	v29 =	vld [tilespmem:s29+$0x3520];
	vm13 =	vlt.bf16 v6, $0.0e+00;
	v27 =	vand.u32 $0x7FFF7FFF, v6;
	vm0 =	vmxor vm0, vm1  }
0x1bf: {  	vm4 =	vlt.bf16 v26, $0.0e+00;
	vm0 =	vmxor vm0, vm10;
	v1 =	vmin.bf16 v1, v2;
	v2 =	vld [tilespmem:s29+$0x3460]  }
0x1c0: {  	vm5 =	vlt.bf16 v28, $0.0e+00;
	vm0 =	vmxor vm0, vm11;
	v1 =	vmin.bf16 v1, v4  }
0x1c1: {  	v30 =	vld [tilespmem:s29+$0x35A0];
	v6 =	vand.u32 $0x7FFF7FFF, v28;
	vm0 =	vmxor vm0, vm12;
	v1 =	vmin.bf16 v1, v25  }
0x1c2: {  	v1 =	vmin.bf16 v1, v27;
	vm14 =	vlt.bf16 v3, $0.0e+00;
	v3 =	vand.u32 $0x7FFF7FFF, v3  }
0x1c3: {  	vm6 =	vlt.bf16 v29, $0.0e+00;
	vm0 =	vmxor vm0, vm13;
	v1 =	vmin.bf16 v1, v3;
	v3 =	vld [tilespmem:s29+$0x3560]  }
0x1c4: {  	v31 =	vld [tilespmem:s29+$0x3620];
	vm0 =	vmxor vm0, vm14;
	vm15 =	vlt.bf16 v2, $0.0e+00;
	v2 =	vand.u32 $0x7FFF7FFF, v2  }
0x1c5: {  	v32 =	vld [tilespmem:s29+$0x3660];
	vm0 =	vmxor vm0, vm15;
	v1 =	vmin.bf16 v1, v2;
	v2 =	vand.u32 $0x7FFF7FFF, v26  }
0x1c6: {  	vm8 =	vlt.bf16 v30, $0.0e+00;
	vm0 =	vmxor vm0, vm4;
	v1 =	vmin.bf16 v1, v2;
	v2 =	vld [tilespmem:s29+$0x35E0]  }
0x1c7: {  	v4 =	vand.u32 $0x7FFF7FFF, v29;
	vm0 =	vmxor vm0, vm5;
	v1 =	vmin.bf16 v1, v6  }
0x1c8: {  	v1 =	vmin.bf16 v1, v4;
	vm7 =	vlt.bf16 v3, $0.0e+00;
	v3 =	vand.u32 $0x7FFF7FFF, v3  }
0x1c9: {  	v5 =	vand.u32 $0x7FFF7FFF, v30;
	vm0 =	vmxor vm0, vm6;
	v1 =	vmin.bf16 v1, v3;
	v3 =	vld [tilespmem:s29+$0x36A0]  }
0x1ca: {  	v7 =	vld [tilespmem:s29+$0x36E0];
	vm10 =	vlt.bf16 v31, $0.0e+00;
	vm11 =	vlt.bf16 v32, $0.0e+00;
	vm0 =	vmxor vm0, vm7  }
0x1cb: {  	s31 =	sadd.s32 s26, s28;
	v33 =	vld [tilespmem:s29+$0x3720];
	vm9 =	vlt.bf16 v2, $0.0e+00;
	v1 =	vmin.bf16 v1, v5;
	v2 =	vand.u32 $0x7FFF7FFF, v2  }
0x1cc: {  	s30 =	smul.u32 $0xC, s31;
	vm0 =	vmxor vm0, vm8;
	v1 =	vmin.bf16 v1, v2;
	v2 =	vand.u32 $0x7FFF7FFF, v31  }
0x1cd: {  	vm0 =	vmxor vm0, vm9;
	v1 =	vmin.bf16 v1, v2;
	v2 =	vand.u32 $0x7FFF7FFF, v32  }
0x1ce: {  	s30 =	sshra.s32 s30, $0x2;
	vm0 =	vmxor vm0, vm10;
	v1 =	vmin.bf16 v1, v2;
	v2 =	vand.u32 $0x7FFF7FFF, v3  }
0x1cf: {  	v34 =	vld [tilespmem:s30+$0x19AA0];
	vm0 =	vmxor vm0, vm11;
	v1 =	vmin.bf16 v1, v2;
	v2 =	vand.u32 $0x7FFF7FFF, v7  }
0x1d0: {  	vm12 =	vlt.bf16 v3, $0.0e+00;
	v1 =	vmin.bf16 v1, v2;
	v2 =	vand.u32 $0x7FFF7FFF, v33  }
0x1d1: {  	s30 =	sshll.u32 s31, $0x7;
	vm13 =	vlt.bf16 v7, $0.0e+00;
	v3 =	vld [tilespmem:s29+$0x3760];
	vm0 =	vmxor vm0, vm12;
	v1 =	vmin.bf16 v1, v2  }
0x1d2: {  	v35 =	vld [tilespmem:s30+$0x50A0];
	vm14 =	vlt.bf16 v33, $0.0e+00;
	vm0 =	vmxor vm0, vm13;
	v2 =	vsub.bf16 v0, v1  }
0x1d3: {  	v36 =	vld [tilespmem:s30+$0x50B0];
	vm0 =	vmxor vm0, vm14  }
0x1d4: {  	v8 =	vld [tilespmem:s30+$0xD4A0];
	v2 =	vsel vm0, v2, v1;
	v1 =	vbroadcast v34, $0x0  }
0x1d5: {  	v10 =	vld [tilespmem:s30+$0xD4B0];
	v37 =	vunpack.i.l.bf16.f32 v2;
	v9 =	vunpack.i.u.bf16.f32 v2;
	v2 =	vbroadcast v34, $0x1  }
0x1d6: {  	v11 =	vunpack.i.l.bf16.f32 v3;
	v7 =	vmul.f32 v37, v1;
	v9 =	vmul.f32 v9, v1  }
0x1d7: {  	v12 =	vunpack.i.u.bf16.f32 v3;
	v3 =	vbroadcast v34, $0x2;
	v38 =	vmul.f32 v11, v2  }
0x1d8: {  	v40 =	vmul.f32 v12, v2;
	v5 =	vadd.f32 v35, v7;
	v39 =	vadd.f32 v36, v9  }
0x1d9: {  	v41 =	vmul.f32 v8, v3  }
0x1da: {  	v42 =	vmul.f32 v10, v3;
	v5 =	vadd.f32 v5, v38;
	v4 =	vadd.f32 v39, v40;
	_ =	sdelay $0x1  }
0x1db: {  	v5 =	vadd.f32 v41, v5;
	v4 =	vadd.f32 v42, v4;
	_ =	sdelay $0x1  }
0x1dc: {  	v43 =	vadd.s32 $0x8000, v5;
	v44 =	vadd.s32 $0x8000, v4  }
0x1dd: {  	s2 =	sshll.u32 s31, $0x6;
	[tilespmem:s30+$0x50A0] =	vst v5;
	v45 =	vshrl.u32 v43, $0x10;
	v46 =	vand.u32 $0xFFFF0000, v44  }
0x1de: {  	s31 =	sand.u32 $0x3FFFFFC0, s2;
	[tilespmem:s30+$0x50B0] =	vst v4;
	v47 =	vor.u32 v45, v46  }
0x1df: {  	[tilespmem:s31+$0x158A0] =	vst v47  }
0x1e0: {  	v4 =	vld [tilespmem:s29+$0x32B0]  }
0x1e1: {  	v48 =	vld [tilespmem:s29+$0x32F0]  }
0x1e2: {  	v49 =	vld [tilespmem:s29+$0x3330]  }
0x1e3: {  	v50 =	vld [tilespmem:s29+$0x3370]  }
0x1e4: {  	v51 =	vld [tilespmem:s29+$0x33B0]  }
0x1e5: {  	v52 =	vld [tilespmem:s29+$0x33F0]  }
0x1e6: {  	v54 =	vld [tilespmem:s29+$0x3430]  }
0x1e7: {  	v55 =	vld [tilespmem:s29+$0x3470]  }
0x1e8: {  	v57 =	vld [tilespmem:s29+$0x34B0]  }
0x1e9: {  	v59 =	vld [tilespmem:s29+$0x34F0];
	vm15 =	vlt.bf16 v4, $0.0e+00;
	vm4 =	vlt.bf16 v48, $0.0e+00  }
0x1ea: {  	v60 =	vld [tilespmem:s29+$0x3530];
	v4 =	vand.u32 $0x7FFF7FFF, v4;
	v5 =	vand.u32 $0x7FFF7FFF, v48;
	vm5 =	vlt.bf16 v49, $0.0e+00  }
0x1eb: {  	v61 =	vld [tilespmem:s29+$0x3570];
	v53 =	vand.u32 $0x7FFF7FFF, v49;
	vm6 =	vlt.bf16 v50, $0.0e+00;
	v7 =	vand.u32 $0x7FFF7FFF, v50  }
0x1ec: {  	v63 =	vld [tilespmem:s29+$0x35B0];
	vm7 =	vlt.bf16 v51, $0.0e+00;
	v56 =	vand.u32 $0x7FFF7FFF, v51;
	vm8 =	vlt.bf16 v52, $0.0e+00  }
0x1ed: {  	v13 =	vld [tilespmem:s29+$0x3630];
	v58 =	vand.u32 $0x7FFF7FFF, v52;
	vm9 =	vlt.bf16 v54, $0.0e+00;
	v6 =	vand.u32 $0x7FFF7FFF, v54  }
0x1ee: {  	v14 =	vld [tilespmem:s29+$0x3670];
	vm10 =	vlt.bf16 v55, $0.0e+00;
	vm11 =	vlt.bf16 v57, $0.0e+00;
	v62 =	vand.u32 $0x7FFF7FFF, v57  }
0x1ef: {  	vm12 =	vlt.bf16 v59, $0.0e+00;
	v9 =	vand.u32 $0x7FFF7FFF, v59;
	v4 =	vmin.bf16 v4, v5  }
0x1f0: {  	v15 =	vld [tilespmem:s29+$0x36B0];
	vm13 =	vlt.bf16 v60, $0.0e+00;
	vm14 =	vlt.bf16 v61, $0.0e+00;
	v4 =	vmin.bf16 v4, v53  }
0x1f1: {  	v16 =	vld [tilespmem:s29+$0x36F0];
	v8 =	vand.u32 $0x7FFF7FFF, v63;
	vm0 =	vmxor vm15, vm4;
	v4 =	vmin.bf16 v4, v7  }
0x1f2: {  	v18 =	vand.u32 $0x7FFF7FFF, v13;
	vm0 =	vmxor vm0, vm5;
	v4 =	vmin.bf16 v4, v56  }
0x1f3: {  	v19 =	vand.u32 $0x7FFF7FFF, v14;
	vm0 =	vmxor vm0, vm6;
	v4 =	vmin.bf16 v4, v58  }
0x1f4: {  	v17 =	vld [tilespmem:s29+$0x3730];
	v5 =	vand.u32 $0x7FFF7FFF, v55;
	vm0 =	vmxor vm0, vm7;
	v4 =	vmin.bf16 v4, v6  }
0x1f5: {  	v12 =	vld [tilespmem:s29+$0x35F0];
	v20 =	vand.u32 $0x7FFF7FFF, v15;
	vm0 =	vmxor vm0, vm8;
	v4 =	vmin.bf16 v4, v5  }
0x1f6: {  	v21 =	vand.u32 $0x7FFF7FFF, v16;
	vm0 =	vmxor vm0, vm9;
	v4 =	vmin.bf16 v4, v62  }
0x1f7: {  	v7 =	vand.u32 $0x7FFF7FFF, v60;
	vm0 =	vmxor vm0, vm10;
	v4 =	vmin.bf16 v4, v9  }
0x1f8: {  	v6 =	vand.u32 $0x7FFF7FFF, v61;
	vm0 =	vmxor vm0, vm11;
	v4 =	vmin.bf16 v4, v7  }
0x1f9: {  	v22 =	vand.u32 $0x7FFF7FFF, v17;
	vm0 =	vmxor vm0, vm12;
	v4 =	vmin.bf16 v4, v6  }
0x1fa: {  	v5 =	vand.u32 $0x7FFF7FFF, v12;
	vm0 =	vmxor vm0, vm13;
	v4 =	vmin.bf16 v4, v8  }
0x1fb: {  	vm15 =	vlt.bf16 v63, $0.0e+00;
	vm0 =	vmxor vm0, vm14;
	v4 =	vmin.bf16 v4, v5  }
0x1fc: {  	vm4 =	vlt.bf16 v12, $0.0e+00;
	vm0 =	vmxor vm0, vm15;
	v4 =	vmin.bf16 v4, v18  }
0x1fd: {  	vm5 =	vlt.bf16 v13, $0.0e+00;
	vm0 =	vmxor vm0, vm4;
	v4 =	vmin.bf16 v4, v19  }
0x1fe: {  	vm6 =	vlt.bf16 v14, $0.0e+00;
	vm0 =	vmxor vm0, vm5;
	v4 =	vmin.bf16 v4, v20  }
0x1ff: {  	vm7 =	vlt.bf16 v15, $0.0e+00;
	vm0 =	vmxor vm0, vm6;
	v4 =	vmin.bf16 v4, v21  }
0x200: {  	v23 =	vld [tilespmem:s29+$0x3770];
	vm8 =	vlt.bf16 v16, $0.0e+00;
	vm0 =	vmxor vm0, vm7;
	v4 =	vmin.bf16 v4, v22  }
0x201: {  	v24 =	vld [tilespmem:s30+$0x50C0];
	vm9 =	vlt.bf16 v17, $0.0e+00;
	vm0 =	vmxor vm0, vm8;
	v5 =	vsub.bf16 v0, v4  }
0x202: {  	v25 =	vld [tilespmem:s30+$0x50D0];
	vm0 =	vmxor vm0, vm9  }
0x203: {  	v27 =	vld [tilespmem:s30+$0xD4C0];
	v4 =	vsel vm0, v5, v4  }
0x204: {  	v28 =	vld [tilespmem:s30+$0xD4D0];
	v26 =	vunpack.i.l.bf16.f32 v4;
	v4 =	vunpack.i.u.bf16.f32 v4  }
0x205: {  	v29 =	vunpack.i.l.bf16.f32 v23;
	v8 =	vmul.f32 v26, v1;
	v4 =	vmul.f32 v4, v1  }
0x206: {  	v30 =	vmul.f32 v29, v2;
	v6 =	vunpack.i.u.bf16.f32 v23  }
0x207: {  	v31 =	vmul.f32 v6, v2;
	v7 =	vadd.f32 v24, v8;
	v4 =	vadd.f32 v25, v4  }
0x208: {  	v33 =	vmul.f32 v27, v3  }
0x209: {  	v34 =	vmul.f32 v28, v3;
	v32 =	vadd.f32 v7, v30;
	v4 =	vadd.f32 v4, v31;
	_ =	sdelay $0x1  }
0x20a: {  	v6 =	vadd.f32 v33, v32;
	v4 =	vadd.f32 v34, v4;
	_ =	sdelay $0x1  }
0x20b: {  	v35 =	vadd.s32 $0x8000, v6;
	v36 =	vadd.s32 $0x8000, v4  }
0x20c: {  	[tilespmem:s30+$0x50C0] =	vst v6;
	v5 =	vshrl.u32 v35, $0x10;
	v37 =	vand.u32 $0xFFFF0000, v36  }
0x20d: {  	[tilespmem:s30+$0x50D0] =	vst v4;
	v38 =	vor.u32 v5, v37  }
0x20e: {  	[tilespmem:s31+$0x158B0] =	vst v38  }
0x20f: {  	v4 =	vld [tilespmem:s29+$0x32C0]  }
0x210: {  	v39 =	vld [tilespmem:s29+$0x3300]  }
0x211: {  	v40 =	vld [tilespmem:s29+$0x3340]  }
0x212: {  	v41 =	vld [tilespmem:s29+$0x3380]  }
0x213: {  	v42 =	vld [tilespmem:s29+$0x33C0]  }
0x214: {  	v43 =	vld [tilespmem:s29+$0x3400]  }
0x215: {  	v45 =	vld [tilespmem:s29+$0x3440]  }
0x216: {  	v46 =	vld [tilespmem:s29+$0x3480]  }
0x217: {  	v48 =	vld [tilespmem:s29+$0x34C0]  }
0x218: {  	v50 =	vld [tilespmem:s29+$0x3500];
	vm10 =	vlt.bf16 v4, $0.0e+00;
	vm11 =	vlt.bf16 v39, $0.0e+00  }
0x219: {  	v51 =	vld [tilespmem:s29+$0x3540];
	v4 =	vand.u32 $0x7FFF7FFF, v4;
	v5 =	vand.u32 $0x7FFF7FFF, v39;
	vm12 =	vlt.bf16 v40, $0.0e+00  }
0x21a: {  	v52 =	vld [tilespmem:s29+$0x3580];
	v44 =	vand.u32 $0x7FFF7FFF, v40;
	vm13 =	vlt.bf16 v41, $0.0e+00;
	v7 =	vand.u32 $0x7FFF7FFF, v41  }
0x21b: {  	v54 =	vld [tilespmem:s29+$0x35C0];
	vm14 =	vlt.bf16 v42, $0.0e+00;
	v47 =	vand.u32 $0x7FFF7FFF, v42;
	vm15 =	vlt.bf16 v43, $0.0e+00  }
0x21c: {  	v56 =	vld [tilespmem:s29+$0x3640];
	v49 =	vand.u32 $0x7FFF7FFF, v43;
	vm4 =	vlt.bf16 v45, $0.0e+00;
	v6 =	vand.u32 $0x7FFF7FFF, v45  }
0x21d: {  	v57 =	vld [tilespmem:s29+$0x3680];
	vm5 =	vlt.bf16 v46, $0.0e+00;
	vm6 =	vlt.bf16 v48, $0.0e+00;
	v53 =	vand.u32 $0x7FFF7FFF, v48  }
0x21e: {  	vm7 =	vlt.bf16 v50, $0.0e+00;
	v9 =	vand.u32 $0x7FFF7FFF, v50;
	v4 =	vmin.bf16 v4, v5  }
0x21f: {  	v58 =	vld [tilespmem:s29+$0x36C0];
	vm8 =	vlt.bf16 v51, $0.0e+00;
	vm9 =	vlt.bf16 v52, $0.0e+00;
	v4 =	vmin.bf16 v4, v44  }
0x220: {  	v60 =	vld [tilespmem:s29+$0x3740];
	v8 =	vand.u32 $0x7FFF7FFF, v54;
	vm0 =	vmxor vm10, vm11;
	v4 =	vmin.bf16 v4, v7  }
0x221: {  	v61 =	vand.u32 $0x7FFF7FFF, v56;
	vm0 =	vmxor vm0, vm12;
	v4 =	vmin.bf16 v4, v47  }
0x222: {  	v62 =	vand.u32 $0x7FFF7FFF, v57;
	vm0 =	vmxor vm0, vm13;
	v4 =	vmin.bf16 v4, v49  }
0x223: {  	v5 =	vand.u32 $0x7FFF7FFF, v46;
	vm0 =	vmxor vm0, vm14;
	v4 =	vmin.bf16 v4, v6  }
0x224: {  	v55 =	vld [tilespmem:s29+$0x3600];
	v63 =	vand.u32 $0x7FFF7FFF, v58;
	vm0 =	vmxor vm0, vm15;
	v4 =	vmin.bf16 v4, v5  }
0x225: {  	v11 =	vand.u32 $0x7FFF7FFF, v60;
	vm0 =	vmxor vm0, vm4;
	v4 =	vmin.bf16 v4, v53  }
0x226: {  	v7 =	vand.u32 $0x7FFF7FFF, v51;
	vm0 =	vmxor vm0, vm5;
	v4 =	vmin.bf16 v4, v9  }
0x227: {  	v6 =	vand.u32 $0x7FFF7FFF, v52;
	vm0 =	vmxor vm0, vm6;
	v4 =	vmin.bf16 v4, v7  }
0x228: {  	v59 =	vld [tilespmem:s29+$0x3700];
	vm10 =	vlt.bf16 v54, $0.0e+00;
	vm0 =	vmxor vm0, vm7;
	v4 =	vmin.bf16 v4, v6  }
0x229: {  	v5 =	vand.u32 $0x7FFF7FFF, v55;
	vm0 =	vmxor vm0, vm8;
	v4 =	vmin.bf16 v4, v8  }
0x22a: {  	vm11 =	vlt.bf16 v55, $0.0e+00;
	vm0 =	vmxor vm0, vm9;
	v4 =	vmin.bf16 v4, v5  }
0x22b: {  	vm12 =	vlt.bf16 v56, $0.0e+00;
	vm0 =	vmxor vm0, vm10;
	v4 =	vmin.bf16 v4, v61  }
0x22c: {  	vm13 =	vlt.bf16 v57, $0.0e+00;
	vm0 =	vmxor vm0, vm11;
	v4 =	vmin.bf16 v4, v62  }
0x22d: {  	v9 =	vand.u32 $0x7FFF7FFF, v59;
	vm0 =	vmxor vm0, vm12;
	v4 =	vmin.bf16 v4, v63  }
0x22e: {  	vm14 =	vlt.bf16 v58, $0.0e+00;
	vm0 =	vmxor vm0, vm13;
	v4 =	vmin.bf16 v4, v9  }
0x22f: {  	v12 =	vld [tilespmem:s29+$0x3780];
	vm15 =	vlt.bf16 v59, $0.0e+00;
	vm0 =	vmxor vm0, vm14;
	v4 =	vmin.bf16 v4, v11  }
0x230: {  	v13 =	vld [tilespmem:s30+$0x50E0];
	vm4 =	vlt.bf16 v60, $0.0e+00;
	vm0 =	vmxor vm0, vm15;
	v5 =	vsub.bf16 v0, v4  }
0x231: {  	v14 =	vld [tilespmem:s30+$0x50F0];
	vm0 =	vmxor vm0, vm4  }
0x232: {  	v16 =	vld [tilespmem:s30+$0xD4E0];
	v4 =	vsel vm0, v5, v4  }
0x233: {  	v17 =	vld [tilespmem:s30+$0xD4F0];
	v15 =	vunpack.i.l.bf16.f32 v4;
	v4 =	vunpack.i.u.bf16.f32 v4  }
0x234: {  	v18 =	vunpack.i.l.bf16.f32 v12;
	v8 =	vmul.f32 v15, v1;
	v4 =	vmul.f32 v4, v1  }
0x235: {  	v19 =	vmul.f32 v18, v2;
	v6 =	vunpack.i.u.bf16.f32 v12  }
0x236: {  	v20 =	vmul.f32 v6, v2;
	v7 =	vadd.f32 v13, v8;
	v4 =	vadd.f32 v14, v4  }
0x237: {  	v22 =	vmul.f32 v16, v3  }
0x238: {  	v23 =	vmul.f32 v17, v3;
	v21 =	vadd.f32 v7, v19;
	v4 =	vadd.f32 v4, v20;
	_ =	sdelay $0x1  }
0x239: {  	v6 =	vadd.f32 v22, v21;
	v4 =	vadd.f32 v23, v4;
	_ =	sdelay $0x1  }
0x23a: {  	v24 =	vadd.s32 $0x8000, v6;
	v25 =	vadd.s32 $0x8000, v4  }
0x23b: {  	[tilespmem:s30+$0x50E0] =	vst v6;
	v5 =	vshrl.u32 v24, $0x10;
	v26 =	vand.u32 $0xFFFF0000, v25  }
0x23c: {  	[tilespmem:s30+$0x50F0] =	vst v4;
	v27 =	vor.u32 v5, v26  }
0x23d: {  	[tilespmem:s31+$0x158C0] =	vst v27  }
0x23e: {  	v4 =	vld [tilespmem:s29+$0x32D0]  }
0x23f: {  	v28 =	vld [tilespmem:s29+$0x3310]  }
0x240: {  	v29 =	vld [tilespmem:s29+$0x3350]  }
0x241: {  	v30 =	vld [tilespmem:s29+$0x3390]  }
0x242: {  	v31 =	vld [tilespmem:s29+$0x33D0]  }
0x243: {  	v32 =	vld [tilespmem:s29+$0x3410]  }
0x244: {  	v34 =	vld [tilespmem:s29+$0x3450]  }
0x245: {  	v35 =	vld [tilespmem:s29+$0x3490]  }
0x246: {  	v37 =	vld [tilespmem:s29+$0x34D0]  }
0x247: {  	v39 =	vld [tilespmem:s29+$0x3510];
	vm5 =	vlt.bf16 v4, $0.0e+00;
	vm6 =	vlt.bf16 v28, $0.0e+00  }
0x248: {  	v40 =	vld [tilespmem:s29+$0x3550];
	v4 =	vand.u32 $0x7FFF7FFF, v4;
	v5 =	vand.u32 $0x7FFF7FFF, v28;
	vm7 =	vlt.bf16 v29, $0.0e+00  }
0x249: {  	v41 =	vld [tilespmem:s29+$0x3590];
	v33 =	vand.u32 $0x7FFF7FFF, v29;
	vm8 =	vlt.bf16 v30, $0.0e+00;
	v7 =	vand.u32 $0x7FFF7FFF, v30  }
0x24a: {  	v43 =	vld [tilespmem:s29+$0x35D0];
	vm9 =	vlt.bf16 v31, $0.0e+00;
	v36 =	vand.u32 $0x7FFF7FFF, v31;
	vm10 =	vlt.bf16 v32, $0.0e+00  }
0x24b: {  	v45 =	vld [tilespmem:s29+$0x3650];
	v38 =	vand.u32 $0x7FFF7FFF, v32;
	vm11 =	vlt.bf16 v34, $0.0e+00;
	v6 =	vand.u32 $0x7FFF7FFF, v34  }
0x24c: {  	v46 =	vld [tilespmem:s29+$0x3690];
	vm12 =	vlt.bf16 v35, $0.0e+00;
	vm13 =	vlt.bf16 v37, $0.0e+00;
	v42 =	vand.u32 $0x7FFF7FFF, v37  }
0x24d: {  	vm14 =	vlt.bf16 v39, $0.0e+00;
	v9 =	vand.u32 $0x7FFF7FFF, v39;
	v4 =	vmin.bf16 v4, v5  }
0x24e: {  	v47 =	vld [tilespmem:s29+$0x36D0];
	vm15 =	vlt.bf16 v40, $0.0e+00;
	vm4 =	vlt.bf16 v41, $0.0e+00;
	v4 =	vmin.bf16 v4, v33  }
0x24f: {  	v48 =	vld [tilespmem:s29+$0x3710];
	v8 =	vand.u32 $0x7FFF7FFF, v43;
	vm0 =	vmxor vm5, vm6;
	v4 =	vmin.bf16 v4, v7  }
0x250: {  	v50 =	vand.u32 $0x7FFF7FFF, v45;
	vm0 =	vmxor vm0, vm7;
	v4 =	vmin.bf16 v4, v36  }
0x251: {  	v51 =	vand.u32 $0x7FFF7FFF, v46;
	vm0 =	vmxor vm0, vm8;
	v4 =	vmin.bf16 v4, v38  }
0x252: {  	v49 =	vld [tilespmem:s29+$0x3750];
	v5 =	vand.u32 $0x7FFF7FFF, v35;
	vm0 =	vmxor vm0, vm9;
	v4 =	vmin.bf16 v4, v6  }
0x253: {  	v44 =	vld [tilespmem:s29+$0x3610];
	v52 =	vand.u32 $0x7FFF7FFF, v47;
	vm0 =	vmxor vm0, vm10;
	v4 =	vmin.bf16 v4, v5  }
0x254: {  	v53 =	vand.u32 $0x7FFF7FFF, v48;
	vm0 =	vmxor vm0, vm11;
	v4 =	vmin.bf16 v4, v42  }
0x255: {  	v7 =	vand.u32 $0x7FFF7FFF, v40;
	vm0 =	vmxor vm0, vm12;
	v4 =	vmin.bf16 v4, v9  }
0x256: {  	v6 =	vand.u32 $0x7FFF7FFF, v41;
	vm0 =	vmxor vm0, vm13;
	v4 =	vmin.bf16 v4, v7  }
0x257: {  	v54 =	vand.u32 $0x7FFF7FFF, v49;
	vm0 =	vmxor vm0, vm14;
	v4 =	vmin.bf16 v4, v6  }
0x258: {  	v5 =	vand.u32 $0x7FFF7FFF, v44;
	vm0 =	vmxor vm0, vm15;
	v4 =	vmin.bf16 v4, v8  }
0x259: {  	vm5 =	vlt.bf16 v43, $0.0e+00;
	vm0 =	vmxor vm0, vm4;
	v4 =	vmin.bf16 v4, v5  }
0x25a: {  	vm6 =	vlt.bf16 v44, $0.0e+00;
	vm0 =	vmxor vm0, vm5;
	v4 =	vmin.bf16 v4, v50  }
0x25b: {  	vm7 =	vlt.bf16 v45, $0.0e+00;
	vm0 =	vmxor vm0, vm6;
	v4 =	vmin.bf16 v4, v51  }
0x25c: {  	vm8 =	vlt.bf16 v46, $0.0e+00;
	vm0 =	vmxor vm0, vm7;
	v4 =	vmin.bf16 v4, v52  }
0x25d: {  	vm9 =	vlt.bf16 v47, $0.0e+00;
	vm0 =	vmxor vm0, vm8;
	v4 =	vmin.bf16 v4, v53  }
0x25e: {  	v55 =	vld [tilespmem:s29+$0x3790];
	vm10 =	vlt.bf16 v48, $0.0e+00;
	vm0 =	vmxor vm0, vm9;
	v4 =	vmin.bf16 v4, v54  }
0x25f: {  	v56 =	vld [tilespmem:s30+$0x5100];
	vm11 =	vlt.bf16 v49, $0.0e+00;
	vm0 =	vmxor vm0, vm10;
	v5 =	vsub.bf16 v0, v4  }
0x260: {  	v57 =	vld [tilespmem:s30+$0x5110];
	vm0 =	vmxor vm0, vm11  }
0x261: {  	v59 =	vld [tilespmem:s30+$0xD500];
	v4 =	vsel vm0, v5, v4  }
0x262: {  	v60 =	vld [tilespmem:s30+$0xD510];
	v58 =	vunpack.i.l.bf16.f32 v4;
	v4 =	vunpack.i.u.bf16.f32 v4  }
0x263: {  	v61 =	vunpack.i.l.bf16.f32 v55;
	v8 =	vmul.f32 v58, v1;
	v1 =	vmul.f32 v4, v1  }
0x264: {  	v62 =	vunpack.i.u.bf16.f32 v55;
	v12 =	vmul.f32 v61, v2  }
0x265: {  	v2 =	vmul.f32 v62, v2;
	v63 =	vadd.f32 v56, v8;
	v1 =	vadd.f32 v57, v1  }
0x266: {  	v14 =	vmul.f32 v59, v3  }
0x267: {  	v13 =	vadd.f32 v63, v12;
	v1 =	vadd.f32 v1, v2;
	v2 =	vmul.f32 v60, v3;
	_ =	sdelay $0x1  }
0x268: {  	v3 =	vadd.f32 v14, v13;
	v1 =	vadd.f32 v2, v1;
	_ =	sdelay $0x1  }
0x269: {  	s2 =	sor.u32 $0x1, s28;
	v2 =	vadd.s32 $0x8000, v3;
	v15 =	vadd.s32 $0x8000, v1  }
0x26a: {  	s29 =	smul.u32 $0x1400, s2;
	[tilespmem:s30+$0x5100] =	vst v3;
	v2 =	vshrl.u32 v2, $0x10;
	v3 =	vand.u32 $0xFFFF0000, v15  }
0x26b: {  	[tilespmem:s30+$0x5110] =	vst v1;
	v1 =	vor.u32 v2, v3  }
0x26c: {  	s29 =	sshra.s32 s29, $0x2;
	[tilespmem:s31+$0x158D0] =	vst v1  }
0x26d: {  	v1 =	vld [tilespmem:s29+$0x32A0]  }
0x26e: {  	v2 =	vld [tilespmem:s29+$0x32E0]  }
0x26f: {  	v3 =	vld [tilespmem:s29+$0x3320]  }
0x270: {  	v16 =	vld [tilespmem:s29+$0x3360]  }
0x271: {  	v17 =	vld [tilespmem:s29+$0x33A0];
	_ =	sdelay $0x1  }
0x272: {  	v18 =	vld [tilespmem:s29+$0x33E0]  }
0x273: {  	v20 =	vld [tilespmem:s29+$0x34A0];
	vm12 =	vlt.bf16 v1, $0.0e+00;
	vm13 =	vlt.bf16 v2, $0.0e+00  }
0x274: {  	v22 =	vld [tilespmem:s29+$0x34E0];
	v1 =	vand.u32 $0x7FFF7FFF, v1;
	v2 =	vand.u32 $0x7FFF7FFF, v2;
	vm14 =	vlt.bf16 v3, $0.0e+00  }
0x275: {  	vm15 =	vlt.bf16 v16, $0.0e+00;
	v4 =	vand.u32 $0x7FFF7FFF, v16;
	vm4 =	vlt.bf16 v17, $0.0e+00  }
0x276: {  	v19 =	vand.u32 $0x7FFF7FFF, v17;
	v1 =	vmin.bf16 v1, v2;
	v2 =	vand.u32 $0x7FFF7FFF, v3;
	v3 =	vld [tilespmem:s29+$0x3420]  }
0x277: {  	v23 =	vld [tilespmem:s29+$0x3520];
	vm5 =	vlt.bf16 v18, $0.0e+00;
	v21 =	vand.u32 $0x7FFF7FFF, v18;
	vm0 =	vmxor vm12, vm13  }
0x278: {  	vm8 =	vlt.bf16 v20, $0.0e+00;
	vm0 =	vmxor vm0, vm14;
	v1 =	vmin.bf16 v1, v2;
	v2 =	vld [tilespmem:s29+$0x3460]  }
0x279: {  	vm9 =	vlt.bf16 v22, $0.0e+00;
	vm0 =	vmxor vm0, vm15;
	v1 =	vmin.bf16 v1, v4  }
0x27a: {  	v24 =	vld [tilespmem:s29+$0x35A0];
	v6 =	vand.u32 $0x7FFF7FFF, v22;
	vm0 =	vmxor vm0, vm4;
	v1 =	vmin.bf16 v1, v19  }
0x27b: {  	v1 =	vmin.bf16 v1, v21;
	vm6 =	vlt.bf16 v3, $0.0e+00;
	v3 =	vand.u32 $0x7FFF7FFF, v3  }
0x27c: {  	vm10 =	vlt.bf16 v23, $0.0e+00;
	vm0 =	vmxor vm0, vm5;
	v1 =	vmin.bf16 v1, v3;
	v3 =	vld [tilespmem:s29+$0x3560]  }
0x27d: {  	v25 =	vld [tilespmem:s29+$0x3620];
	vm0 =	vmxor vm0, vm6;
	vm7 =	vlt.bf16 v2, $0.0e+00;
	v2 =	vand.u32 $0x7FFF7FFF, v2  }
0x27e: {  	v26 =	vld [tilespmem:s29+$0x3660];
	vm0 =	vmxor vm0, vm7;
	v1 =	vmin.bf16 v1, v2;
	v2 =	vand.u32 $0x7FFF7FFF, v20  }
0x27f: {  	v5 =	vand.u32 $0x7FFF7FFF, v24;
	vm0 =	vmxor vm0, vm8;
	v1 =	vmin.bf16 v1, v2;
	v2 =	vld [tilespmem:s29+$0x35E0]  }
0x280: {  	v4 =	vand.u32 $0x7FFF7FFF, v23;
	vm0 =	vmxor vm0, vm9;
	v1 =	vmin.bf16 v1, v6  }
0x281: {  	v1 =	vmin.bf16 v1, v4;
	vm11 =	vlt.bf16 v3, $0.0e+00;
	v3 =	vand.u32 $0x7FFF7FFF, v3  }
0x282: {  	vm12 =	vlt.bf16 v24, $0.0e+00;
	vm0 =	vmxor vm0, vm10;
	v1 =	vmin.bf16 v1, v3;
	v3 =	vld [tilespmem:s29+$0x36A0]  }
0x283: {  	v27 =	vld [tilespmem:s29+$0x36E0];
	vm14 =	vlt.bf16 v25, $0.0e+00;
	vm15 =	vlt.bf16 v26, $0.0e+00;
	vm0 =	vmxor vm0, vm11  }
0x284: {  	s2 =	sadd.s32 s26, s2;
	v28 =	vld [tilespmem:s29+$0x3720];
	vm13 =	vlt.bf16 v2, $0.0e+00;
	v1 =	vmin.bf16 v1, v5;
	v2 =	vand.u32 $0x7FFF7FFF, v2  }
0x285: {  	s31 =	smul.u32 $0xC, s2;
	vm0 =	vmxor vm0, vm12;
	v1 =	vmin.bf16 v1, v2;
	v2 =	vand.u32 $0x7FFF7FFF, v25  }
0x286: {  	vm0 =	vmxor vm0, vm13;
	v1 =	vmin.bf16 v1, v2;
	v2 =	vand.u32 $0x7FFF7FFF, v26  }
0x287: {  	s30 =	sshra.s32 s31, $0x2;
	vm0 =	vmxor vm0, vm14;
	v1 =	vmin.bf16 v1, v2;
	v2 =	vand.u32 $0x7FFF7FFF, v3  }
0x288: {  	v29 =	vld [tilespmem:s30+$0x19AA0];
	vm0 =	vmxor vm0, vm15;
	v1 =	vmin.bf16 v1, v2;
	v2 =	vand.u32 $0x7FFF7FFF, v27  }
0x289: {  	vm4 =	vlt.bf16 v3, $0.0e+00;
	v1 =	vmin.bf16 v1, v2;
	v2 =	vand.u32 $0x7FFF7FFF, v28  }
0x28a: {  	s30 =	sshll.u32 s2, $0x7;
	vm5 =	vlt.bf16 v27, $0.0e+00;
	v3 =	vld [tilespmem:s29+$0x3760];
	vm0 =	vmxor vm0, vm4;
	v1 =	vmin.bf16 v1, v2  }
0x28b: {  	v30 =	vld [tilespmem:s30+$0x50A0];
	vm6 =	vlt.bf16 v28, $0.0e+00;
	vm0 =	vmxor vm0, vm5;
	v2 =	vsub.bf16 v0, v1  }
0x28c: {  	v31 =	vld [tilespmem:s30+$0x50B0];
	vm0 =	vmxor vm0, vm6  }
0x28d: {  	v33 =	vld [tilespmem:s30+$0xD4A0];
	v2 =	vsel vm0, v2, v1;
	v1 =	vbroadcast v29, $0x0  }
0x28e: {  	v35 =	vld [tilespmem:s30+$0xD4B0];
	v32 =	vunpack.i.l.bf16.f32 v2;
	v34 =	vunpack.i.u.bf16.f32 v2;
	v2 =	vbroadcast v29, $0x1  }
0x28f: {  	v36 =	vunpack.i.l.bf16.f32 v3;
	v7 =	vmul.f32 v32, v1;
	v9 =	vmul.f32 v34, v1  }
0x290: {  	v37 =	vunpack.i.u.bf16.f32 v3;
	v3 =	vbroadcast v29, $0x2;
	v38 =	vmul.f32 v36, v2  }
0x291: {  	v40 =	vmul.f32 v37, v2;
	v5 =	vadd.f32 v30, v7;
	v39 =	vadd.f32 v31, v9  }
0x292: {  	v41 =	vmul.f32 v33, v3  }
0x293: {  	v42 =	vmul.f32 v35, v3;
	v5 =	vadd.f32 v5, v38;
	v4 =	vadd.f32 v39, v40;
	_ =	sdelay $0x1  }
0x294: {  	v5 =	vadd.f32 v41, v5;
	v4 =	vadd.f32 v42, v4;
	_ =	sdelay $0x1  }
0x295: {  	v43 =	vadd.s32 $0x8000, v5;
	v44 =	vadd.s32 $0x8000, v4  }
0x296: {  	s2 =	sshll.u32 s2, $0x6;
	[tilespmem:s30+$0x50A0] =	vst v5;
	v45 =	vshrl.u32 v43, $0x10;
	v46 =	vand.u32 $0xFFFF0000, v44  }
0x297: {  	s2 =	sand.u32 $0x3FFFFFC0, s2;
	[tilespmem:s30+$0x50B0] =	vst v4;
	v47 =	vor.u32 v45, v46  }
0x298: {  	[tilespmem:s2+$0x158A0] =	vst v47  }
0x299: {  	v4 =	vld [tilespmem:s29+$0x32B0]  }
0x29a: {  	v48 =	vld [tilespmem:s29+$0x32F0]  }
0x29b: {  	v49 =	vld [tilespmem:s29+$0x3330]  }
0x29c: {  	v50 =	vld [tilespmem:s29+$0x3370]  }
0x29d: {  	v51 =	vld [tilespmem:s29+$0x33B0]  }
0x29e: {  	v52 =	vld [tilespmem:s29+$0x33F0]  }
0x29f: {  	v54 =	vld [tilespmem:s29+$0x3430]  }
0x2a0: {  	v55 =	vld [tilespmem:s29+$0x3470]  }
0x2a1: {  	v57 =	vld [tilespmem:s29+$0x34B0]  }
0x2a2: {  	v59 =	vld [tilespmem:s29+$0x34F0];
	vm7 =	vlt.bf16 v4, $0.0e+00;
	vm8 =	vlt.bf16 v48, $0.0e+00  }
0x2a3: {  	v60 =	vld [tilespmem:s29+$0x3530];
	v4 =	vand.u32 $0x7FFF7FFF, v4;
	v5 =	vand.u32 $0x7FFF7FFF, v48;
	vm9 =	vlt.bf16 v49, $0.0e+00  }
0x2a4: {  	v61 =	vld [tilespmem:s29+$0x3570];
	v53 =	vand.u32 $0x7FFF7FFF, v49;
	vm10 =	vlt.bf16 v50, $0.0e+00;
	v7 =	vand.u32 $0x7FFF7FFF, v50  }
0x2a5: {  	v63 =	vld [tilespmem:s29+$0x35B0];
	vm11 =	vlt.bf16 v51, $0.0e+00;
	v56 =	vand.u32 $0x7FFF7FFF, v51;
	vm12 =	vlt.bf16 v52, $0.0e+00  }
0x2a6: {  	v13 =	vld [tilespmem:s29+$0x3630];
	v58 =	vand.u32 $0x7FFF7FFF, v52;
	vm13 =	vlt.bf16 v54, $0.0e+00;
	v6 =	vand.u32 $0x7FFF7FFF, v54  }
0x2a7: {  	v14 =	vld [tilespmem:s29+$0x3670];
	vm14 =	vlt.bf16 v55, $0.0e+00;
	vm15 =	vlt.bf16 v57, $0.0e+00;
	v62 =	vand.u32 $0x7FFF7FFF, v57  }
0x2a8: {  	vm4 =	vlt.bf16 v59, $0.0e+00;
	v9 =	vand.u32 $0x7FFF7FFF, v59;
	v4 =	vmin.bf16 v4, v5  }
0x2a9: {  	v15 =	vld [tilespmem:s29+$0x36B0];
	vm5 =	vlt.bf16 v60, $0.0e+00;
	vm6 =	vlt.bf16 v61, $0.0e+00;
	v4 =	vmin.bf16 v4, v53  }
0x2aa: {  	v16 =	vld [tilespmem:s29+$0x36F0];
	v8 =	vand.u32 $0x7FFF7FFF, v63;
	vm0 =	vmxor vm7, vm8;
	v4 =	vmin.bf16 v4, v7  }
0x2ab: {  	v18 =	vand.u32 $0x7FFF7FFF, v13;
	vm0 =	vmxor vm0, vm9;
	v4 =	vmin.bf16 v4, v56  }
0x2ac: {  	v19 =	vand.u32 $0x7FFF7FFF, v14;
	vm0 =	vmxor vm0, vm10;
	v4 =	vmin.bf16 v4, v58  }
0x2ad: {  	v17 =	vld [tilespmem:s29+$0x3730];
	v5 =	vand.u32 $0x7FFF7FFF, v55;
	vm0 =	vmxor vm0, vm11;
	v4 =	vmin.bf16 v4, v6  }
0x2ae: {  	v12 =	vld [tilespmem:s29+$0x35F0];
	v20 =	vand.u32 $0x7FFF7FFF, v15;
	vm0 =	vmxor vm0, vm12;
	v4 =	vmin.bf16 v4, v5  }
0x2af: {  	v21 =	vand.u32 $0x7FFF7FFF, v16;
	vm0 =	vmxor vm0, vm13;
	v4 =	vmin.bf16 v4, v62  }
0x2b0: {  	v7 =	vand.u32 $0x7FFF7FFF, v60;
	vm0 =	vmxor vm0, vm14;
	v4 =	vmin.bf16 v4, v9  }
0x2b1: {  	v6 =	vand.u32 $0x7FFF7FFF, v61;
	vm0 =	vmxor vm0, vm15;
	v4 =	vmin.bf16 v4, v7  }
0x2b2: {  	v22 =	vand.u32 $0x7FFF7FFF, v17;
	vm0 =	vmxor vm0, vm4;
	v4 =	vmin.bf16 v4, v6  }
0x2b3: {  	v5 =	vand.u32 $0x7FFF7FFF, v12;
	vm0 =	vmxor vm0, vm5;
	v4 =	vmin.bf16 v4, v8  }
0x2b4: {  	vm7 =	vlt.bf16 v63, $0.0e+00;
	vm0 =	vmxor vm0, vm6;
	v4 =	vmin.bf16 v4, v5  }
0x2b5: {  	vm8 =	vlt.bf16 v12, $0.0e+00;
	vm0 =	vmxor vm0, vm7;
	v4 =	vmin.bf16 v4, v18  }
0x2b6: {  	vm9 =	vlt.bf16 v13, $0.0e+00;
	vm0 =	vmxor vm0, vm8;
	v4 =	vmin.bf16 v4, v19  }
0x2b7: {  	vm10 =	vlt.bf16 v14, $0.0e+00;
	vm0 =	vmxor vm0, vm9;
	v4 =	vmin.bf16 v4, v20  }
0x2b8: {  	vm11 =	vlt.bf16 v15, $0.0e+00;
	vm0 =	vmxor vm0, vm10;
	v4 =	vmin.bf16 v4, v21  }
0x2b9: {  	v23 =	vld [tilespmem:s29+$0x3770];
	vm12 =	vlt.bf16 v16, $0.0e+00;
	vm0 =	vmxor vm0, vm11;
	v4 =	vmin.bf16 v4, v22  }
0x2ba: {  	v24 =	vld [tilespmem:s30+$0x50C0];
	vm13 =	vlt.bf16 v17, $0.0e+00;
	vm0 =	vmxor vm0, vm12;
	v5 =	vsub.bf16 v0, v4  }
0x2bb: {  	v25 =	vld [tilespmem:s30+$0x50D0];
	vm0 =	vmxor vm0, vm13  }
0x2bc: {  	v27 =	vld [tilespmem:s30+$0xD4C0];
	v4 =	vsel vm0, v5, v4  }
0x2bd: {  	v28 =	vld [tilespmem:s30+$0xD4D0];
	v26 =	vunpack.i.l.bf16.f32 v4;
	v4 =	vunpack.i.u.bf16.f32 v4  }
0x2be: {  	v29 =	vunpack.i.l.bf16.f32 v23;
	v8 =	vmul.f32 v26, v1;
	v4 =	vmul.f32 v4, v1  }
0x2bf: {  	v30 =	vmul.f32 v29, v2;
	v6 =	vunpack.i.u.bf16.f32 v23  }
0x2c0: {  	v31 =	vmul.f32 v6, v2;
	v7 =	vadd.f32 v24, v8;
	v4 =	vadd.f32 v25, v4  }
0x2c1: {  	v33 =	vmul.f32 v27, v3  }
0x2c2: {  	v34 =	vmul.f32 v28, v3;
	v32 =	vadd.f32 v7, v30;
	v4 =	vadd.f32 v4, v31;
	_ =	sdelay $0x1  }
0x2c3: {  	v6 =	vadd.f32 v33, v32;
	v4 =	vadd.f32 v34, v4;
	_ =	sdelay $0x1  }
0x2c4: {  	v35 =	vadd.s32 $0x8000, v6;
	v36 =	vadd.s32 $0x8000, v4  }
0x2c5: {  	[tilespmem:s30+$0x50C0] =	vst v6;
	v5 =	vshrl.u32 v35, $0x10;
	v37 =	vand.u32 $0xFFFF0000, v36  }
0x2c6: {  	[tilespmem:s30+$0x50D0] =	vst v4;
	v38 =	vor.u32 v5, v37  }
0x2c7: {  	[tilespmem:s2+$0x158B0] =	vst v38  }
0x2c8: {  	v4 =	vld [tilespmem:s29+$0x32C0]  }
0x2c9: {  	v39 =	vld [tilespmem:s29+$0x3300]  }
0x2ca: {  	v40 =	vld [tilespmem:s29+$0x3340]  }
0x2cb: {  	v41 =	vld [tilespmem:s29+$0x3380]  }
0x2cc: {  	v42 =	vld [tilespmem:s29+$0x33C0]  }
0x2cd: {  	v43 =	vld [tilespmem:s29+$0x3400]  }
0x2ce: {  	v45 =	vld [tilespmem:s29+$0x3440]  }
0x2cf: {  	v46 =	vld [tilespmem:s29+$0x3480]  }
0x2d0: {  	v48 =	vld [tilespmem:s29+$0x34C0]  }
0x2d1: {  	v50 =	vld [tilespmem:s29+$0x3500];
	vm14 =	vlt.bf16 v4, $0.0e+00;
	vm15 =	vlt.bf16 v39, $0.0e+00  }
0x2d2: {  	v51 =	vld [tilespmem:s29+$0x3540];
	v4 =	vand.u32 $0x7FFF7FFF, v4;
	v5 =	vand.u32 $0x7FFF7FFF, v39;
	vm4 =	vlt.bf16 v40, $0.0e+00  }
0x2d3: {  	v52 =	vld [tilespmem:s29+$0x3580];
	v44 =	vand.u32 $0x7FFF7FFF, v40;
	vm5 =	vlt.bf16 v41, $0.0e+00;
	v7 =	vand.u32 $0x7FFF7FFF, v41  }
0x2d4: {  	v54 =	vld [tilespmem:s29+$0x35C0];
	vm6 =	vlt.bf16 v42, $0.0e+00;
	v47 =	vand.u32 $0x7FFF7FFF, v42;
	vm7 =	vlt.bf16 v43, $0.0e+00  }
0x2d5: {  	v56 =	vld [tilespmem:s29+$0x3640];
	v49 =	vand.u32 $0x7FFF7FFF, v43;
	vm8 =	vlt.bf16 v45, $0.0e+00;
	v6 =	vand.u32 $0x7FFF7FFF, v45  }
0x2d6: {  	v57 =	vld [tilespmem:s29+$0x3680];
	vm9 =	vlt.bf16 v46, $0.0e+00;
	vm10 =	vlt.bf16 v48, $0.0e+00;
	v53 =	vand.u32 $0x7FFF7FFF, v48  }
0x2d7: {  	vm11 =	vlt.bf16 v50, $0.0e+00;
	v9 =	vand.u32 $0x7FFF7FFF, v50;
	v4 =	vmin.bf16 v4, v5  }
0x2d8: {  	v58 =	vld [tilespmem:s29+$0x36C0];
	vm12 =	vlt.bf16 v51, $0.0e+00;
	vm13 =	vlt.bf16 v52, $0.0e+00;
	v4 =	vmin.bf16 v4, v44  }
0x2d9: {  	v60 =	vld [tilespmem:s29+$0x3740];
	v8 =	vand.u32 $0x7FFF7FFF, v54;
	vm0 =	vmxor vm14, vm15;
	v4 =	vmin.bf16 v4, v7  }
0x2da: {  	v61 =	vand.u32 $0x7FFF7FFF, v56;
	vm0 =	vmxor vm0, vm4;
	v4 =	vmin.bf16 v4, v47  }
0x2db: {  	v62 =	vand.u32 $0x7FFF7FFF, v57;
	vm0 =	vmxor vm0, vm5;
	v4 =	vmin.bf16 v4, v49  }
0x2dc: {  	v5 =	vand.u32 $0x7FFF7FFF, v46;
	vm0 =	vmxor vm0, vm6;
	v4 =	vmin.bf16 v4, v6  }
0x2dd: {  	v55 =	vld [tilespmem:s29+$0x3600];
	v63 =	vand.u32 $0x7FFF7FFF, v58;
	vm0 =	vmxor vm0, vm7;
	v4 =	vmin.bf16 v4, v5  }
0x2de: {  	v11 =	vand.u32 $0x7FFF7FFF, v60;
	vm0 =	vmxor vm0, vm8;
	v4 =	vmin.bf16 v4, v53  }
0x2df: {  	v7 =	vand.u32 $0x7FFF7FFF, v51;
	vm0 =	vmxor vm0, vm9;
	v4 =	vmin.bf16 v4, v9  }
0x2e0: {  	v6 =	vand.u32 $0x7FFF7FFF, v52;
	vm0 =	vmxor vm0, vm10;
	v4 =	vmin.bf16 v4, v7  }
0x2e1: {  	v59 =	vld [tilespmem:s29+$0x3700];
	vm14 =	vlt.bf16 v54, $0.0e+00;
	vm0 =	vmxor vm0, vm11;
	v4 =	vmin.bf16 v4, v6  }
0x2e2: {  	v5 =	vand.u32 $0x7FFF7FFF, v55;
	vm0 =	vmxor vm0, vm12;
	v4 =	vmin.bf16 v4, v8  }
0x2e3: {  	vm15 =	vlt.bf16 v55, $0.0e+00;
	vm0 =	vmxor vm0, vm13;
	v4 =	vmin.bf16 v4, v5  }
0x2e4: {  	vm4 =	vlt.bf16 v56, $0.0e+00;
	vm0 =	vmxor vm0, vm14;
	v4 =	vmin.bf16 v4, v61  }
0x2e5: {  	vm5 =	vlt.bf16 v57, $0.0e+00;
	vm0 =	vmxor vm0, vm15;
	v4 =	vmin.bf16 v4, v62  }
0x2e6: {  	v9 =	vand.u32 $0x7FFF7FFF, v59;
	vm0 =	vmxor vm0, vm4;
	v4 =	vmin.bf16 v4, v63  }
0x2e7: {  	vm6 =	vlt.bf16 v58, $0.0e+00;
	vm0 =	vmxor vm0, vm5;
	v4 =	vmin.bf16 v4, v9  }
0x2e8: {  	v12 =	vld [tilespmem:s29+$0x3780];
	vm7 =	vlt.bf16 v59, $0.0e+00;
	vm0 =	vmxor vm0, vm6;
	v4 =	vmin.bf16 v4, v11  }
0x2e9: {  	v13 =	vld [tilespmem:s30+$0x50E0];
	vm8 =	vlt.bf16 v60, $0.0e+00;
	vm0 =	vmxor vm0, vm7;
	v5 =	vsub.bf16 v0, v4  }
0x2ea: {  	v14 =	vld [tilespmem:s30+$0x50F0];
	vm0 =	vmxor vm0, vm8  }
0x2eb: {  	v16 =	vld [tilespmem:s30+$0xD4E0];
	v4 =	vsel vm0, v5, v4  }
0x2ec: {  	v17 =	vld [tilespmem:s30+$0xD4F0];
	v15 =	vunpack.i.l.bf16.f32 v4;
	v4 =	vunpack.i.u.bf16.f32 v4  }
0x2ed: {  	v18 =	vunpack.i.l.bf16.f32 v12;
	v8 =	vmul.f32 v15, v1;
	v4 =	vmul.f32 v4, v1  }
0x2ee: {  	v19 =	vmul.f32 v18, v2;
	v6 =	vunpack.i.u.bf16.f32 v12  }
0x2ef: {  	v20 =	vmul.f32 v6, v2;
	v7 =	vadd.f32 v13, v8;
	v4 =	vadd.f32 v14, v4  }
0x2f0: {  	v22 =	vmul.f32 v16, v3  }
0x2f1: {  	v23 =	vmul.f32 v17, v3;
	v21 =	vadd.f32 v7, v19;
	v4 =	vadd.f32 v4, v20;
	_ =	sdelay $0x1  }
0x2f2: {  	v6 =	vadd.f32 v22, v21;
	v4 =	vadd.f32 v23, v4;
	_ =	sdelay $0x1  }
0x2f3: {  	v24 =	vadd.s32 $0x8000, v6;
	v25 =	vadd.s32 $0x8000, v4  }
0x2f4: {  	[tilespmem:s30+$0x50E0] =	vst v6;
	v5 =	vshrl.u32 v24, $0x10;
	v26 =	vand.u32 $0xFFFF0000, v25  }
0x2f5: {  	[tilespmem:s30+$0x50F0] =	vst v4;
	v27 =	vor.u32 v5, v26  }
0x2f6: {  	[tilespmem:s2+$0x158C0] =	vst v27  }
0x2f7: {  	v4 =	vld [tilespmem:s29+$0x32D0]  }
0x2f8: {  	v28 =	vld [tilespmem:s29+$0x3310]  }
0x2f9: {  	v29 =	vld [tilespmem:s29+$0x3350]  }
0x2fa: {  	v30 =	vld [tilespmem:s29+$0x3390]  }
0x2fb: {  	v31 =	vld [tilespmem:s29+$0x33D0]  }
0x2fc: {  	v32 =	vld [tilespmem:s29+$0x3410]  }
0x2fd: {  	v34 =	vld [tilespmem:s29+$0x3450]  }
0x2fe: {  	v35 =	vld [tilespmem:s29+$0x3490]  }
0x2ff: {  	v37 =	vld [tilespmem:s29+$0x34D0]  }
0x300: {  	v39 =	vld [tilespmem:s29+$0x3510];
	vm9 =	vlt.bf16 v4, $0.0e+00;
	vm10 =	vlt.bf16 v28, $0.0e+00  }
0x301: {  	v40 =	vld [tilespmem:s29+$0x3550];
	v4 =	vand.u32 $0x7FFF7FFF, v4;
	v5 =	vand.u32 $0x7FFF7FFF, v28;
	vm11 =	vlt.bf16 v29, $0.0e+00  }
0x302: {  	v41 =	vld [tilespmem:s29+$0x3590];
	v33 =	vand.u32 $0x7FFF7FFF, v29;
	vm12 =	vlt.bf16 v30, $0.0e+00;
	v7 =	vand.u32 $0x7FFF7FFF, v30  }
0x303: {  	v43 =	vld [tilespmem:s29+$0x35D0];
	vm13 =	vlt.bf16 v31, $0.0e+00;
	v36 =	vand.u32 $0x7FFF7FFF, v31;
	vm14 =	vlt.bf16 v32, $0.0e+00  }
0x304: {  	v45 =	vld [tilespmem:s29+$0x3650];
	v38 =	vand.u32 $0x7FFF7FFF, v32;
	vm15 =	vlt.bf16 v34, $0.0e+00;
	v6 =	vand.u32 $0x7FFF7FFF, v34  }
0x305: {  	v46 =	vld [tilespmem:s29+$0x3690];
	vm4 =	vlt.bf16 v35, $0.0e+00;
	vm5 =	vlt.bf16 v37, $0.0e+00;
	v42 =	vand.u32 $0x7FFF7FFF, v37  }
0x306: {  	vm6 =	vlt.bf16 v39, $0.0e+00;
	v9 =	vand.u32 $0x7FFF7FFF, v39;
	v4 =	vmin.bf16 v4, v5  }
0x307: {  	v47 =	vld [tilespmem:s29+$0x36D0];
	vm7 =	vlt.bf16 v40, $0.0e+00;
	vm8 =	vlt.bf16 v41, $0.0e+00;
	v4 =	vmin.bf16 v4, v33  }
0x308: {  	v48 =	vld [tilespmem:s29+$0x3710];
	v8 =	vand.u32 $0x7FFF7FFF, v43;
	vm0 =	vmxor vm9, vm10;
	v4 =	vmin.bf16 v4, v7  }
0x309: {  	v50 =	vand.u32 $0x7FFF7FFF, v45;
	vm0 =	vmxor vm0, vm11;
	v4 =	vmin.bf16 v4, v36  }
0x30a: {  	v51 =	vand.u32 $0x7FFF7FFF, v46;
	vm0 =	vmxor vm0, vm12;
	v4 =	vmin.bf16 v4, v38  }
0x30b: {  	v49 =	vld [tilespmem:s29+$0x3750];
	v5 =	vand.u32 $0x7FFF7FFF, v35;
	vm0 =	vmxor vm0, vm13;
	v4 =	vmin.bf16 v4, v6  }
0x30c: {  	v44 =	vld [tilespmem:s29+$0x3610];
	v52 =	vand.u32 $0x7FFF7FFF, v47;
	vm0 =	vmxor vm0, vm14;
	v4 =	vmin.bf16 v4, v5  }
0x30d: {  	v53 =	vand.u32 $0x7FFF7FFF, v48;
	vm0 =	vmxor vm0, vm15;
	v4 =	vmin.bf16 v4, v42  }
0x30e: {  	v7 =	vand.u32 $0x7FFF7FFF, v40;
	vm0 =	vmxor vm0, vm4;
	v4 =	vmin.bf16 v4, v9  }
0x30f: {  	v6 =	vand.u32 $0x7FFF7FFF, v41;
	vm0 =	vmxor vm0, vm5;
	v4 =	vmin.bf16 v4, v7  }
0x310: {  	v54 =	vand.u32 $0x7FFF7FFF, v49;
	vm0 =	vmxor vm0, vm6;
	v4 =	vmin.bf16 v4, v6  }
0x311: {  	v5 =	vand.u32 $0x7FFF7FFF, v44;
	vm0 =	vmxor vm0, vm7;
	v4 =	vmin.bf16 v4, v8  }
0x312: {  	vm9 =	vlt.bf16 v43, $0.0e+00;
	vm0 =	vmxor vm0, vm8;
	v4 =	vmin.bf16 v4, v5  }
0x313: {  	vm10 =	vlt.bf16 v44, $0.0e+00;
	vm0 =	vmxor vm0, vm9;
	v4 =	vmin.bf16 v4, v50  }
0x314: {  	vm11 =	vlt.bf16 v45, $0.0e+00;
	vm0 =	vmxor vm0, vm10;
	v4 =	vmin.bf16 v4, v51  }
0x315: {  	vm12 =	vlt.bf16 v46, $0.0e+00;
	vm0 =	vmxor vm0, vm11;
	v4 =	vmin.bf16 v4, v52  }
0x316: {  	vm13 =	vlt.bf16 v47, $0.0e+00;
	vm0 =	vmxor vm0, vm12;
	v4 =	vmin.bf16 v4, v53  }
0x317: {  	v55 =	vld [tilespmem:s29+$0x3790];
	vm14 =	vlt.bf16 v48, $0.0e+00;
	vm0 =	vmxor vm0, vm13;
	v4 =	vmin.bf16 v4, v54  }
0x318: {  	v56 =	vld [tilespmem:s30+$0x5100];
	vm15 =	vlt.bf16 v49, $0.0e+00;
	vm0 =	vmxor vm0, vm14;
	v5 =	vsub.bf16 v0, v4  }
0x319: {  	v57 =	vld [tilespmem:s30+$0x5110];
	vm0 =	vmxor vm0, vm15  }
0x31a: {  	v59 =	vld [tilespmem:s30+$0xD500];
	v4 =	vsel vm0, v5, v4  }
0x31b: {  	v60 =	vld [tilespmem:s30+$0xD510];
	v58 =	vunpack.i.l.bf16.f32 v4;
	v4 =	vunpack.i.u.bf16.f32 v4  }
0x31c: {  	v61 =	vunpack.i.l.bf16.f32 v55;
	v8 =	vmul.f32 v58, v1;
	v1 =	vmul.f32 v4, v1  }
0x31d: {  	v6 =	vunpack.i.u.bf16.f32 v55;
	v4 =	vmul.f32 v61, v2  }
0x31e: {  	v2 =	vmul.f32 v6, v2;
	v7 =	vadd.f32 v56, v8;
	v1 =	vadd.f32 v57, v1  }
0x31f: {  	v62 =	vmul.f32 v59, v3  }
0x320: {  	v4 =	vadd.f32 v7, v4;
	v1 =	vadd.f32 v1, v2;
	v2 =	vmul.f32 v60, v3;
	_ =	sdelay $0x1  }
0x321: {  	p1 =	slt.u32 s28, $0x4;
	v3 =	vadd.f32 v62, v4;
	v1 =	vadd.f32 v2, v1  }
.Ltmp3:
0x322: {  	_ = 	snop;
	(pc) =	sbr.rel @p1 .LBB2_5-.Ltmp3, $4  }
0x323: {  	v2 =	vadd.s32 $0x8000, v3;
	v63 =	vadd.s32 $0x8000, v1  }
0x324: {  	[tilespmem:s30+$0x5100] =	vst v3;
	v2 =	vshrl.u32 v2, $0x10;
	v3 =	vand.u32 $0xFFFF0000, v63  }
0x325: {  	[tilespmem:s30+$0x5110] =	vst v1;
	s30 =	sadd.s32 $0x2, s28;
	v1 =	vor.u32 v2, v3  }
0x326: {  	s28 =	smov.u32 s30;
	[tilespmem:s2+$0x158D0] =	vst v1  }
.Ltmp4:
0x327: {  	(pc) =	sbr.rel @p0 .LBB2_8-.Ltmp4, $1  }
0x328: {  	_ =	sdelay $0x3  }
0x329: {  	s2 =	smul.u32 $0x3C0, s25  }
.Ltmp5:
0x32a: {  	_ = 	snop;
	(pc) =	sbr.rel .LBB2_2-.Ltmp5, $4  }
0x32b: {  	_ = 	snop  }
0x32c: {  	s2 =	sshra.s32 s2, $0x2  }
0x32d: {  	s25 =	sadd.s32 $0x1, s25;
	s2 =	sadd.s32 $0x168, s2  }
0x32e: {  	[tilespmem:s14], [sflag:$0x2] =	stream.indirect.gather [hbm4b:s1+s12], $0x40, s2, s12, $0xb8;
	[tilespmem:$0x19DC8] =	vst v63  }
.LBB2_9:
0x32f: {  	_ =	sfence.sel $0x180000  }
0x330: {  	[bflag:$0x0] =	sbarrier.arrive $0xFFFF  }
0x331: {  	_ =	strace $0x90000047  }
0x332: {  	[bflag:$0x2] =	sbarrier.arrive $0xFFFF  }
0x333: {  	p0 =	sne.s32 s0, $0x0;
	s0 =	rddreg [dreg:$0x6]  }
0x334: {  	s0 =	sadd.s32 @!p0 $0x100000, s0  }
0x335: {  	[sflag:s0] =	ssyncadd.tile.s32 @!p0 $0x1;
	_ =	shalt  }
.Lfunc_end2:
_tile_overlayer_lowered:
.L_overlay_start_2:
0x336: {  	(tag) =	ssettag $0x2  }
0x337: {  	s0 =	rddreg [dreg:$0x0];
	s2 =	stileid.u32  }
0x338: {  	s1 =	rddreg [dreg:$0x1];
	p0 =	sne.s32 s2, $0x0  }
0x339: {  	s3 =	rddreg [dreg:$0x2];
	[bflag:$0x3] =	sbarrier.arrive $0xFFFF;
	s2 =	simm.s32 @!p0 $0x1C06  }
0x33a: {  	[timem:s3], [sflag:s2] =	dma.local @!p0 [hbm:s0], s1  }
0x33b: {  	s0 =	simm.s32 @!p0 $0x6  }
0x33c: {  	_ =	swait.ge @!p0 [sflag:s0], s1  }
0x33d: {  	s1 =	ssub.s32 @!p0 $0x0, s1;
	[sflag:s0] =	ssyncset.done @!p0 $0x0  }
0x33e: {  	[sflag:s0] =	ssyncadd.s32 @!p0 s1  }
0x33f: {  	[bflag:$0x3] =	sbarrier.arrive $0xFFFF  }
0x340: {  	_ =	shalt  }

</sc_bundles>
